<compile_context>
chip_gen: v7x
topology: tpu7x:2x2x1
jax: 0.10.2.dev20260603
libtpu: 0.0.44.dev20260713+nightly
codegen_flags: <defaults>
</compile_context>

<pallas_src>
import functools

import jax
import jax.numpy as jnp
from jax import lax
from jax.experimental import pallas as pl
from jax.experimental.pallas import tpu as pltpu
from jax.experimental.pallas import tpu_sc as plsc

N = 10000
E = 320000
D = 128
DW = 8

NC = 2
NS = 16
NW = NC * NS
EPW = E // NW
B = 50
NB = EPW // B
NCH = 2
NB2 = NB // NCH
NBUF = 5
RPT = N // NS

_mesh = plsc.VectorSubcoreMesh(core_axis_name="c", subcore_axis_name="s")


@functools.partial(
    pl.kernel,
    out_type=(
        jax.ShapeDtypeStruct((NC, N, D), jnp.float32),
        jax.ShapeDtypeStruct((NC, N, DW), jnp.float32),
    ),
    mesh=_mesh,
    compiler_params=pltpu.CompilerParams(use_tc_tiling_on_sc=False),
    scratch_types=[
        pltpu.VMEM((NB2, B), jnp.int32),
        pltpu.VMEM((NB2, B), jnp.int32),
        pltpu.VMEM((B, D), jnp.float32),
        pltpu.VMEM((B, D), jnp.float32),
        pltpu.VMEM((B, D), jnp.float32),
        pltpu.VMEM((B, D), jnp.float32),
        pltpu.VMEM((B, D), jnp.float32),
        pltpu.VMEM((B, DW), jnp.float32),
        pltpu.VMEM_SHARED((N, D), jnp.float32),
        pltpu.VMEM_SHARED((N, DW), jnp.float32),
        pltpu.SemaphoreType.DMA,
        pltpu.SemaphoreType.DMA,
        pltpu.SemaphoreType.DMA,
        pltpu.SemaphoreType.DMA,
        pltpu.SemaphoreType.DMA,
        pltpu.SemaphoreType.DMA,
        pltpu.SemaphoreType.DMA,
        pltpu.SemaphoreType.DMA,
        pltpu.SemaphoreType.DMA,
        pltpu.SemaphoreType.DMA,
        pltpu.SemaphoreType.DMA,
    ],
)
def _sc_segment_sum(feat_hbm, src_hbm, dst_hbm, zrows_hbm, zdeg_hbm, ones_hbm,
                    agg_out, deg_out,
                    src_v, dst_v, r0, r1, r2, r3, r4, ones_v, agg_sh, deg_sh,
                    g0, g1, g2, g3, g4, s0, s1, s2, s3, s4, dsem):
    c = lax.axis_index("c")
    s = lax.axis_index("s")
    ring = (r0, r1, r2, r3, r4)
    gsems = (g0, g1, g2, g3, g4)
    ssems = (s0, s1, s2, s3, s4)

    pltpu.sync_copy(ones_hbm, ones_v)

    def gather(j, b):
        pltpu.async_copy(feat_hbm.at[src_v.at[j]], ring[b], gsems[b])

    def gather_wait(j, b):
        pltpu.make_async_copy(feat_hbm.at[src_v.at[j]], ring[b], gsems[b]).wait()

    def scatter(j, b):
        pltpu.async_copy(ring[b], agg_sh.at[dst_v.at[j]], ssems[b], add=True)
        pltpu.async_copy(ones_v, deg_sh.at[dst_v.at[j]], dsem, add=True)

    def scatter_wait(j, b):
        pltpu.make_async_copy(ring[b], agg_sh.at[dst_v.at[j]], ssems[b]).wait()

    pltpu.sync_copy(src_hbm.at[c, s, 0], src_v)
    pltpu.sync_copy(dst_hbm.at[c, s, 0], dst_v)
    for b in range(NBUF):
        gather(b, b)

    pltpu.sync_copy(zrows_hbm, agg_sh.at[pl.ds(s * RPT, RPT)])
    pltpu.sync_copy(zdeg_hbm, deg_sh.at[pl.ds(s * RPT, RPT)])
    plsc.subcore_barrier()

    for ch in range(NCH):
        if ch > 0:
            pltpu.sync_copy(src_hbm.at[c, s, ch], src_v)
            pltpu.sync_copy(dst_hbm.at[c, s, ch], dst_v)
            for b in range(NBUF):
                gather(b, b)

        def body(i, carry):
            j = NBUF * i
            for b in range(NBUF):
                gather_wait(j + b, b)
                scatter(j + b, b)
            for b in range(NBUF):
                scatter_wait(j + b, b)
                gather(j + NBUF + b, b)
            return carry

        lax.fori_loop(0, NB2 // NBUF - 1, body, 0)

        jlast = NB2 - NBUF
        for b in range(NBUF):
            gather_wait(jlast + b, b)
            scatter(jlast + b, b)
        for b in range(NBUF):
            scatter_wait(jlast + b, b)

        pltpu.make_async_copy(deg_out.at[c, pl.ds(0, NB2 * B)],
                              deg_sh.at[pl.ds(0, NB2 * B)], dsem).wait()
    plsc.subcore_barrier()

    pltpu.async_copy(agg_sh.at[pl.ds(s * RPT, RPT)],
                     agg_out.at[c, pl.ds(s * RPT, RPT)], g0)
    pltpu.async_copy(deg_sh.at[pl.ds(s * RPT, RPT)],
                     deg_out.at[c, pl.ds(s * RPT, RPT)], g1)
    pltpu.make_async_copy(agg_sh.at[pl.ds(s * RPT, RPT)],
                          agg_out.at[c, pl.ds(s * RPT, RPT)], g0).wait()
    pltpu.make_async_copy(deg_sh.at[pl.ds(s * RPT, RPT)],
                          deg_out.at[c, pl.ds(s * RPT, RPT)], g1).wait()


_R = 1000


def _tc_self_body(x_ref, ws_ref, b_ref, o_ref):
    o_ref[...] = jnp.dot(x_ref[...], ws_ref[...],
                         preferred_element_type=jnp.float32,
                         precision=lax.Precision.HIGHEST) + b_ref[...]


def _tc_self(x, W_self, b):
    h = W_self.shape[1]
    return pl.pallas_call(
        _tc_self_body,
        grid=(N // _R,),
        in_specs=[
            pl.BlockSpec((_R, D), lambda i: (i, 0)),
            pl.BlockSpec((D, h), lambda i: (0, 0)),
            pl.BlockSpec((1, h), lambda i: (0, 0)),
        ],
        out_specs=pl.BlockSpec((_R, h), lambda i: (i, 0)),
        out_shape=jax.ShapeDtypeStruct((N, h), jnp.float32),
    )(x, W_self, b.reshape(1, h))


def _tc_combine_body(relu, self_ref, agg_ref, deg_ref, wn_ref, o_ref):
    deg = deg_ref[0, :, 0] + deg_ref[1, :, 0]
    mean = (agg_ref[0] + agg_ref[1]) / jnp.maximum(deg, 1.0)[:, None]
    acc = self_ref[...] + jnp.dot(mean, wn_ref[...],
                                  preferred_element_type=jnp.float32,
                                  precision=lax.Precision.HIGHEST)
    if relu:
        acc = jnp.maximum(acc, 0.0)
    o_ref[...] = acc


def _tc_combine(selfpart, agg, deg, W_neigh, relu):
    h = W_neigh.shape[1]
    return pl.pallas_call(
        functools.partial(_tc_combine_body, relu),
        grid=(N // _R,),
        in_specs=[
            pl.BlockSpec((_R, h), lambda i: (i, 0)),
            pl.BlockSpec((NC, _R, D), lambda i: (0, i, 0)),
            pl.BlockSpec((NC, _R, DW), lambda i: (0, i, 0)),
            pl.BlockSpec((D, h), lambda i: (0, 0)),
        ],
        out_specs=pl.BlockSpec((_R, h), lambda i: (i, 0)),
        out_shape=jax.ShapeDtypeStruct((N, h), jnp.float32),
    )(selfpart, agg, deg, W_neigh)


def kernel(x, edge_index1, edge_index2, W_self1, W_neigh1, b1,
           W_self2, W_neigh2, b2):
    zrows = jnp.zeros((RPT, D), jnp.float32)
    zdeg = jnp.zeros((RPT, DW), jnp.float32)
    ones = jnp.ones((B, DW), jnp.float32)

    def edges(ei):
        src = ei[0].astype(jnp.int32).reshape(NC, NS, NCH, NB2, B)
        dst = ei[1].astype(jnp.int32).reshape(NC, NS, NCH, NB2, B)
        return src, dst

    src1, dst1 = edges(edge_index1)
    src2, dst2 = edges(edge_index2)

    self1 = _tc_self(x, W_self1, b1)
    agg1, deg1 = _sc_segment_sum(x, src1, dst1, zrows, zdeg, ones)
    h = _tc_combine(self1, agg1, deg1, W_neigh1, relu=True)
    self2 = _tc_self(h, W_self2, b2)
    agg2, deg2 = _sc_segment_sum(h, src2, dst2, zrows, zdeg, ones)
    out = _tc_combine(self2, agg2, deg2, W_neigh2, relu=False)
    return out

# --- scband reference (transcript-rebuilt; emitter-appended) ---
"""Pipeline reference for scband-graph-sage-27977416966302 (READ-ONLY COPY).

The authoritative reference and input builder live on the scoring server;
editing this copy changes nothing except your own understanding.
"""

import jax, jax.numpy as jnp
import numpy as np

N = 10000
E = 320000
D_IN = 128
D_HID = 128
D_OUT = 128


def setup_inputs(seed: int = 0) -> dict:
    key = jax.random.key(seed)
    ks = jax.random.split(key, 10)
    x = jax.random.normal(ks[0], (N, D_IN), dtype=jnp.float32)
    edge_index1 = jax.random.randint(ks[1], (2, E), 0, N)
    edge_index2 = jax.random.randint(ks[2], (2, E), 0, N)
    s1 = 1.0 / np.sqrt(D_IN)
    s2 = 1.0 / np.sqrt(D_HID)
    W_self1 = jax.random.normal(ks[3], (D_IN, D_HID), dtype=jnp.float32) * s1
    W_neigh1 = jax.random.normal(ks[4], (D_IN, D_HID), dtype=jnp.float32) * s1
    b1 = jnp.zeros((D_HID,), dtype=jnp.float32)
    W_self2 = jax.random.normal(ks[5], (D_HID, D_OUT), dtype=jnp.float32) * s2
    W_neigh2 = jax.random.normal(ks[6], (D_HID, D_OUT), dtype=jnp.float32) * s2
    b2 = jnp.zeros((D_OUT,), dtype=jnp.float32)
    return {
        "x": x,
        "edge_index1": edge_index1,
        "edge_index2": edge_index2,
        "W_self1": W_self1,
        "W_neigh1": W_neigh1,
        "b1": b1,
        "W_self2": W_self2,
        "W_neigh2": W_neigh2,
        "b2": b2,
    }


def _sage_conv(x, edge_index, W_self, W_neigh, b):
    # DGL SAGEConv with aggregator_type='mean':
    # h = fc_self(h_dst) + fc_neigh(mean_{src in N(dst)} h_src) + bias
    src = edge_index[0]
    dst = edge_index[1]
    msgs = x[src]  # gather src node features per edge
    agg = jax.ops.segment_sum(msgs, dst, num_segments=N)
    deg = jax.ops.segment_sum(jnp.ones((edge_index.shape[1],), dtype=x.dtype), dst, num_segments=N)
    mean = agg / jnp.maximum(deg, 1.0)[:, None]
    return x @ W_self + mean @ W_neigh + b


def reference(x, edge_index1, edge_index2, W_self1, W_neigh1, b1, W_self2, W_neigh2, b2):
    h = _sage_conv(x, edge_index1, W_self1, W_neigh1, b1)
    h = jax.nn.relu(h)
    out = _sage_conv(h, edge_index2, W_self2, W_neigh2, b2)
    return out

if __name__ == "__main__":
    import jax
    _d = setup_inputs()
    print(jax.jit(kernel)(*tuple(_d.values())))

</pallas_src>

<mosaic_0001>
#map = affine_map<(d0, d1) -> (0, 0)>
#map1 = affine_map<(d0, d1) -> (0, 0, 0, 0, 0)>
#map2 = affine_map<(d0, d1) -> (0, 0, 0)>
module attributes {stable_mosaic.version = 14 : i64} {
  func.func @_sc_segment_sum(%arg0: i32, %arg1: i32, %arg2: memref<10000x128xf32, #tpu.memory_space<hbm>>, %arg3: memref<2x16x2x100x50xi32, #tpu.memory_space<hbm>>, %arg4: memref<2x16x2x100x50xi32, #tpu.memory_space<hbm>>, %arg5: memref<625x128xf32, #tpu.memory_space<hbm>>, %arg6: memref<625x8xf32, #tpu.memory_space<hbm>>, %arg7: memref<50x8xf32, #tpu.memory_space<hbm>>, %arg8: memref<2x10000x128xf32, #tpu.memory_space<hbm>>, %arg9: memref<2x10000x8xf32, #tpu.memory_space<hbm>>, %arg10: memref<100x50xi32, #tpu.memory_space<vmem>>, %arg11: memref<100x50xi32, #tpu.memory_space<vmem>>, %arg12: memref<50x128xf32, #tpu.memory_space<vmem>>, %arg13: memref<50x128xf32, #tpu.memory_space<vmem>>, %arg14: memref<50x128xf32, #tpu.memory_space<vmem>>, %arg15: memref<50x128xf32, #tpu.memory_space<vmem>>, %arg16: memref<50x128xf32, #tpu.memory_space<vmem>>, %arg17: memref<50x8xf32, #tpu.memory_space<vmem>>, %arg18: memref<10000x128xf32, #tpu.memory_space<vmem_shared>>, %arg19: memref<10000x8xf32, #tpu.memory_space<vmem_shared>>, %arg20: memref<!tpu.dma_semaphore, #tpu.memory_space<semaphore_mem>>, %arg21: memref<!tpu.dma_semaphore, #tpu.memory_space<semaphore_mem>>, %arg22: memref<!tpu.dma_semaphore, #tpu.memory_space<semaphore_mem>>, %arg23: memref<!tpu.dma_semaphore, #tpu.memory_space<semaphore_mem>>, %arg24: memref<!tpu.dma_semaphore, #tpu.memory_space<semaphore_mem>>, %arg25: memref<!tpu.dma_semaphore, #tpu.memory_space<semaphore_mem>>, %arg26: memref<!tpu.dma_semaphore, #tpu.memory_space<semaphore_mem>>, %arg27: memref<!tpu.dma_semaphore, #tpu.memory_space<semaphore_mem>>, %arg28: memref<!tpu.dma_semaphore, #tpu.memory_space<semaphore_mem>>, %arg29: memref<!tpu.dma_semaphore, #tpu.memory_space<semaphore_mem>>, %arg30: memref<!tpu.dma_semaphore, #tpu.memory_space<semaphore_mem>>) attributes {dimension_semantics = [#tpu.dimension_semantics<core_parallel>, #tpu.dimension_semantics<subcore_parallel>], iteration_bounds = array<i64: 2, 16>, scalar_prefetch = 0 : i64, scratch_operands = 21 : i64, tpu.core_type = #tpu.core_type<sc_vector_subcore>, window_params = [{transform_indices = #map}, {transform_indices = #map1}, {transform_indices = #map1}, {transform_indices = #map}, {transform_indices = #map}, {transform_indices = #map}, {transform_indices = #map2}, {transform_indices = #map2}]} {
    "tpu.region"() ({
      %run_scoped3A_416 = tpu.sem_alloc : memref<!tpu.dma_semaphore, #tpu.memory_space<semaphore_mem>>
      tpu.enqueue_dma source(%arg7 : memref<50x8xf32, #tpu.memory_space<hbm>>) target(%arg17 : memref<50x8xf32, #tpu.memory_space<vmem>>) target_semaphore(%run_scoped3A_416 : memref<!tpu.dma_semaphore, #tpu.memory_space<semaphore_mem>>)
      tpu.wait_dma2 semaphore(%run_scoped3A_416 : memref<!tpu.dma_semaphore, #tpu.memory_space<semaphore_mem>>) src(%arg7 : memref<50x8xf32, #tpu.memory_space<hbm>>) dst(%arg17 : memref<50x8xf32, #tpu.memory_space<vmem>>)
      tpu.yield
    }) : () -> ()
    %run_scoped3A = arith.constant 0 : i32
    "tpu.region"() ({
      %run_scoped3A_416 = tpu.sem_alloc : memref<!tpu.dma_semaphore, #tpu.memory_space<semaphore_mem>>
      %dma_start3A_417 = arith.constant 0 : i32
      %dma_start3A_418 = arith.constant 0 : i32
      %dma_start3A_419 = tpu.memref_slice %arg3[%arg0, %arg1, %run_scoped3A, %dma_start3A_417, %dma_start3A_418] : memref<2x16x2x100x50xi32, #tpu.memory_space<hbm>> -> memref<1x1x1x100x50xi32, #tpu.memory_space<hbm>>
      %dma_start3A_420 = tpu.memref_squeeze %dma_start3A_419 : memref<1x1x1x100x50xi32, #tpu.memory_space<hbm>> -> memref<100x50xi32, #tpu.memory_space<hbm>>
      %dma_start3A_421 = arith.constant 0 : i32
      %dma_start3A_422 = arith.constant 0 : i32
      %dma_start3A_423 = tpu.memref_slice %arg3[%arg0, %arg1, %run_scoped3A, %dma_start3A_421, %dma_start3A_422] : memref<2x16x2x100x50xi32, #tpu.memory_space<hbm>> -> memref<1x1x1x100x50xi32, #tpu.memory_space<hbm>>
      %dma_start3A_424 = tpu.memref_squeeze %dma_start3A_423 : memref<1x1x1x100x50xi32, #tpu.memory_space<hbm>> -> memref<100x50xi32, #tpu.memory_space<hbm>>
      tpu.enqueue_dma source(%dma_start3A_424 : memref<100x50xi32, #tpu.memory_space<hbm>>) target(%arg10 : memref<100x50xi32, #tpu.memory_space<vmem>>) target_semaphore(%run_scoped3A_416 : memref<!tpu.dma_semaphore, #tpu.memory_space<semaphore_mem>>)
      %dma_wait3A_425 = arith.constant 0 : i32
      %dma_wait3A_426 = arith.constant 0 : i32
      %dma_wait3A_427 = tpu.memref_slice %arg3[%arg0, %arg1, %run_scoped3A, %dma_wait3A_425, %dma_wait3A_426] : memref<2x16x2x100x50xi32, #tpu.memory_space<hbm>> -> memref<1x1x1x100x50xi32, #tpu.memory_space<hbm>>
      %dma_wait3A_428 = tpu.memref_squeeze %dma_wait3A_427 : memref<1x1x1x100x50xi32, #tpu.memory_space<hbm>> -> memref<100x50xi32, #tpu.memory_space<hbm>>
      %dma_wait3A_429 = arith.constant 0 : i32
      %dma_wait3A_430 = arith.constant 0 : i32
      %dma_wait3A_431 = tpu.memref_slice %arg3[%arg0, %arg1, %run_scoped3A, %dma_wait3A_429, %dma_wait3A_430] : memref<2x16x2x100x50xi32, #tpu.memory_space<hbm>> -> memref<1x1x1x100x50xi32, #tpu.memory_space<hbm>>
      %dma_wait3A_432 = tpu.memref_squeeze %dma_wait3A_431 : memref<1x1x1x100x50xi32, #tpu.memory_space<hbm>> -> memref<100x50xi32, #tpu.memory_space<hbm>>
      tpu.wait_dma2 semaphore(%run_scoped3A_416 : memref<!tpu.dma_semaphore, #tpu.memory_space<semaphore_mem>>) src(%dma_wait3A_432 : memref<100x50xi32, #tpu.memory_space<hbm>>) dst(%arg10 : memref<100x50xi32, #tpu.memory_space<vmem>>)
      tpu.yield
    }) : () -> ()
    %run_scoped3A_0 = arith.constant 0 : i32
    "tpu.region"() ({
      %run_scoped3A_416 = tpu.sem_alloc : memref<!tpu.dma_semaphore, #tpu.memory_space<semaphore_mem>>
      %dma_start3A_417 = arith.constant 0 : i32
      %dma_start3A_418 = arith.constant 0 : i32
      %dma_start3A_419 = tpu.memref_slice %arg4[%arg0, %arg1, %run_scoped3A_0, %dma_start3A_417, %dma_start3A_418] : memref<2x16x2x100x50xi32, #tpu.memory_space<hbm>> -> memref<1x1x1x100x50xi32, #tpu.memory_space<hbm>>
      %dma_start3A_420 = tpu.memref_squeeze %dma_start3A_419 : memref<1x1x1x100x50xi32, #tpu.memory_space<hbm>> -> memref<100x50xi32, #tpu.memory_space<hbm>>
      %dma_start3A_421 = arith.constant 0 : i32
      %dma_start3A_422 = arith.constant 0 : i32
      %dma_start3A_423 = tpu.memref_slice %arg4[%arg0, %arg1, %run_scoped3A_0, %dma_start3A_421, %dma_start3A_422] : memref<2x16x2x100x50xi32, #tpu.memory_space<hbm>> -> memref<1x1x1x100x50xi32, #tpu.memory_space<hbm>>
      %dma_start3A_424 = tpu.memref_squeeze %dma_start3A_423 : memref<1x1x1x100x50xi32, #tpu.memory_space<hbm>> -> memref<100x50xi32, #tpu.memory_space<hbm>>
      tpu.enqueue_dma source(%dma_start3A_424 : memref<100x50xi32, #tpu.memory_space<hbm>>) target(%arg11 : memref<100x50xi32, #tpu.memory_space<vmem>>) target_semaphore(%run_scoped3A_416 : memref<!tpu.dma_semaphore, #tpu.memory_space<semaphore_mem>>)
      %dma_wait3A_425 = arith.constant 0 : i32
      %dma_wait3A_426 = arith.constant 0 : i32
      %dma_wait3A_427 = tpu.memref_slice %arg4[%arg0, %arg1, %run_scoped3A_0, %dma_wait3A_425, %dma_wait3A_426] : memref<2x16x2x100x50xi32, #tpu.memory_space<hbm>> -> memref<1x1x1x100x50xi32, #tpu.memory_space<hbm>>
      %dma_wait3A_428 = tpu.memref_squeeze %dma_wait3A_427 : memref<1x1x1x100x50xi32, #tpu.memory_space<hbm>> -> memref<100x50xi32, #tpu.memory_space<hbm>>
      %dma_wait3A_429 = arith.constant 0 : i32
      %dma_wait3A_430 = arith.constant 0 : i32
      %dma_wait3A_431 = tpu.memref_slice %arg4[%arg0, %arg1, %run_scoped3A_0, %dma_wait3A_429, %dma_wait3A_430] : memref<2x16x2x100x50xi32, #tpu.memory_space<hbm>> -> memref<1x1x1x100x50xi32, #tpu.memory_space<hbm>>
      %dma_wait3A_432 = tpu.memref_squeeze %dma_wait3A_431 : memref<1x1x1x100x50xi32, #tpu.memory_space<hbm>> -> memref<100x50xi32, #tpu.memory_space<hbm>>
      tpu.wait_dma2 semaphore(%run_scoped3A_416 : memref<!tpu.dma_semaphore, #tpu.memory_space<semaphore_mem>>) src(%dma_wait3A_432 : memref<100x50xi32, #tpu.memory_space<hbm>>) dst(%arg11 : memref<100x50xi32, #tpu.memory_space<vmem>>)
      tpu.yield
    }) : () -> ()
    %dma_start3A = arith.constant 0 : i32
    %dma_start3A_1 = arith.constant 0 : i32
    %dma_start3A_2 = tpu.memref_slice %arg10[%dma_start3A, %dma_start3A_1] : memref<100x50xi32, #tpu.memory_space<vmem>> -> memref<1x50xi32, #tpu.memory_space<vmem>>
    %dma_start3A_3 = tpu.memref_squeeze %dma_start3A_2 : memref<1x50xi32, #tpu.memory_space<vmem>> -> memref<50xi32, #tpu.memory_space<vmem>>
    %dma_start3A_4 = arith.constant 0 : i32
    %dma_start3A_5 = arith.constant 0 : i32
    %dma_start3A_6 = tpu.memref_slice %arg2[%dma_start3A_4, %dma_start3A_5] : memref<10000x128xf32, #tpu.memory_space<hbm>> -> memref<10000x128xf32, #tpu.memory_space<hbm>>
    tpu.enqueue_indirect_dma source(%dma_start3A_6 : memref<10000x128xf32, #tpu.memory_space<hbm>>) target(%arg12 : memref<50x128xf32, #tpu.memory_space<vmem>>) offsets(%dma_start3A_3 : memref<50xi32, #tpu.memory_space<vmem>>) semaphore(%arg20 : memref<!tpu.dma_semaphore, #tpu.memory_space<semaphore_mem>>)
    %dma_start3A_7 = arith.constant 1 : i32
    %dma_start3A_8 = arith.constant 0 : i32
    %dma_start3A_9 = tpu.memref_slice %arg10[%dma_start3A_7, %dma_start3A_8] : memref<100x50xi32, #tpu.memory_space<vmem>> -> memref<1x50xi32, #tpu.memory_space<vmem>>
    %dma_start3A_10 = tpu.memref_squeeze %dma_start3A_9 : memref<1x50xi32, #tpu.memory_space<vmem>> -> memref<50xi32, #tpu.memory_space<vmem>>
    %dma_start3A_11 = arith.constant 0 : i32
    %dma_start3A_12 = arith.constant 0 : i32
    %dma_start3A_13 = tpu.memref_slice %arg2[%dma_start3A_11, %dma_start3A_12] : memref<10000x128xf32, #tpu.memory_space<hbm>> -> memref<10000x128xf32, #tpu.memory_space<hbm>>
    tpu.enqueue_indirect_dma source(%dma_start3A_13 : memref<10000x128xf32, #tpu.memory_space<hbm>>) target(%arg13 : memref<50x128xf32, #tpu.memory_space<vmem>>) offsets(%dma_start3A_10 : memref<50xi32, #tpu.memory_space<vmem>>) semaphore(%arg21 : memref<!tpu.dma_semaphore, #tpu.memory_space<semaphore_mem>>)
    %dma_start3A_14 = arith.constant 2 : i32
    %dma_start3A_15 = arith.constant 0 : i32
    %dma_start3A_16 = tpu.memref_slice %arg10[%dma_start3A_14, %dma_start3A_15] : memref<100x50xi32, #tpu.memory_space<vmem>> -> memref<1x50xi32, #tpu.memory_space<vmem>>
    %dma_start3A_17 = tpu.memref_squeeze %dma_start3A_16 : memref<1x50xi32, #tpu.memory_space<vmem>> -> memref<50xi32, #tpu.memory_space<vmem>>
    %dma_start3A_18 = arith.constant 0 : i32
    %dma_start3A_19 = arith.constant 0 : i32
    %dma_start3A_20 = tpu.memref_slice %arg2[%dma_start3A_18, %dma_start3A_19] : memref<10000x128xf32, #tpu.memory_space<hbm>> -> memref<10000x128xf32, #tpu.memory_space<hbm>>
    tpu.enqueue_indirect_dma source(%dma_start3A_20 : memref<10000x128xf32, #tpu.memory_space<hbm>>) target(%arg14 : memref<50x128xf32, #tpu.memory_space<vmem>>) offsets(%dma_start3A_17 : memref<50xi32, #tpu.memory_space<vmem>>) semaphore(%arg22 : memref<!tpu.dma_semaphore, #tpu.memory_space<semaphore_mem>>)
    %dma_start3A_21 = arith.constant 3 : i32
    %dma_start3A_22 = arith.constant 0 : i32
    %dma_start3A_23 = tpu.memref_slice %arg10[%dma_start3A_21, %dma_start3A_22] : memref<100x50xi32, #tpu.memory_space<vmem>> -> memref<1x50xi32, #tpu.memory_space<vmem>>
    %dma_start3A_24 = tpu.memref_squeeze %dma_start3A_23 : memref<1x50xi32, #tpu.memory_space<vmem>> -> memref<50xi32, #tpu.memory_space<vmem>>
    %dma_start3A_25 = arith.constant 0 : i32
    %dma_start3A_26 = arith.constant 0 : i32
    %dma_start3A_27 = tpu.memref_slice %arg2[%dma_start3A_25, %dma_start3A_26] : memref<10000x128xf32, #tpu.memory_space<hbm>> -> memref<10000x128xf32, #tpu.memory_space<hbm>>
    tpu.enqueue_indirect_dma source(%dma_start3A_27 : memref<10000x128xf32, #tpu.memory_space<hbm>>) target(%arg15 : memref<50x128xf32, #tpu.memory_space<vmem>>) offsets(%dma_start3A_24 : memref<50xi32, #tpu.memory_space<vmem>>) semaphore(%arg23 : memref<!tpu.dma_semaphore, #tpu.memory_space<semaphore_mem>>)
    %dma_start3A_28 = arith.constant 4 : i32
    %dma_start3A_29 = arith.constant 0 : i32
    %dma_start3A_30 = tpu.memref_slice %arg10[%dma_start3A_28, %dma_start3A_29] : memref<100x50xi32, #tpu.memory_space<vmem>> -> memref<1x50xi32, #tpu.memory_space<vmem>>
    %dma_start3A_31 = tpu.memref_squeeze %dma_start3A_30 : memref<1x50xi32, #tpu.memory_space<vmem>> -> memref<50xi32, #tpu.memory_space<vmem>>
    %dma_start3A_32 = arith.constant 0 : i32
    %dma_start3A_33 = arith.constant 0 : i32
    %dma_start3A_34 = tpu.memref_slice %arg2[%dma_start3A_32, %dma_start3A_33] : memref<10000x128xf32, #tpu.memory_space<hbm>> -> memref<10000x128xf32, #tpu.memory_space<hbm>>
    tpu.enqueue_indirect_dma source(%dma_start3A_34 : memref<10000x128xf32, #tpu.memory_space<hbm>>) target(%arg16 : memref<50x128xf32, #tpu.memory_space<vmem>>) offsets(%dma_start3A_31 : memref<50xi32, #tpu.memory_space<vmem>>) semaphore(%arg24 : memref<!tpu.dma_semaphore, #tpu.memory_space<semaphore_mem>>)
    %mul3A = arith.constant 625 : i32
    %mul3A_35 = arith.muli %arg1, %mul3A : i32
    "tpu.region"() ({
      %run_scoped3A_416 = tpu.sem_alloc : memref<!tpu.dma_semaphore, #tpu.memory_space<semaphore_mem>>
      %dma_start3A_417 = arith.constant 0 : i32
      %dma_start3A_418 = tpu.memref_slice %arg18[%mul3A_35, %dma_start3A_417] : memref<10000x128xf32, #tpu.memory_space<vmem_shared>> -> memref<625x128xf32, #tpu.memory_space<vmem_shared>>
      tpu.enqueue_dma source(%arg5 : memref<625x128xf32, #tpu.memory_space<hbm>>) target(%dma_start3A_418 : memref<625x128xf32, #tpu.memory_space<vmem_shared>>) target_semaphore(%run_scoped3A_416 : memref<!tpu.dma_semaphore, #tpu.memory_space<semaphore_mem>>)
      %dma_wait3A_419 = arith.constant 0 : i32
      %dma_wait3A_420 = tpu.memref_slice %arg18[%mul3A_35, %dma_wait3A_419] : memref<10000x128xf32, #tpu.memory_space<vmem_shared>> -> memref<625x128xf32, #tpu.memory_space<vmem_shared>>
      tpu.wait_dma2 semaphore(%run_scoped3A_416 : memref<!tpu.dma_semaphore, #tpu.memory_space<semaphore_mem>>) src(%arg5 : memref<625x128xf32, #tpu.memory_space<hbm>>) dst(%dma_wait3A_420 : memref<625x128xf32, #tpu.memory_space<vmem_shared>>)
      tpu.yield
    }) : () -> ()
    %mul3A_36 = arith.constant 625 : i32
    %mul3A_37 = arith.muli %arg1, %mul3A_36 : i32
    "tpu.region"() ({
      %run_scoped3A_416 = tpu.sem_alloc : memref<!tpu.dma_semaphore, #tpu.memory_space<semaphore_mem>>
      %dma_start3A_417 = arith.constant 0 : i32
      %dma_start3A_418 = tpu.memref_slice %arg19[%mul3A_37, %dma_start3A_417] : memref<10000x8xf32, #tpu.memory_space<vmem_shared>> -> memref<625x8xf32, #tpu.memory_space<vmem_shared>>
      tpu.enqueue_dma source(%arg6 : memref<625x8xf32, #tpu.memory_space<hbm>>) target(%dma_start3A_418 : memref<625x8xf32, #tpu.memory_space<vmem_shared>>) target_semaphore(%run_scoped3A_416 : memref<!tpu.dma_semaphore, #tpu.memory_space<semaphore_mem>>)
      %dma_wait3A_419 = arith.constant 0 : i32
      %dma_wait3A_420 = tpu.memref_slice %arg19[%mul3A_37, %dma_wait3A_419] : memref<10000x8xf32, #tpu.memory_space<vmem_shared>> -> memref<625x8xf32, #tpu.memory_space<vmem_shared>>
      tpu.wait_dma2 semaphore(%run_scoped3A_416 : memref<!tpu.dma_semaphore, #tpu.memory_space<semaphore_mem>>) src(%arg6 : memref<625x8xf32, #tpu.memory_space<hbm>>) dst(%dma_wait3A_420 : memref<625x8xf32, #tpu.memory_space<vmem_shared>>)
      tpu.yield
    }) : () -> ()
    %barrier3A = arith.constant 0 : index
    tpu.barrier barrier_id(%barrier3A)
    %scan3A = arith.constant 0 : i32
    %scan3A_38 = arith.constant 0 : i32
    %scan3A_39 = arith.constant 19 : i32
    %scan3A_40 = arith.addi %scan3A_38, %scan3A_39 : i32
    %scan3A_41 = arith.constant 1 : i32
    scf.for %scan3A_416 = %scan3A_38 to %scan3A_40 step %scan3A_41  : i32 {
      %mul3A_417 = arith.constant 5 : i32
      %mul3A_418 = arith.muli %mul3A_417, %scan3A_416 : i32
      %add3A = arith.constant 0 : i32
      %add3A_419 = arith.addi %mul3A_418, %add3A : i32
      %dma_wait3A_420 = arith.constant 0 : i32
      %dma_wait3A_421 = tpu.memref_slice %arg10[%add3A_419, %dma_wait3A_420] : memref<100x50xi32, #tpu.memory_space<vmem>> -> memref<1x50xi32, #tpu.memory_space<vmem>>
      %dma_wait3A_422 = tpu.memref_squeeze %dma_wait3A_421 : memref<1x50xi32, #tpu.memory_space<vmem>> -> memref<50xi32, #tpu.memory_space<vmem>>
      %dma_wait3A_423 = arith.constant 0 : i32
      %dma_wait3A_424 = arith.constant 0 : i32
      %dma_wait3A_425 = tpu.memref_slice %arg2[%dma_wait3A_423, %dma_wait3A_424] : memref<10000x128xf32, #tpu.memory_space<hbm>> -> memref<10000x128xf32, #tpu.memory_space<hbm>>
      tpu.wait_indirect_dma semaphore(%arg20 : memref<!tpu.dma_semaphore, #tpu.memory_space<semaphore_mem>>) src(%dma_wait3A_425 : memref<10000x128xf32, #tpu.memory_space<hbm>>) dst(%arg12 : memref<50x128xf32, #tpu.memory_space<vmem>>)
      %add3A_426 = arith.constant 0 : i32
      %add3A_427 = arith.addi %mul3A_418, %add3A_426 : i32
      %dma_start3A_428 = arith.constant 0 : i32
      %dma_start3A_429 = tpu.memref_slice %arg11[%add3A_427, %dma_start3A_428] : memref<100x50xi32, #tpu.memory_space<vmem>> -> memref<1x50xi32, #tpu.memory_space<vmem>>
      %dma_start3A_430 = tpu.memref_squeeze %dma_start3A_429 : memref<1x50xi32, #tpu.memory_space<vmem>> -> memref<50xi32, #tpu.memory_space<vmem>>
      %dma_start3A_431 = arith.constant 0 : i32
      %dma_start3A_432 = arith.constant 0 : i32
      %dma_start3A_433 = tpu.memref_slice %arg18[%dma_start3A_431, %dma_start3A_432] : memref<10000x128xf32, #tpu.memory_space<vmem_shared>> -> memref<10000x128xf32, #tpu.memory_space<vmem_shared>>
      tpu.enqueue_indirect_dma source(%arg12 : memref<50x128xf32, #tpu.memory_space<vmem>>) target(%dma_start3A_433 : memref<10000x128xf32, #tpu.memory_space<vmem_shared>>) offsets(%dma_start3A_430 : memref<50xi32, #tpu.memory_space<vmem>>) semaphore(%arg25 : memref<!tpu.dma_semaphore, #tpu.memory_space<semaphore_mem>>) {add = true}
      %dma_start3A_434 = arith.constant 0 : i32
      %dma_start3A_435 = tpu.memref_slice %arg11[%add3A_427, %dma_start3A_434] : memref<100x50xi32, #tpu.memory_space<vmem>> -> memref<1x50xi32, #tpu.memory_space<vmem>>
      %dma_start3A_436 = tpu.memref_squeeze %dma_start3A_435 : memref<1x50xi32, #tpu.memory_space<vmem>> -> memref<50xi32, #tpu.memory_space<vmem>>
      %dma_start3A_437 = arith.constant 0 : i32
      %dma_start3A_438 = arith.constant 0 : i32
      %dma_start3A_439 = tpu.memref_slice %arg19[%dma_start3A_437, %dma_start3A_438] : memref<10000x8xf32, #tpu.memory_space<vmem_shared>> -> memref<10000x8xf32, #tpu.memory_space<vmem_shared>>
      tpu.enqueue_indirect_dma source(%arg17 : memref<50x8xf32, #tpu.memory_space<vmem>>) target(%dma_start3A_439 : memref<10000x8xf32, #tpu.memory_space<vmem_shared>>) offsets(%dma_start3A_436 : memref<50xi32, #tpu.memory_space<vmem>>) semaphore(%arg30 : memref<!tpu.dma_semaphore, #tpu.memory_space<semaphore_mem>>) {add = true}
      %add3A_440 = arith.constant 1 : i32
      %add3A_441 = arith.addi %mul3A_418, %add3A_440 : i32
      %dma_wait3A_442 = arith.constant 0 : i32
      %dma_wait3A_443 = tpu.memref_slice %arg10[%add3A_441, %dma_wait3A_442] : memref<100x50xi32, #tpu.memory_space<vmem>> -> memref<1x50xi32, #tpu.memory_space<vmem>>
      %dma_wait3A_444 = tpu.memref_squeeze %dma_wait3A_443 : memref<1x50xi32, #tpu.memory_space<vmem>> -> memref<50xi32, #tpu.memory_space<vmem>>
      %dma_wait3A_445 = arith.constant 0 : i32
      %dma_wait3A_446 = arith.constant 0 : i32
      %dma_wait3A_447 = tpu.memref_slice %arg2[%dma_wait3A_445, %dma_wait3A_446] : memref<10000x128xf32, #tpu.memory_space<hbm>> -> memref<10000x128xf32, #tpu.memory_space<hbm>>
      tpu.wait_indirect_dma semaphore(%arg21 : memref<!tpu.dma_semaphore, #tpu.memory_space<semaphore_mem>>) src(%dma_wait3A_447 : memref<10000x128xf32, #tpu.memory_space<hbm>>) dst(%arg13 : memref<50x128xf32, #tpu.memory_space<vmem>>)
      %add3A_448 = arith.constant 1 : i32
      %add3A_449 = arith.addi %mul3A_418, %add3A_448 : i32
      %dma_start3A_450 = arith.constant 0 : i32
      %dma_start3A_451 = tpu.memref_slice %arg11[%add3A_449, %dma_start3A_450] : memref<100x50xi32, #tpu.memory_space<vmem>> -> memref<1x50xi32, #tpu.memory_space<vmem>>
      %dma_start3A_452 = tpu.memref_squeeze %dma_start3A_451 : memref<1x50xi32, #tpu.memory_space<vmem>> -> memref<50xi32, #tpu.memory_space<vmem>>
      %dma_start3A_453 = arith.constant 0 : i32
      %dma_start3A_454 = arith.constant 0 : i32
      %dma_start3A_455 = tpu.memref_slice %arg18[%dma_start3A_453, %dma_start3A_454] : memref<10000x128xf32, #tpu.memory_space<vmem_shared>> -> memref<10000x128xf32, #tpu.memory_space<vmem_shared>>
      tpu.enqueue_indirect_dma source(%arg13 : memref<50x128xf32, #tpu.memory_space<vmem>>) target(%dma_start3A_455 : memref<10000x128xf32, #tpu.memory_space<vmem_shared>>) offsets(%dma_start3A_452 : memref<50xi32, #tpu.memory_space<vmem>>) semaphore(%arg26 : memref<!tpu.dma_semaphore, #tpu.memory_space<semaphore_mem>>) {add = true}
      %dma_start3A_456 = arith.constant 0 : i32
      %dma_start3A_457 = tpu.memref_slice %arg11[%add3A_449, %dma_start3A_456] : memref<100x50xi32, #tpu.memory_space<vmem>> -> memref<1x50xi32, #tpu.memory_space<vmem>>
      %dma_start3A_458 = tpu.memref_squeeze %dma_start3A_457 : memref<1x50xi32, #tpu.memory_space<vmem>> -> memref<50xi32, #tpu.memory_space<vmem>>
      %dma_start3A_459 = arith.constant 0 : i32
      %dma_start3A_460 = arith.constant 0 : i32
      %dma_start3A_461 = tpu.memref_slice %arg19[%dma_start3A_459, %dma_start3A_460] : memref<10000x8xf32, #tpu.memory_space<vmem_shared>> -> memref<10000x8xf32, #tpu.memory_space<vmem_shared>>
      tpu.enqueue_indirect_dma source(%arg17 : memref<50x8xf32, #tpu.memory_space<vmem>>) target(%dma_start3A_461 : memref<10000x8xf32, #tpu.memory_space<vmem_shared>>) offsets(%dma_start3A_458 : memref<50xi32, #tpu.memory_space<vmem>>) semaphore(%arg30 : memref<!tpu.dma_semaphore, #tpu.memory_space<semaphore_mem>>) {add = true}
      %add3A_462 = arith.constant 2 : i32
      %add3A_463 = arith.addi %mul3A_418, %add3A_462 : i32
      %dma_wait3A_464 = arith.constant 0 : i32
      %dma_wait3A_465 = tpu.memref_slice %arg10[%add3A_463, %dma_wait3A_464] : memref<100x50xi32, #tpu.memory_space<vmem>> -> memref<1x50xi32, #tpu.memory_space<vmem>>
      %dma_wait3A_466 = tpu.memref_squeeze %dma_wait3A_465 : memref<1x50xi32, #tpu.memory_space<vmem>> -> memref<50xi32, #tpu.memory_space<vmem>>
      %dma_wait3A_467 = arith.constant 0 : i32
      %dma_wait3A_468 = arith.constant 0 : i32
      %dma_wait3A_469 = tpu.memref_slice %arg2[%dma_wait3A_467, %dma_wait3A_468] : memref<10000x128xf32, #tpu.memory_space<hbm>> -> memref<10000x128xf32, #tpu.memory_space<hbm>>
      tpu.wait_indirect_dma semaphore(%arg22 : memref<!tpu.dma_semaphore, #tpu.memory_space<semaphore_mem>>) src(%dma_wait3A_469 : memref<10000x128xf32, #tpu.memory_space<hbm>>) dst(%arg14 : memref<50x128xf32, #tpu.memory_space<vmem>>)
      %add3A_470 = arith.constant 2 : i32
      %add3A_471 = arith.addi %mul3A_418, %add3A_470 : i32
      %dma_start3A_472 = arith.constant 0 : i32
      %dma_start3A_473 = tpu.memref_slice %arg11[%add3A_471, %dma_start3A_472] : memref<100x50xi32, #tpu.memory_space<vmem>> -> memref<1x50xi32, #tpu.memory_space<vmem>>
      %dma_start3A_474 = tpu.memref_squeeze %dma_start3A_473 : memref<1x50xi32, #tpu.memory_space<vmem>> -> memref<50xi32, #tpu.memory_space<vmem>>
      %dma_start3A_475 = arith.constant 0 : i32
      %dma_start3A_476 = arith.constant 0 : i32
      %dma_start3A_477 = tpu.memref_slice %arg18[%dma_start3A_475, %dma_start3A_476] : memref<10000x128xf32, #tpu.memory_space<vmem_shared>> -> memref<10000x128xf32, #tpu.memory_space<vmem_shared>>
      tpu.enqueue_indirect_dma source(%arg14 : memref<50x128xf32, #tpu.memory_space<vmem>>) target(%dma_start3A_477 : memref<10000x128xf32, #tpu.memory_space<vmem_shared>>) offsets(%dma_start3A_474 : memref<50xi32, #tpu.memory_space<vmem>>) semaphore(%arg27 : memref<!tpu.dma_semaphore, #tpu.memory_space<semaphore_mem>>) {add = true}
      %dma_start3A_478 = arith.constant 0 : i32
      %dma_start3A_479 = tpu.memref_slice %arg11[%add3A_471, %dma_start3A_478] : memref<100x50xi32, #tpu.memory_space<vmem>> -> memref<1x50xi32, #tpu.memory_space<vmem>>
      %dma_start3A_480 = tpu.memref_squeeze %dma_start3A_479 : memref<1x50xi32, #tpu.memory_space<vmem>> -> memref<50xi32, #tpu.memory_space<vmem>>
      %dma_start3A_481 = arith.constant 0 : i32
      %dma_start3A_482 = arith.constant 0 : i32
      %dma_start3A_483 = tpu.memref_slice %arg19[%dma_start3A_481, %dma_start3A_482] : memref<10000x8xf32, #tpu.memory_space<vmem_shared>> -> memref<10000x8xf32, #tpu.memory_space<vmem_shared>>
      tpu.enqueue_indirect_dma source(%arg17 : memref<50x8xf32, #tpu.memory_space<vmem>>) target(%dma_start3A_483 : memref<10000x8xf32, #tpu.memory_space<vmem_shared>>) offsets(%dma_start3A_480 : memref<50xi32, #tpu.memory_space<vmem>>) semaphore(%arg30 : memref<!tpu.dma_semaphore, #tpu.memory_space<semaphore_mem>>) {add = true}
      %add3A_484 = arith.constant 3 : i32
      %add3A_485 = arith.addi %mul3A_418, %add3A_484 : i32
      %dma_wait3A_486 = arith.constant 0 : i32
      %dma_wait3A_487 = tpu.memref_slice %arg10[%add3A_485, %dma_wait3A_486] : memref<100x50xi32, #tpu.memory_space<vmem>> -> memref<1x50xi32, #tpu.memory_space<vmem>>
      %dma_wait3A_488 = tpu.memref_squeeze %dma_wait3A_487 : memref<1x50xi32, #tpu.memory_space<vmem>> -> memref<50xi32, #tpu.memory_space<vmem>>
      %dma_wait3A_489 = arith.constant 0 : i32
      %dma_wait3A_490 = arith.constant 0 : i32
      %dma_wait3A_491 = tpu.memref_slice %arg2[%dma_wait3A_489, %dma_wait3A_490] : memref<10000x128xf32, #tpu.memory_space<hbm>> -> memref<10000x128xf32, #tpu.memory_space<hbm>>
      tpu.wait_indirect_dma semaphore(%arg23 : memref<!tpu.dma_semaphore, #tpu.memory_space<semaphore_mem>>) src(%dma_wait3A_491 : memref<10000x128xf32, #tpu.memory_space<hbm>>) dst(%arg15 : memref<50x128xf32, #tpu.memory_space<vmem>>)
      %add3A_492 = arith.constant 3 : i32
      %add3A_493 = arith.addi %mul3A_418, %add3A_492 : i32
      %dma_start3A_494 = arith.constant 0 : i32
      %dma_start3A_495 = tpu.memref_slice %arg11[%add3A_493, %dma_start3A_494] : memref<100x50xi32, #tpu.memory_space<vmem>> -> memref<1x50xi32, #tpu.memory_space<vmem>>
      %dma_start3A_496 = tpu.memref_squeeze %dma_start3A_495 : memref<1x50xi32, #tpu.memory_space<vmem>> -> memref<50xi32, #tpu.memory_space<vmem>>
      %dma_start3A_497 = arith.constant 0 : i32
      %dma_start3A_498 = arith.constant 0 : i32
      %dma_start3A_499 = tpu.memref_slice %arg18[%dma_start3A_497, %dma_start3A_498] : memref<10000x128xf32, #tpu.memory_space<vmem_shared>> -> memref<10000x128xf32, #tpu.memory_space<vmem_shared>>
      tpu.enqueue_indirect_dma source(%arg15 : memref<50x128xf32, #tpu.memory_space<vmem>>) target(%dma_start3A_499 : memref<10000x128xf32, #tpu.memory_space<vmem_shared>>) offsets(%dma_start3A_496 : memref<50xi32, #tpu.memory_space<vmem>>) semaphore(%arg28 : memref<!tpu.dma_semaphore, #tpu.memory_space<semaphore_mem>>) {add = true}
      %dma_start3A_500 = arith.constant 0 : i32
      %dma_start3A_501 = tpu.memref_slice %arg11[%add3A_493, %dma_start3A_500] : memref<100x50xi32, #tpu.memory_space<vmem>> -> memref<1x50xi32, #tpu.memory_space<vmem>>
      %dma_start3A_502 = tpu.memref_squeeze %dma_start3A_501 : memref<1x50xi32, #tpu.memory_space<vmem>> -> memref<50xi32, #tpu.memory_space<vmem>>
      %dma_start3A_503 = arith.constant 0 : i32
      %dma_start3A_504 = arith.constant 0 : i32
      %dma_start3A_505 = tpu.memref_slice %arg19[%dma_start3A_503, %dma_start3A_504] : memref<10000x8xf32, #tpu.memory_space<vmem_shared>> -> memref<10000x8xf32, #tpu.memory_space<vmem_shared>>
      tpu.enqueue_indirect_dma source(%arg17 : memref<50x8xf32, #tpu.memory_space<vmem>>) target(%dma_start3A_505 : memref<10000x8xf32, #tpu.memory_space<vmem_shared>>) offsets(%dma_start3A_502 : memref<50xi32, #tpu.memory_space<vmem>>) semaphore(%arg30 : memref<!tpu.dma_semaphore, #tpu.memory_space<semaphore_mem>>) {add = true}
      %add3A_506 = arith.constant 4 : i32
      %add3A_507 = arith.addi %mul3A_418, %add3A_506 : i32
      %dma_wait3A_508 = arith.constant 0 : i32
      %dma_wait3A_509 = tpu.memref_slice %arg10[%add3A_507, %dma_wait3A_508] : memref<100x50xi32, #tpu.memory_space<vmem>> -> memref<1x50xi32, #tpu.memory_space<vmem>>
      %dma_wait3A_510 = tpu.memref_squeeze %dma_wait3A_509 : memref<1x50xi32, #tpu.memory_space<vmem>> -> memref<50xi32, #tpu.memory_space<vmem>>
      %dma_wait3A_511 = arith.constant 0 : i32
      %dma_wait3A_512 = arith.constant 0 : i32
      %dma_wait3A_513 = tpu.memref_slice %arg2[%dma_wait3A_511, %dma_wait3A_512] : memref<10000x128xf32, #tpu.memory_space<hbm>> -> memref<10000x128xf32, #tpu.memory_space<hbm>>
      tpu.wait_indirect_dma semaphore(%arg24 : memref<!tpu.dma_semaphore, #tpu.memory_space<semaphore_mem>>) src(%dma_wait3A_513 : memref<10000x128xf32, #tpu.memory_space<hbm>>) dst(%arg16 : memref<50x128xf32, #tpu.memory_space<vmem>>)
      %add3A_514 = arith.constant 4 : i32
      %add3A_515 = arith.addi %mul3A_418, %add3A_514 : i32
      %dma_start3A_516 = arith.constant 0 : i32
      %dma_start3A_517 = tpu.memref_slice %arg11[%add3A_515, %dma_start3A_516] : memref<100x50xi32, #tpu.memory_space<vmem>> -> memref<1x50xi32, #tpu.memory_space<vmem>>
      %dma_start3A_518 = tpu.memref_squeeze %dma_start3A_517 : memref<1x50xi32, #tpu.memory_space<vmem>> -> memref<50xi32, #tpu.memory_space<vmem>>
      %dma_start3A_519 = arith.constant 0 : i32
      %dma_start3A_520 = arith.constant 0 : i32
      %dma_start3A_521 = tpu.memref_slice %arg18[%dma_start3A_519, %dma_start3A_520] : memref<10000x128xf32, #tpu.memory_space<vmem_shared>> -> memref<10000x128xf32, #tpu.memory_space<vmem_shared>>
      tpu.enqueue_indirect_dma source(%arg16 : memref<50x128xf32, #tpu.memory_space<vmem>>) target(%dma_start3A_521 : memref<10000x128xf32, #tpu.memory_space<vmem_shared>>) offsets(%dma_start3A_518 : memref<50xi32, #tpu.memory_space<vmem>>) semaphore(%arg29 : memref<!tpu.dma_semaphore, #tpu.memory_space<semaphore_mem>>) {add = true}
      %dma_start3A_522 = arith.constant 0 : i32
      %dma_start3A_523 = tpu.memref_slice %arg11[%add3A_515, %dma_start3A_522] : memref<100x50xi32, #tpu.memory_space<vmem>> -> memref<1x50xi32, #tpu.memory_space<vmem>>
      %dma_start3A_524 = tpu.memref_squeeze %dma_start3A_523 : memref<1x50xi32, #tpu.memory_space<vmem>> -> memref<50xi32, #tpu.memory_space<vmem>>
      %dma_start3A_525 = arith.constant 0 : i32
      %dma_start3A_526 = arith.constant 0 : i32
      %dma_start3A_527 = tpu.memref_slice %arg19[%dma_start3A_525, %dma_start3A_526] : memref<10000x8xf32, #tpu.memory_space<vmem_shared>> -> memref<10000x8xf32, #tpu.memory_space<vmem_shared>>
      tpu.enqueue_indirect_dma source(%arg17 : memref<50x8xf32, #tpu.memory_space<vmem>>) target(%dma_start3A_527 : memref<10000x8xf32, #tpu.memory_space<vmem_shared>>) offsets(%dma_start3A_524 : memref<50xi32, #tpu.memory_space<vmem>>) semaphore(%arg30 : memref<!tpu.dma_semaphore, #tpu.memory_space<semaphore_mem>>) {add = true}
      %add3A_528 = arith.constant 0 : i32
      %add3A_529 = arith.addi %mul3A_418, %add3A_528 : i32
      %dma_wait3A_530 = arith.constant 0 : i32
      %dma_wait3A_531 = tpu.memref_slice %arg11[%add3A_529, %dma_wait3A_530] : memref<100x50xi32, #tpu.memory_space<vmem>> -> memref<1x50xi32, #tpu.memory_space<vmem>>
      %dma_wait3A_532 = tpu.memref_squeeze %dma_wait3A_531 : memref<1x50xi32, #tpu.memory_space<vmem>> -> memref<50xi32, #tpu.memory_space<vmem>>
      %dma_wait3A_533 = arith.constant 0 : i32
      %dma_wait3A_534 = arith.constant 0 : i32
      %dma_wait3A_535 = tpu.memref_slice %arg18[%dma_wait3A_533, %dma_wait3A_534] : memref<10000x128xf32, #tpu.memory_space<vmem_shared>> -> memref<10000x128xf32, #tpu.memory_space<vmem_shared>>
      tpu.wait_indirect_dma semaphore(%arg25 : memref<!tpu.dma_semaphore, #tpu.memory_space<semaphore_mem>>) src(%arg12 : memref<50x128xf32, #tpu.memory_space<vmem>>) dst(%dma_wait3A_535 : memref<10000x128xf32, #tpu.memory_space<vmem_shared>>)
      %add3A_536 = arith.constant 5 : i32
      %add3A_537 = arith.addi %mul3A_418, %add3A_536 : i32
      %add3A_538 = arith.constant 0 : i32
      %add3A_539 = arith.addi %add3A_537, %add3A_538 : i32
      %dma_start3A_540 = arith.constant 0 : i32
      %dma_start3A_541 = tpu.memref_slice %arg10[%add3A_539, %dma_start3A_540] : memref<100x50xi32, #tpu.memory_space<vmem>> -> memref<1x50xi32, #tpu.memory_space<vmem>>
      %dma_start3A_542 = tpu.memref_squeeze %dma_start3A_541 : memref<1x50xi32, #tpu.memory_space<vmem>> -> memref<50xi32, #tpu.memory_space<vmem>>
      %dma_start3A_543 = arith.constant 0 : i32
      %dma_start3A_544 = arith.constant 0 : i32
      %dma_start3A_545 = tpu.memref_slice %arg2[%dma_start3A_543, %dma_start3A_544] : memref<10000x128xf32, #tpu.memory_space<hbm>> -> memref<10000x128xf32, #tpu.memory_space<hbm>>
      tpu.enqueue_indirect_dma source(%dma_start3A_545 : memref<10000x128xf32, #tpu.memory_space<hbm>>) target(%arg12 : memref<50x128xf32, #tpu.memory_space<vmem>>) offsets(%dma_start3A_542 : memref<50xi32, #tpu.memory_space<vmem>>) semaphore(%arg20 : memref<!tpu.dma_semaphore, #tpu.memory_space<semaphore_mem>>)
      %add3A_546 = arith.constant 1 : i32
      %add3A_547 = arith.addi %mul3A_418, %add3A_546 : i32
      %dma_wait3A_548 = arith.constant 0 : i32
      %dma_wait3A_549 = tpu.memref_slice %arg11[%add3A_547, %dma_wait3A_548] : memref<100x50xi32, #tpu.memory_space<vmem>> -> memref<1x50xi32, #tpu.memory_space<vmem>>
      %dma_wait3A_550 = tpu.memref_squeeze %dma_wait3A_549 : memref<1x50xi32, #tpu.memory_space<vmem>> -> memref<50xi32, #tpu.memory_space<vmem>>
      %dma_wait3A_551 = arith.constant 0 : i32
      %dma_wait3A_552 = arith.constant 0 : i32
      %dma_wait3A_553 = tpu.memref_slice %arg18[%dma_wait3A_551, %dma_wait3A_552] : memref<10000x128xf32, #tpu.memory_space<vmem_shared>> -> memref<10000x128xf32, #tpu.memory_space<vmem_shared>>
      tpu.wait_indirect_dma semaphore(%arg26 : memref<!tpu.dma_semaphore, #tpu.memory_space<semaphore_mem>>) src(%arg13 : memref<50x128xf32, #tpu.memory_space<vmem>>) dst(%dma_wait3A_553 : memref<10000x128xf32, #tpu.memory_space<vmem_shared>>)
      %add3A_554 = arith.constant 5 : i32
      %add3A_555 = arith.addi %mul3A_418, %add3A_554 : i32
      %add3A_556 = arith.constant 1 : i32
      %add3A_557 = arith.addi %add3A_555, %add3A_556 : i32
      %dma_start3A_558 = arith.constant 0 : i32
      %dma_start3A_559 = tpu.memref_slice %arg10[%add3A_557, %dma_start3A_558] : memref<100x50xi32, #tpu.memory_space<vmem>> -> memref<1x50xi32, #tpu.memory_space<vmem>>
      %dma_start3A_560 = tpu.memref_squeeze %dma_start3A_559 : memref<1x50xi32, #tpu.memory_space<vmem>> -> memref<50xi32, #tpu.memory_space<vmem>>
      %dma_start3A_561 = arith.constant 0 : i32
      %dma_start3A_562 = arith.constant 0 : i32
      %dma_start3A_563 = tpu.memref_slice %arg2[%dma_start3A_561, %dma_start3A_562] : memref<10000x128xf32, #tpu.memory_space<hbm>> -> memref<10000x128xf32, #tpu.memory_space<hbm>>
      tpu.enqueue_indirect_dma source(%dma_start3A_563 : memref<10000x128xf32, #tpu.memory_space<hbm>>) target(%arg13 : memref<50x128xf32, #tpu.memory_space<vmem>>) offsets(%dma_start3A_560 : memref<50xi32, #tpu.memory_space<vmem>>) semaphore(%arg21 : memref<!tpu.dma_semaphore, #tpu.memory_space<semaphore_mem>>)
      %add3A_564 = arith.constant 2 : i32
      %add3A_565 = arith.addi %mul3A_418, %add3A_564 : i32
      %dma_wait3A_566 = arith.constant 0 : i32
      %dma_wait3A_567 = tpu.memref_slice %arg11[%add3A_565, %dma_wait3A_566] : memref<100x50xi32, #tpu.memory_space<vmem>> -> memref<1x50xi32, #tpu.memory_space<vmem>>
      %dma_wait3A_568 = tpu.memref_squeeze %dma_wait3A_567 : memref<1x50xi32, #tpu.memory_space<vmem>> -> memref<50xi32, #tpu.memory_space<vmem>>
      %dma_wait3A_569 = arith.constant 0 : i32
      %dma_wait3A_570 = arith.constant 0 : i32
      %dma_wait3A_571 = tpu.memref_slice %arg18[%dma_wait3A_569, %dma_wait3A_570] : memref<10000x128xf32, #tpu.memory_space<vmem_shared>> -> memref<10000x128xf32, #tpu.memory_space<vmem_shared>>
      tpu.wait_indirect_dma semaphore(%arg27 : memref<!tpu.dma_semaphore, #tpu.memory_space<semaphore_mem>>) src(%arg14 : memref<50x128xf32, #tpu.memory_space<vmem>>) dst(%dma_wait3A_571 : memref<10000x128xf32, #tpu.memory_space<vmem_shared>>)
      %add3A_572 = arith.constant 5 : i32
      %add3A_573 = arith.addi %mul3A_418, %add3A_572 : i32
      %add3A_574 = arith.constant 2 : i32
      %add3A_575 = arith.addi %add3A_573, %add3A_574 : i32
      %dma_start3A_576 = arith.constant 0 : i32
      %dma_start3A_577 = tpu.memref_slice %arg10[%add3A_575, %dma_start3A_576] : memref<100x50xi32, #tpu.memory_space<vmem>> -> memref<1x50xi32, #tpu.memory_space<vmem>>
      %dma_start3A_578 = tpu.memref_squeeze %dma_start3A_577 : memref<1x50xi32, #tpu.memory_space<vmem>> -> memref<50xi32, #tpu.memory_space<vmem>>
      %dma_start3A_579 = arith.constant 0 : i32
      %dma_start3A_580 = arith.constant 0 : i32
      %dma_start3A_581 = tpu.memref_slice %arg2[%dma_start3A_579, %dma_start3A_580] : memref<10000x128xf32, #tpu.memory_space<hbm>> -> memref<10000x128xf32, #tpu.memory_space<hbm>>
      tpu.enqueue_indirect_dma source(%dma_start3A_581 : memref<10000x128xf32, #tpu.memory_space<hbm>>) target(%arg14 : memref<50x128xf32, #tpu.memory_space<vmem>>) offsets(%dma_start3A_578 : memref<50xi32, #tpu.memory_space<vmem>>) semaphore(%arg22 : memref<!tpu.dma_semaphore, #tpu.memory_space<semaphore_mem>>)
      %add3A_582 = arith.constant 3 : i32
      %add3A_583 = arith.addi %mul3A_418, %add3A_582 : i32
      %dma_wait3A_584 = arith.constant 0 : i32
      %dma_wait3A_585 = tpu.memref_slice %arg11[%add3A_583, %dma_wait3A_584] : memref<100x50xi32, #tpu.memory_space<vmem>> -> memref<1x50xi32, #tpu.memory_space<vmem>>
      %dma_wait3A_586 = tpu.memref_squeeze %dma_wait3A_585 : memref<1x50xi32, #tpu.memory_space<vmem>> -> memref<50xi32, #tpu.memory_space<vmem>>
      %dma_wait3A_587 = arith.constant 0 : i32
      %dma_wait3A_588 = arith.constant 0 : i32
      %dma_wait3A_589 = tpu.memref_slice %arg18[%dma_wait3A_587, %dma_wait3A_588] : memref<10000x128xf32, #tpu.memory_space<vmem_shared>> -> memref<10000x128xf32, #tpu.memory_space<vmem_shared>>
      tpu.wait_indirect_dma semaphore(%arg28 : memref<!tpu.dma_semaphore, #tpu.memory_space<semaphore_mem>>) src(%arg15 : memref<50x128xf32, #tpu.memory_space<vmem>>) dst(%dma_wait3A_589 : memref<10000x128xf32, #tpu.memory_space<vmem_shared>>)
      %add3A_590 = arith.constant 5 : i32
      %add3A_591 = arith.addi %mul3A_418, %add3A_590 : i32
      %add3A_592 = arith.constant 3 : i32
      %add3A_593 = arith.addi %add3A_591, %add3A_592 : i32
      %dma_start3A_594 = arith.constant 0 : i32
      %dma_start3A_595 = tpu.memref_slice %arg10[%add3A_593, %dma_start3A_594] : memref<100x50xi32, #tpu.memory_space<vmem>> -> memref<1x50xi32, #tpu.memory_space<vmem>>
      %dma_start3A_596 = tpu.memref_squeeze %dma_start3A_595 : memref<1x50xi32, #tpu.memory_space<vmem>> -> memref<50xi32, #tpu.memory_space<vmem>>
      %dma_start3A_597 = arith.constant 0 : i32
      %dma_start3A_598 = arith.constant 0 : i32
      %dma_start3A_599 = tpu.memref_slice %arg2[%dma_start3A_597, %dma_start3A_598] : memref<10000x128xf32, #tpu.memory_space<hbm>> -> memref<10000x128xf32, #tpu.memory_space<hbm>>
      tpu.enqueue_indirect_dma source(%dma_start3A_599 : memref<10000x128xf32, #tpu.memory_space<hbm>>) target(%arg15 : memref<50x128xf32, #tpu.memory_space<vmem>>) offsets(%dma_start3A_596 : memref<50xi32, #tpu.memory_space<vmem>>) semaphore(%arg23 : memref<!tpu.dma_semaphore, #tpu.memory_space<semaphore_mem>>)
      %add3A_600 = arith.constant 4 : i32
      %add3A_601 = arith.addi %mul3A_418, %add3A_600 : i32
      %dma_wait3A_602 = arith.constant 0 : i32
      %dma_wait3A_603 = tpu.memref_slice %arg11[%add3A_601, %dma_wait3A_602] : memref<100x50xi32, #tpu.memory_space<vmem>> -> memref<1x50xi32, #tpu.memory_space<vmem>>
      %dma_wait3A_604 = tpu.memref_squeeze %dma_wait3A_603 : memref<1x50xi32, #tpu.memory_space<vmem>> -> memref<50xi32, #tpu.memory_space<vmem>>
      %dma_wait3A_605 = arith.constant 0 : i32
      %dma_wait3A_606 = arith.constant 0 : i32
      %dma_wait3A_607 = tpu.memref_slice %arg18[%dma_wait3A_605, %dma_wait3A_606] : memref<10000x128xf32, #tpu.memory_space<vmem_shared>> -> memref<10000x128xf32, #tpu.memory_space<vmem_shared>>
      tpu.wait_indirect_dma semaphore(%arg29 : memref<!tpu.dma_semaphore, #tpu.memory_space<semaphore_mem>>) src(%arg16 : memref<50x128xf32, #tpu.memory_space<vmem>>) dst(%dma_wait3A_607 : memref<10000x128xf32, #tpu.memory_space<vmem_shared>>)
      %add3A_608 = arith.constant 5 : i32
      %add3A_609 = arith.addi %mul3A_418, %add3A_608 : i32
      %add3A_610 = arith.constant 4 : i32
      %add3A_611 = arith.addi %add3A_609, %add3A_610 : i32
      %dma_start3A_612 = arith.constant 0 : i32
      %dma_start3A_613 = tpu.memref_slice %arg10[%add3A_611, %dma_start3A_612] : memref<100x50xi32, #tpu.memory_space<vmem>> -> memref<1x50xi32, #tpu.memory_space<vmem>>
      %dma_start3A_614 = tpu.memref_squeeze %dma_start3A_613 : memref<1x50xi32, #tpu.memory_space<vmem>> -> memref<50xi32, #tpu.memory_space<vmem>>
      %dma_start3A_615 = arith.constant 0 : i32
      %dma_start3A_616 = arith.constant 0 : i32
      %dma_start3A_617 = tpu.memref_slice %arg2[%dma_start3A_615, %dma_start3A_616] : memref<10000x128xf32, #tpu.memory_space<hbm>> -> memref<10000x128xf32, #tpu.memory_space<hbm>>
      tpu.enqueue_indirect_dma source(%dma_start3A_617 : memref<10000x128xf32, #tpu.memory_space<hbm>>) target(%arg16 : memref<50x128xf32, #tpu.memory_space<vmem>>) offsets(%dma_start3A_614 : memref<50xi32, #tpu.memory_space<vmem>>) semaphore(%arg24 : memref<!tpu.dma_semaphore, #tpu.memory_space<semaphore_mem>>)
    }
    %scan3A_42 = arith.constant 19 : i32
    %dma_wait3A = arith.constant 95 : i32
    %dma_wait3A_43 = arith.constant 0 : i32
    %dma_wait3A_44 = tpu.memref_slice %arg10[%dma_wait3A, %dma_wait3A_43] : memref<100x50xi32, #tpu.memory_space<vmem>> -> memref<1x50xi32, #tpu.memory_space<vmem>>
    %dma_wait3A_45 = tpu.memref_squeeze %dma_wait3A_44 : memref<1x50xi32, #tpu.memory_space<vmem>> -> memref<50xi32, #tpu.memory_space<vmem>>
    %dma_wait3A_46 = arith.constant 0 : i32
    %dma_wait3A_47 = arith.constant 0 : i32
    %dma_wait3A_48 = tpu.memref_slice %arg2[%dma_wait3A_46, %dma_wait3A_47] : memref<10000x128xf32, #tpu.memory_space<hbm>> -> memref<10000x128xf32, #tpu.memory_space<hbm>>
    tpu.wait_indirect_dma semaphore(%arg20 : memref<!tpu.dma_semaphore, #tpu.memory_space<semaphore_mem>>) src(%dma_wait3A_48 : memref<10000x128xf32, #tpu.memory_space<hbm>>) dst(%arg12 : memref<50x128xf32, #tpu.memory_space<vmem>>)
    %dma_start3A_49 = arith.constant 95 : i32
    %dma_start3A_50 = arith.constant 0 : i32
    %dma_start3A_51 = tpu.memref_slice %arg11[%dma_start3A_49, %dma_start3A_50] : memref<100x50xi32, #tpu.memory_space<vmem>> -> memref<1x50xi32, #tpu.memory_space<vmem>>
    %dma_start3A_52 = tpu.memref_squeeze %dma_start3A_51 : memref<1x50xi32, #tpu.memory_space<vmem>> -> memref<50xi32, #tpu.memory_space<vmem>>
    %dma_start3A_53 = arith.constant 0 : i32
    %dma_start3A_54 = arith.constant 0 : i32
    %dma_start3A_55 = tpu.memref_slice %arg18[%dma_start3A_53, %dma_start3A_54] : memref<10000x128xf32, #tpu.memory_space<vmem_shared>> -> memref<10000x128xf32, #tpu.memory_space<vmem_shared>>
    tpu.enqueue_indirect_dma source(%arg12 : memref<50x128xf32, #tpu.memory_space<vmem>>) target(%dma_start3A_55 : memref<10000x128xf32, #tpu.memory_space<vmem_shared>>) offsets(%dma_start3A_52 : memref<50xi32, #tpu.memory_space<vmem>>) semaphore(%arg25 : memref<!tpu.dma_semaphore, #tpu.memory_space<semaphore_mem>>) {add = true}
    %dma_start3A_56 = arith.constant 95 : i32
    %dma_start3A_57 = arith.constant 0 : i32
    %dma_start3A_58 = tpu.memref_slice %arg11[%dma_start3A_56, %dma_start3A_57] : memref<100x50xi32, #tpu.memory_space<vmem>> -> memref<1x50xi32, #tpu.memory_space<vmem>>
    %dma_start3A_59 = tpu.memref_squeeze %dma_start3A_58 : memref<1x50xi32, #tpu.memory_space<vmem>> -> memref<50xi32, #tpu.memory_space<vmem>>
    %dma_start3A_60 = arith.constant 0 : i32
    %dma_start3A_61 = arith.constant 0 : i32
    %dma_start3A_62 = tpu.memref_slice %arg19[%dma_start3A_60, %dma_start3A_61] : memref<10000x8xf32, #tpu.memory_space<vmem_shared>> -> memref<10000x8xf32, #tpu.memory_space<vmem_shared>>
    tpu.enqueue_indirect_dma source(%arg17 : memref<50x8xf32, #tpu.memory_space<vmem>>) target(%dma_start3A_62 : memref<10000x8xf32, #tpu.memory_space<vmem_shared>>) offsets(%dma_start3A_59 : memref<50xi32, #tpu.memory_space<vmem>>) semaphore(%arg30 : memref<!tpu.dma_semaphore, #tpu.memory_space<semaphore_mem>>) {add = true}
    %dma_wait3A_63 = arith.constant 96 : i32
    %dma_wait3A_64 = arith.constant 0 : i32
    %dma_wait3A_65 = tpu.memref_slice %arg10[%dma_wait3A_63, %dma_wait3A_64] : memref<100x50xi32, #tpu.memory_space<vmem>> -> memref<1x50xi32, #tpu.memory_space<vmem>>
    %dma_wait3A_66 = tpu.memref_squeeze %dma_wait3A_65 : memref<1x50xi32, #tpu.memory_space<vmem>> -> memref<50xi32, #tpu.memory_space<vmem>>
    %dma_wait3A_67 = arith.constant 0 : i32
    %dma_wait3A_68 = arith.constant 0 : i32
    %dma_wait3A_69 = tpu.memref_slice %arg2[%dma_wait3A_67, %dma_wait3A_68] : memref<10000x128xf32, #tpu.memory_space<hbm>> -> memref<10000x128xf32, #tpu.memory_space<hbm>>
    tpu.wait_indirect_dma semaphore(%arg21 : memref<!tpu.dma_semaphore, #tpu.memory_space<semaphore_mem>>) src(%dma_wait3A_69 : memref<10000x128xf32, #tpu.memory_space<hbm>>) dst(%arg13 : memref<50x128xf32, #tpu.memory_space<vmem>>)
    %dma_start3A_70 = arith.constant 96 : i32
    %dma_start3A_71 = arith.constant 0 : i32
    %dma_start3A_72 = tpu.memref_slice %arg11[%dma_start3A_70, %dma_start3A_71] : memref<100x50xi32, #tpu.memory_space<vmem>> -> memref<1x50xi32, #tpu.memory_space<vmem>>
    %dma_start3A_73 = tpu.memref_squeeze %dma_start3A_72 : memref<1x50xi32, #tpu.memory_space<vmem>> -> memref<50xi32, #tpu.memory_space<vmem>>
    %dma_start3A_74 = arith.constant 0 : i32
    %dma_start3A_75 = arith.constant 0 : i32
    %dma_start3A_76 = tpu.memref_slice %arg18[%dma_start3A_74, %dma_start3A_75] : memref<10000x128xf32, #tpu.memory_space<vmem_shared>> -> memref<10000x128xf32, #tpu.memory_space<vmem_shared>>
    tpu.enqueue_indirect_dma source(%arg13 : memref<50x128xf32, #tpu.memory_space<vmem>>) target(%dma_start3A_76 : memref<10000x128xf32, #tpu.memory_space<vmem_shared>>) offsets(%dma_start3A_73 : memref<50xi32, #tpu.memory_space<vmem>>) semaphore(%arg26 : memref<!tpu.dma_semaphore, #tpu.memory_space<semaphore_mem>>) {add = true}
    %dma_start3A_77 = arith.constant 96 : i32
    %dma_start3A_78 = arith.constant 0 : i32
    %dma_start3A_79 = tpu.memref_slice %arg11[%dma_start3A_77, %dma_start3A_78] : memref<100x50xi32, #tpu.memory_space<vmem>> -> memref<1x50xi32, #tpu.memory_space<vmem>>
    %dma_start3A_80 = tpu.memref_squeeze %dma_start3A_79 : memref<1x50xi32, #tpu.memory_space<vmem>> -> memref<50xi32, #tpu.memory_space<vmem>>
    %dma_start3A_81 = arith.constant 0 : i32
    %dma_start3A_82 = arith.constant 0 : i32
    %dma_start3A_83 = tpu.memref_slice %arg19[%dma_start3A_81, %dma_start3A_82] : memref<10000x8xf32, #tpu.memory_space<vmem_shared>> -> memref<10000x8xf32, #tpu.memory_space<vmem_shared>>
    tpu.enqueue_indirect_dma source(%arg17 : memref<50x8xf32, #tpu.memory_space<vmem>>) target(%dma_start3A_83 : memref<10000x8xf32, #tpu.memory_space<vmem_shared>>) offsets(%dma_start3A_80 : memref<50xi32, #tpu.memory_space<vmem>>) semaphore(%arg30 : memref<!tpu.dma_semaphore, #tpu.memory_space<semaphore_mem>>) {add = true}
    %dma_wait3A_84 = arith.constant 97 : i32
    %dma_wait3A_85 = arith.constant 0 : i32
    %dma_wait3A_86 = tpu.memref_slice %arg10[%dma_wait3A_84, %dma_wait3A_85] : memref<100x50xi32, #tpu.memory_space<vmem>> -> memref<1x50xi32, #tpu.memory_space<vmem>>
    %dma_wait3A_87 = tpu.memref_squeeze %dma_wait3A_86 : memref<1x50xi32, #tpu.memory_space<vmem>> -> memref<50xi32, #tpu.memory_space<vmem>>
    %dma_wait3A_88 = arith.constant 0 : i32
    %dma_wait3A_89 = arith.constant 0 : i32
    %dma_wait3A_90 = tpu.memref_slice %arg2[%dma_wait3A_88, %dma_wait3A_89] : memref<10000x128xf32, #tpu.memory_space<hbm>> -> memref<10000x128xf32, #tpu.memory_space<hbm>>
    tpu.wait_indirect_dma semaphore(%arg22 : memref<!tpu.dma_semaphore, #tpu.memory_space<semaphore_mem>>) src(%dma_wait3A_90 : memref<10000x128xf32, #tpu.memory_space<hbm>>) dst(%arg14 : memref<50x128xf32, #tpu.memory_space<vmem>>)
    %dma_start3A_91 = arith.constant 97 : i32
    %dma_start3A_92 = arith.constant 0 : i32
    %dma_start3A_93 = tpu.memref_slice %arg11[%dma_start3A_91, %dma_start3A_92] : memref<100x50xi32, #tpu.memory_space<vmem>> -> memref<1x50xi32, #tpu.memory_space<vmem>>
    %dma_start3A_94 = tpu.memref_squeeze %dma_start3A_93 : memref<1x50xi32, #tpu.memory_space<vmem>> -> memref<50xi32, #tpu.memory_space<vmem>>
    %dma_start3A_95 = arith.constant 0 : i32
    %dma_start3A_96 = arith.constant 0 : i32
    %dma_start3A_97 = tpu.memref_slice %arg18[%dma_start3A_95, %dma_start3A_96] : memref<10000x128xf32, #tpu.memory_space<vmem_shared>> -> memref<10000x128xf32, #tpu.memory_space<vmem_shared>>
    tpu.enqueue_indirect_dma source(%arg14 : memref<50x128xf32, #tpu.memory_space<vmem>>) target(%dma_start3A_97 : memref<10000x128xf32, #tpu.memory_space<vmem_shared>>) offsets(%dma_start3A_94 : memref<50xi32, #tpu.memory_space<vmem>>) semaphore(%arg27 : memref<!tpu.dma_semaphore, #tpu.memory_space<semaphore_mem>>) {add = true}
    %dma_start3A_98 = arith.constant 97 : i32
    %dma_start3A_99 = arith.constant 0 : i32
    %dma_start3A_100 = tpu.memref_slice %arg11[%dma_start3A_98, %dma_start3A_99] : memref<100x50xi32, #tpu.memory_space<vmem>> -> memref<1x50xi32, #tpu.memory_space<vmem>>
    %dma_start3A_101 = tpu.memref_squeeze %dma_start3A_100 : memref<1x50xi32, #tpu.memory_space<vmem>> -> memref<50xi32, #tpu.memory_space<vmem>>
    %dma_start3A_102 = arith.constant 0 : i32
    %dma_start3A_103 = arith.constant 0 : i32
    %dma_start3A_104 = tpu.memref_slice %arg19[%dma_start3A_102, %dma_start3A_103] : memref<10000x8xf32, #tpu.memory_space<vmem_shared>> -> memref<10000x8xf32, #tpu.memory_space<vmem_shared>>
    tpu.enqueue_indirect_dma source(%arg17 : memref<50x8xf32, #tpu.memory_space<vmem>>) target(%dma_start3A_104 : memref<10000x8xf32, #tpu.memory_space<vmem_shared>>) offsets(%dma_start3A_101 : memref<50xi32, #tpu.memory_space<vmem>>) semaphore(%arg30 : memref<!tpu.dma_semaphore, #tpu.memory_space<semaphore_mem>>) {add = true}
    %dma_wait3A_105 = arith.constant 98 : i32
    %dma_wait3A_106 = arith.constant 0 : i32
    %dma_wait3A_107 = tpu.memref_slice %arg10[%dma_wait3A_105, %dma_wait3A_106] : memref<100x50xi32, #tpu.memory_space<vmem>> -> memref<1x50xi32, #tpu.memory_space<vmem>>
    %dma_wait3A_108 = tpu.memref_squeeze %dma_wait3A_107 : memref<1x50xi32, #tpu.memory_space<vmem>> -> memref<50xi32, #tpu.memory_space<vmem>>
    %dma_wait3A_109 = arith.constant 0 : i32
    %dma_wait3A_110 = arith.constant 0 : i32
    %dma_wait3A_111 = tpu.memref_slice %arg2[%dma_wait3A_109, %dma_wait3A_110] : memref<10000x128xf32, #tpu.memory_space<hbm>> -> memref<10000x128xf32, #tpu.memory_space<hbm>>
    tpu.wait_indirect_dma semaphore(%arg23 : memref<!tpu.dma_semaphore, #tpu.memory_space<semaphore_mem>>) src(%dma_wait3A_111 : memref<10000x128xf32, #tpu.memory_space<hbm>>) dst(%arg15 : memref<50x128xf32, #tpu.memory_space<vmem>>)
    %dma_start3A_112 = arith.constant 98 : i32
    %dma_start3A_113 = arith.constant 0 : i32
    %dma_start3A_114 = tpu.memref_slice %arg11[%dma_start3A_112, %dma_start3A_113] : memref<100x50xi32, #tpu.memory_space<vmem>> -> memref<1x50xi32, #tpu.memory_space<vmem>>
    %dma_start3A_115 = tpu.memref_squeeze %dma_start3A_114 : memref<1x50xi32, #tpu.memory_space<vmem>> -> memref<50xi32, #tpu.memory_space<vmem>>
    %dma_start3A_116 = arith.constant 0 : i32
    %dma_start3A_117 = arith.constant 0 : i32
    %dma_start3A_118 = tpu.memref_slice %arg18[%dma_start3A_116, %dma_start3A_117] : memref<10000x128xf32, #tpu.memory_space<vmem_shared>> -> memref<10000x128xf32, #tpu.memory_space<vmem_shared>>
    tpu.enqueue_indirect_dma source(%arg15 : memref<50x128xf32, #tpu.memory_space<vmem>>) target(%dma_start3A_118 : memref<10000x128xf32, #tpu.memory_space<vmem_shared>>) offsets(%dma_start3A_115 : memref<50xi32, #tpu.memory_space<vmem>>) semaphore(%arg28 : memref<!tpu.dma_semaphore, #tpu.memory_space<semaphore_mem>>) {add = true}
    %dma_start3A_119 = arith.constant 98 : i32
    %dma_start3A_120 = arith.constant 0 : i32
    %dma_start3A_121 = tpu.memref_slice %arg11[%dma_start3A_119, %dma_start3A_120] : memref<100x50xi32, #tpu.memory_space<vmem>> -> memref<1x50xi32, #tpu.memory_space<vmem>>
    %dma_start3A_122 = tpu.memref_squeeze %dma_start3A_121 : memref<1x50xi32, #tpu.memory_space<vmem>> -> memref<50xi32, #tpu.memory_space<vmem>>
    %dma_start3A_123 = arith.constant 0 : i32
    %dma_start3A_124 = arith.constant 0 : i32
    %dma_start3A_125 = tpu.memref_slice %arg19[%dma_start3A_123, %dma_start3A_124] : memref<10000x8xf32, #tpu.memory_space<vmem_shared>> -> memref<10000x8xf32, #tpu.memory_space<vmem_shared>>
    tpu.enqueue_indirect_dma source(%arg17 : memref<50x8xf32, #tpu.memory_space<vmem>>) target(%dma_start3A_125 : memref<10000x8xf32, #tpu.memory_space<vmem_shared>>) offsets(%dma_start3A_122 : memref<50xi32, #tpu.memory_space<vmem>>) semaphore(%arg30 : memref<!tpu.dma_semaphore, #tpu.memory_space<semaphore_mem>>) {add = true}
    %dma_wait3A_126 = arith.constant 99 : i32
    %dma_wait3A_127 = arith.constant 0 : i32
    %dma_wait3A_128 = tpu.memref_slice %arg10[%dma_wait3A_126, %dma_wait3A_127] : memref<100x50xi32, #tpu.memory_space<vmem>> -> memref<1x50xi32, #tpu.memory_space<vmem>>
    %dma_wait3A_129 = tpu.memref_squeeze %dma_wait3A_128 : memref<1x50xi32, #tpu.memory_space<vmem>> -> memref<50xi32, #tpu.memory_space<vmem>>
    %dma_wait3A_130 = arith.constant 0 : i32
    %dma_wait3A_131 = arith.constant 0 : i32
    %dma_wait3A_132 = tpu.memref_slice %arg2[%dma_wait3A_130, %dma_wait3A_131] : memref<10000x128xf32, #tpu.memory_space<hbm>> -> memref<10000x128xf32, #tpu.memory_space<hbm>>
    tpu.wait_indirect_dma semaphore(%arg24 : memref<!tpu.dma_semaphore, #tpu.memory_space<semaphore_mem>>) src(%dma_wait3A_132 : memref<10000x128xf32, #tpu.memory_space<hbm>>) dst(%arg16 : memref<50x128xf32, #tpu.memory_space<vmem>>)
    %dma_start3A_133 = arith.constant 99 : i32
    %dma_start3A_134 = arith.constant 0 : i32
    %dma_start3A_135 = tpu.memref_slice %arg11[%dma_start3A_133, %dma_start3A_134] : memref<100x50xi32, #tpu.memory_space<vmem>> -> memref<1x50xi32, #tpu.memory_space<vmem>>
    %dma_start3A_136 = tpu.memref_squeeze %dma_start3A_135 : memref<1x50xi32, #tpu.memory_space<vmem>> -> memref<50xi32, #tpu.memory_space<vmem>>
    %dma_start3A_137 = arith.constant 0 : i32
    %dma_start3A_138 = arith.constant 0 : i32
    %dma_start3A_139 = tpu.memref_slice %arg18[%dma_start3A_137, %dma_start3A_138] : memref<10000x128xf32, #tpu.memory_space<vmem_shared>> -> memref<10000x128xf32, #tpu.memory_space<vmem_shared>>
    tpu.enqueue_indirect_dma source(%arg16 : memref<50x128xf32, #tpu.memory_space<vmem>>) target(%dma_start3A_139 : memref<10000x128xf32, #tpu.memory_space<vmem_shared>>) offsets(%dma_start3A_136 : memref<50xi32, #tpu.memory_space<vmem>>) semaphore(%arg29 : memref<!tpu.dma_semaphore, #tpu.memory_space<semaphore_mem>>) {add = true}
    %dma_start3A_140 = arith.constant 99 : i32
    %dma_start3A_141 = arith.constant 0 : i32
    %dma_start3A_142 = tpu.memref_slice %arg11[%dma_start3A_140, %dma_start3A_141] : memref<100x50xi32, #tpu.memory_space<vmem>> -> memref<1x50xi32, #tpu.memory_space<vmem>>
    %dma_start3A_143 = tpu.memref_squeeze %dma_start3A_142 : memref<1x50xi32, #tpu.memory_space<vmem>> -> memref<50xi32, #tpu.memory_space<vmem>>
    %dma_start3A_144 = arith.constant 0 : i32
    %dma_start3A_145 = arith.constant 0 : i32
    %dma_start3A_146 = tpu.memref_slice %arg19[%dma_start3A_144, %dma_start3A_145] : memref<10000x8xf32, #tpu.memory_space<vmem_shared>> -> memref<10000x8xf32, #tpu.memory_space<vmem_shared>>
    tpu.enqueue_indirect_dma source(%arg17 : memref<50x8xf32, #tpu.memory_space<vmem>>) target(%dma_start3A_146 : memref<10000x8xf32, #tpu.memory_space<vmem_shared>>) offsets(%dma_start3A_143 : memref<50xi32, #tpu.memory_space<vmem>>) semaphore(%arg30 : memref<!tpu.dma_semaphore, #tpu.memory_space<semaphore_mem>>) {add = true}
    %dma_wait3A_147 = arith.constant 95 : i32
    %dma_wait3A_148 = arith.constant 0 : i32
    %dma_wait3A_149 = tpu.memref_slice %arg11[%dma_wait3A_147, %dma_wait3A_148] : memref<100x50xi32, #tpu.memory_space<vmem>> -> memref<1x50xi32, #tpu.memory_space<vmem>>
    %dma_wait3A_150 = tpu.memref_squeeze %dma_wait3A_149 : memref<1x50xi32, #tpu.memory_space<vmem>> -> memref<50xi32, #tpu.memory_space<vmem>>
    %dma_wait3A_151 = arith.constant 0 : i32
    %dma_wait3A_152 = arith.constant 0 : i32
    %dma_wait3A_153 = tpu.memref_slice %arg18[%dma_wait3A_151, %dma_wait3A_152] : memref<10000x128xf32, #tpu.memory_space<vmem_shared>> -> memref<10000x128xf32, #tpu.memory_space<vmem_shared>>
    tpu.wait_indirect_dma semaphore(%arg25 : memref<!tpu.dma_semaphore, #tpu.memory_space<semaphore_mem>>) src(%arg12 : memref<50x128xf32, #tpu.memory_space<vmem>>) dst(%dma_wait3A_153 : memref<10000x128xf32, #tpu.memory_space<vmem_shared>>)
    %dma_wait3A_154 = arith.constant 96 : i32
    %dma_wait3A_155 = arith.constant 0 : i32
    %dma_wait3A_156 = tpu.memref_slice %arg11[%dma_wait3A_154, %dma_wait3A_155] : memref<100x50xi32, #tpu.memory_space<vmem>> -> memref<1x50xi32, #tpu.memory_space<vmem>>
    %dma_wait3A_157 = tpu.memref_squeeze %dma_wait3A_156 : memref<1x50xi32, #tpu.memory_space<vmem>> -> memref<50xi32, #tpu.memory_space<vmem>>
    %dma_wait3A_158 = arith.constant 0 : i32
    %dma_wait3A_159 = arith.constant 0 : i32
    %dma_wait3A_160 = tpu.memref_slice %arg18[%dma_wait3A_158, %dma_wait3A_159] : memref<10000x128xf32, #tpu.memory_space<vmem_shared>> -> memref<10000x128xf32, #tpu.memory_space<vmem_shared>>
    tpu.wait_indirect_dma semaphore(%arg26 : memref<!tpu.dma_semaphore, #tpu.memory_space<semaphore_mem>>) src(%arg13 : memref<50x128xf32, #tpu.memory_space<vmem>>) dst(%dma_wait3A_160 : memref<10000x128xf32, #tpu.memory_space<vmem_shared>>)
    %dma_wait3A_161 = arith.constant 97 : i32
    %dma_wait3A_162 = arith.constant 0 : i32
    %dma_wait3A_163 = tpu.memref_slice %arg11[%dma_wait3A_161, %dma_wait3A_162] : memref<100x50xi32, #tpu.memory_space<vmem>> -> memref<1x50xi32, #tpu.memory_space<vmem>>
    %dma_wait3A_164 = tpu.memref_squeeze %dma_wait3A_163 : memref<1x50xi32, #tpu.memory_space<vmem>> -> memref<50xi32, #tpu.memory_space<vmem>>
    %dma_wait3A_165 = arith.constant 0 : i32
    %dma_wait3A_166 = arith.constant 0 : i32
    %dma_wait3A_167 = tpu.memref_slice %arg18[%dma_wait3A_165, %dma_wait3A_166] : memref<10000x128xf32, #tpu.memory_space<vmem_shared>> -> memref<10000x128xf32, #tpu.memory_space<vmem_shared>>
    tpu.wait_indirect_dma semaphore(%arg27 : memref<!tpu.dma_semaphore, #tpu.memory_space<semaphore_mem>>) src(%arg14 : memref<50x128xf32, #tpu.memory_space<vmem>>) dst(%dma_wait3A_167 : memref<10000x128xf32, #tpu.memory_space<vmem_shared>>)
    %dma_wait3A_168 = arith.constant 98 : i32
    %dma_wait3A_169 = arith.constant 0 : i32
    %dma_wait3A_170 = tpu.memref_slice %arg11[%dma_wait3A_168, %dma_wait3A_169] : memref<100x50xi32, #tpu.memory_space<vmem>> -> memref<1x50xi32, #tpu.memory_space<vmem>>
    %dma_wait3A_171 = tpu.memref_squeeze %dma_wait3A_170 : memref<1x50xi32, #tpu.memory_space<vmem>> -> memref<50xi32, #tpu.memory_space<vmem>>
    %dma_wait3A_172 = arith.constant 0 : i32
    %dma_wait3A_173 = arith.constant 0 : i32
    %dma_wait3A_174 = tpu.memref_slice %arg18[%dma_wait3A_172, %dma_wait3A_173] : memref<10000x128xf32, #tpu.memory_space<vmem_shared>> -> memref<10000x128xf32, #tpu.memory_space<vmem_shared>>
    tpu.wait_indirect_dma semaphore(%arg28 : memref<!tpu.dma_semaphore, #tpu.memory_space<semaphore_mem>>) src(%arg15 : memref<50x128xf32, #tpu.memory_space<vmem>>) dst(%dma_wait3A_174 : memref<10000x128xf32, #tpu.memory_space<vmem_shared>>)
    %dma_wait3A_175 = arith.constant 99 : i32
    %dma_wait3A_176 = arith.constant 0 : i32
    %dma_wait3A_177 = tpu.memref_slice %arg11[%dma_wait3A_175, %dma_wait3A_176] : memref<100x50xi32, #tpu.memory_space<vmem>> -> memref<1x50xi32, #tpu.memory_space<vmem>>
    %dma_wait3A_178 = tpu.memref_squeeze %dma_wait3A_177 : memref<1x50xi32, #tpu.memory_space<vmem>> -> memref<50xi32, #tpu.memory_space<vmem>>
    %dma_wait3A_179 = arith.constant 0 : i32
    %dma_wait3A_180 = arith.constant 0 : i32
    %dma_wait3A_181 = tpu.memref_slice %arg18[%dma_wait3A_179, %dma_wait3A_180] : memref<10000x128xf32, #tpu.memory_space<vmem_shared>> -> memref<10000x128xf32, #tpu.memory_space<vmem_shared>>
    tpu.wait_indirect_dma semaphore(%arg29 : memref<!tpu.dma_semaphore, #tpu.memory_space<semaphore_mem>>) src(%arg16 : memref<50x128xf32, #tpu.memory_space<vmem>>) dst(%dma_wait3A_181 : memref<10000x128xf32, #tpu.memory_space<vmem_shared>>)
    %dma_wait3A_182 = arith.constant 0 : i32
    %dma_wait3A_183 = arith.constant 0 : i32
    %dma_wait3A_184 = tpu.memref_slice %arg19[%dma_wait3A_182, %dma_wait3A_183] : memref<10000x8xf32, #tpu.memory_space<vmem_shared>> -> memref<5000x8xf32, #tpu.memory_space<vmem_shared>>
    %dma_wait3A_185 = arith.constant 0 : i32
    %dma_wait3A_186 = arith.constant 0 : i32
    %dma_wait3A_187 = tpu.memref_slice %arg9[%arg0, %dma_wait3A_185, %dma_wait3A_186] : memref<2x10000x8xf32, #tpu.memory_space<hbm>> -> memref<1x5000x8xf32, #tpu.memory_space<hbm>>
    %dma_wait3A_188 = tpu.memref_squeeze %dma_wait3A_187 : memref<1x5000x8xf32, #tpu.memory_space<hbm>> -> memref<5000x8xf32, #tpu.memory_space<hbm>>
    tpu.wait_dma2 semaphore(%arg30 : memref<!tpu.dma_semaphore, #tpu.memory_space<semaphore_mem>>) src(%dma_wait3A_188 : memref<5000x8xf32, #tpu.memory_space<hbm>>) dst(%dma_wait3A_184 : memref<5000x8xf32, #tpu.memory_space<vmem_shared>>)
    %run_scoped3A_189 = arith.constant 1 : i32
    "tpu.region"() ({
      %run_scoped3A_416 = tpu.sem_alloc : memref<!tpu.dma_semaphore, #tpu.memory_space<semaphore_mem>>
      %dma_start3A_417 = arith.constant 0 : i32
      %dma_start3A_418 = arith.constant 0 : i32
      %dma_start3A_419 = tpu.memref_slice %arg3[%arg0, %arg1, %run_scoped3A_189, %dma_start3A_417, %dma_start3A_418] : memref<2x16x2x100x50xi32, #tpu.memory_space<hbm>> -> memref<1x1x1x100x50xi32, #tpu.memory_space<hbm>>
      %dma_start3A_420 = tpu.memref_squeeze %dma_start3A_419 : memref<1x1x1x100x50xi32, #tpu.memory_space<hbm>> -> memref<100x50xi32, #tpu.memory_space<hbm>>
      %dma_start3A_421 = arith.constant 0 : i32
      %dma_start3A_422 = arith.constant 0 : i32
      %dma_start3A_423 = tpu.memref_slice %arg3[%arg0, %arg1, %run_scoped3A_189, %dma_start3A_421, %dma_start3A_422] : memref<2x16x2x100x50xi32, #tpu.memory_space<hbm>> -> memref<1x1x1x100x50xi32, #tpu.memory_space<hbm>>
      %dma_start3A_424 = tpu.memref_squeeze %dma_start3A_423 : memref<1x1x1x100x50xi32, #tpu.memory_space<hbm>> -> memref<100x50xi32, #tpu.memory_space<hbm>>
      tpu.enqueue_dma source(%dma_start3A_424 : memref<100x50xi32, #tpu.memory_space<hbm>>) target(%arg10 : memref<100x50xi32, #tpu.memory_space<vmem>>) target_semaphore(%run_scoped3A_416 : memref<!tpu.dma_semaphore, #tpu.memory_space<semaphore_mem>>)
      %dma_wait3A_425 = arith.constant 0 : i32
      %dma_wait3A_426 = arith.constant 0 : i32
      %dma_wait3A_427 = tpu.memref_slice %arg3[%arg0, %arg1, %run_scoped3A_189, %dma_wait3A_425, %dma_wait3A_426] : memref<2x16x2x100x50xi32, #tpu.memory_space<hbm>> -> memref<1x1x1x100x50xi32, #tpu.memory_space<hbm>>
      %dma_wait3A_428 = tpu.memref_squeeze %dma_wait3A_427 : memref<1x1x1x100x50xi32, #tpu.memory_space<hbm>> -> memref<100x50xi32, #tpu.memory_space<hbm>>
      %dma_wait3A_429 = arith.constant 0 : i32
      %dma_wait3A_430 = arith.constant 0 : i32
      %dma_wait3A_431 = tpu.memref_slice %arg3[%arg0, %arg1, %run_scoped3A_189, %dma_wait3A_429, %dma_wait3A_430] : memref<2x16x2x100x50xi32, #tpu.memory_space<hbm>> -> memref<1x1x1x100x50xi32, #tpu.memory_space<hbm>>
      %dma_wait3A_432 = tpu.memref_squeeze %dma_wait3A_431 : memref<1x1x1x100x50xi32, #tpu.memory_space<hbm>> -> memref<100x50xi32, #tpu.memory_space<hbm>>
      tpu.wait_dma2 semaphore(%run_scoped3A_416 : memref<!tpu.dma_semaphore, #tpu.memory_space<semaphore_mem>>) src(%dma_wait3A_432 : memref<100x50xi32, #tpu.memory_space<hbm>>) dst(%arg10 : memref<100x50xi32, #tpu.memory_space<vmem>>)
      tpu.yield
    }) : () -> ()
    %run_scoped3A_190 = arith.constant 1 : i32
    "tpu.region"() ({
      %run_scoped3A_416 = tpu.sem_alloc : memref<!tpu.dma_semaphore, #tpu.memory_space<semaphore_mem>>
      %dma_start3A_417 = arith.constant 0 : i32
      %dma_start3A_418 = arith.constant 0 : i32
      %dma_start3A_419 = tpu.memref_slice %arg4[%arg0, %arg1, %run_scoped3A_190, %dma_start3A_417, %dma_start3A_418] : memref<2x16x2x100x50xi32, #tpu.memory_space<hbm>> -> memref<1x1x1x100x50xi32, #tpu.memory_space<hbm>>
      %dma_start3A_420 = tpu.memref_squeeze %dma_start3A_419 : memref<1x1x1x100x50xi32, #tpu.memory_space<hbm>> -> memref<100x50xi32, #tpu.memory_space<hbm>>
      %dma_start3A_421 = arith.constant 0 : i32
      %dma_start3A_422 = arith.constant 0 : i32
      %dma_start3A_423 = tpu.memref_slice %arg4[%arg0, %arg1, %run_scoped3A_190, %dma_start3A_421, %dma_start3A_422] : memref<2x16x2x100x50xi32, #tpu.memory_space<hbm>> -> memref<1x1x1x100x50xi32, #tpu.memory_space<hbm>>
      %dma_start3A_424 = tpu.memref_squeeze %dma_start3A_423 : memref<1x1x1x100x50xi32, #tpu.memory_space<hbm>> -> memref<100x50xi32, #tpu.memory_space<hbm>>
      tpu.enqueue_dma source(%dma_start3A_424 : memref<100x50xi32, #tpu.memory_space<hbm>>) target(%arg11 : memref<100x50xi32, #tpu.memory_space<vmem>>) target_semaphore(%run_scoped3A_416 : memref<!tpu.dma_semaphore, #tpu.memory_space<semaphore_mem>>)
      %dma_wait3A_425 = arith.constant 0 : i32
      %dma_wait3A_426 = arith.constant 0 : i32
      %dma_wait3A_427 = tpu.memref_slice %arg4[%arg0, %arg1, %run_scoped3A_190, %dma_wait3A_425, %dma_wait3A_426] : memref<2x16x2x100x50xi32, #tpu.memory_space<hbm>> -> memref<1x1x1x100x50xi32, #tpu.memory_space<hbm>>
      %dma_wait3A_428 = tpu.memref_squeeze %dma_wait3A_427 : memref<1x1x1x100x50xi32, #tpu.memory_space<hbm>> -> memref<100x50xi32, #tpu.memory_space<hbm>>
      %dma_wait3A_429 = arith.constant 0 : i32
      %dma_wait3A_430 = arith.constant 0 : i32
      %dma_wait3A_431 = tpu.memref_slice %arg4[%arg0, %arg1, %run_scoped3A_190, %dma_wait3A_429, %dma_wait3A_430] : memref<2x16x2x100x50xi32, #tpu.memory_space<hbm>> -> memref<1x1x1x100x50xi32, #tpu.memory_space<hbm>>
      %dma_wait3A_432 = tpu.memref_squeeze %dma_wait3A_431 : memref<1x1x1x100x50xi32, #tpu.memory_space<hbm>> -> memref<100x50xi32, #tpu.memory_space<hbm>>
      tpu.wait_dma2 semaphore(%run_scoped3A_416 : memref<!tpu.dma_semaphore, #tpu.memory_space<semaphore_mem>>) src(%dma_wait3A_432 : memref<100x50xi32, #tpu.memory_space<hbm>>) dst(%arg11 : memref<100x50xi32, #tpu.memory_space<vmem>>)
      tpu.yield
    }) : () -> ()
    %dma_start3A_191 = arith.constant 0 : i32
    %dma_start3A_192 = arith.constant 0 : i32
    %dma_start3A_193 = tpu.memref_slice %arg10[%dma_start3A_191, %dma_start3A_192] : memref<100x50xi32, #tpu.memory_space<vmem>> -> memref<1x50xi32, #tpu.memory_space<vmem>>
    %dma_start3A_194 = tpu.memref_squeeze %dma_start3A_193 : memref<1x50xi32, #tpu.memory_space<vmem>> -> memref<50xi32, #tpu.memory_space<vmem>>
    %dma_start3A_195 = arith.constant 0 : i32
    %dma_start3A_196 = arith.constant 0 : i32
    %dma_start3A_197 = tpu.memref_slice %arg2[%dma_start3A_195, %dma_start3A_196] : memref<10000x128xf32, #tpu.memory_space<hbm>> -> memref<10000x128xf32, #tpu.memory_space<hbm>>
    tpu.enqueue_indirect_dma source(%dma_start3A_197 : memref<10000x128xf32, #tpu.memory_space<hbm>>) target(%arg12 : memref<50x128xf32, #tpu.memory_space<vmem>>) offsets(%dma_start3A_194 : memref<50xi32, #tpu.memory_space<vmem>>) semaphore(%arg20 : memref<!tpu.dma_semaphore, #tpu.memory_space<semaphore_mem>>)
    %dma_start3A_198 = arith.constant 1 : i32
    %dma_start3A_199 = arith.constant 0 : i32
    %dma_start3A_200 = tpu.memref_slice %arg10[%dma_start3A_198, %dma_start3A_199] : memref<100x50xi32, #tpu.memory_space<vmem>> -> memref<1x50xi32, #tpu.memory_space<vmem>>
    %dma_start3A_201 = tpu.memref_squeeze %dma_start3A_200 : memref<1x50xi32, #tpu.memory_space<vmem>> -> memref<50xi32, #tpu.memory_space<vmem>>
    %dma_start3A_202 = arith.constant 0 : i32
    %dma_start3A_203 = arith.constant 0 : i32
    %dma_start3A_204 = tpu.memref_slice %arg2[%dma_start3A_202, %dma_start3A_203] : memref<10000x128xf32, #tpu.memory_space<hbm>> -> memref<10000x128xf32, #tpu.memory_space<hbm>>
    tpu.enqueue_indirect_dma source(%dma_start3A_204 : memref<10000x128xf32, #tpu.memory_space<hbm>>) target(%arg13 : memref<50x128xf32, #tpu.memory_space<vmem>>) offsets(%dma_start3A_201 : memref<50xi32, #tpu.memory_space<vmem>>) semaphore(%arg21 : memref<!tpu.dma_semaphore, #tpu.memory_space<semaphore_mem>>)
    %dma_start3A_205 = arith.constant 2 : i32
    %dma_start3A_206 = arith.constant 0 : i32
    %dma_start3A_207 = tpu.memref_slice %arg10[%dma_start3A_205, %dma_start3A_206] : memref<100x50xi32, #tpu.memory_space<vmem>> -> memref<1x50xi32, #tpu.memory_space<vmem>>
    %dma_start3A_208 = tpu.memref_squeeze %dma_start3A_207 : memref<1x50xi32, #tpu.memory_space<vmem>> -> memref<50xi32, #tpu.memory_space<vmem>>
    %dma_start3A_209 = arith.constant 0 : i32
    %dma_start3A_210 = arith.constant 0 : i32
    %dma_start3A_211 = tpu.memref_slice %arg2[%dma_start3A_209, %dma_start3A_210] : memref<10000x128xf32, #tpu.memory_space<hbm>> -> memref<10000x128xf32, #tpu.memory_space<hbm>>
    tpu.enqueue_indirect_dma source(%dma_start3A_211 : memref<10000x128xf32, #tpu.memory_space<hbm>>) target(%arg14 : memref<50x128xf32, #tpu.memory_space<vmem>>) offsets(%dma_start3A_208 : memref<50xi32, #tpu.memory_space<vmem>>) semaphore(%arg22 : memref<!tpu.dma_semaphore, #tpu.memory_space<semaphore_mem>>)
    %dma_start3A_212 = arith.constant 3 : i32
    %dma_start3A_213 = arith.constant 0 : i32
    %dma_start3A_214 = tpu.memref_slice %arg10[%dma_start3A_212, %dma_start3A_213] : memref<100x50xi32, #tpu.memory_space<vmem>> -> memref<1x50xi32, #tpu.memory_space<vmem>>
    %dma_start3A_215 = tpu.memref_squeeze %dma_start3A_214 : memref<1x50xi32, #tpu.memory_space<vmem>> -> memref<50xi32, #tpu.memory_space<vmem>>
    %dma_start3A_216 = arith.constant 0 : i32
    %dma_start3A_217 = arith.constant 0 : i32
    %dma_start3A_218 = tpu.memref_slice %arg2[%dma_start3A_216, %dma_start3A_217] : memref<10000x128xf32, #tpu.memory_space<hbm>> -> memref<10000x128xf32, #tpu.memory_space<hbm>>
    tpu.enqueue_indirect_dma source(%dma_start3A_218 : memref<10000x128xf32, #tpu.memory_space<hbm>>) target(%arg15 : memref<50x128xf32, #tpu.memory_space<vmem>>) offsets(%dma_start3A_215 : memref<50xi32, #tpu.memory_space<vmem>>) semaphore(%arg23 : memref<!tpu.dma_semaphore, #tpu.memory_space<semaphore_mem>>)
    %dma_start3A_219 = arith.constant 4 : i32
    %dma_start3A_220 = arith.constant 0 : i32
    %dma_start3A_221 = tpu.memref_slice %arg10[%dma_start3A_219, %dma_start3A_220] : memref<100x50xi32, #tpu.memory_space<vmem>> -> memref<1x50xi32, #tpu.memory_space<vmem>>
    %dma_start3A_222 = tpu.memref_squeeze %dma_start3A_221 : memref<1x50xi32, #tpu.memory_space<vmem>> -> memref<50xi32, #tpu.memory_space<vmem>>
    %dma_start3A_223 = arith.constant 0 : i32
    %dma_start3A_224 = arith.constant 0 : i32
    %dma_start3A_225 = tpu.memref_slice %arg2[%dma_start3A_223, %dma_start3A_224] : memref<10000x128xf32, #tpu.memory_space<hbm>> -> memref<10000x128xf32, #tpu.memory_space<hbm>>
    tpu.enqueue_indirect_dma source(%dma_start3A_225 : memref<10000x128xf32, #tpu.memory_space<hbm>>) target(%arg16 : memref<50x128xf32, #tpu.memory_space<vmem>>) offsets(%dma_start3A_222 : memref<50xi32, #tpu.memory_space<vmem>>) semaphore(%arg24 : memref<!tpu.dma_semaphore, #tpu.memory_space<semaphore_mem>>)
    %scan3A_226 = arith.constant 0 : i32
    %scan3A_227 = arith.constant 0 : i32
    %scan3A_228 = arith.constant 19 : i32
    %scan3A_229 = arith.addi %scan3A_227, %scan3A_228 : i32
    %scan3A_230 = arith.constant 1 : i32
    scf.for %scan3A_416 = %scan3A_227 to %scan3A_229 step %scan3A_230  : i32 {
      %mul3A_417 = arith.constant 5 : i32
      %mul3A_418 = arith.muli %mul3A_417, %scan3A_416 : i32
      %add3A = arith.constant 0 : i32
      %add3A_419 = arith.addi %mul3A_418, %add3A : i32
      %dma_wait3A_420 = arith.constant 0 : i32
      %dma_wait3A_421 = tpu.memref_slice %arg10[%add3A_419, %dma_wait3A_420] : memref<100x50xi32, #tpu.memory_space<vmem>> -> memref<1x50xi32, #tpu.memory_space<vmem>>
      %dma_wait3A_422 = tpu.memref_squeeze %dma_wait3A_421 : memref<1x50xi32, #tpu.memory_space<vmem>> -> memref<50xi32, #tpu.memory_space<vmem>>
      %dma_wait3A_423 = arith.constant 0 : i32
      %dma_wait3A_424 = arith.constant 0 : i32
      %dma_wait3A_425 = tpu.memref_slice %arg2[%dma_wait3A_423, %dma_wait3A_424] : memref<10000x128xf32, #tpu.memory_space<hbm>> -> memref<10000x128xf32, #tpu.memory_space<hbm>>
      tpu.wait_indirect_dma semaphore(%arg20 : memref<!tpu.dma_semaphore, #tpu.memory_space<semaphore_mem>>) src(%dma_wait3A_425 : memref<10000x128xf32, #tpu.memory_space<hbm>>) dst(%arg12 : memref<50x128xf32, #tpu.memory_space<vmem>>)
      %add3A_426 = arith.constant 0 : i32
      %add3A_427 = arith.addi %mul3A_418, %add3A_426 : i32
      %dma_start3A_428 = arith.constant 0 : i32
      %dma_start3A_429 = tpu.memref_slice %arg11[%add3A_427, %dma_start3A_428] : memref<100x50xi32, #tpu.memory_space<vmem>> -> memref<1x50xi32, #tpu.memory_space<vmem>>
      %dma_start3A_430 = tpu.memref_squeeze %dma_start3A_429 : memref<1x50xi32, #tpu.memory_space<vmem>> -> memref<50xi32, #tpu.memory_space<vmem>>
      %dma_start3A_431 = arith.constant 0 : i32
      %dma_start3A_432 = arith.constant 0 : i32
      %dma_start3A_433 = tpu.memref_slice %arg18[%dma_start3A_431, %dma_start3A_432] : memref<10000x128xf32, #tpu.memory_space<vmem_shared>> -> memref<10000x128xf32, #tpu.memory_space<vmem_shared>>
      tpu.enqueue_indirect_dma source(%arg12 : memref<50x128xf32, #tpu.memory_space<vmem>>) target(%dma_start3A_433 : memref<10000x128xf32, #tpu.memory_space<vmem_shared>>) offsets(%dma_start3A_430 : memref<50xi32, #tpu.memory_space<vmem>>) semaphore(%arg25 : memref<!tpu.dma_semaphore, #tpu.memory_space<semaphore_mem>>) {add = true}
      %dma_start3A_434 = arith.constant 0 : i32
      %dma_start3A_435 = tpu.memref_slice %arg11[%add3A_427, %dma_start3A_434] : memref<100x50xi32, #tpu.memory_space<vmem>> -> memref<1x50xi32, #tpu.memory_space<vmem>>
      %dma_start3A_436 = tpu.memref_squeeze %dma_start3A_435 : memref<1x50xi32, #tpu.memory_space<vmem>> -> memref<50xi32, #tpu.memory_space<vmem>>
      %dma_start3A_437 = arith.constant 0 : i32
      %dma_start3A_438 = arith.constant 0 : i32
      %dma_start3A_439 = tpu.memref_slice %arg19[%dma_start3A_437, %dma_start3A_438] : memref<10000x8xf32, #tpu.memory_space<vmem_shared>> -> memref<10000x8xf32, #tpu.memory_space<vmem_shared>>
      tpu.enqueue_indirect_dma source(%arg17 : memref<50x8xf32, #tpu.memory_space<vmem>>) target(%dma_start3A_439 : memref<10000x8xf32, #tpu.memory_space<vmem_shared>>) offsets(%dma_start3A_436 : memref<50xi32, #tpu.memory_space<vmem>>) semaphore(%arg30 : memref<!tpu.dma_semaphore, #tpu.memory_space<semaphore_mem>>) {add = true}
      %add3A_440 = arith.constant 1 : i32
      %add3A_441 = arith.addi %mul3A_418, %add3A_440 : i32
      %dma_wait3A_442 = arith.constant 0 : i32
      %dma_wait3A_443 = tpu.memref_slice %arg10[%add3A_441, %dma_wait3A_442] : memref<100x50xi32, #tpu.memory_space<vmem>> -> memref<1x50xi32, #tpu.memory_space<vmem>>
      %dma_wait3A_444 = tpu.memref_squeeze %dma_wait3A_443 : memref<1x50xi32, #tpu.memory_space<vmem>> -> memref<50xi32, #tpu.memory_space<vmem>>
      %dma_wait3A_445 = arith.constant 0 : i32
      %dma_wait3A_446 = arith.constant 0 : i32
      %dma_wait3A_447 = tpu.memref_slice %arg2[%dma_wait3A_445, %dma_wait3A_446] : memref<10000x128xf32, #tpu.memory_space<hbm>> -> memref<10000x128xf32, #tpu.memory_space<hbm>>
      tpu.wait_indirect_dma semaphore(%arg21 : memref<!tpu.dma_semaphore, #tpu.memory_space<semaphore_mem>>) src(%dma_wait3A_447 : memref<10000x128xf32, #tpu.memory_space<hbm>>) dst(%arg13 : memref<50x128xf32, #tpu.memory_space<vmem>>)
      %add3A_448 = arith.constant 1 : i32
      %add3A_449 = arith.addi %mul3A_418, %add3A_448 : i32
      %dma_start3A_450 = arith.constant 0 : i32
      %dma_start3A_451 = tpu.memref_slice %arg11[%add3A_449, %dma_start3A_450] : memref<100x50xi32, #tpu.memory_space<vmem>> -> memref<1x50xi32, #tpu.memory_space<vmem>>
      %dma_start3A_452 = tpu.memref_squeeze %dma_start3A_451 : memref<1x50xi32, #tpu.memory_space<vmem>> -> memref<50xi32, #tpu.memory_space<vmem>>
      %dma_start3A_453 = arith.constant 0 : i32
      %dma_start3A_454 = arith.constant 0 : i32
      %dma_start3A_455 = tpu.memref_slice %arg18[%dma_start3A_453, %dma_start3A_454] : memref<10000x128xf32, #tpu.memory_space<vmem_shared>> -> memref<10000x128xf32, #tpu.memory_space<vmem_shared>>
      tpu.enqueue_indirect_dma source(%arg13 : memref<50x128xf32, #tpu.memory_space<vmem>>) target(%dma_start3A_455 : memref<10000x128xf32, #tpu.memory_space<vmem_shared>>) offsets(%dma_start3A_452 : memref<50xi32, #tpu.memory_space<vmem>>) semaphore(%arg26 : memref<!tpu.dma_semaphore, #tpu.memory_space<semaphore_mem>>) {add = true}
      %dma_start3A_456 = arith.constant 0 : i32
      %dma_start3A_457 = tpu.memref_slice %arg11[%add3A_449, %dma_start3A_456] : memref<100x50xi32, #tpu.memory_space<vmem>> -> memref<1x50xi32, #tpu.memory_space<vmem>>
      %dma_start3A_458 = tpu.memref_squeeze %dma_start3A_457 : memref<1x50xi32, #tpu.memory_space<vmem>> -> memref<50xi32, #tpu.memory_space<vmem>>
      %dma_start3A_459 = arith.constant 0 : i32
      %dma_start3A_460 = arith.constant 0 : i32
      %dma_start3A_461 = tpu.memref_slice %arg19[%dma_start3A_459, %dma_start3A_460] : memref<10000x8xf32, #tpu.memory_space<vmem_shared>> -> memref<10000x8xf32, #tpu.memory_space<vmem_shared>>
      tpu.enqueue_indirect_dma source(%arg17 : memref<50x8xf32, #tpu.memory_space<vmem>>) target(%dma_start3A_461 : memref<10000x8xf32, #tpu.memory_space<vmem_shared>>) offsets(%dma_start3A_458 : memref<50xi32, #tpu.memory_space<vmem>>) semaphore(%arg30 : memref<!tpu.dma_semaphore, #tpu.memory_space<semaphore_mem>>) {add = true}
      %add3A_462 = arith.constant 2 : i32
      %add3A_463 = arith.addi %mul3A_418, %add3A_462 : i32
      %dma_wait3A_464 = arith.constant 0 : i32
      %dma_wait3A_465 = tpu.memref_slice %arg10[%add3A_463, %dma_wait3A_464] : memref<100x50xi32, #tpu.memory_space<vmem>> -> memref<1x50xi32, #tpu.memory_space<vmem>>
      %dma_wait3A_466 = tpu.memref_squeeze %dma_wait3A_465 : memref<1x50xi32, #tpu.memory_space<vmem>> -> memref<50xi32, #tpu.memory_space<vmem>>
      %dma_wait3A_467 = arith.constant 0 : i32
      %dma_wait3A_468 = arith.constant 0 : i32
      %dma_wait3A_469 = tpu.memref_slice %arg2[%dma_wait3A_467, %dma_wait3A_468] : memref<10000x128xf32, #tpu.memory_space<hbm>> -> memref<10000x128xf32, #tpu.memory_space<hbm>>
      tpu.wait_indirect_dma semaphore(%arg22 : memref<!tpu.dma_semaphore, #tpu.memory_space<semaphore_mem>>) src(%dma_wait3A_469 : memref<10000x128xf32, #tpu.memory_space<hbm>>) dst(%arg14 : memref<50x128xf32, #tpu.memory_space<vmem>>)
      %add3A_470 = arith.constant 2 : i32
      %add3A_471 = arith.addi %mul3A_418, %add3A_470 : i32
      %dma_start3A_472 = arith.constant 0 : i32
      %dma_start3A_473 = tpu.memref_slice %arg11[%add3A_471, %dma_start3A_472] : memref<100x50xi32, #tpu.memory_space<vmem>> -> memref<1x50xi32, #tpu.memory_space<vmem>>
      %dma_start3A_474 = tpu.memref_squeeze %dma_start3A_473 : memref<1x50xi32, #tpu.memory_space<vmem>> -> memref<50xi32, #tpu.memory_space<vmem>>
      %dma_start3A_475 = arith.constant 0 : i32
      %dma_start3A_476 = arith.constant 0 : i32
      %dma_start3A_477 = tpu.memref_slice %arg18[%dma_start3A_475, %dma_start3A_476] : memref<10000x128xf32, #tpu.memory_space<vmem_shared>> -> memref<10000x128xf32, #tpu.memory_space<vmem_shared>>
      tpu.enqueue_indirect_dma source(%arg14 : memref<50x128xf32, #tpu.memory_space<vmem>>) target(%dma_start3A_477 : memref<10000x128xf32, #tpu.memory_space<vmem_shared>>) offsets(%dma_start3A_474 : memref<50xi32, #tpu.memory_space<vmem>>) semaphore(%arg27 : memref<!tpu.dma_semaphore, #tpu.memory_space<semaphore_mem>>) {add = true}
      %dma_start3A_478 = arith.constant 0 : i32
      %dma_start3A_479 = tpu.memref_slice %arg11[%add3A_471, %dma_start3A_478] : memref<100x50xi32, #tpu.memory_space<vmem>> -> memref<1x50xi32, #tpu.memory_space<vmem>>
      %dma_start3A_480 = tpu.memref_squeeze %dma_start3A_479 : memref<1x50xi32, #tpu.memory_space<vmem>> -> memref<50xi32, #tpu.memory_space<vmem>>
      %dma_start3A_481 = arith.constant 0 : i32
      %dma_start3A_482 = arith.constant 0 : i32
      %dma_start3A_483 = tpu.memref_slice %arg19[%dma_start3A_481, %dma_start3A_482] : memref<10000x8xf32, #tpu.memory_space<vmem_shared>> -> memref<10000x8xf32, #tpu.memory_space<vmem_shared>>
      tpu.enqueue_indirect_dma source(%arg17 : memref<50x8xf32, #tpu.memory_space<vmem>>) target(%dma_start3A_483 : memref<10000x8xf32, #tpu.memory_space<vmem_shared>>) offsets(%dma_start3A_480 : memref<50xi32, #tpu.memory_space<vmem>>) semaphore(%arg30 : memref<!tpu.dma_semaphore, #tpu.memory_space<semaphore_mem>>) {add = true}
      %add3A_484 = arith.constant 3 : i32
      %add3A_485 = arith.addi %mul3A_418, %add3A_484 : i32
      %dma_wait3A_486 = arith.constant 0 : i32
      %dma_wait3A_487 = tpu.memref_slice %arg10[%add3A_485, %dma_wait3A_486] : memref<100x50xi32, #tpu.memory_space<vmem>> -> memref<1x50xi32, #tpu.memory_space<vmem>>
      %dma_wait3A_488 = tpu.memref_squeeze %dma_wait3A_487 : memref<1x50xi32, #tpu.memory_space<vmem>> -> memref<50xi32, #tpu.memory_space<vmem>>
      %dma_wait3A_489 = arith.constant 0 : i32
      %dma_wait3A_490 = arith.constant 0 : i32
      %dma_wait3A_491 = tpu.memref_slice %arg2[%dma_wait3A_489, %dma_wait3A_490] : memref<10000x128xf32, #tpu.memory_space<hbm>> -> memref<10000x128xf32, #tpu.memory_space<hbm>>
      tpu.wait_indirect_dma semaphore(%arg23 : memref<!tpu.dma_semaphore, #tpu.memory_space<semaphore_mem>>) src(%dma_wait3A_491 : memref<10000x128xf32, #tpu.memory_space<hbm>>) dst(%arg15 : memref<50x128xf32, #tpu.memory_space<vmem>>)
      %add3A_492 = arith.constant 3 : i32
      %add3A_493 = arith.addi %mul3A_418, %add3A_492 : i32
      %dma_start3A_494 = arith.constant 0 : i32
      %dma_start3A_495 = tpu.memref_slice %arg11[%add3A_493, %dma_start3A_494] : memref<100x50xi32, #tpu.memory_space<vmem>> -> memref<1x50xi32, #tpu.memory_space<vmem>>
      %dma_start3A_496 = tpu.memref_squeeze %dma_start3A_495 : memref<1x50xi32, #tpu.memory_space<vmem>> -> memref<50xi32, #tpu.memory_space<vmem>>
      %dma_start3A_497 = arith.constant 0 : i32
      %dma_start3A_498 = arith.constant 0 : i32
      %dma_start3A_499 = tpu.memref_slice %arg18[%dma_start3A_497, %dma_start3A_498] : memref<10000x128xf32, #tpu.memory_space<vmem_shared>> -> memref<10000x128xf32, #tpu.memory_space<vmem_shared>>
      tpu.enqueue_indirect_dma source(%arg15 : memref<50x128xf32, #tpu.memory_space<vmem>>) target(%dma_start3A_499 : memref<10000x128xf32, #tpu.memory_space<vmem_shared>>) offsets(%dma_start3A_496 : memref<50xi32, #tpu.memory_space<vmem>>) semaphore(%arg28 : memref<!tpu.dma_semaphore, #tpu.memory_space<semaphore_mem>>) {add = true}
      %dma_start3A_500 = arith.constant 0 : i32
      %dma_start3A_501 = tpu.memref_slice %arg11[%add3A_493, %dma_start3A_500] : memref<100x50xi32, #tpu.memory_space<vmem>> -> memref<1x50xi32, #tpu.memory_space<vmem>>
      %dma_start3A_502 = tpu.memref_squeeze %dma_start3A_501 : memref<1x50xi32, #tpu.memory_space<vmem>> -> memref<50xi32, #tpu.memory_space<vmem>>
      %dma_start3A_503 = arith.constant 0 : i32
      %dma_start3A_504 = arith.constant 0 : i32
      %dma_start3A_505 = tpu.memref_slice %arg19[%dma_start3A_503, %dma_start3A_504] : memref<10000x8xf32, #tpu.memory_space<vmem_shared>> -> memref<10000x8xf32, #tpu.memory_space<vmem_shared>>
      tpu.enqueue_indirect_dma source(%arg17 : memref<50x8xf32, #tpu.memory_space<vmem>>) target(%dma_start3A_505 : memref<10000x8xf32, #tpu.memory_space<vmem_shared>>) offsets(%dma_start3A_502 : memref<50xi32, #tpu.memory_space<vmem>>) semaphore(%arg30 : memref<!tpu.dma_semaphore, #tpu.memory_space<semaphore_mem>>) {add = true}
      %add3A_506 = arith.constant 4 : i32
      %add3A_507 = arith.addi %mul3A_418, %add3A_506 : i32
      %dma_wait3A_508 = arith.constant 0 : i32
      %dma_wait3A_509 = tpu.memref_slice %arg10[%add3A_507, %dma_wait3A_508] : memref<100x50xi32, #tpu.memory_space<vmem>> -> memref<1x50xi32, #tpu.memory_space<vmem>>
      %dma_wait3A_510 = tpu.memref_squeeze %dma_wait3A_509 : memref<1x50xi32, #tpu.memory_space<vmem>> -> memref<50xi32, #tpu.memory_space<vmem>>
      %dma_wait3A_511 = arith.constant 0 : i32
      %dma_wait3A_512 = arith.constant 0 : i32
      %dma_wait3A_513 = tpu.memref_slice %arg2[%dma_wait3A_511, %dma_wait3A_512] : memref<10000x128xf32, #tpu.memory_space<hbm>> -> memref<10000x128xf32, #tpu.memory_space<hbm>>
      tpu.wait_indirect_dma semaphore(%arg24 : memref<!tpu.dma_semaphore, #tpu.memory_space<semaphore_mem>>) src(%dma_wait3A_513 : memref<10000x128xf32, #tpu.memory_space<hbm>>) dst(%arg16 : memref<50x128xf32, #tpu.memory_space<vmem>>)
      %add3A_514 = arith.constant 4 : i32
      %add3A_515 = arith.addi %mul3A_418, %add3A_514 : i32
      %dma_start3A_516 = arith.constant 0 : i32
      %dma_start3A_517 = tpu.memref_slice %arg11[%add3A_515, %dma_start3A_516] : memref<100x50xi32, #tpu.memory_space<vmem>> -> memref<1x50xi32, #tpu.memory_space<vmem>>
      %dma_start3A_518 = tpu.memref_squeeze %dma_start3A_517 : memref<1x50xi32, #tpu.memory_space<vmem>> -> memref<50xi32, #tpu.memory_space<vmem>>
      %dma_start3A_519 = arith.constant 0 : i32
      %dma_start3A_520 = arith.constant 0 : i32
      %dma_start3A_521 = tpu.memref_slice %arg18[%dma_start3A_519, %dma_start3A_520] : memref<10000x128xf32, #tpu.memory_space<vmem_shared>> -> memref<10000x128xf32, #tpu.memory_space<vmem_shared>>
      tpu.enqueue_indirect_dma source(%arg16 : memref<50x128xf32, #tpu.memory_space<vmem>>) target(%dma_start3A_521 : memref<10000x128xf32, #tpu.memory_space<vmem_shared>>) offsets(%dma_start3A_518 : memref<50xi32, #tpu.memory_space<vmem>>) semaphore(%arg29 : memref<!tpu.dma_semaphore, #tpu.memory_space<semaphore_mem>>) {add = true}
      %dma_start3A_522 = arith.constant 0 : i32
      %dma_start3A_523 = tpu.memref_slice %arg11[%add3A_515, %dma_start3A_522] : memref<100x50xi32, #tpu.memory_space<vmem>> -> memref<1x50xi32, #tpu.memory_space<vmem>>
      %dma_start3A_524 = tpu.memref_squeeze %dma_start3A_523 : memref<1x50xi32, #tpu.memory_space<vmem>> -> memref<50xi32, #tpu.memory_space<vmem>>
      %dma_start3A_525 = arith.constant 0 : i32
      %dma_start3A_526 = arith.constant 0 : i32
      %dma_start3A_527 = tpu.memref_slice %arg19[%dma_start3A_525, %dma_start3A_526] : memref<10000x8xf32, #tpu.memory_space<vmem_shared>> -> memref<10000x8xf32, #tpu.memory_space<vmem_shared>>
      tpu.enqueue_indirect_dma source(%arg17 : memref<50x8xf32, #tpu.memory_space<vmem>>) target(%dma_start3A_527 : memref<10000x8xf32, #tpu.memory_space<vmem_shared>>) offsets(%dma_start3A_524 : memref<50xi32, #tpu.memory_space<vmem>>) semaphore(%arg30 : memref<!tpu.dma_semaphore, #tpu.memory_space<semaphore_mem>>) {add = true}
      %add3A_528 = arith.constant 0 : i32
      %add3A_529 = arith.addi %mul3A_418, %add3A_528 : i32
      %dma_wait3A_530 = arith.constant 0 : i32
      %dma_wait3A_531 = tpu.memref_slice %arg11[%add3A_529, %dma_wait3A_530] : memref<100x50xi32, #tpu.memory_space<vmem>> -> memref<1x50xi32, #tpu.memory_space<vmem>>
      %dma_wait3A_532 = tpu.memref_squeeze %dma_wait3A_531 : memref<1x50xi32, #tpu.memory_space<vmem>> -> memref<50xi32, #tpu.memory_space<vmem>>
      %dma_wait3A_533 = arith.constant 0 : i32
      %dma_wait3A_534 = arith.constant 0 : i32
      %dma_wait3A_535 = tpu.memref_slice %arg18[%dma_wait3A_533, %dma_wait3A_534] : memref<10000x128xf32, #tpu.memory_space<vmem_shared>> -> memref<10000x128xf32, #tpu.memory_space<vmem_shared>>
      tpu.wait_indirect_dma semaphore(%arg25 : memref<!tpu.dma_semaphore, #tpu.memory_space<semaphore_mem>>) src(%arg12 : memref<50x128xf32, #tpu.memory_space<vmem>>) dst(%dma_wait3A_535 : memref<10000x128xf32, #tpu.memory_space<vmem_shared>>)
      %add3A_536 = arith.constant 5 : i32
      %add3A_537 = arith.addi %mul3A_418, %add3A_536 : i32
      %add3A_538 = arith.constant 0 : i32
      %add3A_539 = arith.addi %add3A_537, %add3A_538 : i32
      %dma_start3A_540 = arith.constant 0 : i32
      %dma_start3A_541 = tpu.memref_slice %arg10[%add3A_539, %dma_start3A_540] : memref<100x50xi32, #tpu.memory_space<vmem>> -> memref<1x50xi32, #tpu.memory_space<vmem>>
      %dma_start3A_542 = tpu.memref_squeeze %dma_start3A_541 : memref<1x50xi32, #tpu.memory_space<vmem>> -> memref<50xi32, #tpu.memory_space<vmem>>
      %dma_start3A_543 = arith.constant 0 : i32
      %dma_start3A_544 = arith.constant 0 : i32
      %dma_start3A_545 = tpu.memref_slice %arg2[%dma_start3A_543, %dma_start3A_544] : memref<10000x128xf32, #tpu.memory_space<hbm>> -> memref<10000x128xf32, #tpu.memory_space<hbm>>
      tpu.enqueue_indirect_dma source(%dma_start3A_545 : memref<10000x128xf32, #tpu.memory_space<hbm>>) target(%arg12 : memref<50x128xf32, #tpu.memory_space<vmem>>) offsets(%dma_start3A_542 : memref<50xi32, #tpu.memory_space<vmem>>) semaphore(%arg20 : memref<!tpu.dma_semaphore, #tpu.memory_space<semaphore_mem>>)
      %add3A_546 = arith.constant 1 : i32
      %add3A_547 = arith.addi %mul3A_418, %add3A_546 : i32
      %dma_wait3A_548 = arith.constant 0 : i32
      %dma_wait3A_549 = tpu.memref_slice %arg11[%add3A_547, %dma_wait3A_548] : memref<100x50xi32, #tpu.memory_space<vmem>> -> memref<1x50xi32, #tpu.memory_space<vmem>>
      %dma_wait3A_550 = tpu.memref_squeeze %dma_wait3A_549 : memref<1x50xi32, #tpu.memory_space<vmem>> -> memref<50xi32, #tpu.memory_space<vmem>>
      %dma_wait3A_551 = arith.constant 0 : i32
      %dma_wait3A_552 = arith.constant 0 : i32
      %dma_wait3A_553 = tpu.memref_slice %arg18[%dma_wait3A_551, %dma_wait3A_552] : memref<10000x128xf32, #tpu.memory_space<vmem_shared>> -> memref<10000x128xf32, #tpu.memory_space<vmem_shared>>
      tpu.wait_indirect_dma semaphore(%arg26 : memref<!tpu.dma_semaphore, #tpu.memory_space<semaphore_mem>>) src(%arg13 : memref<50x128xf32, #tpu.memory_space<vmem>>) dst(%dma_wait3A_553 : memref<10000x128xf32, #tpu.memory_space<vmem_shared>>)
      %add3A_554 = arith.constant 5 : i32
      %add3A_555 = arith.addi %mul3A_418, %add3A_554 : i32
      %add3A_556 = arith.constant 1 : i32
      %add3A_557 = arith.addi %add3A_555, %add3A_556 : i32
      %dma_start3A_558 = arith.constant 0 : i32
      %dma_start3A_559 = tpu.memref_slice %arg10[%add3A_557, %dma_start3A_558] : memref<100x50xi32, #tpu.memory_space<vmem>> -> memref<1x50xi32, #tpu.memory_space<vmem>>
      %dma_start3A_560 = tpu.memref_squeeze %dma_start3A_559 : memref<1x50xi32, #tpu.memory_space<vmem>> -> memref<50xi32, #tpu.memory_space<vmem>>
      %dma_start3A_561 = arith.constant 0 : i32
      %dma_start3A_562 = arith.constant 0 : i32
      %dma_start3A_563 = tpu.memref_slice %arg2[%dma_start3A_561, %dma_start3A_562] : memref<10000x128xf32, #tpu.memory_space<hbm>> -> memref<10000x128xf32, #tpu.memory_space<hbm>>
      tpu.enqueue_indirect_dma source(%dma_start3A_563 : memref<10000x128xf32, #tpu.memory_space<hbm>>) target(%arg13 : memref<50x128xf32, #tpu.memory_space<vmem>>) offsets(%dma_start3A_560 : memref<50xi32, #tpu.memory_space<vmem>>) semaphore(%arg21 : memref<!tpu.dma_semaphore, #tpu.memory_space<semaphore_mem>>)
      %add3A_564 = arith.constant 2 : i32
      %add3A_565 = arith.addi %mul3A_418, %add3A_564 : i32
      %dma_wait3A_566 = arith.constant 0 : i32
      %dma_wait3A_567 = tpu.memref_slice %arg11[%add3A_565, %dma_wait3A_566] : memref<100x50xi32, #tpu.memory_space<vmem>> -> memref<1x50xi32, #tpu.memory_space<vmem>>
      %dma_wait3A_568 = tpu.memref_squeeze %dma_wait3A_567 : memref<1x50xi32, #tpu.memory_space<vmem>> -> memref<50xi32, #tpu.memory_space<vmem>>
      %dma_wait3A_569 = arith.constant 0 : i32
      %dma_wait3A_570 = arith.constant 0 : i32
      %dma_wait3A_571 = tpu.memref_slice %arg18[%dma_wait3A_569, %dma_wait3A_570] : memref<10000x128xf32, #tpu.memory_space<vmem_shared>> -> memref<10000x128xf32, #tpu.memory_space<vmem_shared>>
      tpu.wait_indirect_dma semaphore(%arg27 : memref<!tpu.dma_semaphore, #tpu.memory_space<semaphore_mem>>) src(%arg14 : memref<50x128xf32, #tpu.memory_space<vmem>>) dst(%dma_wait3A_571 : memref<10000x128xf32, #tpu.memory_space<vmem_shared>>)
      %add3A_572 = arith.constant 5 : i32
      %add3A_573 = arith.addi %mul3A_418, %add3A_572 : i32
      %add3A_574 = arith.constant 2 : i32
      %add3A_575 = arith.addi %add3A_573, %add3A_574 : i32
      %dma_start3A_576 = arith.constant 0 : i32
      %dma_start3A_577 = tpu.memref_slice %arg10[%add3A_575, %dma_start3A_576] : memref<100x50xi32, #tpu.memory_space<vmem>> -> memref<1x50xi32, #tpu.memory_space<vmem>>
      %dma_start3A_578 = tpu.memref_squeeze %dma_start3A_577 : memref<1x50xi32, #tpu.memory_space<vmem>> -> memref<50xi32, #tpu.memory_space<vmem>>
      %dma_start3A_579 = arith.constant 0 : i32
      %dma_start3A_580 = arith.constant 0 : i32
      %dma_start3A_581 = tpu.memref_slice %arg2[%dma_start3A_579, %dma_start3A_580] : memref<10000x128xf32, #tpu.memory_space<hbm>> -> memref<10000x128xf32, #tpu.memory_space<hbm>>
      tpu.enqueue_indirect_dma source(%dma_start3A_581 : memref<10000x128xf32, #tpu.memory_space<hbm>>) target(%arg14 : memref<50x128xf32, #tpu.memory_space<vmem>>) offsets(%dma_start3A_578 : memref<50xi32, #tpu.memory_space<vmem>>) semaphore(%arg22 : memref<!tpu.dma_semaphore, #tpu.memory_space<semaphore_mem>>)
      %add3A_582 = arith.constant 3 : i32
      %add3A_583 = arith.addi %mul3A_418, %add3A_582 : i32
      %dma_wait3A_584 = arith.constant 0 : i32
      %dma_wait3A_585 = tpu.memref_slice %arg11[%add3A_583, %dma_wait3A_584] : memref<100x50xi32, #tpu.memory_space<vmem>> -> memref<1x50xi32, #tpu.memory_space<vmem>>
      %dma_wait3A_586 = tpu.memref_squeeze %dma_wait3A_585 : memref<1x50xi32, #tpu.memory_space<vmem>> -> memref<50xi32, #tpu.memory_space<vmem>>
      %dma_wait3A_587 = arith.constant 0 : i32
      %dma_wait3A_588 = arith.constant 0 : i32
      %dma_wait3A_589 = tpu.memref_slice %arg18[%dma_wait3A_587, %dma_wait3A_588] : memref<10000x128xf32, #tpu.memory_space<vmem_shared>> -> memref<10000x128xf32, #tpu.memory_space<vmem_shared>>
      tpu.wait_indirect_dma semaphore(%arg28 : memref<!tpu.dma_semaphore, #tpu.memory_space<semaphore_mem>>) src(%arg15 : memref<50x128xf32, #tpu.memory_space<vmem>>) dst(%dma_wait3A_589 : memref<10000x128xf32, #tpu.memory_space<vmem_shared>>)
      %add3A_590 = arith.constant 5 : i32
      %add3A_591 = arith.addi %mul3A_418, %add3A_590 : i32
      %add3A_592 = arith.constant 3 : i32
      %add3A_593 = arith.addi %add3A_591, %add3A_592 : i32
      %dma_start3A_594 = arith.constant 0 : i32
      %dma_start3A_595 = tpu.memref_slice %arg10[%add3A_593, %dma_start3A_594] : memref<100x50xi32, #tpu.memory_space<vmem>> -> memref<1x50xi32, #tpu.memory_space<vmem>>
      %dma_start3A_596 = tpu.memref_squeeze %dma_start3A_595 : memref<1x50xi32, #tpu.memory_space<vmem>> -> memref<50xi32, #tpu.memory_space<vmem>>
      %dma_start3A_597 = arith.constant 0 : i32
      %dma_start3A_598 = arith.constant 0 : i32
      %dma_start3A_599 = tpu.memref_slice %arg2[%dma_start3A_597, %dma_start3A_598] : memref<10000x128xf32, #tpu.memory_space<hbm>> -> memref<10000x128xf32, #tpu.memory_space<hbm>>
      tpu.enqueue_indirect_dma source(%dma_start3A_599 : memref<10000x128xf32, #tpu.memory_space<hbm>>) target(%arg15 : memref<50x128xf32, #tpu.memory_space<vmem>>) offsets(%dma_start3A_596 : memref<50xi32, #tpu.memory_space<vmem>>) semaphore(%arg23 : memref<!tpu.dma_semaphore, #tpu.memory_space<semaphore_mem>>)
      %add3A_600 = arith.constant 4 : i32
      %add3A_601 = arith.addi %mul3A_418, %add3A_600 : i32
      %dma_wait3A_602 = arith.constant 0 : i32
      %dma_wait3A_603 = tpu.memref_slice %arg11[%add3A_601, %dma_wait3A_602] : memref<100x50xi32, #tpu.memory_space<vmem>> -> memref<1x50xi32, #tpu.memory_space<vmem>>
      %dma_wait3A_604 = tpu.memref_squeeze %dma_wait3A_603 : memref<1x50xi32, #tpu.memory_space<vmem>> -> memref<50xi32, #tpu.memory_space<vmem>>
      %dma_wait3A_605 = arith.constant 0 : i32
      %dma_wait3A_606 = arith.constant 0 : i32
      %dma_wait3A_607 = tpu.memref_slice %arg18[%dma_wait3A_605, %dma_wait3A_606] : memref<10000x128xf32, #tpu.memory_space<vmem_shared>> -> memref<10000x128xf32, #tpu.memory_space<vmem_shared>>
      tpu.wait_indirect_dma semaphore(%arg29 : memref<!tpu.dma_semaphore, #tpu.memory_space<semaphore_mem>>) src(%arg16 : memref<50x128xf32, #tpu.memory_space<vmem>>) dst(%dma_wait3A_607 : memref<10000x128xf32, #tpu.memory_space<vmem_shared>>)
      %add3A_608 = arith.constant 5 : i32
      %add3A_609 = arith.addi %mul3A_418, %add3A_608 : i32
      %add3A_610 = arith.constant 4 : i32
      %add3A_611 = arith.addi %add3A_609, %add3A_610 : i32
      %dma_start3A_612 = arith.constant 0 : i32
      %dma_start3A_613 = tpu.memref_slice %arg10[%add3A_611, %dma_start3A_612] : memref<100x50xi32, #tpu.memory_space<vmem>> -> memref<1x50xi32, #tpu.memory_space<vmem>>
      %dma_start3A_614 = tpu.memref_squeeze %dma_start3A_613 : memref<1x50xi32, #tpu.memory_space<vmem>> -> memref<50xi32, #tpu.memory_space<vmem>>
      %dma_start3A_615 = arith.constant 0 : i32
      %dma_start3A_616 = arith.constant 0 : i32
      %dma_start3A_617 = tpu.memref_slice %arg2[%dma_start3A_615, %dma_start3A_616] : memref<10000x128xf32, #tpu.memory_space<hbm>> -> memref<10000x128xf32, #tpu.memory_space<hbm>>
      tpu.enqueue_indirect_dma source(%dma_start3A_617 : memref<10000x128xf32, #tpu.memory_space<hbm>>) target(%arg16 : memref<50x128xf32, #tpu.memory_space<vmem>>) offsets(%dma_start3A_614 : memref<50xi32, #tpu.memory_space<vmem>>) semaphore(%arg24 : memref<!tpu.dma_semaphore, #tpu.memory_space<semaphore_mem>>)
    }
    %scan3A_231 = arith.constant 19 : i32
    %dma_wait3A_232 = arith.constant 95 : i32
    %dma_wait3A_233 = arith.constant 0 : i32
    %dma_wait3A_234 = tpu.memref_slice %arg10[%dma_wait3A_232, %dma_wait3A_233] : memref<100x50xi32, #tpu.memory_space<vmem>> -> memref<1x50xi32, #tpu.memory_space<vmem>>
    %dma_wait3A_235 = tpu.memref_squeeze %dma_wait3A_234 : memref<1x50xi32, #tpu.memory_space<vmem>> -> memref<50xi32, #tpu.memory_space<vmem>>
    %dma_wait3A_236 = arith.constant 0 : i32
    %dma_wait3A_237 = arith.constant 0 : i32
    %dma_wait3A_238 = tpu.memref_slice %arg2[%dma_wait3A_236, %dma_wait3A_237] : memref<10000x128xf32, #tpu.memory_space<hbm>> -> memref<10000x128xf32, #tpu.memory_space<hbm>>
    tpu.wait_indirect_dma semaphore(%arg20 : memref<!tpu.dma_semaphore, #tpu.memory_space<semaphore_mem>>) src(%dma_wait3A_238 : memref<10000x128xf32, #tpu.memory_space<hbm>>) dst(%arg12 : memref<50x128xf32, #tpu.memory_space<vmem>>)
    %dma_start3A_239 = arith.constant 95 : i32
    %dma_start3A_240 = arith.constant 0 : i32
    %dma_start3A_241 = tpu.memref_slice %arg11[%dma_start3A_239, %dma_start3A_240] : memref<100x50xi32, #tpu.memory_space<vmem>> -> memref<1x50xi32, #tpu.memory_space<vmem>>
    %dma_start3A_242 = tpu.memref_squeeze %dma_start3A_241 : memref<1x50xi32, #tpu.memory_space<vmem>> -> memref<50xi32, #tpu.memory_space<vmem>>
    %dma_start3A_243 = arith.constant 0 : i32
    %dma_start3A_244 = arith.constant 0 : i32
    %dma_start3A_245 = tpu.memref_slice %arg18[%dma_start3A_243, %dma_start3A_244] : memref<10000x128xf32, #tpu.memory_space<vmem_shared>> -> memref<10000x128xf32, #tpu.memory_space<vmem_shared>>
    tpu.enqueue_indirect_dma source(%arg12 : memref<50x128xf32, #tpu.memory_space<vmem>>) target(%dma_start3A_245 : memref<10000x128xf32, #tpu.memory_space<vmem_shared>>) offsets(%dma_start3A_242 : memref<50xi32, #tpu.memory_space<vmem>>) semaphore(%arg25 : memref<!tpu.dma_semaphore, #tpu.memory_space<semaphore_mem>>) {add = true}
    %dma_start3A_246 = arith.constant 95 : i32
    %dma_start3A_247 = arith.constant 0 : i32
    %dma_start3A_248 = tpu.memref_slice %arg11[%dma_start3A_246, %dma_start3A_247] : memref<100x50xi32, #tpu.memory_space<vmem>> -> memref<1x50xi32, #tpu.memory_space<vmem>>
    %dma_start3A_249 = tpu.memref_squeeze %dma_start3A_248 : memref<1x50xi32, #tpu.memory_space<vmem>> -> memref<50xi32, #tpu.memory_space<vmem>>
    %dma_start3A_250 = arith.constant 0 : i32
    %dma_start3A_251 = arith.constant 0 : i32
    %dma_start3A_252 = tpu.memref_slice %arg19[%dma_start3A_250, %dma_start3A_251] : memref<10000x8xf32, #tpu.memory_space<vmem_shared>> -> memref<10000x8xf32, #tpu.memory_space<vmem_shared>>
    tpu.enqueue_indirect_dma source(%arg17 : memref<50x8xf32, #tpu.memory_space<vmem>>) target(%dma_start3A_252 : memref<10000x8xf32, #tpu.memory_space<vmem_shared>>) offsets(%dma_start3A_249 : memref<50xi32, #tpu.memory_space<vmem>>) semaphore(%arg30 : memref<!tpu.dma_semaphore, #tpu.memory_space<semaphore_mem>>) {add = true}
    %dma_wait3A_253 = arith.constant 96 : i32
    %dma_wait3A_254 = arith.constant 0 : i32
    %dma_wait3A_255 = tpu.memref_slice %arg10[%dma_wait3A_253, %dma_wait3A_254] : memref<100x50xi32, #tpu.memory_space<vmem>> -> memref<1x50xi32, #tpu.memory_space<vmem>>
    %dma_wait3A_256 = tpu.memref_squeeze %dma_wait3A_255 : memref<1x50xi32, #tpu.memory_space<vmem>> -> memref<50xi32, #tpu.memory_space<vmem>>
    %dma_wait3A_257 = arith.constant 0 : i32
    %dma_wait3A_258 = arith.constant 0 : i32
    %dma_wait3A_259 = tpu.memref_slice %arg2[%dma_wait3A_257, %dma_wait3A_258] : memref<10000x128xf32, #tpu.memory_space<hbm>> -> memref<10000x128xf32, #tpu.memory_space<hbm>>
    tpu.wait_indirect_dma semaphore(%arg21 : memref<!tpu.dma_semaphore, #tpu.memory_space<semaphore_mem>>) src(%dma_wait3A_259 : memref<10000x128xf32, #tpu.memory_space<hbm>>) dst(%arg13 : memref<50x128xf32, #tpu.memory_space<vmem>>)
    %dma_start3A_260 = arith.constant 96 : i32
    %dma_start3A_261 = arith.constant 0 : i32
    %dma_start3A_262 = tpu.memref_slice %arg11[%dma_start3A_260, %dma_start3A_261] : memref<100x50xi32, #tpu.memory_space<vmem>> -> memref<1x50xi32, #tpu.memory_space<vmem>>
    %dma_start3A_263 = tpu.memref_squeeze %dma_start3A_262 : memref<1x50xi32, #tpu.memory_space<vmem>> -> memref<50xi32, #tpu.memory_space<vmem>>
    %dma_start3A_264 = arith.constant 0 : i32
    %dma_start3A_265 = arith.constant 0 : i32
    %dma_start3A_266 = tpu.memref_slice %arg18[%dma_start3A_264, %dma_start3A_265] : memref<10000x128xf32, #tpu.memory_space<vmem_shared>> -> memref<10000x128xf32, #tpu.memory_space<vmem_shared>>
    tpu.enqueue_indirect_dma source(%arg13 : memref<50x128xf32, #tpu.memory_space<vmem>>) target(%dma_start3A_266 : memref<10000x128xf32, #tpu.memory_space<vmem_shared>>) offsets(%dma_start3A_263 : memref<50xi32, #tpu.memory_space<vmem>>) semaphore(%arg26 : memref<!tpu.dma_semaphore, #tpu.memory_space<semaphore_mem>>) {add = true}
    %dma_start3A_267 = arith.constant 96 : i32
    %dma_start3A_268 = arith.constant 0 : i32
    %dma_start3A_269 = tpu.memref_slice %arg11[%dma_start3A_267, %dma_start3A_268] : memref<100x50xi32, #tpu.memory_space<vmem>> -> memref<1x50xi32, #tpu.memory_space<vmem>>
    %dma_start3A_270 = tpu.memref_squeeze %dma_start3A_269 : memref<1x50xi32, #tpu.memory_space<vmem>> -> memref<50xi32, #tpu.memory_space<vmem>>
    %dma_start3A_271 = arith.constant 0 : i32
    %dma_start3A_272 = arith.constant 0 : i32
    %dma_start3A_273 = tpu.memref_slice %arg19[%dma_start3A_271, %dma_start3A_272] : memref<10000x8xf32, #tpu.memory_space<vmem_shared>> -> memref<10000x8xf32, #tpu.memory_space<vmem_shared>>
    tpu.enqueue_indirect_dma source(%arg17 : memref<50x8xf32, #tpu.memory_space<vmem>>) target(%dma_start3A_273 : memref<10000x8xf32, #tpu.memory_space<vmem_shared>>) offsets(%dma_start3A_270 : memref<50xi32, #tpu.memory_space<vmem>>) semaphore(%arg30 : memref<!tpu.dma_semaphore, #tpu.memory_space<semaphore_mem>>) {add = true}
    %dma_wait3A_274 = arith.constant 97 : i32
    %dma_wait3A_275 = arith.constant 0 : i32
    %dma_wait3A_276 = tpu.memref_slice %arg10[%dma_wait3A_274, %dma_wait3A_275] : memref<100x50xi32, #tpu.memory_space<vmem>> -> memref<1x50xi32, #tpu.memory_space<vmem>>
    %dma_wait3A_277 = tpu.memref_squeeze %dma_wait3A_276 : memref<1x50xi32, #tpu.memory_space<vmem>> -> memref<50xi32, #tpu.memory_space<vmem>>
    %dma_wait3A_278 = arith.constant 0 : i32
    %dma_wait3A_279 = arith.constant 0 : i32
    %dma_wait3A_280 = tpu.memref_slice %arg2[%dma_wait3A_278, %dma_wait3A_279] : memref<10000x128xf32, #tpu.memory_space<hbm>> -> memref<10000x128xf32, #tpu.memory_space<hbm>>
    tpu.wait_indirect_dma semaphore(%arg22 : memref<!tpu.dma_semaphore, #tpu.memory_space<semaphore_mem>>) src(%dma_wait3A_280 : memref<10000x128xf32, #tpu.memory_space<hbm>>) dst(%arg14 : memref<50x128xf32, #tpu.memory_space<vmem>>)
    %dma_start3A_281 = arith.constant 97 : i32
    %dma_start3A_282 = arith.constant 0 : i32
    %dma_start3A_283 = tpu.memref_slice %arg11[%dma_start3A_281, %dma_start3A_282] : memref<100x50xi32, #tpu.memory_space<vmem>> -> memref<1x50xi32, #tpu.memory_space<vmem>>
    %dma_start3A_284 = tpu.memref_squeeze %dma_start3A_283 : memref<1x50xi32, #tpu.memory_space<vmem>> -> memref<50xi32, #tpu.memory_space<vmem>>
    %dma_start3A_285 = arith.constant 0 : i32
    %dma_start3A_286 = arith.constant 0 : i32
    %dma_start3A_287 = tpu.memref_slice %arg18[%dma_start3A_285, %dma_start3A_286] : memref<10000x128xf32, #tpu.memory_space<vmem_shared>> -> memref<10000x128xf32, #tpu.memory_space<vmem_shared>>
    tpu.enqueue_indirect_dma source(%arg14 : memref<50x128xf32, #tpu.memory_space<vmem>>) target(%dma_start3A_287 : memref<10000x128xf32, #tpu.memory_space<vmem_shared>>) offsets(%dma_start3A_284 : memref<50xi32, #tpu.memory_space<vmem>>) semaphore(%arg27 : memref<!tpu.dma_semaphore, #tpu.memory_space<semaphore_mem>>) {add = true}
    %dma_start3A_288 = arith.constant 97 : i32
    %dma_start3A_289 = arith.constant 0 : i32
    %dma_start3A_290 = tpu.memref_slice %arg11[%dma_start3A_288, %dma_start3A_289] : memref<100x50xi32, #tpu.memory_space<vmem>> -> memref<1x50xi32, #tpu.memory_space<vmem>>
    %dma_start3A_291 = tpu.memref_squeeze %dma_start3A_290 : memref<1x50xi32, #tpu.memory_space<vmem>> -> memref<50xi32, #tpu.memory_space<vmem>>
    %dma_start3A_292 = arith.constant 0 : i32
    %dma_start3A_293 = arith.constant 0 : i32
    %dma_start3A_294 = tpu.memref_slice %arg19[%dma_start3A_292, %dma_start3A_293] : memref<10000x8xf32, #tpu.memory_space<vmem_shared>> -> memref<10000x8xf32, #tpu.memory_space<vmem_shared>>
    tpu.enqueue_indirect_dma source(%arg17 : memref<50x8xf32, #tpu.memory_space<vmem>>) target(%dma_start3A_294 : memref<10000x8xf32, #tpu.memory_space<vmem_shared>>) offsets(%dma_start3A_291 : memref<50xi32, #tpu.memory_space<vmem>>) semaphore(%arg30 : memref<!tpu.dma_semaphore, #tpu.memory_space<semaphore_mem>>) {add = true}
    %dma_wait3A_295 = arith.constant 98 : i32
    %dma_wait3A_296 = arith.constant 0 : i32
    %dma_wait3A_297 = tpu.memref_slice %arg10[%dma_wait3A_295, %dma_wait3A_296] : memref<100x50xi32, #tpu.memory_space<vmem>> -> memref<1x50xi32, #tpu.memory_space<vmem>>
    %dma_wait3A_298 = tpu.memref_squeeze %dma_wait3A_297 : memref<1x50xi32, #tpu.memory_space<vmem>> -> memref<50xi32, #tpu.memory_space<vmem>>
    %dma_wait3A_299 = arith.constant 0 : i32
    %dma_wait3A_300 = arith.constant 0 : i32
    %dma_wait3A_301 = tpu.memref_slice %arg2[%dma_wait3A_299, %dma_wait3A_300] : memref<10000x128xf32, #tpu.memory_space<hbm>> -> memref<10000x128xf32, #tpu.memory_space<hbm>>
    tpu.wait_indirect_dma semaphore(%arg23 : memref<!tpu.dma_semaphore, #tpu.memory_space<semaphore_mem>>) src(%dma_wait3A_301 : memref<10000x128xf32, #tpu.memory_space<hbm>>) dst(%arg15 : memref<50x128xf32, #tpu.memory_space<vmem>>)
    %dma_start3A_302 = arith.constant 98 : i32
    %dma_start3A_303 = arith.constant 0 : i32
    %dma_start3A_304 = tpu.memref_slice %arg11[%dma_start3A_302, %dma_start3A_303] : memref<100x50xi32, #tpu.memory_space<vmem>> -> memref<1x50xi32, #tpu.memory_space<vmem>>
    %dma_start3A_305 = tpu.memref_squeeze %dma_start3A_304 : memref<1x50xi32, #tpu.memory_space<vmem>> -> memref<50xi32, #tpu.memory_space<vmem>>
    %dma_start3A_306 = arith.constant 0 : i32
    %dma_start3A_307 = arith.constant 0 : i32
    %dma_start3A_308 = tpu.memref_slice %arg18[%dma_start3A_306, %dma_start3A_307] : memref<10000x128xf32, #tpu.memory_space<vmem_shared>> -> memref<10000x128xf32, #tpu.memory_space<vmem_shared>>
    tpu.enqueue_indirect_dma source(%arg15 : memref<50x128xf32, #tpu.memory_space<vmem>>) target(%dma_start3A_308 : memref<10000x128xf32, #tpu.memory_space<vmem_shared>>) offsets(%dma_start3A_305 : memref<50xi32, #tpu.memory_space<vmem>>) semaphore(%arg28 : memref<!tpu.dma_semaphore, #tpu.memory_space<semaphore_mem>>) {add = true}
    %dma_start3A_309 = arith.constant 98 : i32
    %dma_start3A_310 = arith.constant 0 : i32
    %dma_start3A_311 = tpu.memref_slice %arg11[%dma_start3A_309, %dma_start3A_310] : memref<100x50xi32, #tpu.memory_space<vmem>> -> memref<1x50xi32, #tpu.memory_space<vmem>>
    %dma_start3A_312 = tpu.memref_squeeze %dma_start3A_311 : memref<1x50xi32, #tpu.memory_space<vmem>> -> memref<50xi32, #tpu.memory_space<vmem>>
    %dma_start3A_313 = arith.constant 0 : i32
    %dma_start3A_314 = arith.constant 0 : i32
    %dma_start3A_315 = tpu.memref_slice %arg19[%dma_start3A_313, %dma_start3A_314] : memref<10000x8xf32, #tpu.memory_space<vmem_shared>> -> memref<10000x8xf32, #tpu.memory_space<vmem_shared>>
    tpu.enqueue_indirect_dma source(%arg17 : memref<50x8xf32, #tpu.memory_space<vmem>>) target(%dma_start3A_315 : memref<10000x8xf32, #tpu.memory_space<vmem_shared>>) offsets(%dma_start3A_312 : memref<50xi32, #tpu.memory_space<vmem>>) semaphore(%arg30 : memref<!tpu.dma_semaphore, #tpu.memory_space<semaphore_mem>>) {add = true}
    %dma_wait3A_316 = arith.constant 99 : i32
    %dma_wait3A_317 = arith.constant 0 : i32
    %dma_wait3A_318 = tpu.memref_slice %arg10[%dma_wait3A_316, %dma_wait3A_317] : memref<100x50xi32, #tpu.memory_space<vmem>> -> memref<1x50xi32, #tpu.memory_space<vmem>>
    %dma_wait3A_319 = tpu.memref_squeeze %dma_wait3A_318 : memref<1x50xi32, #tpu.memory_space<vmem>> -> memref<50xi32, #tpu.memory_space<vmem>>
    %dma_wait3A_320 = arith.constant 0 : i32
    %dma_wait3A_321 = arith.constant 0 : i32
    %dma_wait3A_322 = tpu.memref_slice %arg2[%dma_wait3A_320, %dma_wait3A_321] : memref<10000x128xf32, #tpu.memory_space<hbm>> -> memref<10000x128xf32, #tpu.memory_space<hbm>>
    tpu.wait_indirect_dma semaphore(%arg24 : memref<!tpu.dma_semaphore, #tpu.memory_space<semaphore_mem>>) src(%dma_wait3A_322 : memref<10000x128xf32, #tpu.memory_space<hbm>>) dst(%arg16 : memref<50x128xf32, #tpu.memory_space<vmem>>)
    %dma_start3A_323 = arith.constant 99 : i32
    %dma_start3A_324 = arith.constant 0 : i32
    %dma_start3A_325 = tpu.memref_slice %arg11[%dma_start3A_323, %dma_start3A_324] : memref<100x50xi32, #tpu.memory_space<vmem>> -> memref<1x50xi32, #tpu.memory_space<vmem>>
    %dma_start3A_326 = tpu.memref_squeeze %dma_start3A_325 : memref<1x50xi32, #tpu.memory_space<vmem>> -> memref<50xi32, #tpu.memory_space<vmem>>
    %dma_start3A_327 = arith.constant 0 : i32
    %dma_start3A_328 = arith.constant 0 : i32
    %dma_start3A_329 = tpu.memref_slice %arg18[%dma_start3A_327, %dma_start3A_328] : memref<10000x128xf32, #tpu.memory_space<vmem_shared>> -> memref<10000x128xf32, #tpu.memory_space<vmem_shared>>
    tpu.enqueue_indirect_dma source(%arg16 : memref<50x128xf32, #tpu.memory_space<vmem>>) target(%dma_start3A_329 : memref<10000x128xf32, #tpu.memory_space<vmem_shared>>) offsets(%dma_start3A_326 : memref<50xi32, #tpu.memory_space<vmem>>) semaphore(%arg29 : memref<!tpu.dma_semaphore, #tpu.memory_space<semaphore_mem>>) {add = true}
    %dma_start3A_330 = arith.constant 99 : i32
    %dma_start3A_331 = arith.constant 0 : i32
    %dma_start3A_332 = tpu.memref_slice %arg11[%dma_start3A_330, %dma_start3A_331] : memref<100x50xi32, #tpu.memory_space<vmem>> -> memref<1x50xi32, #tpu.memory_space<vmem>>
    %dma_start3A_333 = tpu.memref_squeeze %dma_start3A_332 : memref<1x50xi32, #tpu.memory_space<vmem>> -> memref<50xi32, #tpu.memory_space<vmem>>
    %dma_start3A_334 = arith.constant 0 : i32
    %dma_start3A_335 = arith.constant 0 : i32
    %dma_start3A_336 = tpu.memref_slice %arg19[%dma_start3A_334, %dma_start3A_335] : memref<10000x8xf32, #tpu.memory_space<vmem_shared>> -> memref<10000x8xf32, #tpu.memory_space<vmem_shared>>
    tpu.enqueue_indirect_dma source(%arg17 : memref<50x8xf32, #tpu.memory_space<vmem>>) target(%dma_start3A_336 : memref<10000x8xf32, #tpu.memory_space<vmem_shared>>) offsets(%dma_start3A_333 : memref<50xi32, #tpu.memory_space<vmem>>) semaphore(%arg30 : memref<!tpu.dma_semaphore, #tpu.memory_space<semaphore_mem>>) {add = true}
    %dma_wait3A_337 = arith.constant 95 : i32
    %dma_wait3A_338 = arith.constant 0 : i32
    %dma_wait3A_339 = tpu.memref_slice %arg11[%dma_wait3A_337, %dma_wait3A_338] : memref<100x50xi32, #tpu.memory_space<vmem>> -> memref<1x50xi32, #tpu.memory_space<vmem>>
    %dma_wait3A_340 = tpu.memref_squeeze %dma_wait3A_339 : memref<1x50xi32, #tpu.memory_space<vmem>> -> memref<50xi32, #tpu.memory_space<vmem>>
    %dma_wait3A_341 = arith.constant 0 : i32
    %dma_wait3A_342 = arith.constant 0 : i32
    %dma_wait3A_343 = tpu.memref_slice %arg18[%dma_wait3A_341, %dma_wait3A_342] : memref<10000x128xf32, #tpu.memory_space<vmem_shared>> -> memref<10000x128xf32, #tpu.memory_space<vmem_shared>>
    tpu.wait_indirect_dma semaphore(%arg25 : memref<!tpu.dma_semaphore, #tpu.memory_space<semaphore_mem>>) src(%arg12 : memref<50x128xf32, #tpu.memory_space<vmem>>) dst(%dma_wait3A_343 : memref<10000x128xf32, #tpu.memory_space<vmem_shared>>)
    %dma_wait3A_344 = arith.constant 96 : i32
    %dma_wait3A_345 = arith.constant 0 : i32
    %dma_wait3A_346 = tpu.memref_slice %arg11[%dma_wait3A_344, %dma_wait3A_345] : memref<100x50xi32, #tpu.memory_space<vmem>> -> memref<1x50xi32, #tpu.memory_space<vmem>>
    %dma_wait3A_347 = tpu.memref_squeeze %dma_wait3A_346 : memref<1x50xi32, #tpu.memory_space<vmem>> -> memref<50xi32, #tpu.memory_space<vmem>>
    %dma_wait3A_348 = arith.constant 0 : i32
    %dma_wait3A_349 = arith.constant 0 : i32
    %dma_wait3A_350 = tpu.memref_slice %arg18[%dma_wait3A_348, %dma_wait3A_349] : memref<10000x128xf32, #tpu.memory_space<vmem_shared>> -> memref<10000x128xf32, #tpu.memory_space<vmem_shared>>
    tpu.wait_indirect_dma semaphore(%arg26 : memref<!tpu.dma_semaphore, #tpu.memory_space<semaphore_mem>>) src(%arg13 : memref<50x128xf32, #tpu.memory_space<vmem>>) dst(%dma_wait3A_350 : memref<10000x128xf32, #tpu.memory_space<vmem_shared>>)
    %dma_wait3A_351 = arith.constant 97 : i32
    %dma_wait3A_352 = arith.constant 0 : i32
    %dma_wait3A_353 = tpu.memref_slice %arg11[%dma_wait3A_351, %dma_wait3A_352] : memref<100x50xi32, #tpu.memory_space<vmem>> -> memref<1x50xi32, #tpu.memory_space<vmem>>
    %dma_wait3A_354 = tpu.memref_squeeze %dma_wait3A_353 : memref<1x50xi32, #tpu.memory_space<vmem>> -> memref<50xi32, #tpu.memory_space<vmem>>
    %dma_wait3A_355 = arith.constant 0 : i32
    %dma_wait3A_356 = arith.constant 0 : i32
    %dma_wait3A_357 = tpu.memref_slice %arg18[%dma_wait3A_355, %dma_wait3A_356] : memref<10000x128xf32, #tpu.memory_space<vmem_shared>> -> memref<10000x128xf32, #tpu.memory_space<vmem_shared>>
    tpu.wait_indirect_dma semaphore(%arg27 : memref<!tpu.dma_semaphore, #tpu.memory_space<semaphore_mem>>) src(%arg14 : memref<50x128xf32, #tpu.memory_space<vmem>>) dst(%dma_wait3A_357 : memref<10000x128xf32, #tpu.memory_space<vmem_shared>>)
    %dma_wait3A_358 = arith.constant 98 : i32
    %dma_wait3A_359 = arith.constant 0 : i32
    %dma_wait3A_360 = tpu.memref_slice %arg11[%dma_wait3A_358, %dma_wait3A_359] : memref<100x50xi32, #tpu.memory_space<vmem>> -> memref<1x50xi32, #tpu.memory_space<vmem>>
    %dma_wait3A_361 = tpu.memref_squeeze %dma_wait3A_360 : memref<1x50xi32, #tpu.memory_space<vmem>> -> memref<50xi32, #tpu.memory_space<vmem>>
    %dma_wait3A_362 = arith.constant 0 : i32
    %dma_wait3A_363 = arith.constant 0 : i32
    %dma_wait3A_364 = tpu.memref_slice %arg18[%dma_wait3A_362, %dma_wait3A_363] : memref<10000x128xf32, #tpu.memory_space<vmem_shared>> -> memref<10000x128xf32, #tpu.memory_space<vmem_shared>>
    tpu.wait_indirect_dma semaphore(%arg28 : memref<!tpu.dma_semaphore, #tpu.memory_space<semaphore_mem>>) src(%arg15 : memref<50x128xf32, #tpu.memory_space<vmem>>) dst(%dma_wait3A_364 : memref<10000x128xf32, #tpu.memory_space<vmem_shared>>)
    %dma_wait3A_365 = arith.constant 99 : i32
    %dma_wait3A_366 = arith.constant 0 : i32
    %dma_wait3A_367 = tpu.memref_slice %arg11[%dma_wait3A_365, %dma_wait3A_366] : memref<100x50xi32, #tpu.memory_space<vmem>> -> memref<1x50xi32, #tpu.memory_space<vmem>>
    %dma_wait3A_368 = tpu.memref_squeeze %dma_wait3A_367 : memref<1x50xi32, #tpu.memory_space<vmem>> -> memref<50xi32, #tpu.memory_space<vmem>>
    %dma_wait3A_369 = arith.constant 0 : i32
    %dma_wait3A_370 = arith.constant 0 : i32
    %dma_wait3A_371 = tpu.memref_slice %arg18[%dma_wait3A_369, %dma_wait3A_370] : memref<10000x128xf32, #tpu.memory_space<vmem_shared>> -> memref<10000x128xf32, #tpu.memory_space<vmem_shared>>
    tpu.wait_indirect_dma semaphore(%arg29 : memref<!tpu.dma_semaphore, #tpu.memory_space<semaphore_mem>>) src(%arg16 : memref<50x128xf32, #tpu.memory_space<vmem>>) dst(%dma_wait3A_371 : memref<10000x128xf32, #tpu.memory_space<vmem_shared>>)
    %dma_wait3A_372 = arith.constant 0 : i32
    %dma_wait3A_373 = arith.constant 0 : i32
    %dma_wait3A_374 = tpu.memref_slice %arg19[%dma_wait3A_372, %dma_wait3A_373] : memref<10000x8xf32, #tpu.memory_space<vmem_shared>> -> memref<5000x8xf32, #tpu.memory_space<vmem_shared>>
    %dma_wait3A_375 = arith.constant 0 : i32
    %dma_wait3A_376 = arith.constant 0 : i32
    %dma_wait3A_377 = tpu.memref_slice %arg9[%arg0, %dma_wait3A_375, %dma_wait3A_376] : memref<2x10000x8xf32, #tpu.memory_space<hbm>> -> memref<1x5000x8xf32, #tpu.memory_space<hbm>>
    %dma_wait3A_378 = tpu.memref_squeeze %dma_wait3A_377 : memref<1x5000x8xf32, #tpu.memory_space<hbm>> -> memref<5000x8xf32, #tpu.memory_space<hbm>>
    tpu.wait_dma2 semaphore(%arg30 : memref<!tpu.dma_semaphore, #tpu.memory_space<semaphore_mem>>) src(%dma_wait3A_378 : memref<5000x8xf32, #tpu.memory_space<hbm>>) dst(%dma_wait3A_374 : memref<5000x8xf32, #tpu.memory_space<vmem_shared>>)
    %barrier3A_379 = arith.constant 0 : index
    tpu.barrier barrier_id(%barrier3A_379)
    %mul3A_380 = arith.constant 625 : i32
    %mul3A_381 = arith.muli %arg1, %mul3A_380 : i32
    %mul3A_382 = arith.constant 625 : i32
    %mul3A_383 = arith.muli %arg1, %mul3A_382 : i32
    %dma_start3A_384 = arith.constant 0 : i32
    %dma_start3A_385 = tpu.memref_slice %arg8[%arg0, %mul3A_383, %dma_start3A_384] : memref<2x10000x128xf32, #tpu.memory_space<hbm>> -> memref<1x625x128xf32, #tpu.memory_space<hbm>>
    %dma_start3A_386 = tpu.memref_squeeze %dma_start3A_385 : memref<1x625x128xf32, #tpu.memory_space<hbm>> -> memref<625x128xf32, #tpu.memory_space<hbm>>
    %dma_start3A_387 = arith.constant 0 : i32
    %dma_start3A_388 = tpu.memref_slice %arg18[%mul3A_381, %dma_start3A_387] : memref<10000x128xf32, #tpu.memory_space<vmem_shared>> -> memref<625x128xf32, #tpu.memory_space<vmem_shared>>
    tpu.enqueue_dma source(%dma_start3A_388 : memref<625x128xf32, #tpu.memory_space<vmem_shared>>) target(%dma_start3A_386 : memref<625x128xf32, #tpu.memory_space<hbm>>) target_semaphore(%arg20 : memref<!tpu.dma_semaphore, #tpu.memory_space<semaphore_mem>>)
    %mul3A_389 = arith.constant 625 : i32
    %mul3A_390 = arith.muli %arg1, %mul3A_389 : i32
    %mul3A_391 = arith.constant 625 : i32
    %mul3A_392 = arith.muli %arg1, %mul3A_391 : i32
    %dma_start3A_393 = arith.constant 0 : i32
    %dma_start3A_394 = tpu.memref_slice %arg9[%arg0, %mul3A_392, %dma_start3A_393] : memref<2x10000x8xf32, #tpu.memory_space<hbm>> -> memref<1x625x8xf32, #tpu.memory_space<hbm>>
    %dma_start3A_395 = tpu.memref_squeeze %dma_start3A_394 : memref<1x625x8xf32, #tpu.memory_space<hbm>> -> memref<625x8xf32, #tpu.memory_space<hbm>>
    %dma_start3A_396 = arith.constant 0 : i32
    %dma_start3A_397 = tpu.memref_slice %arg19[%mul3A_390, %dma_start3A_396] : memref<10000x8xf32, #tpu.memory_space<vmem_shared>> -> memref<625x8xf32, #tpu.memory_space<vmem_shared>>
    tpu.enqueue_dma source(%dma_start3A_397 : memref<625x8xf32, #tpu.memory_space<vmem_shared>>) target(%dma_start3A_395 : memref<625x8xf32, #tpu.memory_space<hbm>>) target_semaphore(%arg21 : memref<!tpu.dma_semaphore, #tpu.memory_space<semaphore_mem>>)
    %mul3A_398 = arith.constant 625 : i32
    %mul3A_399 = arith.muli %arg1, %mul3A_398 : i32
    %mul3A_400 = arith.constant 625 : i32
    %mul3A_401 = arith.muli %arg1, %mul3A_400 : i32
    %dma_wait3A_402 = arith.constant 0 : i32
    %dma_wait3A_403 = tpu.memref_slice %arg8[%arg0, %mul3A_401, %dma_wait3A_402] : memref<2x10000x128xf32, #tpu.memory_space<hbm>> -> memref<1x625x128xf32, #tpu.memory_space<hbm>>
    %dma_wait3A_404 = tpu.memref_squeeze %dma_wait3A_403 : memref<1x625x128xf32, #tpu.memory_space<hbm>> -> memref<625x128xf32, #tpu.memory_space<hbm>>
    %dma_wait3A_405 = arith.constant 0 : i32
    %dma_wait3A_406 = tpu.memref_slice %arg18[%mul3A_399, %dma_wait3A_405] : memref<10000x128xf32, #tpu.memory_space<vmem_shared>> -> memref<625x128xf32, #tpu.memory_space<vmem_shared>>
    tpu.wait_dma2 semaphore(%arg20 : memref<!tpu.dma_semaphore, #tpu.memory_space<semaphore_mem>>) src(%dma_wait3A_406 : memref<625x128xf32, #tpu.memory_space<vmem_shared>>) dst(%dma_wait3A_404 : memref<625x128xf32, #tpu.memory_space<hbm>>)
    %mul3A_407 = arith.constant 625 : i32
    %mul3A_408 = arith.muli %arg1, %mul3A_407 : i32
    %mul3A_409 = arith.constant 625 : i32
    %mul3A_410 = arith.muli %arg1, %mul3A_409 : i32
    %dma_wait3A_411 = arith.constant 0 : i32
    %dma_wait3A_412 = tpu.memref_slice %arg9[%arg0, %mul3A_410, %dma_wait3A_411] : memref<2x10000x8xf32, #tpu.memory_space<hbm>> -> memref<1x625x8xf32, #tpu.memory_space<hbm>>
    %dma_wait3A_413 = tpu.memref_squeeze %dma_wait3A_412 : memref<1x625x8xf32, #tpu.memory_space<hbm>> -> memref<625x8xf32, #tpu.memory_space<hbm>>
    %dma_wait3A_414 = arith.constant 0 : i32
    %dma_wait3A_415 = tpu.memref_slice %arg19[%mul3A_408, %dma_wait3A_414] : memref<10000x8xf32, #tpu.memory_space<vmem_shared>> -> memref<625x8xf32, #tpu.memory_space<vmem_shared>>
    tpu.wait_dma2 semaphore(%arg21 : memref<!tpu.dma_semaphore, #tpu.memory_space<semaphore_mem>>) src(%dma_wait3A_415 : memref<625x8xf32, #tpu.memory_space<vmem_shared>>) dst(%dma_wait3A_413 : memref<625x8xf32, #tpu.memory_space<hbm>>)
    return
  }
}

#map = affine_map<(d0, d1) -> (0, 0)>
#map1 = affine_map<(d0, d1) -> (0, 0, 0, 0, 0)>
#map2 = affine_map<(d0, d1) -> (0, 0, 0)>
module attributes {stable_mosaic.version = 14 : i64} {
  func.func @_sc_segment_sum(%arg0: i32, %arg1: i32, %arg2: memref<10000x128xf32, #tpu.memory_space<hbm>>, %arg3: memref<2x16x2x100x50xi32, #tpu.memory_space<hbm>>, %arg4: memref<2x16x2x100x50xi32, #tpu.memory_space<hbm>>, %arg5: memref<625x128xf32, #tpu.memory_space<hbm>>, %arg6: memref<625x8xf32, #tpu.memory_space<hbm>>, %arg7: memref<50x8xf32, #tpu.memory_space<hbm>>, %arg8: memref<2x10000x128xf32, #tpu.memory_space<hbm>>, %arg9: memref<2x10000x8xf32, #tpu.memory_space<hbm>>, %arg10: memref<100x50xi32, #tpu.memory_space<vmem>>, %arg11: memref<100x50xi32, #tpu.memory_space<vmem>>, %arg12: memref<50x128xf32, #tpu.memory_space<vmem>>, %arg13: memref<50x128xf32, #tpu.memory_space<vmem>>, %arg14: memref<50x128xf32, #tpu.memory_space<vmem>>, %arg15: memref<50x128xf32, #tpu.memory_space<vmem>>, %arg16: memref<50x128xf32, #tpu.memory_space<vmem>>, %arg17: memref<50x8xf32, #tpu.memory_space<vmem>>, %arg18: memref<10000x128xf32, #tpu.memory_space<vmem_shared>>, %arg19: memref<10000x8xf32, #tpu.memory_space<vmem_shared>>, %arg20: memref<!tpu.dma_semaphore, #tpu.memory_space<semaphore_mem>>, %arg21: memref<!tpu.dma_semaphore, #tpu.memory_space<semaphore_mem>>, %arg22: memref<!tpu.dma_semaphore, #tpu.memory_space<semaphore_mem>>, %arg23: memref<!tpu.dma_semaphore, #tpu.memory_space<semaphore_mem>>, %arg24: memref<!tpu.dma_semaphore, #tpu.memory_space<semaphore_mem>>, %arg25: memref<!tpu.dma_semaphore, #tpu.memory_space<semaphore_mem>>, %arg26: memref<!tpu.dma_semaphore, #tpu.memory_space<semaphore_mem>>, %arg27: memref<!tpu.dma_semaphore, #tpu.memory_space<semaphore_mem>>, %arg28: memref<!tpu.dma_semaphore, #tpu.memory_space<semaphore_mem>>, %arg29: memref<!tpu.dma_semaphore, #tpu.memory_space<semaphore_mem>>, %arg30: memref<!tpu.dma_semaphore, #tpu.memory_space<semaphore_mem>>) attributes {dimension_semantics = [#tpu.dimension_semantics<core_parallel>, #tpu.dimension_semantics<subcore_parallel>], iteration_bounds = array<i64: 2, 16>, scalar_prefetch = 0 : i64, scratch_operands = 21 : i64, tpu.core_type = #tpu.core_type<sc_vector_subcore>, window_params = [{transform_indices = #map}, {transform_indices = #map1}, {transform_indices = #map1}, {transform_indices = #map}, {transform_indices = #map}, {transform_indices = #map}, {transform_indices = #map2}, {transform_indices = #map2}]} {
    "tpu.region"() ({
      %run_scoped3A_416 = tpu.sem_alloc : memref<!tpu.dma_semaphore, #tpu.memory_space<semaphore_mem>>
      tpu.enqueue_dma source(%arg7 : memref<50x8xf32, #tpu.memory_space<hbm>>) target(%arg17 : memref<50x8xf32, #tpu.memory_space<vmem>>) target_semaphore(%run_scoped3A_416 : memref<!tpu.dma_semaphore, #tpu.memory_space<semaphore_mem>>)
      tpu.wait_dma2 semaphore(%run_scoped3A_416 : memref<!tpu.dma_semaphore, #tpu.memory_space<semaphore_mem>>) src(%arg7 : memref<50x8xf32, #tpu.memory_space<hbm>>) dst(%arg17 : memref<50x8xf32, #tpu.memory_space<vmem>>)
      tpu.yield
    }) : () -> ()
    %run_scoped3A = arith.constant 0 : i32
    "tpu.region"() ({
      %run_scoped3A_416 = tpu.sem_alloc : memref<!tpu.dma_semaphore, #tpu.memory_space<semaphore_mem>>
      %dma_start3A_417 = arith.constant 0 : i32
      %dma_start3A_418 = arith.constant 0 : i32
      %dma_start3A_419 = tpu.memref_slice %arg3[%arg0, %arg1, %run_scoped3A, %dma_start3A_417, %dma_start3A_418] : memref<2x16x2x100x50xi32, #tpu.memory_space<hbm>> -> memref<1x1x1x100x50xi32, #tpu.memory_space<hbm>>
      %dma_start3A_420 = tpu.memref_squeeze %dma_start3A_419 : memref<1x1x1x100x50xi32, #tpu.memory_space<hbm>> -> memref<100x50xi32, #tpu.memory_space<hbm>>
      %dma_start3A_421 = arith.constant 0 : i32
      %dma_start3A_422 = arith.constant 0 : i32
      %dma_start3A_423 = tpu.memref_slice %arg3[%arg0, %arg1, %run_scoped3A, %dma_start3A_421, %dma_start3A_422] : memref<2x16x2x100x50xi32, #tpu.memory_space<hbm>> -> memref<1x1x1x100x50xi32, #tpu.memory_space<hbm>>
      %dma_start3A_424 = tpu.memref_squeeze %dma_start3A_423 : memref<1x1x1x100x50xi32, #tpu.memory_space<hbm>> -> memref<100x50xi32, #tpu.memory_space<hbm>>
      tpu.enqueue_dma source(%dma_start3A_424 : memref<100x50xi32, #tpu.memory_space<hbm>>) target(%arg10 : memref<100x50xi32, #tpu.memory_space<vmem>>) target_semaphore(%run_scoped3A_416 : memref<!tpu.dma_semaphore, #tpu.memory_space<semaphore_mem>>)
      %dma_wait3A_425 = arith.constant 0 : i32
      %dma_wait3A_426 = arith.constant 0 : i32
      %dma_wait3A_427 = tpu.memref_slice %arg3[%arg0, %arg1, %run_scoped3A, %dma_wait3A_425, %dma_wait3A_426] : memref<2x16x2x100x50xi32, #tpu.memory_space<hbm>> -> memref<1x1x1x100x50xi32, #tpu.memory_space<hbm>>
      %dma_wait3A_428 = tpu.memref_squeeze %dma_wait3A_427 : memref<1x1x1x100x50xi32, #tpu.memory_space<hbm>> -> memref<100x50xi32, #tpu.memory_space<hbm>>
      %dma_wait3A_429 = arith.constant 0 : i32
      %dma_wait3A_430 = arith.constant 0 : i32
      %dma_wait3A_431 = tpu.memref_slice %arg3[%arg0, %arg1, %run_scoped3A, %dma_wait3A_429, %dma_wait3A_430] : memref<2x16x2x100x50xi32, #tpu.memory_space<hbm>> -> memref<1x1x1x100x50xi32, #tpu.memory_space<hbm>>
      %dma_wait3A_432 = tpu.memref_squeeze %dma_wait3A_431 : memref<1x1x1x100x50xi32, #tpu.memory_space<hbm>> -> memref<100x50xi32, #tpu.memory_space<hbm>>
      tpu.wait_dma2 semaphore(%run_scoped3A_416 : memref<!tpu.dma_semaphore, #tpu.memory_space<semaphore_mem>>) src(%dma_wait3A_432 : memref<100x50xi32, #tpu.memory_space<hbm>>) dst(%arg10 : memref<100x50xi32, #tpu.memory_space<vmem>>)
      tpu.yield
    }) : () -> ()
    %run_scoped3A_0 = arith.constant 0 : i32
    "tpu.region"() ({
      %run_scoped3A_416 = tpu.sem_alloc : memref<!tpu.dma_semaphore, #tpu.memory_space<semaphore_mem>>
      %dma_start3A_417 = arith.constant 0 : i32
      %dma_start3A_418 = arith.constant 0 : i32
      %dma_start3A_419 = tpu.memref_slice %arg4[%arg0, %arg1, %run_scoped3A_0, %dma_start3A_417, %dma_start3A_418] : memref<2x16x2x100x50xi32, #tpu.memory_space<hbm>> -> memref<1x1x1x100x50xi32, #tpu.memory_space<hbm>>
      %dma_start3A_420 = tpu.memref_squeeze %dma_start3A_419 : memref<1x1x1x100x50xi32, #tpu.memory_space<hbm>> -> memref<100x50xi32, #tpu.memory_space<hbm>>
      %dma_start3A_421 = arith.constant 0 : i32
      %dma_start3A_422 = arith.constant 0 : i32
      %dma_start3A_423 = tpu.memref_slice %arg4[%arg0, %arg1, %run_scoped3A_0, %dma_start3A_421, %dma_start3A_422] : memref<2x16x2x100x50xi32, #tpu.memory_space<hbm>> -> memref<1x1x1x100x50xi32, #tpu.memory_space<hbm>>
      %dma_start3A_424 = tpu.memref_squeeze %dma_start3A_423 : memref<1x1x1x100x50xi32, #tpu.memory_space<hbm>> -> memref<100x50xi32, #tpu.memory_space<hbm>>
      tpu.enqueue_dma source(%dma_start3A_424 : memref<100x50xi32, #tpu.memory_space<hbm>>) target(%arg11 : memref<100x50xi32, #tpu.memory_space<vmem>>) target_semaphore(%run_scoped3A_416 : memref<!tpu.dma_semaphore, #tpu.memory_space<semaphore_mem>>)
      %dma_wait3A_425 = arith.constant 0 : i32
      %dma_wait3A_426 = arith.constant 0 : i32
      %dma_wait3A_427 = tpu.memref_slice %arg4[%arg0, %arg1, %run_scoped3A_0, %dma_wait3A_425, %dma_wait3A_426] : memref<2x16x2x100x50xi32, #tpu.memory_space<hbm>> -> memref<1x1x1x100x50xi32, #tpu.memory_space<hbm>>
      %dma_wait3A_428 = tpu.memref_squeeze %dma_wait3A_427 : memref<1x1x1x100x50xi32, #tpu.memory_space<hbm>> -> memref<100x50xi32, #tpu.memory_space<hbm>>
      %dma_wait3A_429 = arith.constant 0 : i32
      %dma_wait3A_430 = arith.constant 0 : i32
      %dma_wait3A_431 = tpu.memref_slice %arg4[%arg0, %arg1, %run_scoped3A_0, %dma_wait3A_429, %dma_wait3A_430] : memref<2x16x2x100x50xi32, #tpu.memory_space<hbm>> -> memref<1x1x1x100x50xi32, #tpu.memory_space<hbm>>
      %dma_wait3A_432 = tpu.memref_squeeze %dma_wait3A_431 : memref<1x1x1x100x50xi32, #tpu.memory_space<hbm>> -> memref<100x50xi32, #tpu.memory_space<hbm>>
      tpu.wait_dma2 semaphore(%run_scoped3A_416 : memref<!tpu.dma_semaphore, #tpu.memory_space<semaphore_mem>>) src(%dma_wait3A_432 : memref<100x50xi32, #tpu.memory_space<hbm>>) dst(%arg11 : memref<100x50xi32, #tpu.memory_space<vmem>>)
      tpu.yield
    }) : () -> ()
    %dma_start3A = arith.constant 0 : i32
    %dma_start3A_1 = arith.constant 0 : i32
    %dma_start3A_2 = tpu.memref_slice %arg10[%dma_start3A, %dma_start3A_1] : memref<100x50xi32, #tpu.memory_space<vmem>> -> memref<1x50xi32, #tpu.memory_space<vmem>>
    %dma_start3A_3 = tpu.memref_squeeze %dma_start3A_2 : memref<1x50xi32, #tpu.memory_space<vmem>> -> memref<50xi32, #tpu.memory_space<vmem>>
    %dma_start3A_4 = arith.constant 0 : i32
    %dma_start3A_5 = arith.constant 0 : i32
    %dma_start3A_6 = tpu.memref_slice %arg2[%dma_start3A_4, %dma_start3A_5] : memref<10000x128xf32, #tpu.memory_space<hbm>> -> memref<10000x128xf32, #tpu.memory_space<hbm>>
    tpu.enqueue_indirect_dma source(%dma_start3A_6 : memref<10000x128xf32, #tpu.memory_space<hbm>>) target(%arg12 : memref<50x128xf32, #tpu.memory_space<vmem>>) offsets(%dma_start3A_3 : memref<50xi32, #tpu.memory_space<vmem>>) semaphore(%arg20 : memref<!tpu.dma_semaphore, #tpu.memory_space<semaphore_mem>>)
    %dma_start3A_7 = arith.constant 1 : i32
    %dma_start3A_8 = arith.constant 0 : i32
    %dma_start3A_9 = tpu.memref_slice %arg10[%dma_start3A_7, %dma_start3A_8] : memref<100x50xi32, #tpu.memory_space<vmem>> -> memref<1x50xi32, #tpu.memory_space<vmem>>
    %dma_start3A_10 = tpu.memref_squeeze %dma_start3A_9 : memref<1x50xi32, #tpu.memory_space<vmem>> -> memref<50xi32, #tpu.memory_space<vmem>>
    %dma_start3A_11 = arith.constant 0 : i32
    %dma_start3A_12 = arith.constant 0 : i32
    %dma_start3A_13 = tpu.memref_slice %arg2[%dma_start3A_11, %dma_start3A_12] : memref<10000x128xf32, #tpu.memory_space<hbm>> -> memref<10000x128xf32, #tpu.memory_space<hbm>>
    tpu.enqueue_indirect_dma source(%dma_start3A_13 : memref<10000x128xf32, #tpu.memory_space<hbm>>) target(%arg13 : memref<50x128xf32, #tpu.memory_space<vmem>>) offsets(%dma_start3A_10 : memref<50xi32, #tpu.memory_space<vmem>>) semaphore(%arg21 : memref<!tpu.dma_semaphore, #tpu.memory_space<semaphore_mem>>)
    %dma_start3A_14 = arith.constant 2 : i32
    %dma_start3A_15 = arith.constant 0 : i32
    %dma_start3A_16 = tpu.memref_slice %arg10[%dma_start3A_14, %dma_start3A_15] : memref<100x50xi32, #tpu.memory_space<vmem>> -> memref<1x50xi32, #tpu.memory_space<vmem>>
    %dma_start3A_17 = tpu.memref_squeeze %dma_start3A_16 : memref<1x50xi32, #tpu.memory_space<vmem>> -> memref<50xi32, #tpu.memory_space<vmem>>
    %dma_start3A_18 = arith.constant 0 : i32
    %dma_start3A_19 = arith.constant 0 : i32
    %dma_start3A_20 = tpu.memref_slice %arg2[%dma_start3A_18, %dma_start3A_19] : memref<10000x128xf32, #tpu.memory_space<hbm>> -> memref<10000x128xf32, #tpu.memory_space<hbm>>
    tpu.enqueue_indirect_dma source(%dma_start3A_20 : memref<10000x128xf32, #tpu.memory_space<hbm>>) target(%arg14 : memref<50x128xf32, #tpu.memory_space<vmem>>) offsets(%dma_start3A_17 : memref<50xi32, #tpu.memory_space<vmem>>) semaphore(%arg22 : memref<!tpu.dma_semaphore, #tpu.memory_space<semaphore_mem>>)
    %dma_start3A_21 = arith.constant 3 : i32
    %dma_start3A_22 = arith.constant 0 : i32
    %dma_start3A_23 = tpu.memref_slice %arg10[%dma_start3A_21, %dma_start3A_22] : memref<100x50xi32, #tpu.memory_space<vmem>> -> memref<1x50xi32, #tpu.memory_space<vmem>>
    %dma_start3A_24 = tpu.memref_squeeze %dma_start3A_23 : memref<1x50xi32, #tpu.memory_space<vmem>> -> memref<50xi32, #tpu.memory_space<vmem>>
    %dma_start3A_25 = arith.constant 0 : i32
    %dma_start3A_26 = arith.constant 0 : i32
    %dma_start3A_27 = tpu.memref_slice %arg2[%dma_start3A_25, %dma_start3A_26] : memref<10000x128xf32, #tpu.memory_space<hbm>> -> memref<10000x128xf32, #tpu.memory_space<hbm>>
    tpu.enqueue_indirect_dma source(%dma_start3A_27 : memref<10000x128xf32, #tpu.memory_space<hbm>>) target(%arg15 : memref<50x128xf32, #tpu.memory_space<vmem>>) offsets(%dma_start3A_24 : memref<50xi32, #tpu.memory_space<vmem>>) semaphore(%arg23 : memref<!tpu.dma_semaphore, #tpu.memory_space<semaphore_mem>>)
    %dma_start3A_28 = arith.constant 4 : i32
    %dma_start3A_29 = arith.constant 0 : i32
    %dma_start3A_30 = tpu.memref_slice %arg10[%dma_start3A_28, %dma_start3A_29] : memref<100x50xi32, #tpu.memory_space<vmem>> -> memref<1x50xi32, #tpu.memory_space<vmem>>
    %dma_start3A_31 = tpu.memref_squeeze %dma_start3A_30 : memref<1x50xi32, #tpu.memory_space<vmem>> -> memref<50xi32, #tpu.memory_space<vmem>>
    %dma_start3A_32 = arith.constant 0 : i32
    %dma_start3A_33 = arith.constant 0 : i32
    %dma_start3A_34 = tpu.memref_slice %arg2[%dma_start3A_32, %dma_start3A_33] : memref<10000x128xf32, #tpu.memory_space<hbm>> -> memref<10000x128xf32, #tpu.memory_space<hbm>>
    tpu.enqueue_indirect_dma source(%dma_start3A_34 : memref<10000x128xf32, #tpu.memory_space<hbm>>) target(%arg16 : memref<50x128xf32, #tpu.memory_space<vmem>>) offsets(%dma_start3A_31 : memref<50xi32, #tpu.memory_space<vmem>>) semaphore(%arg24 : memref<!tpu.dma_semaphore, #tpu.memory_space<semaphore_mem>>)
    %mul3A = arith.constant 625 : i32
    %mul3A_35 = arith.muli %arg1, %mul3A : i32
    "tpu.region"() ({
      %run_scoped3A_416 = tpu.sem_alloc : memref<!tpu.dma_semaphore, #tpu.memory_space<semaphore_mem>>
      %dma_start3A_417 = arith.constant 0 : i32
      %dma_start3A_418 = tpu.memref_slice %arg18[%mul3A_35, %dma_start3A_417] : memref<10000x128xf32, #tpu.memory_space<vmem_shared>> -> memref<625x128xf32, #tpu.memory_space<vmem_shared>>
      tpu.enqueue_dma source(%arg5 : memref<625x128xf32, #tpu.memory_space<hbm>>) target(%dma_start3A_418 : memref<625x128xf32, #tpu.memory_space<vmem_shared>>) target_semaphore(%run_scoped3A_416 : memref<!tpu.dma_semaphore, #tpu.memory_space<semaphore_mem>>)
      %dma_wait3A_419 = arith.constant 0 : i32
      %dma_wait3A_420 = tpu.memref_slice %arg18[%mul3A_35, %dma_wait3A_419] : memref<10000x128xf32, #tpu.memory_space<vmem_shared>> -> memref<625x128xf32, #tpu.memory_space<vmem_shared>>
      tpu.wait_dma2 semaphore(%run_scoped3A_416 : memref<!tpu.dma_semaphore, #tpu.memory_space<semaphore_mem>>) src(%arg5 : memref<625x128xf32, #tpu.memory_space<hbm>>) dst(%dma_wait3A_420 : memref<625x128xf32, #tpu.memory_space<vmem_shared>>)
      tpu.yield
    }) : () -> ()
    %mul3A_36 = arith.constant 625 : i32
    %mul3A_37 = arith.muli %arg1, %mul3A_36 : i32
    "tpu.region"() ({
      %run_scoped3A_416 = tpu.sem_alloc : memref<!tpu.dma_semaphore, #tpu.memory_space<semaphore_mem>>
      %dma_start3A_417 = arith.constant 0 : i32
      %dma_start3A_418 = tpu.memref_slice %arg19[%mul3A_37, %dma_start3A_417] : memref<10000x8xf32, #tpu.memory_space<vmem_shared>> -> memref<625x8xf32, #tpu.memory_space<vmem_shared>>
      tpu.enqueue_dma source(%arg6 : memref<625x8xf32, #tpu.memory_space<hbm>>) target(%dma_start3A_418 : memref<625x8xf32, #tpu.memory_space<vmem_shared>>) target_semaphore(%run_scoped3A_416 : memref<!tpu.dma_semaphore, #tpu.memory_space<semaphore_mem>>)
      %dma_wait3A_419 = arith.constant 0 : i32
      %dma_wait3A_420 = tpu.memref_slice %arg19[%mul3A_37, %dma_wait3A_419] : memref<10000x8xf32, #tpu.memory_space<vmem_shared>> -> memref<625x8xf32, #tpu.memory_space<vmem_shared>>
      tpu.wait_dma2 semaphore(%run_scoped3A_416 : memref<!tpu.dma_semaphore, #tpu.memory_space<semaphore_mem>>) src(%arg6 : memref<625x8xf32, #tpu.memory_space<hbm>>) dst(%dma_wait3A_420 : memref<625x8xf32, #tpu.memory_space<vmem_shared>>)
      tpu.yield
    }) : () -> ()
    %barrier3A = arith.constant 0 : index
    tpu.barrier barrier_id(%barrier3A)
    %scan3A = arith.constant 0 : i32
    %scan3A_38 = arith.constant 0 : i32
    %scan3A_39 = arith.constant 19 : i32
    %scan3A_40 = arith.addi %scan3A_38, %scan3A_39 : i32
    %scan3A_41 = arith.constant 1 : i32
    scf.for %scan3A_416 = %scan3A_38 to %scan3A_40 step %scan3A_41  : i32 {
      %mul3A_417 = arith.constant 5 : i32
      %mul3A_418 = arith.muli %mul3A_417, %scan3A_416 : i32
      %add3A = arith.constant 0 : i32
      %add3A_419 = arith.addi %mul3A_418, %add3A : i32
      %dma_wait3A_420 = arith.constant 0 : i32
      %dma_wait3A_421 = tpu.memref_slice %arg10[%add3A_419, %dma_wait3A_420] : memref<100x50xi32, #tpu.memory_space<vmem>> -> memref<1x50xi32, #tpu.memory_space<vmem>>
      %dma_wait3A_422 = tpu.memref_squeeze %dma_wait3A_421 : memref<1x50xi32, #tpu.memory_space<vmem>> -> memref<50xi32, #tpu.memory_space<vmem>>
      %dma_wait3A_423 = arith.constant 0 : i32
      %dma_wait3A_424 = arith.constant 0 : i32
      %dma_wait3A_425 = tpu.memref_slice %arg2[%dma_wait3A_423, %dma_wait3A_424] : memref<10000x128xf32, #tpu.memory_space<hbm>> -> memref<10000x128xf32, #tpu.memory_space<hbm>>
      tpu.wait_indirect_dma semaphore(%arg20 : memref<!tpu.dma_semaphore, #tpu.memory_space<semaphore_mem>>) src(%dma_wait3A_425 : memref<10000x128xf32, #tpu.memory_space<hbm>>) dst(%arg12 : memref<50x128xf32, #tpu.memory_space<vmem>>)
      %add3A_426 = arith.constant 0 : i32
      %add3A_427 = arith.addi %mul3A_418, %add3A_426 : i32
      %dma_start3A_428 = arith.constant 0 : i32
      %dma_start3A_429 = tpu.memref_slice %arg11[%add3A_427, %dma_start3A_428] : memref<100x50xi32, #tpu.memory_space<vmem>> -> memref<1x50xi32, #tpu.memory_space<vmem>>
      %dma_start3A_430 = tpu.memref_squeeze %dma_start3A_429 : memref<1x50xi32, #tpu.memory_space<vmem>> -> memref<50xi32, #tpu.memory_space<vmem>>
      %dma_start3A_431 = arith.constant 0 : i32
      %dma_start3A_432 = arith.constant 0 : i32
      %dma_start3A_433 = tpu.memref_slice %arg18[%dma_start3A_431, %dma_start3A_432] : memref<10000x128xf32, #tpu.memory_space<vmem_shared>> -> memref<10000x128xf32, #tpu.memory_space<vmem_shared>>
      tpu.enqueue_indirect_dma source(%arg12 : memref<50x128xf32, #tpu.memory_space<vmem>>) target(%dma_start3A_433 : memref<10000x128xf32, #tpu.memory_space<vmem_shared>>) offsets(%dma_start3A_430 : memref<50xi32, #tpu.memory_space<vmem>>) semaphore(%arg25 : memref<!tpu.dma_semaphore, #tpu.memory_space<semaphore_mem>>) {add = true}
      %dma_start3A_434 = arith.constant 0 : i32
      %dma_start3A_435 = tpu.memref_slice %arg11[%add3A_427, %dma_start3A_434] : memref<100x50xi32, #tpu.memory_space<vmem>> -> memref<1x50xi32, #tpu.memory_space<vmem>>
      %dma_start3A_436 = tpu.memref_squeeze %dma_start3A_435 : memref<1x50xi32, #tpu.memory_space<vmem>> -> memref<50xi32, #tpu.memory_space<vmem>>
      %dma_start3A_437 = arith.constant 0 : i32
      %dma_start3A_438 = arith.constant 0 : i32
      %dma_start3A_439 = tpu.memref_slice %arg19[%dma_start3A_437, %dma_start3A_438] : memref<10000x8xf32, #tpu.memory_space<vmem_shared>> -> memref<10000x8xf32, #tpu.memory_space<vmem_shared>>
      tpu.enqueue_indirect_dma source(%arg17 : memref<50x8xf32, #tpu.memory_space<vmem>>) target(%dma_start3A_439 : memref<10000x8xf32, #tpu.memory_space<vmem_shared>>) offsets(%dma_start3A_436 : memref<50xi32, #tpu.memory_space<vmem>>) semaphore(%arg30 : memref<!tpu.dma_semaphore, #tpu.memory_space<semaphore_mem>>) {add = true}
      %add3A_440 = arith.constant 1 : i32
      %add3A_441 = arith.addi %mul3A_418, %add3A_440 : i32
      %dma_wait3A_442 = arith.constant 0 : i32
      %dma_wait3A_443 = tpu.memref_slice %arg10[%add3A_441, %dma_wait3A_442] : memref<100x50xi32, #tpu.memory_space<vmem>> -> memref<1x50xi32, #tpu.memory_space<vmem>>
      %dma_wait3A_444 = tpu.memref_squeeze %dma_wait3A_443 : memref<1x50xi32, #tpu.memory_space<vmem>> -> memref<50xi32, #tpu.memory_space<vmem>>
      %dma_wait3A_445 = arith.constant 0 : i32
      %dma_wait3A_446 = arith.constant 0 : i32
      %dma_wait3A_447 = tpu.memref_slice %arg2[%dma_wait3A_445, %dma_wait3A_446] : memref<10000x128xf32, #tpu.memory_space<hbm>> -> memref<10000x128xf32, #tpu.memory_space<hbm>>
      tpu.wait_indirect_dma semaphore(%arg21 : memref<!tpu.dma_semaphore, #tpu.memory_space<semaphore_mem>>) src(%dma_wait3A_447 : memref<10000x128xf32, #tpu.memory_space<hbm>>) dst(%arg13 : memref<50x128xf32, #tpu.memory_space<vmem>>)
      %add3A_448 = arith.constant 1 : i32
      %add3A_449 = arith.addi %mul3A_418, %add3A_448 : i32
      %dma_start3A_450 = arith.constant 0 : i32
      %dma_start3A_451 = tpu.memref_slice %arg11[%add3A_449, %dma_start3A_450] : memref<100x50xi32, #tpu.memory_space<vmem>> -> memref<1x50xi32, #tpu.memory_space<vmem>>
      %dma_start3A_452 = tpu.memref_squeeze %dma_start3A_451 : memref<1x50xi32, #tpu.memory_space<vmem>> -> memref<50xi32, #tpu.memory_space<vmem>>
      %dma_start3A_453 = arith.constant 0 : i32
      %dma_start3A_454 = arith.constant 0 : i32
      %dma_start3A_455 = tpu.memref_slice %arg18[%dma_start3A_453, %dma_start3A_454] : memref<10000x128xf32, #tpu.memory_space<vmem_shared>> -> memref<10000x128xf32, #tpu.memory_space<vmem_shared>>
      tpu.enqueue_indirect_dma source(%arg13 : memref<50x128xf32, #tpu.memory_space<vmem>>) target(%dma_start3A_455 : memref<10000x128xf32, #tpu.memory_space<vmem_shared>>) offsets(%dma_start3A_452 : memref<50xi32, #tpu.memory_space<vmem>>) semaphore(%arg26 : memref<!tpu.dma_semaphore, #tpu.memory_space<semaphore_mem>>) {add = true}
      %dma_start3A_456 = arith.constant 0 : i32
      %dma_start3A_457 = tpu.memref_slice %arg11[%add3A_449, %dma_start3A_456] : memref<100x50xi32, #tpu.memory_space<vmem>> -> memref<1x50xi32, #tpu.memory_space<vmem>>
      %dma_start3A_458 = tpu.memref_squeeze %dma_start3A_457 : memref<1x50xi32, #tpu.memory_space<vmem>> -> memref<50xi32, #tpu.memory_space<vmem>>
      %dma_start3A_459 = arith.constant 0 : i32
      %dma_start3A_460 = arith.constant 0 : i32
      %dma_start3A_461 = tpu.memref_slice %arg19[%dma_start3A_459, %dma_start3A_460] : memref<10000x8xf32, #tpu.memory_space<vmem_shared>> -> memref<10000x8xf32, #tpu.memory_space<vmem_shared>>
      tpu.enqueue_indirect_dma source(%arg17 : memref<50x8xf32, #tpu.memory_space<vmem>>) target(%dma_start3A_461 : memref<10000x8xf32, #tpu.memory_space<vmem_shared>>) offsets(%dma_start3A_458 : memref<50xi32, #tpu.memory_space<vmem>>) semaphore(%arg30 : memref<!tpu.dma_semaphore, #tpu.memory_space<semaphore_mem>>) {add = true}
      %add3A_462 = arith.constant 2 : i32
      %add3A_463 = arith.addi %mul3A_418, %add3A_462 : i32
      %dma_wait3A_464 = arith.constant 0 : i32
      %dma_wait3A_465 = tpu.memref_slice %arg10[%add3A_463, %dma_wait3A_464] : memref<100x50xi32, #tpu.memory_space<vmem>> -> memref<1x50xi32, #tpu.memory_space<vmem>>
      %dma_wait3A_466 = tpu.memref_squeeze %dma_wait3A_465 : memref<1x50xi32, #tpu.memory_space<vmem>> -> memref<50xi32, #tpu.memory_space<vmem>>
      %dma_wait3A_467 = arith.constant 0 : i32
      %dma_wait3A_468 = arith.constant 0 : i32
      %dma_wait3A_469 = tpu.memref_slice %arg2[%dma_wait3A_467, %dma_wait3A_468] : memref<10000x128xf32, #tpu.memory_space<hbm>> -> memref<10000x128xf32, #tpu.memory_space<hbm>>
      tpu.wait_indirect_dma semaphore(%arg22 : memref<!tpu.dma_semaphore, #tpu.memory_space<semaphore_mem>>) src(%dma_wait3A_469 : memref<10000x128xf32, #tpu.memory_space<hbm>>) dst(%arg14 : memref<50x128xf32, #tpu.memory_space<vmem>>)
      %add3A_470 = arith.constant 2 : i32
      %add3A_471 = arith.addi %mul3A_418, %add3A_470 : i32
      %dma_start3A_472 = arith.constant 0 : i32
      %dma_start3A_473 = tpu.memref_slice %arg11[%add3A_471, %dma_start3A_472] : memref<100x50xi32, #tpu.memory_space<vmem>> -> memref<1x50xi32, #tpu.memory_space<vmem>>
      %dma_start3A_474 = tpu.memref_squeeze %dma_start3A_473 : memref<1x50xi32, #tpu.memory_space<vmem>> -> memref<50xi32, #tpu.memory_space<vmem>>
      %dma_start3A_475 = arith.constant 0 : i32
      %dma_start3A_476 = arith.constant 0 : i32
      %dma_start3A_477 = tpu.memref_slice %arg18[%dma_start3A_475, %dma_start3A_476] : memref<10000x128xf32, #tpu.memory_space<vmem_shared>> -> memref<10000x128xf32, #tpu.memory_space<vmem_shared>>
      tpu.enqueue_indirect_dma source(%arg14 : memref<50x128xf32, #tpu.memory_space<vmem>>) target(%dma_start3A_477 : memref<10000x128xf32, #tpu.memory_space<vmem_shared>>) offsets(%dma_start3A_474 : memref<50xi32, #tpu.memory_space<vmem>>) semaphore(%arg27 : memref<!tpu.dma_semaphore, #tpu.memory_space<semaphore_mem>>) {add = true}
      %dma_start3A_478 = arith.constant 0 : i32
      %dma_start3A_479 = tpu.memref_slice %arg11[%add3A_471, %dma_start3A_478] : memref<100x50xi32, #tpu.memory_space<vmem>> -> memref<1x50xi32, #tpu.memory_space<vmem>>
      %dma_start3A_480 = tpu.memref_squeeze %dma_start3A_479 : memref<1x50xi32, #tpu.memory_space<vmem>> -> memref<50xi32, #tpu.memory_space<vmem>>
      %dma_start3A_481 = arith.constant 0 : i32
      %dma_start3A_482 = arith.constant 0 : i32
      %dma_start3A_483 = tpu.memref_slice %arg19[%dma_start3A_481, %dma_start3A_482] : memref<10000x8xf32, #tpu.memory_space<vmem_shared>> -> memref<10000x8xf32, #tpu.memory_space<vmem_shared>>
      tpu.enqueue_indirect_dma source(%arg17 : memref<50x8xf32, #tpu.memory_space<vmem>>) target(%dma_start3A_483 : memref<10000x8xf32, #tpu.memory_space<vmem_shared>>) offsets(%dma_start3A_480 : memref<50xi32, #tpu.memory_space<vmem>>) semaphore(%arg30 : memref<!tpu.dma_semaphore, #tpu.memory_space<semaphore_mem>>) {add = true}
      %add3A_484 = arith.constant 3 : i32
      %add3A_485 = arith.addi %mul3A_418, %add3A_484 : i32
      %dma_wait3A_486 = arith.constant 0 : i32
      %dma_wait3A_487 = tpu.memref_slice %arg10[%add3A_485, %dma_wait3A_486] : memref<100x50xi32, #tpu.memory_space<vmem>> -> memref<1x50xi32, #tpu.memory_space<vmem>>
      %dma_wait3A_488 = tpu.memref_squeeze %dma_wait3A_487 : memref<1x50xi32, #tpu.memory_space<vmem>> -> memref<50xi32, #tpu.memory_space<vmem>>
      %dma_wait3A_489 = arith.constant 0 : i32
      %dma_wait3A_490 = arith.constant 0 : i32
      %dma_wait3A_491 = tpu.memref_slice %arg2[%dma_wait3A_489, %dma_wait3A_490] : memref<10000x128xf32, #tpu.memory_space<hbm>> -> memref<10000x128xf32, #tpu.memory_space<hbm>>
      tpu.wait_indirect_dma semaphore(%arg23 : memref<!tpu.dma_semaphore, #tpu.memory_space<semaphore_mem>>) src(%dma_wait3A_491 : memref<10000x128xf32, #tpu.memory_space<hbm>>) dst(%arg15 : memref<50x128xf32, #tpu.memory_space<vmem>>)
      %add3A_492 = arith.constant 3 : i32
      %add3A_493 = arith.addi %mul3A_418, %add3A_492 : i32
      %dma_start3A_494 = arith.constant 0 : i32
      %dma_start3A_495 = tpu.memref_slice %arg11[%add3A_493, %dma_start3A_494] : memref<100x50xi32, #tpu.memory_space<vmem>> -> memref<1x50xi32, #tpu.memory_space<vmem>>
      %dma_start3A_496 = tpu.memref_squeeze %dma_start3A_495 : memref<1x50xi32, #tpu.memory_space<vmem>> -> memref<50xi32, #tpu.memory_space<vmem>>
      %dma_start3A_497 = arith.constant 0 : i32
      %dma_start3A_498 = arith.constant 0 : i32
      %dma_start3A_499 = tpu.memref_slice %arg18[%dma_start3A_497, %dma_start3A_498] : memref<10000x128xf32, #tpu.memory_space<vmem_shared>> -> memref<10000x128xf32, #tpu.memory_space<vmem_shared>>
      tpu.enqueue_indirect_dma source(%arg15 : memref<50x128xf32, #tpu.memory_space<vmem>>) target(%dma_start3A_499 : memref<10000x128xf32, #tpu.memory_space<vmem_shared>>) offsets(%dma_start3A_496 : memref<50xi32, #tpu.memory_space<vmem>>) semaphore(%arg28 : memref<!tpu.dma_semaphore, #tpu.memory_space<semaphore_mem>>) {add = true}
      %dma_start3A_500 = arith.constant 0 : i32
      %dma_start3A_501 = tpu.memref_slice %arg11[%add3A_493, %dma_start3A_500] : memref<100x50xi32, #tpu.memory_space<vmem>> -> memref<1x50xi32, #tpu.memory_space<vmem>>
      %dma_start3A_502 = tpu.memref_squeeze %dma_start3A_501 : memref<1x50xi32, #tpu.memory_space<vmem>> -> memref<50xi32, #tpu.memory_space<vmem>>
      %dma_start3A_503 = arith.constant 0 : i32
      %dma_start3A_504 = arith.constant 0 : i32
      %dma_start3A_505 = tpu.memref_slice %arg19[%dma_start3A_503, %dma_start3A_504] : memref<10000x8xf32, #tpu.memory_space<vmem_shared>> -> memref<10000x8xf32, #tpu.memory_space<vmem_shared>>
      tpu.enqueue_indirect_dma source(%arg17 : memref<50x8xf32, #tpu.memory_space<vmem>>) target(%dma_start3A_505 : memref<10000x8xf32, #tpu.memory_space<vmem_shared>>) offsets(%dma_start3A_502 : memref<50xi32, #tpu.memory_space<vmem>>) semaphore(%arg30 : memref<!tpu.dma_semaphore, #tpu.memory_space<semaphore_mem>>) {add = true}
      %add3A_506 = arith.constant 4 : i32
      %add3A_507 = arith.addi %mul3A_418, %add3A_506 : i32
      %dma_wait3A_508 = arith.constant 0 : i32
      %dma_wait3A_509 = tpu.memref_slice %arg10[%add3A_507, %dma_wait3A_508] : memref<100x50xi32, #tpu.memory_space<vmem>> -> memref<1x50xi32, #tpu.memory_space<vmem>>
      %dma_wait3A_510 = tpu.memref_squeeze %dma_wait3A_509 : memref<1x50xi32, #tpu.memory_space<vmem>> -> memref<50xi32, #tpu.memory_space<vmem>>
      %dma_wait3A_511 = arith.constant 0 : i32
      %dma_wait3A_512 = arith.constant 0 : i32
      %dma_wait3A_513 = tpu.memref_slice %arg2[%dma_wait3A_511, %dma_wait3A_512] : memref<10000x128xf32, #tpu.memory_space<hbm>> -> memref<10000x128xf32, #tpu.memory_space<hbm>>
      tpu.wait_indirect_dma semaphore(%arg24 : memref<!tpu.dma_semaphore, #tpu.memory_space<semaphore_mem>>) src(%dma_wait3A_513 : memref<10000x128xf32, #tpu.memory_space<hbm>>) dst(%arg16 : memref<50x128xf32, #tpu.memory_space<vmem>>)
      %add3A_514 = arith.constant 4 : i32
      %add3A_515 = arith.addi %mul3A_418, %add3A_514 : i32
      %dma_start3A_516 = arith.constant 0 : i32
      %dma_start3A_517 = tpu.memref_slice %arg11[%add3A_515, %dma_start3A_516] : memref<100x50xi32, #tpu.memory_space<vmem>> -> memref<1x50xi32, #tpu.memory_space<vmem>>
      %dma_start3A_518 = tpu.memref_squeeze %dma_start3A_517 : memref<1x50xi32, #tpu.memory_space<vmem>> -> memref<50xi32, #tpu.memory_space<vmem>>
      %dma_start3A_519 = arith.constant 0 : i32
      %dma_start3A_520 = arith.constant 0 : i32
      %dma_start3A_521 = tpu.memref_slice %arg18[%dma_start3A_519, %dma_start3A_520] : memref<10000x128xf32, #tpu.memory_space<vmem_shared>> -> memref<10000x128xf32, #tpu.memory_space<vmem_shared>>
      tpu.enqueue_indirect_dma source(%arg16 : memref<50x128xf32, #tpu.memory_space<vmem>>) target(%dma_start3A_521 : memref<10000x128xf32, #tpu.memory_space<vmem_shared>>) offsets(%dma_start3A_518 : memref<50xi32, #tpu.memory_space<vmem>>) semaphore(%arg29 : memref<!tpu.dma_semaphore, #tpu.memory_space<semaphore_mem>>) {add = true}
      %dma_start3A_522 = arith.constant 0 : i32
      %dma_start3A_523 = tpu.memref_slice %arg11[%add3A_515, %dma_start3A_522] : memref<100x50xi32, #tpu.memory_space<vmem>> -> memref<1x50xi32, #tpu.memory_space<vmem>>
      %dma_start3A_524 = tpu.memref_squeeze %dma_start3A_523 : memref<1x50xi32, #tpu.memory_space<vmem>> -> memref<50xi32, #tpu.memory_space<vmem>>
      %dma_start3A_525 = arith.constant 0 : i32
      %dma_start3A_526 = arith.constant 0 : i32
      %dma_start3A_527 = tpu.memref_slice %arg19[%dma_start3A_525, %dma_start3A_526] : memref<10000x8xf32, #tpu.memory_space<vmem_shared>> -> memref<10000x8xf32, #tpu.memory_space<vmem_shared>>
      tpu.enqueue_indirect_dma source(%arg17 : memref<50x8xf32, #tpu.memory_space<vmem>>) target(%dma_start3A_527 : memref<10000x8xf32, #tpu.memory_space<vmem_shared>>) offsets(%dma_start3A_524 : memref<50xi32, #tpu.memory_space<vmem>>) semaphore(%arg30 : memref<!tpu.dma_semaphore, #tpu.memory_space<semaphore_mem>>) {add = true}
      %add3A_528 = arith.constant 0 : i32
      %add3A_529 = arith.addi %mul3A_418, %add3A_528 : i32
      %dma_wait3A_530 = arith.constant 0 : i32
      %dma_wait3A_531 = tpu.memref_slice %arg11[%add3A_529, %dma_wait3A_530] : memref<100x50xi32, #tpu.memory_space<vmem>> -> memref<1x50xi32, #tpu.memory_space<vmem>>
      %dma_wait3A_532 = tpu.memref_squeeze %dma_wait3A_531 : memref<1x50xi32, #tpu.memory_space<vmem>> -> memref<50xi32, #tpu.memory_space<vmem>>
      %dma_wait3A_533 = arith.constant 0 : i32
      %dma_wait3A_534 = arith.constant 0 : i32
      %dma_wait3A_535 = tpu.memref_slice %arg18[%dma_wait3A_533, %dma_wait3A_534] : memref<10000x128xf32, #tpu.memory_space<vmem_shared>> -> memref<10000x128xf32, #tpu.memory_space<vmem_shared>>
      tpu.wait_indirect_dma semaphore(%arg25 : memref<!tpu.dma_semaphore, #tpu.memory_space<semaphore_mem>>) src(%arg12 : memref<50x128xf32, #tpu.memory_space<vmem>>) dst(%dma_wait3A_535 : memref<10000x128xf32, #tpu.memory_space<vmem_shared>>)
      %add3A_536 = arith.constant 5 : i32
      %add3A_537 = arith.addi %mul3A_418, %add3A_536 : i32
      %add3A_538 = arith.constant 0 : i32
      %add3A_539 = arith.addi %add3A_537, %add3A_538 : i32
      %dma_start3A_540 = arith.constant 0 : i32
      %dma_start3A_541 = tpu.memref_slice %arg10[%add3A_539, %dma_start3A_540] : memref<100x50xi32, #tpu.memory_space<vmem>> -> memref<1x50xi32, #tpu.memory_space<vmem>>
      %dma_start3A_542 = tpu.memref_squeeze %dma_start3A_541 : memref<1x50xi32, #tpu.memory_space<vmem>> -> memref<50xi32, #tpu.memory_space<vmem>>
      %dma_start3A_543 = arith.constant 0 : i32
      %dma_start3A_544 = arith.constant 0 : i32
      %dma_start3A_545 = tpu.memref_slice %arg2[%dma_start3A_543, %dma_start3A_544] : memref<10000x128xf32, #tpu.memory_space<hbm>> -> memref<10000x128xf32, #tpu.memory_space<hbm>>
      tpu.enqueue_indirect_dma source(%dma_start3A_545 : memref<10000x128xf32, #tpu.memory_space<hbm>>) target(%arg12 : memref<50x128xf32, #tpu.memory_space<vmem>>) offsets(%dma_start3A_542 : memref<50xi32, #tpu.memory_space<vmem>>) semaphore(%arg20 : memref<!tpu.dma_semaphore, #tpu.memory_space<semaphore_mem>>)
      %add3A_546 = arith.constant 1 : i32
      %add3A_547 = arith.addi %mul3A_418, %add3A_546 : i32
      %dma_wait3A_548 = arith.constant 0 : i32
      %dma_wait3A_549 = tpu.memref_slice %arg11[%add3A_547, %dma_wait3A_548] : memref<100x50xi32, #tpu.memory_space<vmem>> -> memref<1x50xi32, #tpu.memory_space<vmem>>
      %dma_wait3A_550 = tpu.memref_squeeze %dma_wait3A_549 : memref<1x50xi32, #tpu.memory_space<vmem>> -> memref<50xi32, #tpu.memory_space<vmem>>
      %dma_wait3A_551 = arith.constant 0 : i32
      %dma_wait3A_552 = arith.constant 0 : i32
      %dma_wait3A_553 = tpu.memref_slice %arg18[%dma_wait3A_551, %dma_wait3A_552] : memref<10000x128xf32, #tpu.memory_space<vmem_shared>> -> memref<10000x128xf32, #tpu.memory_space<vmem_shared>>
      tpu.wait_indirect_dma semaphore(%arg26 : memref<!tpu.dma_semaphore, #tpu.memory_space<semaphore_mem>>) src(%arg13 : memref<50x128xf32, #tpu.memory_space<vmem>>) dst(%dma_wait3A_553 : memref<10000x128xf32, #tpu.memory_space<vmem_shared>>)
      %add3A_554 = arith.constant 5 : i32
      %add3A_555 = arith.addi %mul3A_418, %add3A_554 : i32
      %add3A_556 = arith.constant 1 : i32
      %add3A_557 = arith.addi %add3A_555, %add3A_556 : i32
      %dma_start3A_558 = arith.constant 0 : i32
      %dma_start3A_559 = tpu.memref_slice %arg10[%add3A_557, %dma_start3A_558] : memref<100x50xi32, #tpu.memory_space<vmem>> -> memref<1x50xi32, #tpu.memory_space<vmem>>
      %dma_start3A_560 = tpu.memref_squeeze %dma_start3A_559 : memref<1x50xi32, #tpu.memory_space<vmem>> -> memref<50xi32, #tpu.memory_space<vmem>>
      %dma_start3A_561 = arith.constant 0 : i32
      %dma_start3A_562 = arith.constant 0 : i32
      %dma_start3A_563 = tpu.memref_slice %arg2[%dma_start3A_561, %dma_start3A_562] : memref<10000x128xf32, #tpu.memory_space<hbm>> -> memref<10000x128xf32, #tpu.memory_space<hbm>>
      tpu.enqueue_indirect_dma source(%dma_start3A_563 : memref<10000x128xf32, #tpu.memory_space<hbm>>) target(%arg13 : memref<50x128xf32, #tpu.memory_space<vmem>>) offsets(%dma_start3A_560 : memref<50xi32, #tpu.memory_space<vmem>>) semaphore(%arg21 : memref<!tpu.dma_semaphore, #tpu.memory_space<semaphore_mem>>)
      %add3A_564 = arith.constant 2 : i32
      %add3A_565 = arith.addi %mul3A_418, %add3A_564 : i32
      %dma_wait3A_566 = arith.constant 0 : i32
      %dma_wait3A_567 = tpu.memref_slice %arg11[%add3A_565, %dma_wait3A_566] : memref<100x50xi32, #tpu.memory_space<vmem>> -> memref<1x50xi32, #tpu.memory_space<vmem>>
      %dma_wait3A_568 = tpu.memref_squeeze %dma_wait3A_567 : memref<1x50xi32, #tpu.memory_space<vmem>> -> memref<50xi32, #tpu.memory_space<vmem>>
      %dma_wait3A_569 = arith.constant 0 : i32
      %dma_wait3A_570 = arith.constant 0 : i32
      %dma_wait3A_571 = tpu.memref_slice %arg18[%dma_wait3A_569, %dma_wait3A_570] : memref<10000x128xf32, #tpu.memory_space<vmem_shared>> -> memref<10000x128xf32, #tpu.memory_space<vmem_shared>>
      tpu.wait_indirect_dma semaphore(%arg27 : memref<!tpu.dma_semaphore, #tpu.memory_space<semaphore_mem>>) src(%arg14 : memref<50x128xf32, #tpu.memory_space<vmem>>) dst(%dma_wait3A_571 : memref<10000x128xf32, #tpu.memory_space<vmem_shared>>)
      %add3A_572 = arith.constant 5 : i32
      %add3A_573 = arith.addi %mul3A_418, %add3A_572 : i32
      %add3A_574 = arith.constant 2 : i32
      %add3A_575 = arith.addi %add3A_573, %add3A_574 : i32
      %dma_start3A_576 = arith.constant 0 : i32
      %dma_start3A_577 = tpu.memref_slice %arg10[%add3A_575, %dma_start3A_576] : memref<100x50xi32, #tpu.memory_space<vmem>> -> memref<1x50xi32, #tpu.memory_space<vmem>>
      %dma_start3A_578 = tpu.memref_squeeze %dma_start3A_577 : memref<1x50xi32, #tpu.memory_space<vmem>> -> memref<50xi32, #tpu.memory_space<vmem>>
      %dma_start3A_579 = arith.constant 0 : i32
      %dma_start3A_580 = arith.constant 0 : i32
      %dma_start3A_581 = tpu.memref_slice %arg2[%dma_start3A_579, %dma_start3A_580] : memref<10000x128xf32, #tpu.memory_space<hbm>> -> memref<10000x128xf32, #tpu.memory_space<hbm>>
      tpu.enqueue_indirect_dma source(%dma_start3A_581 : memref<10000x128xf32, #tpu.memory_space<hbm>>) target(%arg14 : memref<50x128xf32, #tpu.memory_space<vmem>>) offsets(%dma_start3A_578 : memref<50xi32, #tpu.memory_space<vmem>>) semaphore(%arg22 : memref<!tpu.dma_semaphore, #tpu.memory_space<semaphore_mem>>)
      %add3A_582 = arith.constant 3 : i32
      %add3A_583 = arith.addi %mul3A_418, %add3A_582 : i32
      %dma_wait3A_584 = arith.constant 0 : i32
      %dma_wait3A_585 = tpu.memref_slice %arg11[%add3A_583, %dma_wait3A_584] : memref<100x50xi32, #tpu.memory_space<vmem>> -> memref<1x50xi32, #tpu.memory_space<vmem>>
      %dma_wait3A_586 = tpu.memref_squeeze %dma_wait3A_585 : memref<1x50xi32, #tpu.memory_space<vmem>> -> memref<50xi32, #tpu.memory_space<vmem>>
      %dma_wait3A_587 = arith.constant 0 : i32
      %dma_wait3A_588 = arith.constant 0 : i32
      %dma_wait3A_589 = tpu.memref_slice %arg18[%dma_wait3A_587, %dma_wait3A_588] : memref<10000x128xf32, #tpu.memory_space<vmem_shared>> -> memref<10000x128xf32, #tpu.memory_space<vmem_shared>>
      tpu.wait_indirect_dma semaphore(%arg28 : memref<!tpu.dma_semaphore, #tpu.memory_space<semaphore_mem>>) src(%arg15 : memref<50x128xf32, #tpu.memory_space<vmem>>) dst(%dma_wait3A_589 : memref<10000x128xf32, #tpu.memory_space<vmem_shared>>)
      %add3A_590 = arith.constant 5 : i32
      %add3A_591 = arith.addi %mul3A_418, %add3A_590 : i32
      %add3A_592 = arith.constant 3 : i32
      %add3A_593 = arith.addi %add3A_591, %add3A_592 : i32
      %dma_start3A_594 = arith.constant 0 : i32
      %dma_start3A_595 = tpu.memref_slice %arg10[%add3A_593, %dma_start3A_594] : memref<100x50xi32, #tpu.memory_space<vmem>> -> memref<1x50xi32, #tpu.memory_space<vmem>>
      %dma_start3A_596 = tpu.memref_squeeze %dma_start3A_595 : memref<1x50xi32, #tpu.memory_space<vmem>> -> memref<50xi32, #tpu.memory_space<vmem>>
      %dma_start3A_597 = arith.constant 0 : i32
      %dma_start3A_598 = arith.constant 0 : i32
      %dma_start3A_599 = tpu.memref_slice %arg2[%dma_start3A_597, %dma_start3A_598] : memref<10000x128xf32, #tpu.memory_space<hbm>> -> memref<10000x128xf32, #tpu.memory_space<hbm>>
      tpu.enqueue_indirect_dma source(%dma_start3A_599 : memref<10000x128xf32, #tpu.memory_space<hbm>>) target(%arg15 : memref<50x128xf32, #tpu.memory_space<vmem>>) offsets(%dma_start3A_596 : memref<50xi32, #tpu.memory_space<vmem>>) semaphore(%arg23 : memref<!tpu.dma_semaphore, #tpu.memory_space<semaphore_mem>>)
      %add3A_600 = arith.constant 4 : i32
      %add3A_601 = arith.addi %mul3A_418, %add3A_600 : i32
      %dma_wait3A_602 = arith.constant 0 : i32
      %dma_wait3A_603 = tpu.memref_slice %arg11[%add3A_601, %dma_wait3A_602] : memref<100x50xi32, #tpu.memory_space<vmem>> -> memref<1x50xi32, #tpu.memory_space<vmem>>
      %dma_wait3A_604 = tpu.memref_squeeze %dma_wait3A_603 : memref<1x50xi32, #tpu.memory_space<vmem>> -> memref<50xi32, #tpu.memory_space<vmem>>
      %dma_wait3A_605 = arith.constant 0 : i32
      %dma_wait3A_606 = arith.constant 0 : i32
      %dma_wait3A_607 = tpu.memref_slice %arg18[%dma_wait3A_605, %dma_wait3A_606] : memref<10000x128xf32, #tpu.memory_space<vmem_shared>> -> memref<10000x128xf32, #tpu.memory_space<vmem_shared>>
      tpu.wait_indirect_dma semaphore(%arg29 : memref<!tpu.dma_semaphore, #tpu.memory_space<semaphore_mem>>) src(%arg16 : memref<50x128xf32, #tpu.memory_space<vmem>>) dst(%dma_wait3A_607 : memref<10000x128xf32, #tpu.memory_space<vmem_shared>>)
      %add3A_608 = arith.constant 5 : i32
      %add3A_609 = arith.addi %mul3A_418, %add3A_608 : i32
      %add3A_610 = arith.constant 4 : i32
      %add3A_611 = arith.addi %add3A_609, %add3A_610 : i32
      %dma_start3A_612 = arith.constant 0 : i32
      %dma_start3A_613 = tpu.memref_slice %arg10[%add3A_611, %dma_start3A_612] : memref<100x50xi32, #tpu.memory_space<vmem>> -> memref<1x50xi32, #tpu.memory_space<vmem>>
      %dma_start3A_614 = tpu.memref_squeeze %dma_start3A_613 : memref<1x50xi32, #tpu.memory_space<vmem>> -> memref<50xi32, #tpu.memory_space<vmem>>
      %dma_start3A_615 = arith.constant 0 : i32
      %dma_start3A_616 = arith.constant 0 : i32
      %dma_start3A_617 = tpu.memref_slice %arg2[%dma_start3A_615, %dma_start3A_616] : memref<10000x128xf32, #tpu.memory_space<hbm>> -> memref<10000x128xf32, #tpu.memory_space<hbm>>
      tpu.enqueue_indirect_dma source(%dma_start3A_617 : memref<10000x128xf32, #tpu.memory_space<hbm>>) target(%arg16 : memref<50x128xf32, #tpu.memory_space<vmem>>) offsets(%dma_start3A_614 : memref<50xi32, #tpu.memory_space<vmem>>) semaphore(%arg24 : memref<!tpu.dma_semaphore, #tpu.memory_space<semaphore_mem>>)
    }
    %scan3A_42 = arith.constant 19 : i32
    %dma_wait3A = arith.constant 95 : i32
    %dma_wait3A_43 = arith.constant 0 : i32
    %dma_wait3A_44 = tpu.memref_slice %arg10[%dma_wait3A, %dma_wait3A_43] : memref<100x50xi32, #tpu.memory_space<vmem>> -> memref<1x50xi32, #tpu.memory_space<vmem>>
    %dma_wait3A_45 = tpu.memref_squeeze %dma_wait3A_44 : memref<1x50xi32, #tpu.memory_space<vmem>> -> memref<50xi32, #tpu.memory_space<vmem>>
    %dma_wait3A_46 = arith.constant 0 : i32
    %dma_wait3A_47 = arith.constant 0 : i32
    %dma_wait3A_48 = tpu.memref_slice %arg2[%dma_wait3A_46, %dma_wait3A_47] : memref<10000x128xf32, #tpu.memory_space<hbm>> -> memref<10000x128xf32, #tpu.memory_space<hbm>>
    tpu.wait_indirect_dma semaphore(%arg20 : memref<!tpu.dma_semaphore, #tpu.memory_space<semaphore_mem>>) src(%dma_wait3A_48 : memref<10000x128xf32, #tpu.memory_space<hbm>>) dst(%arg12 : memref<50x128xf32, #tpu.memory_space<vmem>>)
    %dma_start3A_49 = arith.constant 95 : i32
    %dma_start3A_50 = arith.constant 0 : i32
    %dma_start3A_51 = tpu.memref_slice %arg11[%dma_start3A_49, %dma_start3A_50] : memref<100x50xi32, #tpu.memory_space<vmem>> -> memref<1x50xi32, #tpu.memory_space<vmem>>
    %dma_start3A_52 = tpu.memref_squeeze %dma_start3A_51 : memref<1x50xi32, #tpu.memory_space<vmem>> -> memref<50xi32, #tpu.memory_space<vmem>>
    %dma_start3A_53 = arith.constant 0 : i32
    %dma_start3A_54 = arith.constant 0 : i32
    %dma_start3A_55 = tpu.memref_slice %arg18[%dma_start3A_53, %dma_start3A_54] : memref<10000x128xf32, #tpu.memory_space<vmem_shared>> -> memref<10000x128xf32, #tpu.memory_space<vmem_shared>>
    tpu.enqueue_indirect_dma source(%arg12 : memref<50x128xf32, #tpu.memory_space<vmem>>) target(%dma_start3A_55 : memref<10000x128xf32, #tpu.memory_space<vmem_shared>>) offsets(%dma_start3A_52 : memref<50xi32, #tpu.memory_space<vmem>>) semaphore(%arg25 : memref<!tpu.dma_semaphore, #tpu.memory_space<semaphore_mem>>) {add = true}
    %dma_start3A_56 = arith.constant 95 : i32
    %dma_start3A_57 = arith.constant 0 : i32
    %dma_start3A_58 = tpu.memref_slice %arg11[%dma_start3A_56, %dma_start3A_57] : memref<100x50xi32, #tpu.memory_space<vmem>> -> memref<1x50xi32, #tpu.memory_space<vmem>>
    %dma_start3A_59 = tpu.memref_squeeze %dma_start3A_58 : memref<1x50xi32, #tpu.memory_space<vmem>> -> memref<50xi32, #tpu.memory_space<vmem>>
    %dma_start3A_60 = arith.constant 0 : i32
    %dma_start3A_61 = arith.constant 0 : i32
    %dma_start3A_62 = tpu.memref_slice %arg19[%dma_start3A_60, %dma_start3A_61] : memref<10000x8xf32, #tpu.memory_space<vmem_shared>> -> memref<10000x8xf32, #tpu.memory_space<vmem_shared>>
    tpu.enqueue_indirect_dma source(%arg17 : memref<50x8xf32, #tpu.memory_space<vmem>>) target(%dma_start3A_62 : memref<10000x8xf32, #tpu.memory_space<vmem_shared>>) offsets(%dma_start3A_59 : memref<50xi32, #tpu.memory_space<vmem>>) semaphore(%arg30 : memref<!tpu.dma_semaphore, #tpu.memory_space<semaphore_mem>>) {add = true}
    %dma_wait3A_63 = arith.constant 96 : i32
    %dma_wait3A_64 = arith.constant 0 : i32
    %dma_wait3A_65 = tpu.memref_slice %arg10[%dma_wait3A_63, %dma_wait3A_64] : memref<100x50xi32, #tpu.memory_space<vmem>> -> memref<1x50xi32, #tpu.memory_space<vmem>>
    %dma_wait3A_66 = tpu.memref_squeeze %dma_wait3A_65 : memref<1x50xi32, #tpu.memory_space<vmem>> -> memref<50xi32, #tpu.memory_space<vmem>>
    %dma_wait3A_67 = arith.constant 0 : i32
    %dma_wait3A_68 = arith.constant 0 : i32
    %dma_wait3A_69 = tpu.memref_slice %arg2[%dma_wait3A_67, %dma_wait3A_68] : memref<10000x128xf32, #tpu.memory_space<hbm>> -> memref<10000x128xf32, #tpu.memory_space<hbm>>
    tpu.wait_indirect_dma semaphore(%arg21 : memref<!tpu.dma_semaphore, #tpu.memory_space<semaphore_mem>>) src(%dma_wait3A_69 : memref<10000x128xf32, #tpu.memory_space<hbm>>) dst(%arg13 : memref<50x128xf32, #tpu.memory_space<vmem>>)
    %dma_start3A_70 = arith.constant 96 : i32
    %dma_start3A_71 = arith.constant 0 : i32
    %dma_start3A_72 = tpu.memref_slice %arg11[%dma_start3A_70, %dma_start3A_71] : memref<100x50xi32, #tpu.memory_space<vmem>> -> memref<1x50xi32, #tpu.memory_space<vmem>>
    %dma_start3A_73 = tpu.memref_squeeze %dma_start3A_72 : memref<1x50xi32, #tpu.memory_space<vmem>> -> memref<50xi32, #tpu.memory_space<vmem>>
    %dma_start3A_74 = arith.constant 0 : i32
    %dma_start3A_75 = arith.constant 0 : i32
    %dma_start3A_76 = tpu.memref_slice %arg18[%dma_start3A_74, %dma_start3A_75] : memref<10000x128xf32, #tpu.memory_space<vmem_shared>> -> memref<10000x128xf32, #tpu.memory_space<vmem_shared>>
    tpu.enqueue_indirect_dma source(%arg13 : memref<50x128xf32, #tpu.memory_space<vmem>>) target(%dma_start3A_76 : memref<10000x128xf32, #tpu.memory_space<vmem_shared>>) offsets(%dma_start3A_73 : memref<50xi32, #tpu.memory_space<vmem>>) semaphore(%arg26 : memref<!tpu.dma_semaphore, #tpu.memory_space<semaphore_mem>>) {add = true}
    %dma_start3A_77 = arith.constant 96 : i32
    %dma_start3A_78 = arith.constant 0 : i32
    %dma_start3A_79 = tpu.memref_slice %arg11[%dma_start3A_77, %dma_start3A_78] : memref<100x50xi32, #tpu.memory_space<vmem>> -> memref<1x50xi32, #tpu.memory_space<vmem>>
    %dma_start3A_80 = tpu.memref_squeeze %dma_start3A_79 : memref<1x50xi32, #tpu.memory_space<vmem>> -> memref<50xi32, #tpu.memory_space<vmem>>
    %dma_start3A_81 = arith.constant 0 : i32
    %dma_start3A_82 = arith.constant 0 : i32
    %dma_start3A_83 = tpu.memref_slice %arg19[%dma_start3A_81, %dma_start3A_82] : memref<10000x8xf32, #tpu.memory_space<vmem_shared>> -> memref<10000x8xf32, #tpu.memory_space<vmem_shared>>
    tpu.enqueue_indirect_dma source(%arg17 : memref<50x8xf32, #tpu.memory_space<vmem>>) target(%dma_start3A_83 : memref<10000x8xf32, #tpu.memory_space<vmem_shared>>) offsets(%dma_start3A_80 : memref<50xi32, #tpu.memory_space<vmem>>) semaphore(%arg30 : memref<!tpu.dma_semaphore, #tpu.memory_space<semaphore_mem>>) {add = true}
    %dma_wait3A_84 = arith.constant 97 : i32
    %dma_wait3A_85 = arith.constant 0 : i32
    %dma_wait3A_86 = tpu.memref_slice %arg10[%dma_wait3A_84, %dma_wait3A_85] : memref<100x50xi32, #tpu.memory_space<vmem>> -> memref<1x50xi32, #tpu.memory_space<vmem>>
    %dma_wait3A_87 = tpu.memref_squeeze %dma_wait3A_86 : memref<1x50xi32, #tpu.memory_space<vmem>> -> memref<50xi32, #tpu.memory_space<vmem>>
    %dma_wait3A_88 = arith.constant 0 : i32
    %dma_wait3A_89 = arith.constant 0 : i32
    %dma_wait3A_90 = tpu.memref_slice %arg2[%dma_wait3A_88, %dma_wait3A_89] : memref<10000x128xf32, #tpu.memory_space<hbm>> -> memref<10000x128xf32, #tpu.memory_space<hbm>>
    tpu.wait_indirect_dma semaphore(%arg22 : memref<!tpu.dma_semaphore, #tpu.memory_space<semaphore_mem>>) src(%dma_wait3A_90 : memref<10000x128xf32, #tpu.memory_space<hbm>>) dst(%arg14 : memref<50x128xf32, #tpu.memory_space<vmem>>)
    %dma_start3A_91 = arith.constant 97 : i32
    %dma_start3A_92 = arith.constant 0 : i32
    %dma_start3A_93 = tpu.memref_slice %arg11[%dma_start3A_91, %dma_start3A_92] : memref<100x50xi32, #tpu.memory_space<vmem>> -> memref<1x50xi32, #tpu.memory_space<vmem>>
    %dma_start3A_94 = tpu.memref_squeeze %dma_start3A_93 : memref<1x50xi32, #tpu.memory_space<vmem>> -> memref<50xi32, #tpu.memory_space<vmem>>
    %dma_start3A_95 = arith.constant 0 : i32
    %dma_start3A_96 = arith.constant 0 : i32
    %dma_start3A_97 = tpu.memref_slice %arg18[%dma_start3A_95, %dma_start3A_96] : memref<10000x128xf32, #tpu.memory_space<vmem_shared>> -> memref<10000x128xf32, #tpu.memory_space<vmem_shared>>
    tpu.enqueue_indirect_dma source(%arg14 : memref<50x128xf32, #tpu.memory_space<vmem>>) target(%dma_start3A_97 : memref<10000x128xf32, #tpu.memory_space<vmem_shared>>) offsets(%dma_start3A_94 : memref<50xi32, #tpu.memory_space<vmem>>) semaphore(%arg27 : memref<!tpu.dma_semaphore, #tpu.memory_space<semaphore_mem>>) {add = true}
    %dma_start3A_98 = arith.constant 97 : i32
    %dma_start3A_99 = arith.constant 0 : i32
    %dma_start3A_100 = tpu.memref_slice %arg11[%dma_start3A_98, %dma_start3A_99] : memref<100x50xi32, #tpu.memory_space<vmem>> -> memref<1x50xi32, #tpu.memory_space<vmem>>
    %dma_start3A_101 = tpu.memref_squeeze %dma_start3A_100 : memref<1x50xi32, #tpu.memory_space<vmem>> -> memref<50xi32, #tpu.memory_space<vmem>>
    %dma_start3A_102 = arith.constant 0 : i32
    %dma_start3A_103 = arith.constant 0 : i32
    %dma_start3A_104 = tpu.memref_slice %arg19[%dma_start3A_102, %dma_start3A_103] : memref<10000x8xf32, #tpu.memory_space<vmem_shared>> -> memref<10000x8xf32, #tpu.memory_space<vmem_shared>>
    tpu.enqueue_indirect_dma source(%arg17 : memref<50x8xf32, #tpu.memory_space<vmem>>) target(%dma_start3A_104 : memref<10000x8xf32, #tpu.memory_space<vmem_shared>>) offsets(%dma_start3A_101 : memref<50xi32, #tpu.memory_space<vmem>>) semaphore(%arg30 : memref<!tpu.dma_semaphore, #tpu.memory_space<semaphore_mem>>) {add = true}
    %dma_wait3A_105 = arith.constant 98 : i32
    %dma_wait3A_106 = arith.constant 0 : i32
    %dma_wait3A_107 = tpu.memref_slice %arg10[%dma_wait3A_105, %dma_wait3A_106] : memref<100x50xi32, #tpu.memory_space<vmem>> -> memref<1x50xi32, #tpu.memory_space<vmem>>
    %dma_wait3A_108 = tpu.memref_squeeze %dma_wait3A_107 : memref<1x50xi32, #tpu.memory_space<vmem>> -> memref<50xi32, #tpu.memory_space<vmem>>
    %dma_wait3A_109 = arith.constant 0 : i32
    %dma_wait3A_110 = arith.constant 0 : i32
    %dma_wait3A_111 = tpu.memref_slice %arg2[%dma_wait3A_109, %dma_wait3A_110] : memref<10000x128xf32, #tpu.memory_space<hbm>> -> memref<10000x128xf32, #tpu.memory_space<hbm>>
    tpu.wait_indirect_dma semaphore(%arg23 : memref<!tpu.dma_semaphore, #tpu.memory_space<semaphore_mem>>) src(%dma_wait3A_111 : memref<10000x128xf32, #tpu.memory_space<hbm>>) dst(%arg15 : memref<50x128xf32, #tpu.memory_space<vmem>>)
    %dma_start3A_112 = arith.constant 98 : i32
    %dma_start3A_113 = arith.constant 0 : i32
    %dma_start3A_114 = tpu.memref_slice %arg11[%dma_start3A_112, %dma_start3A_113] : memref<100x50xi32, #tpu.memory_space<vmem>> -> memref<1x50xi32, #tpu.memory_space<vmem>>
    %dma_start3A_115 = tpu.memref_squeeze %dma_start3A_114 : memref<1x50xi32, #tpu.memory_space<vmem>> -> memref<50xi32, #tpu.memory_space<vmem>>
    %dma_start3A_116 = arith.constant 0 : i32
    %dma_start3A_117 = arith.constant 0 : i32
    %dma_start3A_118 = tpu.memref_slice %arg18[%dma_start3A_116, %dma_start3A_117] : memref<10000x128xf32, #tpu.memory_space<vmem_shared>> -> memref<10000x128xf32, #tpu.memory_space<vmem_shared>>
    tpu.enqueue_indirect_dma source(%arg15 : memref<50x128xf32, #tpu.memory_space<vmem>>) target(%dma_start3A_118 : memref<10000x128xf32, #tpu.memory_space<vmem_shared>>) offsets(%dma_start3A_115 : memref<50xi32, #tpu.memory_space<vmem>>) semaphore(%arg28 : memref<!tpu.dma_semaphore, #tpu.memory_space<semaphore_mem>>) {add = true}
    %dma_start3A_119 = arith.constant 98 : i32
    %dma_start3A_120 = arith.constant 0 : i32
    %dma_start3A_121 = tpu.memref_slice %arg11[%dma_start3A_119, %dma_start3A_120] : memref<100x50xi32, #tpu.memory_space<vmem>> -> memref<1x50xi32, #tpu.memory_space<vmem>>
    %dma_start3A_122 = tpu.memref_squeeze %dma_start3A_121 : memref<1x50xi32, #tpu.memory_space<vmem>> -> memref<50xi32, #tpu.memory_space<vmem>>
    %dma_start3A_123 = arith.constant 0 : i32
    %dma_start3A_124 = arith.constant 0 : i32
    %dma_start3A_125 = tpu.memref_slice %arg19[%dma_start3A_123, %dma_start3A_124] : memref<10000x8xf32, #tpu.memory_space<vmem_shared>> -> memref<10000x8xf32, #tpu.memory_space<vmem_shared>>
    tpu.enqueue_indirect_dma source(%arg17 : memref<50x8xf32, #tpu.memory_space<vmem>>) target(%dma_start3A_125 : memref<10000x8xf32, #tpu.memory_space<vmem_shared>>) offsets(%dma_start3A_122 : memref<50xi32, #tpu.memory_space<vmem>>) semaphore(%arg30 : memref<!tpu.dma_semaphore, #tpu.memory_space<semaphore_mem>>) {add = true}
    %dma_wait3A_126 = arith.constant 99 : i32
    %dma_wait3A_127 = arith.constant 0 : i32
    %dma_wait3A_128 = tpu.memref_slice %arg10[%dma_wait3A_126, %dma_wait3A_127] : memref<100x50xi32, #tpu.memory_space<vmem>> -> memref<1x50xi32, #tpu.memory_space<vmem>>
    %dma_wait3A_129 = tpu.memref_squeeze %dma_wait3A_128 : memref<1x50xi32, #tpu.memory_space<vmem>> -> memref<50xi32, #tpu.memory_space<vmem>>
    %dma_wait3A_130 = arith.constant 0 : i32
    %dma_wait3A_131 = arith.constant 0 : i32
    %dma_wait3A_132 = tpu.memref_slice %arg2[%dma_wait3A_130, %dma_wait3A_131] : memref<10000x128xf32, #tpu.memory_space<hbm>> -> memref<10000x128xf32, #tpu.memory_space<hbm>>
    tpu.wait_indirect_dma semaphore(%arg24 : memref<!tpu.dma_semaphore, #tpu.memory_space<semaphore_mem>>) src(%dma_wait3A_132 : memref<10000x128xf32, #tpu.memory_space<hbm>>) dst(%arg16 : memref<50x128xf32, #tpu.memory_space<vmem>>)
    %dma_start3A_133 = arith.constant 99 : i32
    %dma_start3A_134 = arith.constant 0 : i32
    %dma_start3A_135 = tpu.memref_slice %arg11[%dma_start3A_133, %dma_start3A_134] : memref<100x50xi32, #tpu.memory_space<vmem>> -> memref<1x50xi32, #tpu.memory_space<vmem>>
    %dma_start3A_136 = tpu.memref_squeeze %dma_start3A_135 : memref<1x50xi32, #tpu.memory_space<vmem>> -> memref<50xi32, #tpu.memory_space<vmem>>
    %dma_start3A_137 = arith.constant 0 : i32
    %dma_start3A_138 = arith.constant 0 : i32
    %dma_start3A_139 = tpu.memref_slice %arg18[%dma_start3A_137, %dma_start3A_138] : memref<10000x128xf32, #tpu.memory_space<vmem_shared>> -> memref<10000x128xf32, #tpu.memory_space<vmem_shared>>
    tpu.enqueue_indirect_dma source(%arg16 : memref<50x128xf32, #tpu.memory_space<vmem>>) target(%dma_start3A_139 : memref<10000x128xf32, #tpu.memory_space<vmem_shared>>) offsets(%dma_start3A_136 : memref<50xi32, #tpu.memory_space<vmem>>) semaphore(%arg29 : memref<!tpu.dma_semaphore, #tpu.memory_space<semaphore_mem>>) {add = true}
    %dma_start3A_140 = arith.constant 99 : i32
    %dma_start3A_141 = arith.constant 0 : i32
    %dma_start3A_142 = tpu.memref_slice %arg11[%dma_start3A_140, %dma_start3A_141] : memref<100x50xi32, #tpu.memory_space<vmem>> -> memref<1x50xi32, #tpu.memory_space<vmem>>
    %dma_start3A_143 = tpu.memref_squeeze %dma_start3A_142 : memref<1x50xi32, #tpu.memory_space<vmem>> -> memref<50xi32, #tpu.memory_space<vmem>>
    %dma_start3A_144 = arith.constant 0 : i32
    %dma_start3A_145 = arith.constant 0 : i32
    %dma_start3A_146 = tpu.memref_slice %arg19[%dma_start3A_144, %dma_start3A_145] : memref<10000x8xf32, #tpu.memory_space<vmem_shared>> -> memref<10000x8xf32, #tpu.memory_space<vmem_shared>>
    tpu.enqueue_indirect_dma source(%arg17 : memref<50x8xf32, #tpu.memory_space<vmem>>) target(%dma_start3A_146 : memref<10000x8xf32, #tpu.memory_space<vmem_shared>>) offsets(%dma_start3A_143 : memref<50xi32, #tpu.memory_space<vmem>>) semaphore(%arg30 : memref<!tpu.dma_semaphore, #tpu.memory_space<semaphore_mem>>) {add = true}
    %dma_wait3A_147 = arith.constant 95 : i32
    %dma_wait3A_148 = arith.constant 0 : i32
    %dma_wait3A_149 = tpu.memref_slice %arg11[%dma_wait3A_147, %dma_wait3A_148] : memref<100x50xi32, #tpu.memory_space<vmem>> -> memref<1x50xi32, #tpu.memory_space<vmem>>
    %dma_wait3A_150 = tpu.memref_squeeze %dma_wait3A_149 : memref<1x50xi32, #tpu.memory_space<vmem>> -> memref<50xi32, #tpu.memory_space<vmem>>
    %dma_wait3A_151 = arith.constant 0 : i32
    %dma_wait3A_152 = arith.constant 0 : i32
    %dma_wait3A_153 = tpu.memref_slice %arg18[%dma_wait3A_151, %dma_wait3A_152] : memref<10000x128xf32, #tpu.memory_space<vmem_shared>> -> memref<10000x128xf32, #tpu.memory_space<vmem_shared>>
    tpu.wait_indirect_dma semaphore(%arg25 : memref<!tpu.dma_semaphore, #tpu.memory_space<semaphore_mem>>) src(%arg12 : memref<50x128xf32, #tpu.memory_space<vmem>>) dst(%dma_wait3A_153 : memref<10000x128xf32, #tpu.memory_space<vmem_shared>>)
    %dma_wait3A_154 = arith.constant 96 : i32
    %dma_wait3A_155 = arith.constant 0 : i32
    %dma_wait3A_156 = tpu.memref_slice %arg11[%dma_wait3A_154, %dma_wait3A_155] : memref<100x50xi32, #tpu.memory_space<vmem>> -> memref<1x50xi32, #tpu.memory_space<vmem>>
    %dma_wait3A_157 = tpu.memref_squeeze %dma_wait3A_156 : memref<1x50xi32, #tpu.memory_space<vmem>> -> memref<50xi32, #tpu.memory_space<vmem>>
    %dma_wait3A_158 = arith.constant 0 : i32
    %dma_wait3A_159 = arith.constant 0 : i32
    %dma_wait3A_160 = tpu.memref_slice %arg18[%dma_wait3A_158, %dma_wait3A_159] : memref<10000x128xf32, #tpu.memory_space<vmem_shared>> -> memref<10000x128xf32, #tpu.memory_space<vmem_shared>>
    tpu.wait_indirect_dma semaphore(%arg26 : memref<!tpu.dma_semaphore, #tpu.memory_space<semaphore_mem>>) src(%arg13 : memref<50x128xf32, #tpu.memory_space<vmem>>) dst(%dma_wait3A_160 : memref<10000x128xf32, #tpu.memory_space<vmem_shared>>)
    %dma_wait3A_161 = arith.constant 97 : i32
    %dma_wait3A_162 = arith.constant 0 : i32
    %dma_wait3A_163 = tpu.memref_slice %arg11[%dma_wait3A_161, %dma_wait3A_162] : memref<100x50xi32, #tpu.memory_space<vmem>> -> memref<1x50xi32, #tpu.memory_space<vmem>>
    %dma_wait3A_164 = tpu.memref_squeeze %dma_wait3A_163 : memref<1x50xi32, #tpu.memory_space<vmem>> -> memref<50xi32, #tpu.memory_space<vmem>>
    %dma_wait3A_165 = arith.constant 0 : i32
    %dma_wait3A_166 = arith.constant 0 : i32
    %dma_wait3A_167 = tpu.memref_slice %arg18[%dma_wait3A_165, %dma_wait3A_166] : memref<10000x128xf32, #tpu.memory_space<vmem_shared>> -> memref<10000x128xf32, #tpu.memory_space<vmem_shared>>
    tpu.wait_indirect_dma semaphore(%arg27 : memref<!tpu.dma_semaphore, #tpu.memory_space<semaphore_mem>>) src(%arg14 : memref<50x128xf32, #tpu.memory_space<vmem>>) dst(%dma_wait3A_167 : memref<10000x128xf32, #tpu.memory_space<vmem_shared>>)
    %dma_wait3A_168 = arith.constant 98 : i32
    %dma_wait3A_169 = arith.constant 0 : i32
    %dma_wait3A_170 = tpu.memref_slice %arg11[%dma_wait3A_168, %dma_wait3A_169] : memref<100x50xi32, #tpu.memory_space<vmem>> -> memref<1x50xi32, #tpu.memory_space<vmem>>
    %dma_wait3A_171 = tpu.memref_squeeze %dma_wait3A_170 : memref<1x50xi32, #tpu.memory_space<vmem>> -> memref<50xi32, #tpu.memory_space<vmem>>
    %dma_wait3A_172 = arith.constant 0 : i32
    %dma_wait3A_173 = arith.constant 0 : i32
    %dma_wait3A_174 = tpu.memref_slice %arg18[%dma_wait3A_172, %dma_wait3A_173] : memref<10000x128xf32, #tpu.memory_space<vmem_shared>> -> memref<10000x128xf32, #tpu.memory_space<vmem_shared>>
    tpu.wait_indirect_dma semaphore(%arg28 : memref<!tpu.dma_semaphore, #tpu.memory_space<semaphore_mem>>) src(%arg15 : memref<50x128xf32, #tpu.memory_space<vmem>>) dst(%dma_wait3A_174 : memref<10000x128xf32, #tpu.memory_space<vmem_shared>>)
    %dma_wait3A_175 = arith.constant 99 : i32
    %dma_wait3A_176 = arith.constant 0 : i32
    %dma_wait3A_177 = tpu.memref_slice %arg11[%dma_wait3A_175, %dma_wait3A_176] : memref<100x50xi32, #tpu.memory_space<vmem>> -> memref<1x50xi32, #tpu.memory_space<vmem>>
    %dma_wait3A_178 = tpu.memref_squeeze %dma_wait3A_177 : memref<1x50xi32, #tpu.memory_space<vmem>> -> memref<50xi32, #tpu.memory_space<vmem>>
    %dma_wait3A_179 = arith.constant 0 : i32
    %dma_wait3A_180 = arith.constant 0 : i32
    %dma_wait3A_181 = tpu.memref_slice %arg18[%dma_wait3A_179, %dma_wait3A_180] : memref<10000x128xf32, #tpu.memory_space<vmem_shared>> -> memref<10000x128xf32, #tpu.memory_space<vmem_shared>>
    tpu.wait_indirect_dma semaphore(%arg29 : memref<!tpu.dma_semaphore, #tpu.memory_space<semaphore_mem>>) src(%arg16 : memref<50x128xf32, #tpu.memory_space<vmem>>) dst(%dma_wait3A_181 : memref<10000x128xf32, #tpu.memory_space<vmem_shared>>)
    %dma_wait3A_182 = arith.constant 0 : i32
    %dma_wait3A_183 = arith.constant 0 : i32
    %dma_wait3A_184 = tpu.memref_slice %arg19[%dma_wait3A_182, %dma_wait3A_183] : memref<10000x8xf32, #tpu.memory_space<vmem_shared>> -> memref<5000x8xf32, #tpu.memory_space<vmem_shared>>
    %dma_wait3A_185 = arith.constant 0 : i32
    %dma_wait3A_186 = arith.constant 0 : i32
    %dma_wait3A_187 = tpu.memref_slice %arg9[%arg0, %dma_wait3A_185, %dma_wait3A_186] : memref<2x10000x8xf32, #tpu.memory_space<hbm>> -> memref<1x5000x8xf32, #tpu.memory_space<hbm>>
    %dma_wait3A_188 = tpu.memref_squeeze %dma_wait3A_187 : memref<1x5000x8xf32, #tpu.memory_space<hbm>> -> memref<5000x8xf32, #tpu.memory_space<hbm>>
    tpu.wait_dma2 semaphore(%arg30 : memref<!tpu.dma_semaphore, #tpu.memory_space<semaphore_mem>>) src(%dma_wait3A_188 : memref<5000x8xf32, #tpu.memory_space<hbm>>) dst(%dma_wait3A_184 : memref<5000x8xf32, #tpu.memory_space<vmem_shared>>)
    %run_scoped3A_189 = arith.constant 1 : i32
    "tpu.region"() ({
      %run_scoped3A_416 = tpu.sem_alloc : memref<!tpu.dma_semaphore, #tpu.memory_space<semaphore_mem>>
      %dma_start3A_417 = arith.constant 0 : i32
      %dma_start3A_418 = arith.constant 0 : i32
      %dma_start3A_419 = tpu.memref_slice %arg3[%arg0, %arg1, %run_scoped3A_189, %dma_start3A_417, %dma_start3A_418] : memref<2x16x2x100x50xi32, #tpu.memory_space<hbm>> -> memref<1x1x1x100x50xi32, #tpu.memory_space<hbm>>
      %dma_start3A_420 = tpu.memref_squeeze %dma_start3A_419 : memref<1x1x1x100x50xi32, #tpu.memory_space<hbm>> -> memref<100x50xi32, #tpu.memory_space<hbm>>
      %dma_start3A_421 = arith.constant 0 : i32
      %dma_start3A_422 = arith.constant 0 : i32
      %dma_start3A_423 = tpu.memref_slice %arg3[%arg0, %arg1, %run_scoped3A_189, %dma_start3A_421, %dma_start3A_422] : memref<2x16x2x100x50xi32, #tpu.memory_space<hbm>> -> memref<1x1x1x100x50xi32, #tpu.memory_space<hbm>>
      %dma_start3A_424 = tpu.memref_squeeze %dma_start3A_423 : memref<1x1x1x100x50xi32, #tpu.memory_space<hbm>> -> memref<100x50xi32, #tpu.memory_space<hbm>>
      tpu.enqueue_dma source(%dma_start3A_424 : memref<100x50xi32, #tpu.memory_space<hbm>>) target(%arg10 : memref<100x50xi32, #tpu.memory_space<vmem>>) target_semaphore(%run_scoped3A_416 : memref<!tpu.dma_semaphore, #tpu.memory_space<semaphore_mem>>)
      %dma_wait3A_425 = arith.constant 0 : i32
      %dma_wait3A_426 = arith.constant 0 : i32
      %dma_wait3A_427 = tpu.memref_slice %arg3[%arg0, %arg1, %run_scoped3A_189, %dma_wait3A_425, %dma_wait3A_426] : memref<2x16x2x100x50xi32, #tpu.memory_space<hbm>> -> memref<1x1x1x100x50xi32, #tpu.memory_space<hbm>>
      %dma_wait3A_428 = tpu.memref_squeeze %dma_wait3A_427 : memref<1x1x1x100x50xi32, #tpu.memory_space<hbm>> -> memref<100x50xi32, #tpu.memory_space<hbm>>
      %dma_wait3A_429 = arith.constant 0 : i32
      %dma_wait3A_430 = arith.constant 0 : i32
      %dma_wait3A_431 = tpu.memref_slice %arg3[%arg0, %arg1, %run_scoped3A_189, %dma_wait3A_429, %dma_wait3A_430] : memref<2x16x2x100x50xi32, #tpu.memory_space<hbm>> -> memref<1x1x1x100x50xi32, #tpu.memory_space<hbm>>
      %dma_wait3A_432 = tpu.memref_squeeze %dma_wait3A_431 : memref<1x1x1x100x50xi32, #tpu.memory_space<hbm>> -> memref<100x50xi32, #tpu.memory_space<hbm>>
      tpu.wait_dma2 semaphore(%run_scoped3A_416 : memref<!tpu.dma_semaphore, #tpu.memory_space<semaphore_mem>>) src(%dma_wait3A_432 : memref<100x50xi32, #tpu.memory_space<hbm>>) dst(%arg10 : memref<100x50xi32, #tpu.memory_space<vmem>>)
      tpu.yield
    }) : () -> ()
    %run_scoped3A_190 = arith.constant 1 : i32
    "tpu.region"() ({
      %run_scoped3A_416 = tpu.sem_alloc : memref<!tpu.dma_semaphore, #tpu.memory_space<semaphore_mem>>
      %dma_start3A_417 = arith.constant 0 : i32
      %dma_start3A_418 = arith.constant 0 : i32
      %dma_start3A_419 = tpu.memref_slice %arg4[%arg0, %arg1, %run_scoped3A_190, %dma_start3A_417, %dma_start3A_418] : memref<2x16x2x100x50xi32, #tpu.memory_space<hbm>> -> memref<1x1x1x100x50xi32, #tpu.memory_space<hbm>>
      %dma_start3A_420 = tpu.memref_squeeze %dma_start3A_419 : memref<1x1x1x100x50xi32, #tpu.memory_space<hbm>> -> memref<100x50xi32, #tpu.memory_space<hbm>>
      %dma_start3A_421 = arith.constant 0 : i32
      %dma_start3A_422 = arith.constant 0 : i32
      %dma_start3A_423 = tpu.memref_slice %arg4[%arg0, %arg1, %run_scoped3A_190, %dma_start3A_421, %dma_start3A_422] : memref<2x16x2x100x50xi32, #tpu.memory_space<hbm>> -> memref<1x1x1x100x50xi32, #tpu.memory_space<hbm>>
      %dma_start3A_424 = tpu.memref_squeeze %dma_start3A_423 : memref<1x1x1x100x50xi32, #tpu.memory_space<hbm>> -> memref<100x50xi32, #tpu.memory_space<hbm>>
      tpu.enqueue_dma source(%dma_start3A_424 : memref<100x50xi32, #tpu.memory_space<hbm>>) target(%arg11 : memref<100x50xi32, #tpu.memory_space<vmem>>) target_semaphore(%run_scoped3A_416 : memref<!tpu.dma_semaphore, #tpu.memory_space<semaphore_mem>>)
      %dma_wait3A_425 = arith.constant 0 : i32
      %dma_wait3A_426 = arith.constant 0 : i32
      %dma_wait3A_427 = tpu.memref_slice %arg4[%arg0, %arg1, %run_scoped3A_190, %dma_wait3A_425, %dma_wait3A_426] : memref<2x16x2x100x50xi32, #tpu.memory_space<hbm>> -> memref<1x1x1x100x50xi32, #tpu.memory_space<hbm>>
      %dma_wait3A_428 = tpu.memref_squeeze %dma_wait3A_427 : memref<1x1x1x100x50xi32, #tpu.memory_space<hbm>> -> memref<100x50xi32, #tpu.memory_space<hbm>>
      %dma_wait3A_429 = arith.constant 0 : i32
      %dma_wait3A_430 = arith.constant 0 : i32
      %dma_wait3A_431 = tpu.memref_slice %arg4[%arg0, %arg1, %run_scoped3A_190, %dma_wait3A_429, %dma_wait3A_430] : memref<2x16x2x100x50xi32, #tpu.memory_space<hbm>> -> memref<1x1x1x100x50xi32, #tpu.memory_space<hbm>>
      %dma_wait3A_432 = tpu.memref_squeeze %dma_wait3A_431 : memref<1x1x1x100x50xi32, #tpu.memory_space<hbm>> -> memref<100x50xi32, #tpu.memory_space<hbm>>
      tpu.wait_dma2 semaphore(%run_scoped3A_416 : memref<!tpu.dma_semaphore, #tpu.memory_space<semaphore_mem>>) src(%dma_wait3A_432 : memref<100x50xi32, #tpu.memory_space<hbm>>) dst(%arg11 : memref<100x50xi32, #tpu.memory_space<vmem>>)
      tpu.yield
    }) : () -> ()
    %dma_start3A_191 = arith.constant 0 : i32
    %dma_start3A_192 = arith.constant 0 : i32
    %dma_start3A_193 = tpu.memref_slice %arg10[%dma_start3A_191, %dma_start3A_192] : memref<100x50xi32, #tpu.memory_space<vmem>> -> memref<1x50xi32, #tpu.memory_space<vmem>>
    %dma_start3A_194 = tpu.memref_squeeze %dma_start3A_193 : memref<1x50xi32, #tpu.memory_space<vmem>> -> memref<50xi32, #tpu.memory_space<vmem>>
    %dma_start3A_195 = arith.constant 0 : i32
    %dma_start3A_196 = arith.constant 0 : i32
    %dma_start3A_197 = tpu.memref_slice %arg2[%dma_start3A_195, %dma_start3A_196] : memref<10000x128xf32, #tpu.memory_space<hbm>> -> memref<10000x128xf32, #tpu.memory_space<hbm>>
    tpu.enqueue_indirect_dma source(%dma_start3A_197 : memref<10000x128xf32, #tpu.memory_space<hbm>>) target(%arg12 : memref<50x128xf32, #tpu.memory_space<vmem>>) offsets(%dma_start3A_194 : memref<50xi32, #tpu.memory_space<vmem>>) semaphore(%arg20 : memref<!tpu.dma_semaphore, #tpu.memory_space<semaphore_mem>>)
    %dma_start3A_198 = arith.constant 1 : i32
    %dma_start3A_199 = arith.constant 0 : i32
    %dma_start3A_200 = tpu.memref_slice %arg10[%dma_start3A_198, %dma_start3A_199] : memref<100x50xi32, #tpu.memory_space<vmem>> -> memref<1x50xi32, #tpu.memory_space<vmem>>
    %dma_start3A_201 = tpu.memref_squeeze %dma_start3A_200 : memref<1x50xi32, #tpu.memory_space<vmem>> -> memref<50xi32, #tpu.memory_space<vmem>>
    %dma_start3A_202 = arith.constant 0 : i32
    %dma_start3A_203 = arith.constant 0 : i32
    %dma_start3A_204 = tpu.memref_slice %arg2[%dma_start3A_202, %dma_start3A_203] : memref<10000x128xf32, #tpu.memory_space<hbm>> -> memref<10000x128xf32, #tpu.memory_space<hbm>>
    tpu.enqueue_indirect_dma source(%dma_start3A_204 : memref<10000x128xf32, #tpu.memory_space<hbm>>) target(%arg13 : memref<50x128xf32, #tpu.memory_space<vmem>>) offsets(%dma_start3A_201 : memref<50xi32, #tpu.memory_space<vmem>>) semaphore(%arg21 : memref<!tpu.dma_semaphore, #tpu.memory_space<semaphore_mem>>)
    %dma_start3A_205 = arith.constant 2 : i32
    %dma_start3A_206 = arith.constant 0 : i32
    %dma_start3A_207 = tpu.memref_slice %arg10[%dma_start3A_205, %dma_start3A_206] : memref<100x50xi32, #tpu.memory_space<vmem>> -> memref<1x50xi32, #tpu.memory_space<vmem>>
    %dma_start3A_208 = tpu.memref_squeeze %dma_start3A_207 : memref<1x50xi32, #tpu.memory_space<vmem>> -> memref<50xi32, #tpu.memory_space<vmem>>
    %dma_start3A_209 = arith.constant 0 : i32
    %dma_start3A_210 = arith.constant 0 : i32
    %dma_start3A_211 = tpu.memref_slice %arg2[%dma_start3A_209, %dma_start3A_210] : memref<10000x128xf32, #tpu.memory_space<hbm>> -> memref<10000x128xf32, #tpu.memory_space<hbm>>
    tpu.enqueue_indirect_dma source(%dma_start3A_211 : memref<10000x128xf32, #tpu.memory_space<hbm>>) target(%arg14 : memref<50x128xf32, #tpu.memory_space<vmem>>) offsets(%dma_start3A_208 : memref<50xi32, #tpu.memory_space<vmem>>) semaphore(%arg22 : memref<!tpu.dma_semaphore, #tpu.memory_space<semaphore_mem>>)
    %dma_start3A_212 = arith.constant 3 : i32
    %dma_start3A_213 = arith.constant 0 : i32
    %dma_start3A_214 = tpu.memref_slice %arg10[%dma_start3A_212, %dma_start3A_213] : memref<100x50xi32, #tpu.memory_space<vmem>> -> memref<1x50xi32, #tpu.memory_space<vmem>>
    %dma_start3A_215 = tpu.memref_squeeze %dma_start3A_214 : memref<1x50xi32, #tpu.memory_space<vmem>> -> memref<50xi32, #tpu.memory_space<vmem>>
    %dma_start3A_216 = arith.constant 0 : i32
    %dma_start3A_217 = arith.constant 0 : i32
    %dma_start3A_218 = tpu.memref_slice %arg2[%dma_start3A_216, %dma_start3A_217] : memref<10000x128xf32, #tpu.memory_space<hbm>> -> memref<10000x128xf32, #tpu.memory_space<hbm>>
    tpu.enqueue_indirect_dma source(%dma_start3A_218 : memref<10000x128xf32, #tpu.memory_space<hbm>>) target(%arg15 : memref<50x128xf32, #tpu.memory_space<vmem>>) offsets(%dma_start3A_215 : memref<50xi32, #tpu.memory_space<vmem>>) semaphore(%arg23 : memref<!tpu.dma_semaphore, #tpu.memory_space<semaphore_mem>>)
    %dma_start3A_219 = arith.constant 4 : i32
    %dma_start3A_220 = arith.constant 0 : i32
    %dma_start3A_221 = tpu.memref_slice %arg10[%dma_start3A_219, %dma_start3A_220] : memref<100x50xi32, #tpu.memory_space<vmem>> -> memref<1x50xi32, #tpu.memory_space<vmem>>
    %dma_start3A_222 = tpu.memref_squeeze %dma_start3A_221 : memref<1x50xi32, #tpu.memory_space<vmem>> -> memref<50xi32, #tpu.memory_space<vmem>>
    %dma_start3A_223 = arith.constant 0 : i32
    %dma_start3A_224 = arith.constant 0 : i32
    %dma_start3A_225 = tpu.memref_slice %arg2[%dma_start3A_223, %dma_start3A_224] : memref<10000x128xf32, #tpu.memory_space<hbm>> -> memref<10000x128xf32, #tpu.memory_space<hbm>>
    tpu.enqueue_indirect_dma source(%dma_start3A_225 : memref<10000x128xf32, #tpu.memory_space<hbm>>) target(%arg16 : memref<50x128xf32, #tpu.memory_space<vmem>>) offsets(%dma_start3A_222 : memref<50xi32, #tpu.memory_space<vmem>>) semaphore(%arg24 : memref<!tpu.dma_semaphore, #tpu.memory_space<semaphore_mem>>)
    %scan3A_226 = arith.constant 0 : i32
    %scan3A_227 = arith.constant 0 : i32
    %scan3A_228 = arith.constant 19 : i32
    %scan3A_229 = arith.addi %scan3A_227, %scan3A_228 : i32
    %scan3A_230 = arith.constant 1 : i32
    scf.for %scan3A_416 = %scan3A_227 to %scan3A_229 step %scan3A_230  : i32 {
      %mul3A_417 = arith.constant 5 : i32
      %mul3A_418 = arith.muli %mul3A_417, %scan3A_416 : i32
      %add3A = arith.constant 0 : i32
      %add3A_419 = arith.addi %mul3A_418, %add3A : i32
      %dma_wait3A_420 = arith.constant 0 : i32
      %dma_wait3A_421 = tpu.memref_slice %arg10[%add3A_419, %dma_wait3A_420] : memref<100x50xi32, #tpu.memory_space<vmem>> -> memref<1x50xi32, #tpu.memory_space<vmem>>
      %dma_wait3A_422 = tpu.memref_squeeze %dma_wait3A_421 : memref<1x50xi32, #tpu.memory_space<vmem>> -> memref<50xi32, #tpu.memory_space<vmem>>
      %dma_wait3A_423 = arith.constant 0 : i32
      %dma_wait3A_424 = arith.constant 0 : i32
      %dma_wait3A_425 = tpu.memref_slice %arg2[%dma_wait3A_423, %dma_wait3A_424] : memref<10000x128xf32, #tpu.memory_space<hbm>> -> memref<10000x128xf32, #tpu.memory_space<hbm>>
      tpu.wait_indirect_dma semaphore(%arg20 : memref<!tpu.dma_semaphore, #tpu.memory_space<semaphore_mem>>) src(%dma_wait3A_425 : memref<10000x128xf32, #tpu.memory_space<hbm>>) dst(%arg12 : memref<50x128xf32, #tpu.memory_space<vmem>>)
      %add3A_426 = arith.constant 0 : i32
      %add3A_427 = arith.addi %mul3A_418, %add3A_426 : i32
      %dma_start3A_428 = arith.constant 0 : i32
      %dma_start3A_429 = tpu.memref_slice %arg11[%add3A_427, %dma_start3A_428] : memref<100x50xi32, #tpu.memory_space<vmem>> -> memref<1x50xi32, #tpu.memory_space<vmem>>
      %dma_start3A_430 = tpu.memref_squeeze %dma_start3A_429 : memref<1x50xi32, #tpu.memory_space<vmem>> -> memref<50xi32, #tpu.memory_space<vmem>>
      %dma_start3A_431 = arith.constant 0 : i32
      %dma_start3A_432 = arith.constant 0 : i32
      %dma_start3A_433 = tpu.memref_slice %arg18[%dma_start3A_431, %dma_start3A_432] : memref<10000x128xf32, #tpu.memory_space<vmem_shared>> -> memref<10000x128xf32, #tpu.memory_space<vmem_shared>>
      tpu.enqueue_indirect_dma source(%arg12 : memref<50x128xf32, #tpu.memory_space<vmem>>) target(%dma_start3A_433 : memref<10000x128xf32, #tpu.memory_space<vmem_shared>>) offsets(%dma_start3A_430 : memref<50xi32, #tpu.memory_space<vmem>>) semaphore(%arg25 : memref<!tpu.dma_semaphore, #tpu.memory_space<semaphore_mem>>) {add = true}
      %dma_start3A_434 = arith.constant 0 : i32
      %dma_start3A_435 = tpu.memref_slice %arg11[%add3A_427, %dma_start3A_434] : memref<100x50xi32, #tpu.memory_space<vmem>> -> memref<1x50xi32, #tpu.memory_space<vmem>>
      %dma_start3A_436 = tpu.memref_squeeze %dma_start3A_435 : memref<1x50xi32, #tpu.memory_space<vmem>> -> memref<50xi32, #tpu.memory_space<vmem>>
      %dma_start3A_437 = arith.constant 0 : i32
      %dma_start3A_438 = arith.constant 0 : i32
      %dma_start3A_439 = tpu.memref_slice %arg19[%dma_start3A_437, %dma_start3A_438] : memref<10000x8xf32, #tpu.memory_space<vmem_shared>> -> memref<10000x8xf32, #tpu.memory_space<vmem_shared>>
      tpu.enqueue_indirect_dma source(%arg17 : memref<50x8xf32, #tpu.memory_space<vmem>>) target(%dma_start3A_439 : memref<10000x8xf32, #tpu.memory_space<vmem_shared>>) offsets(%dma_start3A_436 : memref<50xi32, #tpu.memory_space<vmem>>) semaphore(%arg30 : memref<!tpu.dma_semaphore, #tpu.memory_space<semaphore_mem>>) {add = true}
      %add3A_440 = arith.constant 1 : i32
      %add3A_441 = arith.addi %mul3A_418, %add3A_440 : i32
      %dma_wait3A_442 = arith.constant 0 : i32
      %dma_wait3A_443 = tpu.memref_slice %arg10[%add3A_441, %dma_wait3A_442] : memref<100x50xi32, #tpu.memory_space<vmem>> -> memref<1x50xi32, #tpu.memory_space<vmem>>
      %dma_wait3A_444 = tpu.memref_squeeze %dma_wait3A_443 : memref<1x50xi32, #tpu.memory_space<vmem>> -> memref<50xi32, #tpu.memory_space<vmem>>
      %dma_wait3A_445 = arith.constant 0 : i32
      %dma_wait3A_446 = arith.constant 0 : i32
      %dma_wait3A_447 = tpu.memref_slice %arg2[%dma_wait3A_445, %dma_wait3A_446] : memref<10000x128xf32, #tpu.memory_space<hbm>> -> memref<10000x128xf32, #tpu.memory_space<hbm>>
      tpu.wait_indirect_dma semaphore(%arg21 : memref<!tpu.dma_semaphore, #tpu.memory_space<semaphore_mem>>) src(%dma_wait3A_447 : memref<10000x128xf32, #tpu.memory_space<hbm>>) dst(%arg13 : memref<50x128xf32, #tpu.memory_space<vmem>>)
      %add3A_448 = arith.constant 1 : i32
      %add3A_449 = arith.addi %mul3A_418, %add3A_448 : i32
      %dma_start3A_450 = arith.constant 0 : i32
      %dma_start3A_451 = tpu.memref_slice %arg11[%add3A_449, %dma_start3A_450] : memref<100x50xi32, #tpu.memory_space<vmem>> -> memref<1x50xi32, #tpu.memory_space<vmem>>
      %dma_start3A_452 = tpu.memref_squeeze %dma_start3A_451 : memref<1x50xi32, #tpu.memory_space<vmem>> -> memref<50xi32, #tpu.memory_space<vmem>>
      %dma_start3A_453 = arith.constant 0 : i32
      %dma_start3A_454 = arith.constant 0 : i32
      %dma_start3A_455 = tpu.memref_slice %arg18[%dma_start3A_453, %dma_start3A_454] : memref<10000x128xf32, #tpu.memory_space<vmem_shared>> -> memref<10000x128xf32, #tpu.memory_space<vmem_shared>>
      tpu.enqueue_indirect_dma source(%arg13 : memref<50x128xf32, #tpu.memory_space<vmem>>) target(%dma_start3A_455 : memref<10000x128xf32, #tpu.memory_space<vmem_shared>>) offsets(%dma_start3A_452 : memref<50xi32, #tpu.memory_space<vmem>>) semaphore(%arg26 : memref<!tpu.dma_semaphore, #tpu.memory_space<semaphore_mem>>) {add = true}
      %dma_start3A_456 = arith.constant 0 : i32
      %dma_start3A_457 = tpu.memref_slice %arg11[%add3A_449, %dma_start3A_456] : memref<100x50xi32, #tpu.memory_space<vmem>> -> memref<1x50xi32, #tpu.memory_space<vmem>>
      %dma_start3A_458 = tpu.memref_squeeze %dma_start3A_457 : memref<1x50xi32, #tpu.memory_space<vmem>> -> memref<50xi32, #tpu.memory_space<vmem>>
      %dma_start3A_459 = arith.constant 0 : i32
      %dma_start3A_460 = arith.constant 0 : i32
      %dma_start3A_461 = tpu.memref_slice %arg19[%dma_start3A_459, %dma_start3A_460] : memref<10000x8xf32, #tpu.memory_space<vmem_shared>> -> memref<10000x8xf32, #tpu.memory_space<vmem_shared>>
      tpu.enqueue_indirect_dma source(%arg17 : memref<50x8xf32, #tpu.memory_space<vmem>>) target(%dma_start3A_461 : memref<10000x8xf32, #tpu.memory_space<vmem_shared>>) offsets(%dma_start3A_458 : memref<50xi32, #tpu.memory_space<vmem>>) semaphore(%arg30 : memref<!tpu.dma_semaphore, #tpu.memory_space<semaphore_mem>>) {add = true}
      %add3A_462 = arith.constant 2 : i32
      %add3A_463 = arith.addi %mul3A_418, %add3A_462 : i32
      %dma_wait3A_464 = arith.constant 0 : i32
      %dma_wait3A_465 = tpu.memref_slice %arg10[%add3A_463, %dma_wait3A_464] : memref<100x50xi32, #tpu.memory_space<vmem>> -> memref<1x50xi32, #tpu.memory_space<vmem>>
      %dma_wait3A_466 = tpu.memref_squeeze %dma_wait3A_465 : memref<1x50xi32, #tpu.memory_space<vmem>> -> memref<50xi32, #tpu.memory_space<vmem>>
      %dma_wait3A_467 = arith.constant 0 : i32
      %dma_wait3A_468 = arith.constant 0 : i32
      %dma_wait3A_469 = tpu.memref_slice %arg2[%dma_wait3A_467, %dma_wait3A_468] : memref<10000x128xf32, #tpu.memory_space<hbm>> -> memref<10000x128xf32, #tpu.memory_space<hbm>>
      tpu.wait_indirect_dma semaphore(%arg22 : memref<!tpu.dma_semaphore, #tpu.memory_space<semaphore_mem>>) src(%dma_wait3A_469 : memref<10000x128xf32, #tpu.memory_space<hbm>>) dst(%arg14 : memref<50x128xf32, #tpu.memory_space<vmem>>)
      %add3A_470 = arith.constant 2 : i32
      %add3A_471 = arith.addi %mul3A_418, %add3A_470 : i32
      %dma_start3A_472 = arith.constant 0 : i32
      %dma_start3A_473 = tpu.memref_slice %arg11[%add3A_471, %dma_start3A_472] : memref<100x50xi32, #tpu.memory_space<vmem>> -> memref<1x50xi32, #tpu.memory_space<vmem>>
      %dma_start3A_474 = tpu.memref_squeeze %dma_start3A_473 : memref<1x50xi32, #tpu.memory_space<vmem>> -> memref<50xi32, #tpu.memory_space<vmem>>
      %dma_start3A_475 = arith.constant 0 : i32
      %dma_start3A_476 = arith.constant 0 : i32
      %dma_start3A_477 = tpu.memref_slice %arg18[%dma_start3A_475, %dma_start3A_476] : memref<10000x128xf32, #tpu.memory_space<vmem_shared>> -> memref<10000x128xf32, #tpu.memory_space<vmem_shared>>
      tpu.enqueue_indirect_dma source(%arg14 : memref<50x128xf32, #tpu.memory_space<vmem>>) target(%dma_start3A_477 : memref<10000x128xf32, #tpu.memory_space<vmem_shared>>) offsets(%dma_start3A_474 : memref<50xi32, #tpu.memory_space<vmem>>) semaphore(%arg27 : memref<!tpu.dma_semaphore, #tpu.memory_space<semaphore_mem>>) {add = true}
      %dma_start3A_478 = arith.constant 0 : i32
      %dma_start3A_479 = tpu.memref_slice %arg11[%add3A_471, %dma_start3A_478] : memref<100x50xi32, #tpu.memory_space<vmem>> -> memref<1x50xi32, #tpu.memory_space<vmem>>
      %dma_start3A_480 = tpu.memref_squeeze %dma_start3A_479 : memref<1x50xi32, #tpu.memory_space<vmem>> -> memref<50xi32, #tpu.memory_space<vmem>>
      %dma_start3A_481 = arith.constant 0 : i32
      %dma_start3A_482 = arith.constant 0 : i32
      %dma_start3A_483 = tpu.memref_slice %arg19[%dma_start3A_481, %dma_start3A_482] : memref<10000x8xf32, #tpu.memory_space<vmem_shared>> -> memref<10000x8xf32, #tpu.memory_space<vmem_shared>>
      tpu.enqueue_indirect_dma source(%arg17 : memref<50x8xf32, #tpu.memory_space<vmem>>) target(%dma_start3A_483 : memref<10000x8xf32, #tpu.memory_space<vmem_shared>>) offsets(%dma_start3A_480 : memref<50xi32, #tpu.memory_space<vmem>>) semaphore(%arg30 : memref<!tpu.dma_semaphore, #tpu.memory_space<semaphore_mem>>) {add = true}
      %add3A_484 = arith.constant 3 : i32
      %add3A_485 = arith.addi %mul3A_418, %add3A_484 : i32
      %dma_wait3A_486 = arith.constant 0 : i32
      %dma_wait3A_487 = tpu.memref_slice %arg10[%add3A_485, %dma_wait3A_486] : memref<100x50xi32, #tpu.memory_space<vmem>> -> memref<1x50xi32, #tpu.memory_space<vmem>>
      %dma_wait3A_488 = tpu.memref_squeeze %dma_wait3A_487 : memref<1x50xi32, #tpu.memory_space<vmem>> -> memref<50xi32, #tpu.memory_space<vmem>>
      %dma_wait3A_489 = arith.constant 0 : i32
      %dma_wait3A_490 = arith.constant 0 : i32
      %dma_wait3A_491 = tpu.memref_slice %arg2[%dma_wait3A_489, %dma_wait3A_490] : memref<10000x128xf32, #tpu.memory_space<hbm>> -> memref<10000x128xf32, #tpu.memory_space<hbm>>
      tpu.wait_indirect_dma semaphore(%arg23 : memref<!tpu.dma_semaphore, #tpu.memory_space<semaphore_mem>>) src(%dma_wait3A_491 : memref<10000x128xf32, #tpu.memory_space<hbm>>) dst(%arg15 : memref<50x128xf32, #tpu.memory_space<vmem>>)
      %add3A_492 = arith.constant 3 : i32
      %add3A_493 = arith.addi %mul3A_418, %add3A_492 : i32
      %dma_start3A_494 = arith.constant 0 : i32
      %dma_start3A_495 = tpu.memref_slice %arg11[%add3A_493, %dma_start3A_494] : memref<100x50xi32, #tpu.memory_space<vmem>> -> memref<1x50xi32, #tpu.memory_space<vmem>>
      %dma_start3A_496 = tpu.memref_squeeze %dma_start3A_495 : memref<1x50xi32, #tpu.memory_space<vmem>> -> memref<50xi32, #tpu.memory_space<vmem>>
      %dma_start3A_497 = arith.constant 0 : i32
      %dma_start3A_498 = arith.constant 0 : i32
      %dma_start3A_499 = tpu.memref_slice %arg18[%dma_start3A_497, %dma_start3A_498] : memref<10000x128xf32, #tpu.memory_space<vmem_shared>> -> memref<10000x128xf32, #tpu.memory_space<vmem_shared>>
      tpu.enqueue_indirect_dma source(%arg15 : memref<50x128xf32, #tpu.memory_space<vmem>>) target(%dma_start3A_499 : memref<10000x128xf32, #tpu.memory_space<vmem_shared>>) offsets(%dma_start3A_496 : memref<50xi32, #tpu.memory_space<vmem>>) semaphore(%arg28 : memref<!tpu.dma_semaphore, #tpu.memory_space<semaphore_mem>>) {add = true}
      %dma_start3A_500 = arith.constant 0 : i32
      %dma_start3A_501 = tpu.memref_slice %arg11[%add3A_493, %dma_start3A_500] : memref<100x50xi32, #tpu.memory_space<vmem>> -> memref<1x50xi32, #tpu.memory_space<vmem>>
      %dma_start3A_502 = tpu.memref_squeeze %dma_start3A_501 : memref<1x50xi32, #tpu.memory_space<vmem>> -> memref<50xi32, #tpu.memory_space<vmem>>
      %dma_start3A_503 = arith.constant 0 : i32
      %dma_start3A_504 = arith.constant 0 : i32
      %dma_start3A_505 = tpu.memref_slice %arg19[%dma_start3A_503, %dma_start3A_504] : memref<10000x8xf32, #tpu.memory_space<vmem_shared>> -> memref<10000x8xf32, #tpu.memory_space<vmem_shared>>
      tpu.enqueue_indirect_dma source(%arg17 : memref<50x8xf32, #tpu.memory_space<vmem>>) target(%dma_start3A_505 : memref<10000x8xf32, #tpu.memory_space<vmem_shared>>) offsets(%dma_start3A_502 : memref<50xi32, #tpu.memory_space<vmem>>) semaphore(%arg30 : memref<!tpu.dma_semaphore, #tpu.memory_space<semaphore_mem>>) {add = true}
      %add3A_506 = arith.constant 4 : i32
      %add3A_507 = arith.addi %mul3A_418, %add3A_506 : i32
      %dma_wait3A_508 = arith.constant 0 : i32
      %dma_wait3A_509 = tpu.memref_slice %arg10[%add3A_507, %dma_wait3A_508] : memref<100x50xi32, #tpu.memory_space<vmem>> -> memref<1x50xi32, #tpu.memory_space<vmem>>
      %dma_wait3A_510 = tpu.memref_squeeze %dma_wait3A_509 : memref<1x50xi32, #tpu.memory_space<vmem>> -> memref<50xi32, #tpu.memory_space<vmem>>
      %dma_wait3A_511 = arith.constant 0 : i32
      %dma_wait3A_512 = arith.constant 0 : i32
      %dma_wait3A_513 = tpu.memref_slice %arg2[%dma_wait3A_511, %dma_wait3A_512] : memref<10000x128xf32, #tpu.memory_space<hbm>> -> memref<10000x128xf32, #tpu.memory_space<hbm>>
      tpu.wait_indirect_dma semaphore(%arg24 : memref<!tpu.dma_semaphore, #tpu.memory_space<semaphore_mem>>) src(%dma_wait3A_513 : memref<10000x128xf32, #tpu.memory_space<hbm>>) dst(%arg16 : memref<50x128xf32, #tpu.memory_space<vmem>>)
      %add3A_514 = arith.constant 4 : i32
      %add3A_515 = arith.addi %mul3A_418, %add3A_514 : i32
      %dma_start3A_516 = arith.constant 0 : i32
      %dma_start3A_517 = tpu.memref_slice %arg11[%add3A_515, %dma_start3A_516] : memref<100x50xi32, #tpu.memory_space<vmem>> -> memref<1x50xi32, #tpu.memory_space<vmem>>
      %dma_start3A_518 = tpu.memref_squeeze %dma_start3A_517 : memref<1x50xi32, #tpu.memory_space<vmem>> -> memref<50xi32, #tpu.memory_space<vmem>>
      %dma_start3A_519 = arith.constant 0 : i32
      %dma_start3A_520 = arith.constant 0 : i32
      %dma_start3A_521 = tpu.memref_slice %arg18[%dma_start3A_519, %dma_start3A_520] : memref<10000x128xf32, #tpu.memory_space<vmem_shared>> -> memref<10000x128xf32, #tpu.memory_space<vmem_shared>>
      tpu.enqueue_indirect_dma source(%arg16 : memref<50x128xf32, #tpu.memory_space<vmem>>) target(%dma_start3A_521 : memref<10000x128xf32, #tpu.memory_space<vmem_shared>>) offsets(%dma_start3A_518 : memref<50xi32, #tpu.memory_space<vmem>>) semaphore(%arg29 : memref<!tpu.dma_semaphore, #tpu.memory_space<semaphore_mem>>) {add = true}
      %dma_start3A_522 = arith.constant 0 : i32
      %dma_start3A_523 = tpu.memref_slice %arg11[%add3A_515, %dma_start3A_522] : memref<100x50xi32, #tpu.memory_space<vmem>> -> memref<1x50xi32, #tpu.memory_space<vmem>>
      %dma_start3A_524 = tpu.memref_squeeze %dma_start3A_523 : memref<1x50xi32, #tpu.memory_space<vmem>> -> memref<50xi32, #tpu.memory_space<vmem>>
      %dma_start3A_525 = arith.constant 0 : i32
      %dma_start3A_526 = arith.constant 0 : i32
      %dma_start3A_527 = tpu.memref_slice %arg19[%dma_start3A_525, %dma_start3A_526] : memref<10000x8xf32, #tpu.memory_space<vmem_shared>> -> memref<10000x8xf32, #tpu.memory_space<vmem_shared>>
      tpu.enqueue_indirect_dma source(%arg17 : memref<50x8xf32, #tpu.memory_space<vmem>>) target(%dma_start3A_527 : memref<10000x8xf32, #tpu.memory_space<vmem_shared>>) offsets(%dma_start3A_524 : memref<50xi32, #tpu.memory_space<vmem>>) semaphore(%arg30 : memref<!tpu.dma_semaphore, #tpu.memory_space<semaphore_mem>>) {add = true}
      %add3A_528 = arith.constant 0 : i32
      %add3A_529 = arith.addi %mul3A_418, %add3A_528 : i32
      %dma_wait3A_530 = arith.constant 0 : i32
      %dma_wait3A_531 = tpu.memref_slice %arg11[%add3A_529, %dma_wait3A_530] : memref<100x50xi32, #tpu.memory_space<vmem>> -> memref<1x50xi32, #tpu.memory_space<vmem>>
      %dma_wait3A_532 = tpu.memref_squeeze %dma_wait3A_531 : memref<1x50xi32, #tpu.memory_space<vmem>> -> memref<50xi32, #tpu.memory_space<vmem>>
      %dma_wait3A_533 = arith.constant 0 : i32
      %dma_wait3A_534 = arith.constant 0 : i32
      %dma_wait3A_535 = tpu.memref_slice %arg18[%dma_wait3A_533, %dma_wait3A_534] : memref<10000x128xf32, #tpu.memory_space<vmem_shared>> -> memref<10000x128xf32, #tpu.memory_space<vmem_shared>>
      tpu.wait_indirect_dma semaphore(%arg25 : memref<!tpu.dma_semaphore, #tpu.memory_space<semaphore_mem>>) src(%arg12 : memref<50x128xf32, #tpu.memory_space<vmem>>) dst(%dma_wait3A_535 : memref<10000x128xf32, #tpu.memory_space<vmem_shared>>)
      %add3A_536 = arith.constant 5 : i32
      %add3A_537 = arith.addi %mul3A_418, %add3A_536 : i32
      %add3A_538 = arith.constant 0 : i32
      %add3A_539 = arith.addi %add3A_537, %add3A_538 : i32
      %dma_start3A_540 = arith.constant 0 : i32
      %dma_start3A_541 = tpu.memref_slice %arg10[%add3A_539, %dma_start3A_540] : memref<100x50xi32, #tpu.memory_space<vmem>> -> memref<1x50xi32, #tpu.memory_space<vmem>>
      %dma_start3A_542 = tpu.memref_squeeze %dma_start3A_541 : memref<1x50xi32, #tpu.memory_space<vmem>> -> memref<50xi32, #tpu.memory_space<vmem>>
      %dma_start3A_543 = arith.constant 0 : i32
      %dma_start3A_544 = arith.constant 0 : i32
      %dma_start3A_545 = tpu.memref_slice %arg2[%dma_start3A_543, %dma_start3A_544] : memref<10000x128xf32, #tpu.memory_space<hbm>> -> memref<10000x128xf32, #tpu.memory_space<hbm>>
      tpu.enqueue_indirect_dma source(%dma_start3A_545 : memref<10000x128xf32, #tpu.memory_space<hbm>>) target(%arg12 : memref<50x128xf32, #tpu.memory_space<vmem>>) offsets(%dma_start3A_542 : memref<50xi32, #tpu.memory_space<vmem>>) semaphore(%arg20 : memref<!tpu.dma_semaphore, #tpu.memory_space<semaphore_mem>>)
      %add3A_546 = arith.constant 1 : i32
      %add3A_547 = arith.addi %mul3A_418, %add3A_546 : i32
      %dma_wait3A_548 = arith.constant 0 : i32
      %dma_wait3A_549 = tpu.memref_slice %arg11[%add3A_547, %dma_wait3A_548] : memref<100x50xi32, #tpu.memory_space<vmem>> -> memref<1x50xi32, #tpu.memory_space<vmem>>
      %dma_wait3A_550 = tpu.memref_squeeze %dma_wait3A_549 : memref<1x50xi32, #tpu.memory_space<vmem>> -> memref<50xi32, #tpu.memory_space<vmem>>
      %dma_wait3A_551 = arith.constant 0 : i32
      %dma_wait3A_552 = arith.constant 0 : i32
      %dma_wait3A_553 = tpu.memref_slice %arg18[%dma_wait3A_551, %dma_wait3A_552] : memref<10000x128xf32, #tpu.memory_space<vmem_shared>> -> memref<10000x128xf32, #tpu.memory_space<vmem_shared>>
      tpu.wait_indirect_dma semaphore(%arg26 : memref<!tpu.dma_semaphore, #tpu.memory_space<semaphore_mem>>) src(%arg13 : memref<50x128xf32, #tpu.memory_space<vmem>>) dst(%dma_wait3A_553 : memref<10000x128xf32, #tpu.memory_space<vmem_shared>>)
      %add3A_554 = arith.constant 5 : i32
      %add3A_555 = arith.addi %mul3A_418, %add3A_554 : i32
      %add3A_556 = arith.constant 1 : i32
      %add3A_557 = arith.addi %add3A_555, %add3A_556 : i32
      %dma_start3A_558 = arith.constant 0 : i32
      %dma_start3A_559 = tpu.memref_slice %arg10[%add3A_557, %dma_start3A_558] : memref<100x50xi32, #tpu.memory_space<vmem>> -> memref<1x50xi32, #tpu.memory_space<vmem>>
      %dma_start3A_560 = tpu.memref_squeeze %dma_start3A_559 : memref<1x50xi32, #tpu.memory_space<vmem>> -> memref<50xi32, #tpu.memory_space<vmem>>
      %dma_start3A_561 = arith.constant 0 : i32
      %dma_start3A_562 = arith.constant 0 : i32
      %dma_start3A_563 = tpu.memref_slice %arg2[%dma_start3A_561, %dma_start3A_562] : memref<10000x128xf32, #tpu.memory_space<hbm>> -> memref<10000x128xf32, #tpu.memory_space<hbm>>
      tpu.enqueue_indirect_dma source(%dma_start3A_563 : memref<10000x128xf32, #tpu.memory_space<hbm>>) target(%arg13 : memref<50x128xf32, #tpu.memory_space<vmem>>) offsets(%dma_start3A_560 : memref<50xi32, #tpu.memory_space<vmem>>) semaphore(%arg21 : memref<!tpu.dma_semaphore, #tpu.memory_space<semaphore_mem>>)
      %add3A_564 = arith.constant 2 : i32
      %add3A_565 = arith.addi %mul3A_418, %add3A_564 : i32
      %dma_wait3A_566 = arith.constant 0 : i32
      %dma_wait3A_567 = tpu.memref_slice %arg11[%add3A_565, %dma_wait3A_566] : memref<100x50xi32, #tpu.memory_space<vmem>> -> memref<1x50xi32, #tpu.memory_space<vmem>>
      %dma_wait3A_568 = tpu.memref_squeeze %dma_wait3A_567 : memref<1x50xi32, #tpu.memory_space<vmem>> -> memref<50xi32, #tpu.memory_space<vmem>>
      %dma_wait3A_569 = arith.constant 0 : i32
      %dma_wait3A_570 = arith.constant 0 : i32
      %dma_wait3A_571 = tpu.memref_slice %arg18[%dma_wait3A_569, %dma_wait3A_570] : memref<10000x128xf32, #tpu.memory_space<vmem_shared>> -> memref<10000x128xf32, #tpu.memory_space<vmem_shared>>
      tpu.wait_indirect_dma semaphore(%arg27 : memref<!tpu.dma_semaphore, #tpu.memory_space<semaphore_mem>>) src(%arg14 : memref<50x128xf32, #tpu.memory_space<vmem>>) dst(%dma_wait3A_571 : memref<10000x128xf32, #tpu.memory_space<vmem_shared>>)
      %add3A_572 = arith.constant 5 : i32
      %add3A_573 = arith.addi %mul3A_418, %add3A_572 : i32
      %add3A_574 = arith.constant 2 : i32
      %add3A_575 = arith.addi %add3A_573, %add3A_574 : i32
      %dma_start3A_576 = arith.constant 0 : i32
      %dma_start3A_577 = tpu.memref_slice %arg10[%add3A_575, %dma_start3A_576] : memref<100x50xi32, #tpu.memory_space<vmem>> -> memref<1x50xi32, #tpu.memory_space<vmem>>
      %dma_start3A_578 = tpu.memref_squeeze %dma_start3A_577 : memref<1x50xi32, #tpu.memory_space<vmem>> -> memref<50xi32, #tpu.memory_space<vmem>>
      %dma_start3A_579 = arith.constant 0 : i32
      %dma_start3A_580 = arith.constant 0 : i32
      %dma_start3A_581 = tpu.memref_slice %arg2[%dma_start3A_579, %dma_start3A_580] : memref<10000x128xf32, #tpu.memory_space<hbm>> -> memref<10000x128xf32, #tpu.memory_space<hbm>>
      tpu.enqueue_indirect_dma source(%dma_start3A_581 : memref<10000x128xf32, #tpu.memory_space<hbm>>) target(%arg14 : memref<50x128xf32, #tpu.memory_space<vmem>>) offsets(%dma_start3A_578 : memref<50xi32, #tpu.memory_space<vmem>>) semaphore(%arg22 : memref<!tpu.dma_semaphore, #tpu.memory_space<semaphore_mem>>)
      %add3A_582 = arith.constant 3 : i32
      %add3A_583 = arith.addi %mul3A_418, %add3A_582 : i32
      %dma_wait3A_584 = arith.constant 0 : i32
      %dma_wait3A_585 = tpu.memref_slice %arg11[%add3A_583, %dma_wait3A_584] : memref<100x50xi32, #tpu.memory_space<vmem>> -> memref<1x50xi32, #tpu.memory_space<vmem>>
      %dma_wait3A_586 = tpu.memref_squeeze %dma_wait3A_585 : memref<1x50xi32, #tpu.memory_space<vmem>> -> memref<50xi32, #tpu.memory_space<vmem>>
      %dma_wait3A_587 = arith.constant 0 : i32
      %dma_wait3A_588 = arith.constant 0 : i32
      %dma_wait3A_589 = tpu.memref_slice %arg18[%dma_wait3A_587, %dma_wait3A_588] : memref<10000x128xf32, #tpu.memory_space<vmem_shared>> -> memref<10000x128xf32, #tpu.memory_space<vmem_shared>>
      tpu.wait_indirect_dma semaphore(%arg28 : memref<!tpu.dma_semaphore, #tpu.memory_space<semaphore_mem>>) src(%arg15 : memref<50x128xf32, #tpu.memory_space<vmem>>) dst(%dma_wait3A_589 : memref<10000x128xf32, #tpu.memory_space<vmem_shared>>)
      %add3A_590 = arith.constant 5 : i32
      %add3A_591 = arith.addi %mul3A_418, %add3A_590 : i32
      %add3A_592 = arith.constant 3 : i32
      %add3A_593 = arith.addi %add3A_591, %add3A_592 : i32
      %dma_start3A_594 = arith.constant 0 : i32
      %dma_start3A_595 = tpu.memref_slice %arg10[%add3A_593, %dma_start3A_594] : memref<100x50xi32, #tpu.memory_space<vmem>> -> memref<1x50xi32, #tpu.memory_space<vmem>>
      %dma_start3A_596 = tpu.memref_squeeze %dma_start3A_595 : memref<1x50xi32, #tpu.memory_space<vmem>> -> memref<50xi32, #tpu.memory_space<vmem>>
      %dma_start3A_597 = arith.constant 0 : i32
      %dma_start3A_598 = arith.constant 0 : i32
      %dma_start3A_599 = tpu.memref_slice %arg2[%dma_start3A_597, %dma_start3A_598] : memref<10000x128xf32, #tpu.memory_space<hbm>> -> memref<10000x128xf32, #tpu.memory_space<hbm>>
      tpu.enqueue_indirect_dma source(%dma_start3A_599 : memref<10000x128xf32, #tpu.memory_space<hbm>>) target(%arg15 : memref<50x128xf32, #tpu.memory_space<vmem>>) offsets(%dma_start3A_596 : memref<50xi32, #tpu.memory_space<vmem>>) semaphore(%arg23 : memref<!tpu.dma_semaphore, #tpu.memory_space<semaphore_mem>>)
      %add3A_600 = arith.constant 4 : i32
      %add3A_601 = arith.addi %mul3A_418, %add3A_600 : i32
      %dma_wait3A_602 = arith.constant 0 : i32
      %dma_wait3A_603 = tpu.memref_slice %arg11[%add3A_601, %dma_wait3A_602] : memref<100x50xi32, #tpu.memory_space<vmem>> -> memref<1x50xi32, #tpu.memory_space<vmem>>
      %dma_wait3A_604 = tpu.memref_squeeze %dma_wait3A_603 : memref<1x50xi32, #tpu.memory_space<vmem>> -> memref<50xi32, #tpu.memory_space<vmem>>
      %dma_wait3A_605 = arith.constant 0 : i32
      %dma_wait3A_606 = arith.constant 0 : i32
      %dma_wait3A_607 = tpu.memref_slice %arg18[%dma_wait3A_605, %dma_wait3A_606] : memref<10000x128xf32, #tpu.memory_space<vmem_shared>> -> memref<10000x128xf32, #tpu.memory_space<vmem_shared>>
      tpu.wait_indirect_dma semaphore(%arg29 : memref<!tpu.dma_semaphore, #tpu.memory_space<semaphore_mem>>) src(%arg16 : memref<50x128xf32, #tpu.memory_space<vmem>>) dst(%dma_wait3A_607 : memref<10000x128xf32, #tpu.memory_space<vmem_shared>>)
      %add3A_608 = arith.constant 5 : i32
      %add3A_609 = arith.addi %mul3A_418, %add3A_608 : i32
      %add3A_610 = arith.constant 4 : i32
      %add3A_611 = arith.addi %add3A_609, %add3A_610 : i32
      %dma_start3A_612 = arith.constant 0 : i32
      %dma_start3A_613 = tpu.memref_slice %arg10[%add3A_611, %dma_start3A_612] : memref<100x50xi32, #tpu.memory_space<vmem>> -> memref<1x50xi32, #tpu.memory_space<vmem>>
      %dma_start3A_614 = tpu.memref_squeeze %dma_start3A_613 : memref<1x50xi32, #tpu.memory_space<vmem>> -> memref<50xi32, #tpu.memory_space<vmem>>
      %dma_start3A_615 = arith.constant 0 : i32
      %dma_start3A_616 = arith.constant 0 : i32
      %dma_start3A_617 = tpu.memref_slice %arg2[%dma_start3A_615, %dma_start3A_616] : memref<10000x128xf32, #tpu.memory_space<hbm>> -> memref<10000x128xf32, #tpu.memory_space<hbm>>
      tpu.enqueue_indirect_dma source(%dma_start3A_617 : memref<10000x128xf32, #tpu.memory_space<hbm>>) target(%arg16 : memref<50x128xf32, #tpu.memory_space<vmem>>) offsets(%dma_start3A_614 : memref<50xi32, #tpu.memory_space<vmem>>) semaphore(%arg24 : memref<!tpu.dma_semaphore, #tpu.memory_space<semaphore_mem>>)
    }
    %scan3A_231 = arith.constant 19 : i32
    %dma_wait3A_232 = arith.constant 95 : i32
    %dma_wait3A_233 = arith.constant 0 : i32
    %dma_wait3A_234 = tpu.memref_slice %arg10[%dma_wait3A_232, %dma_wait3A_233] : memref<100x50xi32, #tpu.memory_space<vmem>> -> memref<1x50xi32, #tpu.memory_space<vmem>>
    %dma_wait3A_235 = tpu.memref_squeeze %dma_wait3A_234 : memref<1x50xi32, #tpu.memory_space<vmem>> -> memref<50xi32, #tpu.memory_space<vmem>>
    %dma_wait3A_236 = arith.constant 0 : i32
    %dma_wait3A_237 = arith.constant 0 : i32
    %dma_wait3A_238 = tpu.memref_slice %arg2[%dma_wait3A_236, %dma_wait3A_237] : memref<10000x128xf32, #tpu.memory_space<hbm>> -> memref<10000x128xf32, #tpu.memory_space<hbm>>
    tpu.wait_indirect_dma semaphore(%arg20 : memref<!tpu.dma_semaphore, #tpu.memory_space<semaphore_mem>>) src(%dma_wait3A_238 : memref<10000x128xf32, #tpu.memory_space<hbm>>) dst(%arg12 : memref<50x128xf32, #tpu.memory_space<vmem>>)
    %dma_start3A_239 = arith.constant 95 : i32
    %dma_start3A_240 = arith.constant 0 : i32
    %dma_start3A_241 = tpu.memref_slice %arg11[%dma_start3A_239, %dma_start3A_240] : memref<100x50xi32, #tpu.memory_space<vmem>> -> memref<1x50xi32, #tpu.memory_space<vmem>>
    %dma_start3A_242 = tpu.memref_squeeze %dma_start3A_241 : memref<1x50xi32, #tpu.memory_space<vmem>> -> memref<50xi32, #tpu.memory_space<vmem>>
    %dma_start3A_243 = arith.constant 0 : i32
    %dma_start3A_244 = arith.constant 0 : i32
    %dma_start3A_245 = tpu.memref_slice %arg18[%dma_start3A_243, %dma_start3A_244] : memref<10000x128xf32, #tpu.memory_space<vmem_shared>> -> memref<10000x128xf32, #tpu.memory_space<vmem_shared>>
    tpu.enqueue_indirect_dma source(%arg12 : memref<50x128xf32, #tpu.memory_space<vmem>>) target(%dma_start3A_245 : memref<10000x128xf32, #tpu.memory_space<vmem_shared>>) offsets(%dma_start3A_242 : memref<50xi32, #tpu.memory_space<vmem>>) semaphore(%arg25 : memref<!tpu.dma_semaphore, #tpu.memory_space<semaphore_mem>>) {add = true}
    %dma_start3A_246 = arith.constant 95 : i32
    %dma_start3A_247 = arith.constant 0 : i32
    %dma_start3A_248 = tpu.memref_slice %arg11[%dma_start3A_246, %dma_start3A_247] : memref<100x50xi32, #tpu.memory_space<vmem>> -> memref<1x50xi32, #tpu.memory_space<vmem>>
    %dma_start3A_249 = tpu.memref_squeeze %dma_start3A_248 : memref<1x50xi32, #tpu.memory_space<vmem>> -> memref<50xi32, #tpu.memory_space<vmem>>
    %dma_start3A_250 = arith.constant 0 : i32
    %dma_start3A_251 = arith.constant 0 : i32
    %dma_start3A_252 = tpu.memref_slice %arg19[%dma_start3A_250, %dma_start3A_251] : memref<10000x8xf32, #tpu.memory_space<vmem_shared>> -> memref<10000x8xf32, #tpu.memory_space<vmem_shared>>
    tpu.enqueue_indirect_dma source(%arg17 : memref<50x8xf32, #tpu.memory_space<vmem>>) target(%dma_start3A_252 : memref<10000x8xf32, #tpu.memory_space<vmem_shared>>) offsets(%dma_start3A_249 : memref<50xi32, #tpu.memory_space<vmem>>) semaphore(%arg30 : memref<!tpu.dma_semaphore, #tpu.memory_space<semaphore_mem>>) {add = true}
    %dma_wait3A_253 = arith.constant 96 : i32
    %dma_wait3A_254 = arith.constant 0 : i32
    %dma_wait3A_255 = tpu.memref_slice %arg10[%dma_wait3A_253, %dma_wait3A_254] : memref<100x50xi32, #tpu.memory_space<vmem>> -> memref<1x50xi32, #tpu.memory_space<vmem>>
    %dma_wait3A_256 = tpu.memref_squeeze %dma_wait3A_255 : memref<1x50xi32, #tpu.memory_space<vmem>> -> memref<50xi32, #tpu.memory_space<vmem>>
    %dma_wait3A_257 = arith.constant 0 : i32
    %dma_wait3A_258 = arith.constant 0 : i32
    %dma_wait3A_259 = tpu.memref_slice %arg2[%dma_wait3A_257, %dma_wait3A_258] : memref<10000x128xf32, #tpu.memory_space<hbm>> -> memref<10000x128xf32, #tpu.memory_space<hbm>>
    tpu.wait_indirect_dma semaphore(%arg21 : memref<!tpu.dma_semaphore, #tpu.memory_space<semaphore_mem>>) src(%dma_wait3A_259 : memref<10000x128xf32, #tpu.memory_space<hbm>>) dst(%arg13 : memref<50x128xf32, #tpu.memory_space<vmem>>)
    %dma_start3A_260 = arith.constant 96 : i32
    %dma_start3A_261 = arith.constant 0 : i32
    %dma_start3A_262 = tpu.memref_slice %arg11[%dma_start3A_260, %dma_start3A_261] : memref<100x50xi32, #tpu.memory_space<vmem>> -> memref<1x50xi32, #tpu.memory_space<vmem>>
    %dma_start3A_263 = tpu.memref_squeeze %dma_start3A_262 : memref<1x50xi32, #tpu.memory_space<vmem>> -> memref<50xi32, #tpu.memory_space<vmem>>
    %dma_start3A_264 = arith.constant 0 : i32
    %dma_start3A_265 = arith.constant 0 : i32
    %dma_start3A_266 = tpu.memref_slice %arg18[%dma_start3A_264, %dma_start3A_265] : memref<10000x128xf32, #tpu.memory_space<vmem_shared>> -> memref<10000x128xf32, #tpu.memory_space<vmem_shared>>
    tpu.enqueue_indirect_dma source(%arg13 : memref<50x128xf32, #tpu.memory_space<vmem>>) target(%dma_start3A_266 : memref<10000x128xf32, #tpu.memory_space<vmem_shared>>) offsets(%dma_start3A_263 : memref<50xi32, #tpu.memory_space<vmem>>) semaphore(%arg26 : memref<!tpu.dma_semaphore, #tpu.memory_space<semaphore_mem>>) {add = true}
    %dma_start3A_267 = arith.constant 96 : i32
    %dma_start3A_268 = arith.constant 0 : i32
    %dma_start3A_269 = tpu.memref_slice %arg11[%dma_start3A_267, %dma_start3A_268] : memref<100x50xi32, #tpu.memory_space<vmem>> -> memref<1x50xi32, #tpu.memory_space<vmem>>
    %dma_start3A_270 = tpu.memref_squeeze %dma_start3A_269 : memref<1x50xi32, #tpu.memory_space<vmem>> -> memref<50xi32, #tpu.memory_space<vmem>>
    %dma_start3A_271 = arith.constant 0 : i32
    %dma_start3A_272 = arith.constant 0 : i32
    %dma_start3A_273 = tpu.memref_slice %arg19[%dma_start3A_271, %dma_start3A_272] : memref<10000x8xf32, #tpu.memory_space<vmem_shared>> -> memref<10000x8xf32, #tpu.memory_space<vmem_shared>>
    tpu.enqueue_indirect_dma source(%arg17 : memref<50x8xf32, #tpu.memory_space<vmem>>) target(%dma_start3A_273 : memref<10000x8xf32, #tpu.memory_space<vmem_shared>>) offsets(%dma_start3A_270 : memref<50xi32, #tpu.memory_space<vmem>>) semaphore(%arg30 : memref<!tpu.dma_semaphore, #tpu.memory_space<semaphore_mem>>) {add = true}
    %dma_wait3A_274 = arith.constant 97 : i32
    %dma_wait3A_275 = arith.constant 0 : i32
    %dma_wait3A_276 = tpu.memref_slice %arg10[%dma_wait3A_274, %dma_wait3A_275] : memref<100x50xi32, #tpu.memory_space<vmem>> -> memref<1x50xi32, #tpu.memory_space<vmem>>
    %dma_wait3A_277 = tpu.memref_squeeze %dma_wait3A_276 : memref<1x50xi32, #tpu.memory_space<vmem>> -> memref<50xi32, #tpu.memory_space<vmem>>
    %dma_wait3A_278 = arith.constant 0 : i32
    %dma_wait3A_279 = arith.constant 0 : i32
    %dma_wait3A_280 = tpu.memref_slice %arg2[%dma_wait3A_278, %dma_wait3A_279] : memref<10000x128xf32, #tpu.memory_space<hbm>> -> memref<10000x128xf32, #tpu.memory_space<hbm>>
    tpu.wait_indirect_dma semaphore(%arg22 : memref<!tpu.dma_semaphore, #tpu.memory_space<semaphore_mem>>) src(%dma_wait3A_280 : memref<10000x128xf32, #tpu.memory_space<hbm>>) dst(%arg14 : memref<50x128xf32, #tpu.memory_space<vmem>>)
    %dma_start3A_281 = arith.constant 97 : i32
    %dma_start3A_282 = arith.constant 0 : i32
    %dma_start3A_283 = tpu.memref_slice %arg11[%dma_start3A_281, %dma_start3A_282] : memref<100x50xi32, #tpu.memory_space<vmem>> -> memref<1x50xi32, #tpu.memory_space<vmem>>
    %dma_start3A_284 = tpu.memref_squeeze %dma_start3A_283 : memref<1x50xi32, #tpu.memory_space<vmem>> -> memref<50xi32, #tpu.memory_space<vmem>>
    %dma_start3A_285 = arith.constant 0 : i32
    %dma_start3A_286 = arith.constant 0 : i32
    %dma_start3A_287 = tpu.memref_slice %arg18[%dma_start3A_285, %dma_start3A_286] : memref<10000x128xf32, #tpu.memory_space<vmem_shared>> -> memref<10000x128xf32, #tpu.memory_space<vmem_shared>>
    tpu.enqueue_indirect_dma source(%arg14 : memref<50x128xf32, #tpu.memory_space<vmem>>) target(%dma_start3A_287 : memref<10000x128xf32, #tpu.memory_space<vmem_shared>>) offsets(%dma_start3A_284 : memref<50xi32, #tpu.memory_space<vmem>>) semaphore(%arg27 : memref<!tpu.dma_semaphore, #tpu.memory_space<semaphore_mem>>) {add = true}
    %dma_start3A_288 = arith.constant 97 : i32
    %dma_start3A_289 = arith.constant 0 : i32
    %dma_start3A_290 = tpu.memref_slice %arg11[%dma_start3A_288, %dma_start3A_289] : memref<100x50xi32, #tpu.memory_space<vmem>> -> memref<1x50xi32, #tpu.memory_space<vmem>>
    %dma_start3A_291 = tpu.memref_squeeze %dma_start3A_290 : memref<1x50xi32, #tpu.memory_space<vmem>> -> memref<50xi32, #tpu.memory_space<vmem>>
    %dma_start3A_292 = arith.constant 0 : i32
    %dma_start3A_293 = arith.constant 0 : i32
    %dma_start3A_294 = tpu.memref_slice %arg19[%dma_start3A_292, %dma_start3A_293] : memref<10000x8xf32, #tpu.memory_space<vmem_shared>> -> memref<10000x8xf32, #tpu.memory_space<vmem_shared>>
    tpu.enqueue_indirect_dma source(%arg17 : memref<50x8xf32, #tpu.memory_space<vmem>>) target(%dma_start3A_294 : memref<10000x8xf32, #tpu.memory_space<vmem_shared>>) offsets(%dma_start3A_291 : memref<50xi32, #tpu.memory_space<vmem>>) semaphore(%arg30 : memref<!tpu.dma_semaphore, #tpu.memory_space<semaphore_mem>>) {add = true}
    %dma_wait3A_295 = arith.constant 98 : i32
    %dma_wait3A_296 = arith.constant 0 : i32
    %dma_wait3A_297 = tpu.memref_slice %arg10[%dma_wait3A_295, %dma_wait3A_296] : memref<100x50xi32, #tpu.memory_space<vmem>> -> memref<1x50xi32, #tpu.memory_space<vmem>>
    %dma_wait3A_298 = tpu.memref_squeeze %dma_wait3A_297 : memref<1x50xi32, #tpu.memory_space<vmem>> -> memref<50xi32, #tpu.memory_space<vmem>>
    %dma_wait3A_299 = arith.constant 0 : i32
    %dma_wait3A_300 = arith.constant 0 : i32
    %dma_wait3A_301 = tpu.memref_slice %arg2[%dma_wait3A_299, %dma_wait3A_300] : memref<10000x128xf32, #tpu.memory_space<hbm>> -> memref<10000x128xf32, #tpu.memory_space<hbm>>
    tpu.wait_indirect_dma semaphore(%arg23 : memref<!tpu.dma_semaphore, #tpu.memory_space<semaphore_mem>>) src(%dma_wait3A_301 : memref<10000x128xf32, #tpu.memory_space<hbm>>) dst(%arg15 : memref<50x128xf32, #tpu.memory_space<vmem>>)
    %dma_start3A_302 = arith.constant 98 : i32
    %dma_start3A_303 = arith.constant 0 : i32
    %dma_start3A_304 = tpu.memref_slice %arg11[%dma_start3A_302, %dma_start3A_303] : memref<100x50xi32, #tpu.memory_space<vmem>> -> memref<1x50xi32, #tpu.memory_space<vmem>>
    %dma_start3A_305 = tpu.memref_squeeze %dma_start3A_304 : memref<1x50xi32, #tpu.memory_space<vmem>> -> memref<50xi32, #tpu.memory_space<vmem>>
    %dma_start3A_306 = arith.constant 0 : i32
    %dma_start3A_307 = arith.constant 0 : i32
    %dma_start3A_308 = tpu.memref_slice %arg18[%dma_start3A_306, %dma_start3A_307] : memref<10000x128xf32, #tpu.memory_space<vmem_shared>> -> memref<10000x128xf32, #tpu.memory_space<vmem_shared>>
    tpu.enqueue_indirect_dma source(%arg15 : memref<50x128xf32, #tpu.memory_space<vmem>>) target(%dma_start3A_308 : memref<10000x128xf32, #tpu.memory_space<vmem_shared>>) offsets(%dma_start3A_305 : memref<50xi32, #tpu.memory_space<vmem>>) semaphore(%arg28 : memref<!tpu.dma_semaphore, #tpu.memory_space<semaphore_mem>>) {add = true}
    %dma_start3A_309 = arith.constant 98 : i32
    %dma_start3A_310 = arith.constant 0 : i32
    %dma_start3A_311 = tpu.memref_slice %arg11[%dma_start3A_309, %dma_start3A_310] : memref<100x50xi32, #tpu.memory_space<vmem>> -> memref<1x50xi32, #tpu.memory_space<vmem>>
    %dma_start3A_312 = tpu.memref_squeeze %dma_start3A_311 : memref<1x50xi32, #tpu.memory_space<vmem>> -> memref<50xi32, #tpu.memory_space<vmem>>
    %dma_start3A_313 = arith.constant 0 : i32
    %dma_start3A_314 = arith.constant 0 : i32
    %dma_start3A_315 = tpu.memref_slice %arg19[%dma_start3A_313, %dma_start3A_314] : memref<10000x8xf32, #tpu.memory_space<vmem_shared>> -> memref<10000x8xf32, #tpu.memory_space<vmem_shared>>
    tpu.enqueue_indirect_dma source(%arg17 : memref<50x8xf32, #tpu.memory_space<vmem>>) target(%dma_start3A_315 : memref<10000x8xf32, #tpu.memory_space<vmem_shared>>) offsets(%dma_start3A_312 : memref<50xi32, #tpu.memory_space<vmem>>) semaphore(%arg30 : memref<!tpu.dma_semaphore, #tpu.memory_space<semaphore_mem>>) {add = true}
    %dma_wait3A_316 = arith.constant 99 : i32
    %dma_wait3A_317 = arith.constant 0 : i32
    %dma_wait3A_318 = tpu.memref_slice %arg10[%dma_wait3A_316, %dma_wait3A_317] : memref<100x50xi32, #tpu.memory_space<vmem>> -> memref<1x50xi32, #tpu.memory_space<vmem>>
    %dma_wait3A_319 = tpu.memref_squeeze %dma_wait3A_318 : memref<1x50xi32, #tpu.memory_space<vmem>> -> memref<50xi32, #tpu.memory_space<vmem>>
    %dma_wait3A_320 = arith.constant 0 : i32
    %dma_wait3A_321 = arith.constant 0 : i32
    %dma_wait3A_322 = tpu.memref_slice %arg2[%dma_wait3A_320, %dma_wait3A_321] : memref<10000x128xf32, #tpu.memory_space<hbm>> -> memref<10000x128xf32, #tpu.memory_space<hbm>>
    tpu.wait_indirect_dma semaphore(%arg24 : memref<!tpu.dma_semaphore, #tpu.memory_space<semaphore_mem>>) src(%dma_wait3A_322 : memref<10000x128xf32, #tpu.memory_space<hbm>>) dst(%arg16 : memref<50x128xf32, #tpu.memory_space<vmem>>)
    %dma_start3A_323 = arith.constant 99 : i32
    %dma_start3A_324 = arith.constant 0 : i32
    %dma_start3A_325 = tpu.memref_slice %arg11[%dma_start3A_323, %dma_start3A_324] : memref<100x50xi32, #tpu.memory_space<vmem>> -> memref<1x50xi32, #tpu.memory_space<vmem>>
    %dma_start3A_326 = tpu.memref_squeeze %dma_start3A_325 : memref<1x50xi32, #tpu.memory_space<vmem>> -> memref<50xi32, #tpu.memory_space<vmem>>
    %dma_start3A_327 = arith.constant 0 : i32
    %dma_start3A_328 = arith.constant 0 : i32
    %dma_start3A_329 = tpu.memref_slice %arg18[%dma_start3A_327, %dma_start3A_328] : memref<10000x128xf32, #tpu.memory_space<vmem_shared>> -> memref<10000x128xf32, #tpu.memory_space<vmem_shared>>
    tpu.enqueue_indirect_dma source(%arg16 : memref<50x128xf32, #tpu.memory_space<vmem>>) target(%dma_start3A_329 : memref<10000x128xf32, #tpu.memory_space<vmem_shared>>) offsets(%dma_start3A_326 : memref<50xi32, #tpu.memory_space<vmem>>) semaphore(%arg29 : memref<!tpu.dma_semaphore, #tpu.memory_space<semaphore_mem>>) {add = true}
    %dma_start3A_330 = arith.constant 99 : i32
    %dma_start3A_331 = arith.constant 0 : i32
    %dma_start3A_332 = tpu.memref_slice %arg11[%dma_start3A_330, %dma_start3A_331] : memref<100x50xi32, #tpu.memory_space<vmem>> -> memref<1x50xi32, #tpu.memory_space<vmem>>
    %dma_start3A_333 = tpu.memref_squeeze %dma_start3A_332 : memref<1x50xi32, #tpu.memory_space<vmem>> -> memref<50xi32, #tpu.memory_space<vmem>>
    %dma_start3A_334 = arith.constant 0 : i32
    %dma_start3A_335 = arith.constant 0 : i32
    %dma_start3A_336 = tpu.memref_slice %arg19[%dma_start3A_334, %dma_start3A_335] : memref<10000x8xf32, #tpu.memory_space<vmem_shared>> -> memref<10000x8xf32, #tpu.memory_space<vmem_shared>>
    tpu.enqueue_indirect_dma source(%arg17 : memref<50x8xf32, #tpu.memory_space<vmem>>) target(%dma_start3A_336 : memref<10000x8xf32, #tpu.memory_space<vmem_shared>>) offsets(%dma_start3A_333 : memref<50xi32, #tpu.memory_space<vmem>>) semaphore(%arg30 : memref<!tpu.dma_semaphore, #tpu.memory_space<semaphore_mem>>) {add = true}
    %dma_wait3A_337 = arith.constant 95 : i32
    %dma_wait3A_338 = arith.constant 0 : i32
    %dma_wait3A_339 = tpu.memref_slice %arg11[%dma_wait3A_337, %dma_wait3A_338] : memref<100x50xi32, #tpu.memory_space<vmem>> -> memref<1x50xi32, #tpu.memory_space<vmem>>
    %dma_wait3A_340 = tpu.memref_squeeze %dma_wait3A_339 : memref<1x50xi32, #tpu.memory_space<vmem>> -> memref<50xi32, #tpu.memory_space<vmem>>
    %dma_wait3A_341 = arith.constant 0 : i32
    %dma_wait3A_342 = arith.constant 0 : i32
    %dma_wait3A_343 = tpu.memref_slice %arg18[%dma_wait3A_341, %dma_wait3A_342] : memref<10000x128xf32, #tpu.memory_space<vmem_shared>> -> memref<10000x128xf32, #tpu.memory_space<vmem_shared>>
    tpu.wait_indirect_dma semaphore(%arg25 : memref<!tpu.dma_semaphore, #tpu.memory_space<semaphore_mem>>) src(%arg12 : memref<50x128xf32, #tpu.memory_space<vmem>>) dst(%dma_wait3A_343 : memref<10000x128xf32, #tpu.memory_space<vmem_shared>>)
    %dma_wait3A_344 = arith.constant 96 : i32
    %dma_wait3A_345 = arith.constant 0 : i32
    %dma_wait3A_346 = tpu.memref_slice %arg11[%dma_wait3A_344, %dma_wait3A_345] : memref<100x50xi32, #tpu.memory_space<vmem>> -> memref<1x50xi32, #tpu.memory_space<vmem>>
    %dma_wait3A_347 = tpu.memref_squeeze %dma_wait3A_346 : memref<1x50xi32, #tpu.memory_space<vmem>> -> memref<50xi32, #tpu.memory_space<vmem>>
    %dma_wait3A_348 = arith.constant 0 : i32
    %dma_wait3A_349 = arith.constant 0 : i32
    %dma_wait3A_350 = tpu.memref_slice %arg18[%dma_wait3A_348, %dma_wait3A_349] : memref<10000x128xf32, #tpu.memory_space<vmem_shared>> -> memref<10000x128xf32, #tpu.memory_space<vmem_shared>>
    tpu.wait_indirect_dma semaphore(%arg26 : memref<!tpu.dma_semaphore, #tpu.memory_space<semaphore_mem>>) src(%arg13 : memref<50x128xf32, #tpu.memory_space<vmem>>) dst(%dma_wait3A_350 : memref<10000x128xf32, #tpu.memory_space<vmem_shared>>)
    %dma_wait3A_351 = arith.constant 97 : i32
    %dma_wait3A_352 = arith.constant 0 : i32
    %dma_wait3A_353 = tpu.memref_slice %arg11[%dma_wait3A_351, %dma_wait3A_352] : memref<100x50xi32, #tpu.memory_space<vmem>> -> memref<1x50xi32, #tpu.memory_space<vmem>>
    %dma_wait3A_354 = tpu.memref_squeeze %dma_wait3A_353 : memref<1x50xi32, #tpu.memory_space<vmem>> -> memref<50xi32, #tpu.memory_space<vmem>>
    %dma_wait3A_355 = arith.constant 0 : i32
    %dma_wait3A_356 = arith.constant 0 : i32
    %dma_wait3A_357 = tpu.memref_slice %arg18[%dma_wait3A_355, %dma_wait3A_356] : memref<10000x128xf32, #tpu.memory_space<vmem_shared>> -> memref<10000x128xf32, #tpu.memory_space<vmem_shared>>
    tpu.wait_indirect_dma semaphore(%arg27 : memref<!tpu.dma_semaphore, #tpu.memory_space<semaphore_mem>>) src(%arg14 : memref<50x128xf32, #tpu.memory_space<vmem>>) dst(%dma_wait3A_357 : memref<10000x128xf32, #tpu.memory_space<vmem_shared>>)
    %dma_wait3A_358 = arith.constant 98 : i32
    %dma_wait3A_359 = arith.constant 0 : i32
    %dma_wait3A_360 = tpu.memref_slice %arg11[%dma_wait3A_358, %dma_wait3A_359] : memref<100x50xi32, #tpu.memory_space<vmem>> -> memref<1x50xi32, #tpu.memory_space<vmem>>
    %dma_wait3A_361 = tpu.memref_squeeze %dma_wait3A_360 : memref<1x50xi32, #tpu.memory_space<vmem>> -> memref<50xi32, #tpu.memory_space<vmem>>
    %dma_wait3A_362 = arith.constant 0 : i32
    %dma_wait3A_363 = arith.constant 0 : i32
    %dma_wait3A_364 = tpu.memref_slice %arg18[%dma_wait3A_362, %dma_wait3A_363] : memref<10000x128xf32, #tpu.memory_space<vmem_shared>> -> memref<10000x128xf32, #tpu.memory_space<vmem_shared>>
    tpu.wait_indirect_dma semaphore(%arg28 : memref<!tpu.dma_semaphore, #tpu.memory_space<semaphore_mem>>) src(%arg15 : memref<50x128xf32, #tpu.memory_space<vmem>>) dst(%dma_wait3A_364 : memref<10000x128xf32, #tpu.memory_space<vmem_shared>>)
    %dma_wait3A_365 = arith.constant 99 : i32
    %dma_wait3A_366 = arith.constant 0 : i32
    %dma_wait3A_367 = tpu.memref_slice %arg11[%dma_wait3A_365, %dma_wait3A_366] : memref<100x50xi32, #tpu.memory_space<vmem>> -> memref<1x50xi32, #tpu.memory_space<vmem>>
    %dma_wait3A_368 = tpu.memref_squeeze %dma_wait3A_367 : memref<1x50xi32, #tpu.memory_space<vmem>> -> memref<50xi32, #tpu.memory_space<vmem>>
    %dma_wait3A_369 = arith.constant 0 : i32
    %dma_wait3A_370 = arith.constant 0 : i32
    %dma_wait3A_371 = tpu.memref_slice %arg18[%dma_wait3A_369, %dma_wait3A_370] : memref<10000x128xf32, #tpu.memory_space<vmem_shared>> -> memref<10000x128xf32, #tpu.memory_space<vmem_shared>>
    tpu.wait_indirect_dma semaphore(%arg29 : memref<!tpu.dma_semaphore, #tpu.memory_space<semaphore_mem>>) src(%arg16 : memref<50x128xf32, #tpu.memory_space<vmem>>) dst(%dma_wait3A_371 : memref<10000x128xf32, #tpu.memory_space<vmem_shared>>)
    %dma_wait3A_372 = arith.constant 0 : i32
    %dma_wait3A_373 = arith.constant 0 : i32
    %dma_wait3A_374 = tpu.memref_slice %arg19[%dma_wait3A_372, %dma_wait3A_373] : memref<10000x8xf32, #tpu.memory_space<vmem_shared>> -> memref<5000x8xf32, #tpu.memory_space<vmem_shared>>
    %dma_wait3A_375 = arith.constant 0 : i32
    %dma_wait3A_376 = arith.constant 0 : i32
    %dma_wait3A_377 = tpu.memref_slice %arg9[%arg0, %dma_wait3A_375, %dma_wait3A_376] : memref<2x10000x8xf32, #tpu.memory_space<hbm>> -> memref<1x5000x8xf32, #tpu.memory_space<hbm>>
    %dma_wait3A_378 = tpu.memref_squeeze %dma_wait3A_377 : memref<1x5000x8xf32, #tpu.memory_space<hbm>> -> memref<5000x8xf32, #tpu.memory_space<hbm>>
    tpu.wait_dma2 semaphore(%arg30 : memref<!tpu.dma_semaphore, #tpu.memory_space<semaphore_mem>>) src(%dma_wait3A_378 : memref<5000x8xf32, #tpu.memory_space<hbm>>) dst(%dma_wait3A_374 : memref<5000x8xf32, #tpu.memory_space<vmem_shared>>)
    %barrier3A_379 = arith.constant 0 : index
    tpu.barrier barrier_id(%barrier3A_379)
    %mul3A_380 = arith.constant 625 : i32
    %mul3A_381 = arith.muli %arg1, %mul3A_380 : i32
    %mul3A_382 = arith.constant 625 : i32
    %mul3A_383 = arith.muli %arg1, %mul3A_382 : i32
    %dma_start3A_384 = arith.constant 0 : i32
    %dma_start3A_385 = tpu.memref_slice %arg8[%arg0, %mul3A_383, %dma_start3A_384] : memref<2x10000x128xf32, #tpu.memory_space<hbm>> -> memref<1x625x128xf32, #tpu.memory_space<hbm>>
    %dma_start3A_386 = tpu.memref_squeeze %dma_start3A_385 : memref<1x625x128xf32, #tpu.memory_space<hbm>> -> memref<625x128xf32, #tpu.memory_space<hbm>>
    %dma_start3A_387 = arith.constant 0 : i32
    %dma_start3A_388 = tpu.memref_slice %arg18[%mul3A_381, %dma_start3A_387] : memref<10000x128xf32, #tpu.memory_space<vmem_shared>> -> memref<625x128xf32, #tpu.memory_space<vmem_shared>>
    tpu.enqueue_dma source(%dma_start3A_388 : memref<625x128xf32, #tpu.memory_space<vmem_shared>>) target(%dma_start3A_386 : memref<625x128xf32, #tpu.memory_space<hbm>>) target_semaphore(%arg20 : memref<!tpu.dma_semaphore, #tpu.memory_space<semaphore_mem>>)
    %mul3A_389 = arith.constant 625 : i32
    %mul3A_390 = arith.muli %arg1, %mul3A_389 : i32
    %mul3A_391 = arith.constant 625 : i32
    %mul3A_392 = arith.muli %arg1, %mul3A_391 : i32
    %dma_start3A_393 = arith.constant 0 : i32
    %dma_start3A_394 = tpu.memref_slice %arg9[%arg0, %mul3A_392, %dma_start3A_393] : memref<2x10000x8xf32, #tpu.memory_space<hbm>> -> memref<1x625x8xf32, #tpu.memory_space<hbm>>
    %dma_start3A_395 = tpu.memref_squeeze %dma_start3A_394 : memref<1x625x8xf32, #tpu.memory_space<hbm>> -> memref<625x8xf32, #tpu.memory_space<hbm>>
    %dma_start3A_396 = arith.constant 0 : i32
    %dma_start3A_397 = tpu.memref_slice %arg19[%mul3A_390, %dma_start3A_396] : memref<10000x8xf32, #tpu.memory_space<vmem_shared>> -> memref<625x8xf32, #tpu.memory_space<vmem_shared>>
    tpu.enqueue_dma source(%dma_start3A_397 : memref<625x8xf32, #tpu.memory_space<vmem_shared>>) target(%dma_start3A_395 : memref<625x8xf32, #tpu.memory_space<hbm>>) target_semaphore(%arg21 : memref<!tpu.dma_semaphore, #tpu.memory_space<semaphore_mem>>)
    %mul3A_398 = arith.constant 625 : i32
    %mul3A_399 = arith.muli %arg1, %mul3A_398 : i32
    %mul3A_400 = arith.constant 625 : i32
    %mul3A_401 = arith.muli %arg1, %mul3A_400 : i32
    %dma_wait3A_402 = arith.constant 0 : i32
    %dma_wait3A_403 = tpu.memref_slice %arg8[%arg0, %mul3A_401, %dma_wait3A_402] : memref<2x10000x128xf32, #tpu.memory_space<hbm>> -> memref<1x625x128xf32, #tpu.memory_space<hbm>>
    %dma_wait3A_404 = tpu.memref_squeeze %dma_wait3A_403 : memref<1x625x128xf32, #tpu.memory_space<hbm>> -> memref<625x128xf32, #tpu.memory_space<hbm>>
    %dma_wait3A_405 = arith.constant 0 : i32
    %dma_wait3A_406 = tpu.memref_slice %arg18[%mul3A_399, %dma_wait3A_405] : memref<10000x128xf32, #tpu.memory_space<vmem_shared>> -> memref<625x128xf32, #tpu.memory_space<vmem_shared>>
    tpu.wait_dma2 semaphore(%arg20 : memref<!tpu.dma_semaphore, #tpu.memory_space<semaphore_mem>>) src(%dma_wait3A_406 : memref<625x128xf32, #tpu.memory_space<vmem_shared>>) dst(%dma_wait3A_404 : memref<625x128xf32, #tpu.memory_space<hbm>>)
    %mul3A_407 = arith.constant 625 : i32
    %mul3A_408 = arith.muli %arg1, %mul3A_407 : i32
    %mul3A_409 = arith.constant 625 : i32
    %mul3A_410 = arith.muli %arg1, %mul3A_409 : i32
    %dma_wait3A_411 = arith.constant 0 : i32
    %dma_wait3A_412 = tpu.memref_slice %arg9[%arg0, %mul3A_410, %dma_wait3A_411] : memref<2x10000x8xf32, #tpu.memory_space<hbm>> -> memref<1x625x8xf32, #tpu.memory_space<hbm>>
    %dma_wait3A_413 = tpu.memref_squeeze %dma_wait3A_412 : memref<1x625x8xf32, #tpu.memory_space<hbm>> -> memref<625x8xf32, #tpu.memory_space<hbm>>
    %dma_wait3A_414 = arith.constant 0 : i32
    %dma_wait3A_415 = tpu.memref_slice %arg19[%mul3A_408, %dma_wait3A_414] : memref<10000x8xf32, #tpu.memory_space<vmem_shared>> -> memref<625x8xf32, #tpu.memory_space<vmem_shared>>
    tpu.wait_dma2 semaphore(%arg21 : memref<!tpu.dma_semaphore, #tpu.memory_space<semaphore_mem>>) src(%dma_wait3A_415 : memref<625x8xf32, #tpu.memory_space<vmem_shared>>) dst(%dma_wait3A_413 : memref<625x8xf32, #tpu.memory_space<hbm>>)
    return
  }
}

module attributes {stable_mosaic.version = 14 : i64} {
  func.func @_tc_self_body(%arg0: i32, %arg1: memref<1000x128xf32, #tpu.memory_space<vmem>>, %arg2: memref<128x128xf32, #tpu.memory_space<vmem>>, %arg3: memref<1x128xf32, #tpu.memory_space<vmem>>, %arg4: memref<1000x128xf32, #tpu.memory_space<vmem>>) attributes {dimension_semantics = [#tpu.dimension_semantics<arbitrary>], iteration_bounds = array<i64: 10>, scalar_prefetch = 0 : i64, scratch_operands = 0 : i64, tpu.core_type = #tpu.core_type<tc>, window_params = [{transform_indices = @transform_0, window_bounds = array<i64: 1000, 128>}, {pipeline_mode = #tpu.pipeline_mode<synchronous>, transform_indices = @transform_1, window_bounds = array<i64: 128, 128>}, {pipeline_mode = #tpu.pipeline_mode<synchronous>, transform_indices = @transform_2, window_bounds = array<i64: 1, 128>}, {transform_indices = @transform_3, window_bounds = array<i64: 1000, 128>}]} {
    %get3A = arith.constant 0 : index
    %get3A_0 = arith.constant 0 : index
    %get3A_1 = vector.load %arg1[%get3A, %get3A_0] : memref<1000x128xf32, #tpu.memory_space<vmem>>, vector<1000x128xf32>
    %get3A_2 = arith.constant 0 : index
    %get3A_3 = arith.constant 0 : index
    %get3A_4 = vector.load %arg2[%get3A_2, %get3A_3] : memref<128x128xf32, #tpu.memory_space<vmem>>, vector<128x128xf32>
    %dot_general3A = arith.constant dense<0.000000e+00> : vector<1000x128xf32>
    %dot_general3A_5 = tpu.matmul %get3A_1, %get3A_4, %dot_general3A {dimension_numbers = #tpu.dot_dimension_numbers<[1], [0], [0], [1], [0, 0, 1, 1], [], []>, precision = #tpu.contract_precision<fp32>, transpose_lhs_hint = false} : vector<1000x128xf32>, vector<128x128xf32>, vector<1000x128xf32> -> vector<1000x128xf32>
    %get3A_6 = arith.constant 0 : index
    %get3A_7 = arith.constant 0 : index
    %get3A_8 = vector.load %arg3[%get3A_6, %get3A_7] : memref<1x128xf32, #tpu.memory_space<vmem>>, vector<1x128xf32>
    %add3A = vector.broadcast %get3A_8 : vector<1x128xf32> to vector<1000x128xf32>
    %add3A_9 = arith.addf %dot_general3A_5, %add3A : vector<1000x128xf32>
    %swap3A = arith.constant 0 : index
    %swap3A_10 = arith.constant 0 : index
    %swap3A_11 = vector.load %arg4[%swap3A, %swap3A_10] : memref<1000x128xf32, #tpu.memory_space<vmem>>, vector<1000x128xf32>
    tpu.vector_store %arg4[%swap3A, %swap3A_10], %add3A_9 {strides = array<i32>} : memref<1000x128xf32, #tpu.memory_space<vmem>>, vector<1000x128xf32>,
    return
  }
  func.func @transform_0(%arg0: i32) -> (i32, i32) {
    %c0_i32 = arith.constant 0 : i32
    %c0_i32_0 = arith.constant 0 : i32
    return %arg0, %c0_i32 : i32, i32
  }
  func.func @transform_1(%arg0: i32) -> (i32, i32) {
    %c0_i32 = arith.constant 0 : i32
    %c0_i32_0 = arith.constant 0 : i32
    %c0_i32_1 = arith.constant 0 : i32
    return %c0_i32, %c0_i32_0 : i32, i32
  }
  func.func @transform_2(%arg0: i32) -> (i32, i32) {
    %c0_i32 = arith.constant 0 : i32
    %c0_i32_0 = arith.constant 0 : i32
    %c0_i32_1 = arith.constant 0 : i32
    return %c0_i32, %c0_i32_0 : i32, i32
  }
  func.func @transform_3(%arg0: i32) -> (i32, i32) {
    %c0_i32 = arith.constant 0 : i32
    %c0_i32_0 = arith.constant 0 : i32
    return %arg0, %c0_i32 : i32, i32
  }
}

module attributes {stable_mosaic.version = 14 : i64} {
  func.func @_tc_combine_body(%arg0: i32, %arg1: memref<1000x128xf32, #tpu.memory_space<vmem>>, %arg2: memref<2x1000x128xf32, #tpu.memory_space<vmem>>, %arg3: memref<2x1000x8xf32, #tpu.memory_space<vmem>>, %arg4: memref<128x128xf32, #tpu.memory_space<vmem>>, %arg5: memref<1000x128xf32, #tpu.memory_space<vmem>>) attributes {dimension_semantics = [#tpu.dimension_semantics<arbitrary>], iteration_bounds = array<i64: 10>, scalar_prefetch = 0 : i64, scratch_operands = 0 : i64, tpu.core_type = #tpu.core_type<tc>, window_params = [{transform_indices = @transform_0, window_bounds = array<i64: 1000, 128>}, {transform_indices = @transform_1, window_bounds = array<i64: 2, 1000, 128>}, {transform_indices = @transform_2, window_bounds = array<i64: 2, 1000, 8>}, {pipeline_mode = #tpu.pipeline_mode<synchronous>, transform_indices = @transform_3, window_bounds = array<i64: 128, 128>}, {transform_indices = @transform_4, window_bounds = array<i64: 1000, 128>}]} {
    %get3A = arith.constant 0 : index
    %get3A_0 = arith.constant 0 : index
    %get3A_1 = arith.constant 0 : index
    %get3A_2 = vector.load %arg3[%get3A, %get3A_0, %get3A_1] : memref<2x1000x8xf32, #tpu.memory_space<vmem>>, vector<1x1000x1xf32>
    %get3A_3 = vector.shape_cast %get3A_2 : vector<1x1000x1xf32> to vector<1000xf32>
    %get3A_4 = arith.constant 1 : index
    %get3A_5 = arith.constant 0 : index
    %get3A_6 = arith.constant 0 : index
    %get3A_7 = vector.load %arg3[%get3A_4, %get3A_5, %get3A_6] : memref<2x1000x8xf32, #tpu.memory_space<vmem>>, vector<1x1000x1xf32>
    %get3A_8 = vector.shape_cast %get3A_7 : vector<1x1000x1xf32> to vector<1000xf32>
    %add3A = arith.addf %get3A_3, %get3A_8 : vector<1000xf32>
    %get3A_9 = arith.constant 0 : index
    %get3A_10 = arith.constant 0 : index
    %get3A_11 = arith.constant 0 : index
    %get3A_12 = vector.load %arg2[%get3A_9, %get3A_10, %get3A_11] : memref<2x1000x128xf32, #tpu.memory_space<vmem>>, vector<1x1000x128xf32>
    %get3A_13 = vector.shape_cast %get3A_12 : vector<1x1000x128xf32> to vector<1000x128xf32>
    %get3A_14 = arith.constant 1 : index
    %get3A_15 = arith.constant 0 : index
    %get3A_16 = arith.constant 0 : index
    %get3A_17 = vector.load %arg2[%get3A_14, %get3A_15, %get3A_16] : memref<2x1000x128xf32, #tpu.memory_space<vmem>>, vector<1x1000x128xf32>
    %get3A_18 = vector.shape_cast %get3A_17 : vector<1x1000x128xf32> to vector<1000x128xf32>
    %add3A_19 = arith.addf %get3A_13, %get3A_18 : vector<1000x128xf32>
    %max3A = arith.constant 1.000000e+00 : f32
    %max3A_20 = vector.broadcast %max3A : f32 to vector<1000xf32>
    %max3A_21 = arith.maximumf %add3A, %max3A_20 : vector<1000xf32>
    %broadcast_in_dim3A = vector.shape_cast %max3A_21 : vector<1000xf32> to vector<1000x1xf32>
    %div3A = vector.broadcast %broadcast_in_dim3A : vector<1000x1xf32> to vector<1000x128xf32>
    %div3A_22 = arith.divf %add3A_19, %div3A : vector<1000x128xf32>
    %get3A_23 = arith.constant 0 : index
    %get3A_24 = arith.constant 0 : index
    %get3A_25 = vector.load %arg1[%get3A_23, %get3A_24] : memref<1000x128xf32, #tpu.memory_space<vmem>>, vector<1000x128xf32>
    %get3A_26 = arith.constant 0 : index
    %get3A_27 = arith.constant 0 : index
    %get3A_28 = vector.load %arg4[%get3A_26, %get3A_27] : memref<128x128xf32, #tpu.memory_space<vmem>>, vector<128x128xf32>
    %dot_general3A = arith.constant dense<0.000000e+00> : vector<1000x128xf32>
    %dot_general3A_29 = tpu.matmul %div3A_22, %get3A_28, %dot_general3A {dimension_numbers = #tpu.dot_dimension_numbers<[1], [0], [0], [1], [0, 0, 1, 1], [], []>, precision = #tpu.contract_precision<fp32>, transpose_lhs_hint = false} : vector<1000x128xf32>, vector<128x128xf32>, vector<1000x128xf32> -> vector<1000x128xf32>
    %add3A_30 = arith.addf %get3A_25, %dot_general3A_29 : vector<1000x128xf32>
    %max3A_31 = arith.constant 0.000000e+00 : f32
    %max3A_32 = vector.broadcast %max3A_31 : f32 to vector<1000x128xf32>
    %max3A_33 = arith.maximumf %add3A_30, %max3A_32 : vector<1000x128xf32>
    %swap3A = arith.constant 0 : index
    %swap3A_34 = arith.constant 0 : index
    %swap3A_35 = vector.load %arg5[%swap3A, %swap3A_34] : memref<1000x128xf32, #tpu.memory_space<vmem>>, vector<1000x128xf32>
    tpu.vector_store %arg5[%swap3A, %swap3A_34], %max3A_33 {strides = array<i32>} : memref<1000x128xf32, #tpu.memory_space<vmem>>, vector<1000x128xf32>,
    return
  }
  func.func @transform_0(%arg0: i32) -> (i32, i32) {
    %c0_i32 = arith.constant 0 : i32
    %c0_i32_0 = arith.constant 0 : i32
    return %arg0, %c0_i32 : i32, i32
  }
  func.func @transform_1(%arg0: i32) -> (i32, i32, i32) {
    %c0_i32 = arith.constant 0 : i32
    %c0_i32_0 = arith.constant 0 : i32
    %c0_i32_1 = arith.constant 0 : i32
    return %c0_i32, %arg0, %c0_i32_0 : i32, i32, i32
  }
  func.func @transform_2(%arg0: i32) -> (i32, i32, i32) {
    %c0_i32 = arith.constant 0 : i32
    %c0_i32_0 = arith.constant 0 : i32
    %c0_i32_1 = arith.constant 0 : i32
    return %c0_i32, %arg0, %c0_i32_0 : i32, i32, i32
  }
  func.func @transform_3(%arg0: i32) -> (i32, i32) {
    %c0_i32 = arith.constant 0 : i32
    %c0_i32_0 = arith.constant 0 : i32
    %c0_i32_1 = arith.constant 0 : i32
    return %c0_i32, %c0_i32_0 : i32, i32
  }
  func.func @transform_4(%arg0: i32) -> (i32, i32) {
    %c0_i32 = arith.constant 0 : i32
    %c0_i32_0 = arith.constant 0 : i32
    return %arg0, %c0_i32 : i32, i32
  }
}

module attributes {stable_mosaic.version = 14 : i64} {
  func.func @_tc_combine_body(%arg0: i32, %arg1: memref<1000x128xf32, #tpu.memory_space<vmem>>, %arg2: memref<2x1000x128xf32, #tpu.memory_space<vmem>>, %arg3: memref<2x1000x8xf32, #tpu.memory_space<vmem>>, %arg4: memref<128x128xf32, #tpu.memory_space<vmem>>, %arg5: memref<1000x128xf32, #tpu.memory_space<vmem>>) attributes {dimension_semantics = [#tpu.dimension_semantics<arbitrary>], iteration_bounds = array<i64: 10>, scalar_prefetch = 0 : i64, scratch_operands = 0 : i64, tpu.core_type = #tpu.core_type<tc>, window_params = [{transform_indices = @transform_0, window_bounds = array<i64: 1000, 128>}, {transform_indices = @transform_1, window_bounds = array<i64: 2, 1000, 128>}, {transform_indices = @transform_2, window_bounds = array<i64: 2, 1000, 8>}, {pipeline_mode = #tpu.pipeline_mode<synchronous>, transform_indices = @transform_3, window_bounds = array<i64: 128, 128>}, {transform_indices = @transform_4, window_bounds = array<i64: 1000, 128>}]} {
    %get3A = arith.constant 0 : index
    %get3A_0 = arith.constant 0 : index
    %get3A_1 = arith.constant 0 : index
    %get3A_2 = vector.load %arg3[%get3A, %get3A_0, %get3A_1] : memref<2x1000x8xf32, #tpu.memory_space<vmem>>, vector<1x1000x1xf32>
    %get3A_3 = vector.shape_cast %get3A_2 : vector<1x1000x1xf32> to vector<1000xf32>
    %get3A_4 = arith.constant 1 : index
    %get3A_5 = arith.constant 0 : index
    %get3A_6 = arith.constant 0 : index
    %get3A_7 = vector.load %arg3[%get3A_4, %get3A_5, %get3A_6] : memref<2x1000x8xf32, #tpu.memory_space<vmem>>, vector<1x1000x1xf32>
    %get3A_8 = vector.shape_cast %get3A_7 : vector<1x1000x1xf32> to vector<1000xf32>
    %add3A = arith.addf %get3A_3, %get3A_8 : vector<1000xf32>
    %get3A_9 = arith.constant 0 : index
    %get3A_10 = arith.constant 0 : index
    %get3A_11 = arith.constant 0 : index
    %get3A_12 = vector.load %arg2[%get3A_9, %get3A_10, %get3A_11] : memref<2x1000x128xf32, #tpu.memory_space<vmem>>, vector<1x1000x128xf32>
    %get3A_13 = vector.shape_cast %get3A_12 : vector<1x1000x128xf32> to vector<1000x128xf32>
    %get3A_14 = arith.constant 1 : index
    %get3A_15 = arith.constant 0 : index
    %get3A_16 = arith.constant 0 : index
    %get3A_17 = vector.load %arg2[%get3A_14, %get3A_15, %get3A_16] : memref<2x1000x128xf32, #tpu.memory_space<vmem>>, vector<1x1000x128xf32>
    %get3A_18 = vector.shape_cast %get3A_17 : vector<1x1000x128xf32> to vector<1000x128xf32>
    %add3A_19 = arith.addf %get3A_13, %get3A_18 : vector<1000x128xf32>
    %max3A = arith.constant 1.000000e+00 : f32
    %max3A_20 = vector.broadcast %max3A : f32 to vector<1000xf32>
    %max3A_21 = arith.maximumf %add3A, %max3A_20 : vector<1000xf32>
    %broadcast_in_dim3A = vector.shape_cast %max3A_21 : vector<1000xf32> to vector<1000x1xf32>
    %div3A = vector.broadcast %broadcast_in_dim3A : vector<1000x1xf32> to vector<1000x128xf32>
    %div3A_22 = arith.divf %add3A_19, %div3A : vector<1000x128xf32>
    %get3A_23 = arith.constant 0 : index
    %get3A_24 = arith.constant 0 : index
    %get3A_25 = vector.load %arg1[%get3A_23, %get3A_24] : memref<1000x128xf32, #tpu.memory_space<vmem>>, vector<1000x128xf32>
    %get3A_26 = arith.constant 0 : index
    %get3A_27 = arith.constant 0 : index
    %get3A_28 = vector.load %arg4[%get3A_26, %get3A_27] : memref<128x128xf32, #tpu.memory_space<vmem>>, vector<128x128xf32>
    %dot_general3A = arith.constant dense<0.000000e+00> : vector<1000x128xf32>
    %dot_general3A_29 = tpu.matmul %div3A_22, %get3A_28, %dot_general3A {dimension_numbers = #tpu.dot_dimension_numbers<[1], [0], [0], [1], [0, 0, 1, 1], [], []>, precision = #tpu.contract_precision<fp32>, transpose_lhs_hint = false} : vector<1000x128xf32>, vector<128x128xf32>, vector<1000x128xf32> -> vector<1000x128xf32>
    %add3A_30 = arith.addf %get3A_25, %dot_general3A_29 : vector<1000x128xf32>
    %swap3A = arith.constant 0 : index
    %swap3A_31 = arith.constant 0 : index
    %swap3A_32 = vector.load %arg5[%swap3A, %swap3A_31] : memref<1000x128xf32, #tpu.memory_space<vmem>>, vector<1000x128xf32>
    tpu.vector_store %arg5[%swap3A, %swap3A_31], %add3A_30 {strides = array<i32>} : memref<1000x128xf32, #tpu.memory_space<vmem>>, vector<1000x128xf32>,
    return
  }
  func.func @transform_0(%arg0: i32) -> (i32, i32) {
    %c0_i32 = arith.constant 0 : i32
    %c0_i32_0 = arith.constant 0 : i32
    return %arg0, %c0_i32 : i32, i32
  }
  func.func @transform_1(%arg0: i32) -> (i32, i32, i32) {
    %c0_i32 = arith.constant 0 : i32
    %c0_i32_0 = arith.constant 0 : i32
    %c0_i32_1 = arith.constant 0 : i32
    return %c0_i32, %arg0, %c0_i32_0 : i32, i32, i32
  }
  func.func @transform_2(%arg0: i32) -> (i32, i32, i32) {
    %c0_i32 = arith.constant 0 : i32
    %c0_i32_0 = arith.constant 0 : i32
    %c0_i32_1 = arith.constant 0 : i32
    return %c0_i32, %arg0, %c0_i32_0 : i32, i32, i32
  }
  func.func @transform_3(%arg0: i32) -> (i32, i32) {
    %c0_i32 = arith.constant 0 : i32
    %c0_i32_0 = arith.constant 0 : i32
    %c0_i32_1 = arith.constant 0 : i32
    return %c0_i32, %c0_i32_0 : i32, i32
  }
  func.func @transform_4(%arg0: i32) -> (i32, i32) {
    %c0_i32 = arith.constant 0 : i32
    %c0_i32_0 = arith.constant 0 : i32
    return %arg0, %c0_i32 : i32, i32
  }
}

</mosaic_0001>

<sc_bundles>
// kernel: kernel.11.cloned.1.call-start
scs
__scs_entry_jumppad:
0x0: {  	(pc) =	sbr.rel $0x88, $3  }
0x1: {  	(tag) =	ssettag $0x0;
	lr =	simm.s32 $0x1  }
0x2: {  	[smem:$0x3F98] =	sst lr;
	_ =	strace $0xD0000000  }
0x3: {  	_ = 	snop  }
0x4: {  	_ = 	snop  }
0x5: {  	_ = 	snop  }
0x6: {  	_ = 	snop  }
0x7: {  	_ = 	snop  }
__scs_overlays_trampoline_lowered:
0x8: {  	[smem:$0x3FA7] =	sst s0  }
0x9: {  	[smem:$0x3FA8] =	sst s1  }
0xa: {  	[smem:$0x3FA9] =	sst s2  }
0xb: {  	[smem:$0x3FAA] =	sst s3  }
0xc: {  	[smem:$0x3FAB] =	sst s4  }
0xd: {  	[smem:$0x3FAC] =	sst s5  }
0xe: {  	[smem:$0x3FAD] =	sst s6  }
0xf: {  	[smem:$0x3FAE] =	sst s7  }
0x10: {  	[smem:$0x3FAF] =	sst s8  }
0x11: {  	[smem:$0x3FB0] =	sst s9;
	s0 =	simm.s32 @!p0 $0x0  }
0x12: {  	s1 =	sld [smem:$0x3F96];
	s0 =	simm.s32 @p0 $0x1  }
0x13: {  	[smem:$0x3FB1] =	sst s0;
	s0 =	simm.s32 @!p1 $0x0  }
0x14: {  	s2 =	sld [smem:$0x3F95];
	s0 =	simm.s32 @p1 $0x1  }
0x15: {  	[smem:$0x3FB2] =	sst s0;
	s0 =	simm.s32 @!p2 $0x0  }
0x16: {  	s3 =	sld [smem:$0x3FDB];
	s0 =	simm.s32 @p2 $0x1  }
0x17: {  	s4 =	simm.s32 $0x1BF5;
	[smem:$0x3FB4] =	sst s0  }
0x18: {  	s0 =	sld [smem:$0x3F97];
	_ =	swait.ge [sflag:s4], $0x0  }
0x19: {  	s7 =	sld [smem:$0x3F98]  }
0x1a: {  	s8 =	sadd.s32 $0xFFFFE003, lr  }
0x1b: {  	s9 =	sadd.s32 $0xFFFFFEF7, lr;
	s5 =	simm.s32 $0xFFFFFFFF;
	p2 =	slt.u32 s8, $0xFFFFF086  }
0x1c: {  	p1 =	slt.u32 s9, $0xF7A;
	s5 =	simm.s32 @!p2 $0x0  }
0x1d: {  	s5 =	simm.s32 @p1 $0x1;
	p0 =	seq.s32 s7, s2  }
0x1e: {  	s7 =	smul.u32 @!p0 $0xF7A, s2;
	p2 =	seq.s32 @!p0 s5, $0x0  }
0x1f: {  	s9 =	smul.u32 $0xF7A, s1;
	s8 =	simm.s32 @!p0 $0x1BF5;
	p2 =	por !p2, p0  }
0x20: {  	[sflag:s8] =	ssyncset.s32 @!p0 $0xFFFFF086;
	s6 =	sadd.s32 @!p0 s3, s7;
	s7 =	simm.s32 @!p0 $0x108  }
0x21: {  	s3 =	sadd.s32 s3, s9;
	s6 =	sadd.s32 @!p0 $0x88, s6;
	s7 =	simm.s32 @p2 $0x1082  }
0x22: {  	[simem:s7], [sflag:s8] =	dma.local @!p0 [hbm:s6], $0xF7A  }
0x23: {  	s9 =	sor.u32 $0xD0000000, s2;
	s6 =	simm.s32 $0x108;
	_ =	swait.ge @!p0 [sflag:s8], $0x0  }
0x24: {  	s3 =	sadd.s32 $0x88, s3;
	s6 =	simm.s32 @!p1 $0x1082;
	[sflag:s4] =	ssyncset.s32 $0xFFFFF086  }
0x25: {  	[simem:s6], [sflag:s4] =	dma.local [hbm:s3], $0xF7A  }
0x26: {  	[smem:$0x3F98] =	sst s1;
	(tag) =	ssettag s2;
	_ =	strace s9  }
0x27: {  	s1 =	sld [smem:$0x3FA8]  }
0x28: {  	s2 =	sld [smem:$0x3FA9]  }
0x29: {  	s4 =	sld [smem:$0x3FAB]  }
0x2a: {  	p0 =	seq.s32 s5, $0x0;
	s5 =	sld [smem:$0x3FAC]  }
0x2b: {  	s6 =	sld [smem:$0x3FAD]  }
0x2c: {  	s7 =	sld [smem:$0x3FAE]  }
0x2d: {  	s3 =	simm.s32 $0x108;
	s8 =	sld [smem:$0x3FAF]  }
0x2e: {  	s3 =	simm.s32 @!p0 $0x1082;
	s9 =	sld [smem:$0x3FB0]  }
0x2f: {  	lr =	sadd.s32 s0, s3;
	s0 =	sld [smem:$0x3FA7]  }
0x30: {  	s3 =	sld [smem:$0x3FAA]  }
0x31: {  	[smem:$0x3FB3] =	sst s10  }
0x32: {  	s10 =	sld [smem:$0x3FB1];
	_ =	sdelay $0x3  }
0x33: {  	p0 =	seq.s32 s10, $0x1;
	s10 =	sld [smem:$0x3FB3];
	_ =	sdelay $0x3  }
0x34: {  	[smem:$0x3FB3] =	sst s10  }
0x35: {  	s10 =	sld [smem:$0x3FB2];
	_ =	sdelay $0x3  }
0x36: {  	p1 =	seq.s32 s10, $0x1;
	s10 =	sld [smem:$0x3FB3];
	_ =	sdelay $0x3  }
0x37: {  	[smem:$0x3FB3] =	sst s10  }
0x38: {  	s10 =	sld [smem:$0x3FB4]  }
0x39: {  	_ = 	snop;
	(pc) =	sbr.ind lr, $3  }
0x3a: {  	_ = 	snop  }
0x3b: {  	_ = 	snop  }
0x3c: {  	p2 =	seq.s32 s10, $0x1;
	s10 =	sld [smem:$0x3FB3]  }
0x3d: {  	_ =	shalt  }
0x3e: {  	_ =	shalt  }
0x3f: {  	_ =	shalt  }
0x40: {  	_ =	shalt  }
0x41: {  	_ =	shalt  }
0x42: {  	_ =	shalt  }
0x43: {  	_ =	shalt  }
0x44: {  	_ =	shalt  }
0x45: {  	_ =	shalt  }
0x46: {  	_ =	shalt  }
0x47: {  	_ =	shalt  }
0x48: {  	_ =	shalt  }
0x49: {  	_ =	shalt  }
0x4a: {  	_ =	shalt  }
0x4b: {  	_ =	shalt  }
0x4c: {  	_ =	shalt  }
0x4d: {  	_ =	shalt  }
0x4e: {  	_ =	shalt  }
0x4f: {  	_ =	shalt  }
0x50: {  	_ =	shalt  }
0x51: {  	_ =	shalt  }
0x52: {  	_ =	shalt  }
0x53: {  	_ =	shalt  }
0x54: {  	_ =	shalt  }
0x55: {  	_ =	shalt  }
0x56: {  	_ =	shalt  }
0x57: {  	_ =	shalt  }
0x58: {  	_ =	shalt  }
0x59: {  	_ =	shalt  }
0x5a: {  	_ =	shalt  }
0x5b: {  	_ =	shalt  }
0x5c: {  	_ =	shalt  }
0x5d: {  	_ =	shalt  }
0x5e: {  	_ =	shalt  }
0x5f: {  	_ =	shalt  }
0x60: {  	_ =	shalt  }
0x61: {  	_ =	shalt  }
0x62: {  	_ =	shalt  }
0x63: {  	_ =	shalt  }
0x64: {  	_ =	shalt  }
0x65: {  	_ =	shalt  }
0x66: {  	_ =	shalt  }
0x67: {  	_ =	shalt  }
0x68: {  	_ =	shalt  }
0x69: {  	_ =	shalt  }
0x6a: {  	_ =	shalt  }
0x6b: {  	_ =	shalt  }
0x6c: {  	_ =	shalt  }
0x6d: {  	_ =	shalt  }
0x6e: {  	_ =	shalt  }
0x6f: {  	_ =	shalt  }
0x70: {  	_ =	shalt  }
0x71: {  	_ =	shalt  }
0x72: {  	_ =	shalt  }
0x73: {  	_ =	shalt  }
0x74: {  	_ =	shalt  }
0x75: {  	_ =	shalt  }
0x76: {  	_ =	shalt  }
0x77: {  	_ =	shalt  }
0x78: {  	_ =	shalt  }
0x79: {  	_ =	shalt  }
0x7a: {  	_ =	shalt  }
0x7b: {  	_ =	shalt  }
0x7c: {  	_ =	shalt  }
0x7d: {  	_ =	shalt  }
0x7e: {  	_ =	shalt  }
0x7f: {  	_ =	shalt  }
0x80: {  	_ =	shalt  }
0x81: {  	_ =	shalt  }
0x82: {  	_ =	shalt  }
0x83: {  	_ =	shalt  }
0x84: {  	_ =	shalt  }
0x85: {  	_ =	shalt  }
0x86: {  	_ =	shalt  }
0x87: {  	_ =	shalt  }
.Lfunc_end0:
.L_simem_size_0:
called_computation.1_lowered:
.L_overlay_start_0:
0x88: {  	s2 =	sld [smem:$0x3FD9]  }
0x89: {  	s3 =	sld [smem:$0x3FFE];
	_ =	sdelay $0x1  }
0x8a: {  	s1 =	srdreg.scid  }
0x8b: {  	s0 =	sand.u32 $0x1, s1  }
0x8c: {  	s17 =	sshll.u32 s0, $0xA;
	s2 =	sadd.s32 s3, s2  }
0x8d: {  	s2 =	sadd.s32 s2, s17  }
0x8e: {  	[smem:$0x3FBF] =	sst s2  }
0x8f: {  	_ = 	snop  }
0x90: {  	s2 =	sld [smem:$0x3FD0];
	(tm) =	ssettm $0x1  }
0x91: {  	s18 =	sld [smem:$0x3FFB];
	_ =	sdelay $0x3  }
0x92: {  	_ =	strace s18  }
0x93: {  	s3 =	sld [smem:$0x3FFC];
	_ =	sdelay $0x3  }
0x94: {  	_ =	strace s3  }
0x95: {  	s3 =	sld [smem:$0x3FFD];
	_ =	sdelay $0x3  }
0x96: {  	_ =	strace s3  }
0x97: {  	_ =	strace $0x8FFFFFFF  }
0x98: {  	s19 =	sld [smem:$0x3FDB];
	_ =	sdelay $0x1  }
0x99: {  	s4 =	simm.s32 $_scs_section_size  }
0x9a: {  	s5 =	simm.s32 $_size__tile_overlayer_lowered;
	s6 =	simm.s32 $_tile_overlayer_lowered  }
0x9b: {  	s22 =	simm.s32 $0x1BFF;
	s21 =	sshll.u32 s6, $0x1;
	s3 =	sadd.s32 s4, s19  }
0x9c: {  	s7 =	simm.s32 $0x0;
	s20 =	sshll.u32 s5, $0x1;
	s5 =	sadd.s32 s21, s3  }
0x9d: {  	[timem:s7], [sflag:s22] =	dma.local [hbm:s5], s20  }
0x9e: {  	_ =	swait.ge [sflag:s22], s20  }
0x9f: {  	s4 =	ssub.s32 $0x0, s20;
	[sflag:s22] =	ssyncset.done $0x0  }
0xa0: {  	[sflag:s22] =	ssyncadd.s32 s4;
	_ =	sdelay $0x1  }
0xa1: {  	s23 =	simm.s32 $0x1B8B  }
0xa2: {  	_ =	swait.ge [sflag:s23], $0x1  }
0xa3: {  	[sflag:s23] =	ssyncset.done $0x0  }
0xa4: {  	s25 =	simm.s32 $0x1B8E;
	s24 =	sld [smem:$0x3FFE];
	[sflag:s23] =	ssyncadd.s32 $0xFFFFFFFF  }
0xa5: {  	s26 =	simm.s32 $execute0_lowered;
	[smem:$0x3FD2] =	sst s25  }
0xa6: {  	s5 =	sshll.u32 s26, $0x1;
	_ =	strace $0x80000049;
	[dreg:$0x1] =	wrdreg $0xFFFFFFFF  }
0xa7: {  	s28 =	simm.s32 $_size_execute0_lowered;
	s3 =	sadd.s32 s3, s5;
	[dreg:$0x0] =	wrdreg $0x0  }
0xa8: {  	s5 =	sshll.u32 s28, $0x1;
	[dreg:$0x2] =	wrdreg s3  }
0xa9: {  	[dreg:$0x3] =	wrdreg s5  }
0xaa: {  	[dreg:$0x4] =	wrdreg $0xC0  }
0xab: {  	_ =	task [dreg:s7], $0x5FFFF  }
0xac: {  	[dreg:$0x1] =	wrdreg $0xFFFFFFFF  }
0xad: {  	[dreg:$0x0] =	wrdreg $0x60  }
0xae: {  	[dreg:$0x2] =	wrdreg s2  }
0xaf: {  	[dreg:$0x3] =	wrdreg s24  }
0xb0: {  	[dreg:$0x4] =	wrdreg $0xAA500  }
0xb1: {  	[dreg:$0x5] =	wrdreg $0x1E2D00  }
0xb2: {  	[dreg:$0x6] =	wrdreg $0x9  }
0xb3: {  	_ =	task.clear_ibuf [dreg:s7], $0x7FFFF;
	_ =	strace $0x90000049  }
0xb4: {  	s29 =	simm.s32 $0x9;
	_ =	strace $0x8000004B  }
0xb5: {  	_ =	swait.ge [sflag:s29], $0x1  }
0xb6: {  	[sflag:s29] =	ssyncadd.s32 $0xFFFFFFFF  }
0xb7: {  	_ =	strace $0x9000004B  }
0xb8: {  	_ =	sfence  }
0xb9: {  	s30 =	sld [smem:$0x0];
	_ =	sdelay $0x2  }
0xba: {  	s31 =	sshll.u32 s1, $0xD;
	s1 =	sshrl.u32 s1, $0x2  }
0xbb: {  	s3 =	sand.u32 $0x4000, s31;
	s1 =	sadd.s32 s1, s30  }
0xbc: {  	s0 =	sor.u32 s3, s0;
	s1 =	sshll.u32 s1, $0x11  }
0xbd: {  	s0 =	sor.u32 s1, s0  }
0xbe: {  	s0 =	sadd.s32 $0x8F2B, s0  }
0xbf: {  	[sflag:s0] =	ssyncadd.remote.s32 $0x1  }
0xc0: {  	_ =	sfence.sel $0xFFFF  }
0xc1: {  	[dreg:$0x0] =	wrdreg $0xFFFFFFFF;
	(pc) =	sbr.abs _section_cstart, $3  }
0xc2: {  	[dreg:$0x1] =	wrdreg $0xFFFFFFFF  }
0xc3: {  	_ =	task.clear_ibuf [dreg:s7], $0x2FFFF;
	_ =	strace $0x9FFFFFFF  }
0xc4: {  	(tm) =	ssettm $0x7FFFFFFF  }
0xc5: {  	_ =	shalt  }
tec
execute0_lowered:
.L_overlay_start_1:
0x0: {  	(tag) =	ssettag $0x1  }
0x1: {  	s1 =	rddreg [dreg:$0x0]  }
0x2: {  	s0 =	rddreg [dreg:$0x1]  }
0x3: {  	s3 =	rddreg [dreg:$0x2];
	s2 =	srdreg.scid  }
0x4: {  	s12 =	stileid.u32;
	s4 =	rddreg [dreg:$0x3];
	s7 =	simm.s32 $0x0  }
0x5: {  	s18 =	simm.s32 $0xA8C0;
	s29 =	simm.s32 $0x76C0;
	s31 =	simm.s32 $0x8FC0  }
0x6: {  	s15 =	simm.s32 $0x2B50;
	s16 =	simm.s32 $0x2B88;
	s17 =	simm.s32 $0x0  }
0x7: {  	s2 =	sand.u32 $0x1, s2;
	s5 =	smul.u32 $0x13880, s12;
	[smem:$0x7FF] =	sst s7  }
0x8: {  	s19 =	smul.u32 $0x1388, s12;
	s8 =	sadd.s32 $0x6DC00, s0;
	s10 =	sadd.s32 $0x62C00, s0  }
0x9: {  	s13 =	sadd.s32 $0xCC00, s0;
	s12 =	smul.u32 $0x2BC0, s12;
	s20 =	sadd.s32 $0xF400, s0  }
0xa: {  	s6 =	smul.u32 $0x138800, s2;
	_ =	strace $0x8000004A;
	[dreg:$0x5] =	wrdreg s13  }
0xb: {  	s21 =	sadd.s32 $0xF800, s0;
	s9 =	smul.u32 $0x13880, s2;
	[dreg:$0x6] =	wrdreg s20  }
0xc: {  	s11 =	smul.u32 $0x2BC00, s2;
	[dreg:$0x7] =	wrdreg s21;
	s2 =	ssub.s32 $0x2, s2  }
0xd: {  	s21 =	simm.s32 $0x32;
	s20 =	simm.s32 $0x9;
	s22 =	sshrl.u32 s2, $0x1  }
0xe: {  	s7 =	sadd.s32 s19, s4;
	s6 =	sadd.s32 s5, s6;
	s9 =	sadd.s32 s19, s9  }
0xf: {  	s11 =	sadd.s32 s12, s11;
	s2 =	ssub.s32 s2, s22;
	s5 =	sadd.s32 s5, s3  }
0x10: {  	[dreg:$0xb] =	wrdreg s7;
	s19 =	simm.s32 $0xC;
	s22 =	simm.s32 $0x2BC0  }
0x11: {  	s7 =	simm.s32 $0x4;
	s12 =	simm.s32 $0xA;
	s6 =	sshrl.u32 s6, $0x3  }
0x12: {  	s9 =	sshrl.u32 s9, $0x3;
	s11 =	sshrl.u32 s11, $0x3;
	[dreg:$0xa] =	wrdreg s5  }
0x13: {  	s30 =	smax.u32 s2, $0x1;
	s2 =	simm.s32 $0x1;
	s6 =	sadd.s32 s6, s0  }
0x14: {  	s0 =	sadd.s32 s9, s0;
	s23 =	sadd.s32 s8, s11;
	[dreg:$0x10] =	wrdreg s30  }
0x15: {  	s24 =	sadd.s32 s10, s11;
	s25 =	sadd.s32 $0x2BC, s11;
	[dreg:$0x8] =	wrdreg s23  }
0x16: {  	s9 =	simm.s32 $0x6;
	s11 =	simm.s32 $0x8;
	[dreg:$0x9] =	wrdreg s24  }
0x17: {  	s26 =	sadd.s32 s8, s25;
	s5 =	sadd.s32 s10, s25;
	s28 =	sadd.s32 $0xFA00, s6  }
0x18: {  	s0 =	sadd.s32 $0x1C00, s0;
	s24 =	simm.s32 $0x44C0;
	[dreg:$0xc] =	wrdreg s26  }
0x19: {  	s6 =	simm.s32 $0x3;
	s8 =	simm.s32 $0x5;
	[dreg:$0xd] =	wrdreg s5  }
0x1a: {  	s10 =	simm.s32 $0x7;
	s25 =	simm.s32 $0xB;
	[dreg:$0xe] =	wrdreg s28  }
0x1b: {  	[dreg:$0xf] =	wrdreg s0;
	s26 =	simm.s32 $0x5DC0;
	s0 =	simm.s32 $0x2  }
.LBB2_1:
0x1c: {  	s5 =	simm.s32 $0x0;
	s13 =	rddreg [dreg:$0x7]  }
0x1d: {  	[tilespmem:s18], [sflag:$0xC] =	stream.linear.gather [hbm4b:s13+s5], $0x190, $0x38;
	[tilespmem:$0x1F658] =	vst v63  }
0x1e: {  	_ =	swait.ge [sflag:s19], $0x190  }
0x1f: {  	[sflag:s19] =	ssyncset.done $0x0  }
0x20: {  	s14 =	rddreg [dreg:$0x8];
	[sflag:s19] =	ssyncadd.s32 $0xFFFFFE70  }
0x21: {  	[tilespmem:s5], [sflag:$0xC] =	stream.linear.gather [hbm4b:s14+s5], $0x15E0, $0x38;
	[tilespmem:$0x1F658] =	vst v63  }
0x22: {  	_ =	swait.ge [sflag:s19], $0x15E0  }
0x23: {  	[sflag:s19] =	ssyncset.done $0x0  }
0x24: {  	s14 =	simm.s32 $0x15E0;
	s23 =	rddreg [dreg:$0x9];
	[sflag:s19] =	ssyncadd.s32 $0xFFFFEA20  }
0x25: {  	[tilespmem:s14], [sflag:$0xC] =	stream.linear.gather [hbm4b:s23+s5], $0x15E0, $0x38;
	[tilespmem:$0x1F658] =	vst v63  }
0x26: {  	_ =	swait.ge [sflag:s19], $0x15E0  }
0x27: {  	[sflag:s19] =	ssyncset.done $0x0  }
0x28: {  	[sflag:s19] =	ssyncadd.s32 $0xFFFFEA20  }
0x29: {  	[tilespmem:s22], [sflag:$0x1] =	stream.indirect.gather [hbm4b:s1+s21], $0x80, s5, s21, $0xb8;
	[tilespmem:$0x1F658] =	vst v63  }
0x2a: {  	s23 =	simm.s32 $0x38  }
0x2b: {  	[tilespmem:s24], [sflag:$0x2] =	stream.indirect.gather [hbm4b:s1+s21], $0x80, s23, s21, $0xb8;
	[tilespmem:$0x1F658] =	vst v63  }
0x2c: {  	s13 =	simm.s32 $0x70  }
0x2d: {  	[tilespmem:s26], [sflag:$0x3] =	stream.indirect.gather [hbm4b:s1+s21], $0x80, s13, s21, $0xb8;
	[tilespmem:$0x1F658] =	vst v63  }
0x2e: {  	s14 =	simm.s32 $0xA8;
	s13 =	stileid.u32  }
0x2f: {  	[tilespmem:s29], [sflag:$0x4] =	stream.indirect.gather [hbm4b:s1+s21], $0x80, s14, s21, $0xb8;
	[tilespmem:$0x1F658] =	vst v63  }
0x30: {  	s23 =	simm.s32 $0xE0;
	s28 =	sshll.u32 s13, $0x6;
	s14 =	rddreg [dreg:$0xa]  }
0x31: {  	[tilespmem:s31], [sflag:$0x5] =	stream.indirect.gather [hbm4b:s1+s21], $0x80, s23, s21, $0xb8;
	[tilespmem:$0x1F658] =	vst v63  }
0x32: {  	s13 =	sor.u32 $0x1C0C, s28;
	s30 =	sshrl.u32 s14, $0x3;
	s23 =	rddreg [dreg:$0x5]  }
0x33: {  	[spmem:s30], [sflag:s13] =	dma.local [hbm:s23], $0x2710  }
0x34: {  	_ =	swait.ge [sflag:s19], $0x2710  }
0x35: {  	[sflag:s19] =	ssyncset.done $0x0;
	s14 =	rddreg [dreg:$0xb]  }
0x36: {  	s23 =	rddreg [dreg:$0x6];
	[sflag:s19] =	ssyncadd.s32 $0xFFFFD8F0;
	s5 =	sshrl.u32 s14, $0x3  }
0x37: {  	[spmem:s5], [sflag:s13] =	dma.local [hbm:s23], $0x271  }
0x38: {  	_ =	swait.ge [sflag:s19], $0x271  }
0x39: {  	[sflag:s19] =	ssyncset.done $0x0  }
0x3a: {  	[sflag:s19] =	ssyncadd.s32 $0xFFFFFD8F  }
0x3b: {  	[bflag:$0x0] =	sbarrier.arrive $0xFFFF  }
0x3c: {  	_ =	swait.ge [sflag:s2], $0x1900  }
0x3d: {  	[sflag:s2] =	ssyncset.done $0x0  }
0x3e: {  	s23 =	simm.s32 $0x15E0;
	[sflag:s2] =	ssyncadd.s32 $0xFFFFE700  }
0x3f: {  	[spmem:s3] =	stream.indirect.scatter.add.f32 [tilespmem:s22], [sflag:$0x6], $0x80, s23, s21, $0xb8;
	[tilespmem:$0x1F658] =	vst v63  }
0x40: {  	_ = 	snop  }
0x41: {  	[spmem:s4] =	stream.indirect.scatter.add.f32 [tilespmem:s18], [sflag:$0xB], $0x8, s23, s21, $0xb8;
	[tilespmem:$0x1F658] =	vst v63  }
0x42: {  	_ =	swait.ge [sflag:s0], $0x1900  }
0x43: {  	[sflag:s0] =	ssyncset.done $0x0  }
0x44: {  	s14 =	simm.s32 $0x1618;
	[sflag:s0] =	ssyncadd.s32 $0xFFFFE700  }
0x45: {  	[spmem:s3] =	stream.indirect.scatter.add.f32 [tilespmem:s24], [sflag:$0x7], $0x80, s14, s21, $0xb8;
	[tilespmem:$0x1F658] =	vst v63  }
0x46: {  	_ = 	snop  }
0x47: {  	[spmem:s4] =	stream.indirect.scatter.add.f32 [tilespmem:s18], [sflag:$0xB], $0x8, s14, s21, $0xb8;
	[tilespmem:$0x1F658] =	vst v63  }
0x48: {  	_ =	swait.ge [sflag:s6], $0x1900  }
0x49: {  	[sflag:s6] =	ssyncset.done $0x0  }
0x4a: {  	s23 =	simm.s32 $0x1650;
	[sflag:s6] =	ssyncadd.s32 $0xFFFFE700  }
0x4b: {  	[spmem:s3] =	stream.indirect.scatter.add.f32 [tilespmem:s26], [sflag:$0x8], $0x80, s23, s21, $0xb8;
	[tilespmem:$0x1F658] =	vst v63  }
0x4c: {  	_ = 	snop  }
0x4d: {  	[spmem:s4] =	stream.indirect.scatter.add.f32 [tilespmem:s18], [sflag:$0xB], $0x8, s23, s21, $0xb8;
	[tilespmem:$0x1F658] =	vst v63  }
0x4e: {  	_ =	swait.ge [sflag:s7], $0x1900  }
0x4f: {  	[sflag:s7] =	ssyncset.done $0x0  }
0x50: {  	s14 =	simm.s32 $0x1688;
	[sflag:s7] =	ssyncadd.s32 $0xFFFFE700  }
0x51: {  	[spmem:s3] =	stream.indirect.scatter.add.f32 [tilespmem:s29], [sflag:$0x9], $0x80, s14, s21, $0xb8;
	[tilespmem:$0x1F658] =	vst v63  }
0x52: {  	_ = 	snop  }
0x53: {  	[spmem:s4] =	stream.indirect.scatter.add.f32 [tilespmem:s18], [sflag:$0xB], $0x8, s14, s21, $0xb8;
	[tilespmem:$0x1F658] =	vst v63  }
0x54: {  	_ =	swait.ge [sflag:s8], $0x1900  }
0x55: {  	[sflag:s8] =	ssyncset.done $0x0  }
0x56: {  	s23 =	simm.s32 $0x16C0;
	[sflag:s8] =	ssyncadd.s32 $0xFFFFE700  }
0x57: {  	[spmem:s3] =	stream.indirect.scatter.add.f32 [tilespmem:s31], [sflag:$0xA], $0x80, s23, s21, $0xb8;
	[tilespmem:$0x1F658] =	vst v63  }
0x58: {  	_ = 	snop  }
0x59: {  	[spmem:s4] =	stream.indirect.scatter.add.f32 [tilespmem:s18], [sflag:$0xB], $0x8, s23, s21, $0xb8;
	[tilespmem:$0x1F658] =	vst v63  }
0x5a: {  	_ =	swait.ge [sflag:s9], $0x1900  }
0x5b: {  	[sflag:s9] =	ssyncset.done $0x0  }
0x5c: {  	s14 =	simm.s32 $0x118;
	[sflag:s9] =	ssyncadd.s32 $0xFFFFE700  }
0x5d: {  	[tilespmem:s22], [sflag:$0x1] =	stream.indirect.gather [hbm4b:s1+s21], $0x80, s14, s21, $0xb8;
	[tilespmem:$0x1F658] =	vst v63  }
0x5e: {  	_ =	swait.ge [sflag:s10], $0x1900  }
0x5f: {  	[sflag:s10] =	ssyncset.done $0x0  }
0x60: {  	s23 =	simm.s32 $0x150;
	[sflag:s10] =	ssyncadd.s32 $0xFFFFE700  }
0x61: {  	[tilespmem:s24], [sflag:$0x2] =	stream.indirect.gather [hbm4b:s1+s21], $0x80, s23, s21, $0xb8;
	[tilespmem:$0x1F658] =	vst v63  }
0x62: {  	_ =	swait.ge [sflag:s11], $0x1900  }
0x63: {  	[sflag:s11] =	ssyncset.done $0x0  }
0x64: {  	s14 =	simm.s32 $0x188;
	[sflag:s11] =	ssyncadd.s32 $0xFFFFE700  }
0x65: {  	[tilespmem:s26], [sflag:$0x3] =	stream.indirect.gather [hbm4b:s1+s21], $0x80, s14, s21, $0xb8;
	[tilespmem:$0x1F658] =	vst v63  }
0x66: {  	_ =	swait.ge [sflag:s20], $0x1900  }
0x67: {  	[sflag:s20] =	ssyncset.done $0x0  }
0x68: {  	s23 =	simm.s32 $0x1C0;
	[sflag:s20] =	ssyncadd.s32 $0xFFFFE700  }
0x69: {  	[tilespmem:s29], [sflag:$0x4] =	stream.indirect.gather [hbm4b:s1+s21], $0x80, s23, s21, $0xb8;
	[tilespmem:$0x1F658] =	vst v63  }
0x6a: {  	_ =	swait.ge [sflag:s12], $0x1900  }
0x6b: {  	[sflag:s12] =	ssyncset.done $0x0  }
0x6c: {  	s13 =	simm.s32 $0x460;
	s14 =	simm.s32 $0x1F8;
	[sflag:s12] =	ssyncadd.s32 $0xFFFFE700  }
.LBB2_2:
0x6d: {  	[tilespmem:s31], [sflag:$0x5] =	stream.indirect.gather [hbm4b:s1+s21], $0x80, s14, s21, $0xb8;
	[tilespmem:$0x1F658] =	vst v63  }
0x6e: {  	s14 =	smov.u32 s13  }
0x6f: {  	p0 =	sne.s32 s13, $0x4EC0;
	s13 =	sadd.s32 $0x460, s13;
	_ =	swait.ge [sflag:s2], $0x1900  }
0x70: {  	s14 =	sshra.s32 s14, $0x2;
	[sflag:s2] =	ssyncset.done $0x0  }
0x71: {  	s23 =	sadd.s32 $0x15E0, s14;
	[sflag:s2] =	ssyncadd.s32 $0xFFFFE700  }
0x72: {  	[spmem:s3] =	stream.indirect.scatter.add.f32 [tilespmem:s22], [sflag:$0x6], $0x80, s23, s21, $0xb8;
	[tilespmem:$0x1F658] =	vst v63  }
0x73: {  	_ = 	snop  }
0x74: {  	[spmem:s4] =	stream.indirect.scatter.add.f32 [tilespmem:s18], [sflag:$0xB], $0x8, s23, s21, $0xb8;
	[tilespmem:$0x1F658] =	vst v63  }
0x75: {  	_ =	swait.ge [sflag:s0], $0x1900  }
0x76: {  	[sflag:s0] =	ssyncset.done $0x0  }
0x77: {  	s23 =	sadd.s32 $0x1618, s14;
	[sflag:s0] =	ssyncadd.s32 $0xFFFFE700  }
0x78: {  	[spmem:s3] =	stream.indirect.scatter.add.f32 [tilespmem:s24], [sflag:$0x7], $0x80, s23, s21, $0xb8;
	[tilespmem:$0x1F658] =	vst v63  }
0x79: {  	_ = 	snop  }
0x7a: {  	[spmem:s4] =	stream.indirect.scatter.add.f32 [tilespmem:s18], [sflag:$0xB], $0x8, s23, s21, $0xb8;
	[tilespmem:$0x1F658] =	vst v63  }
0x7b: {  	_ =	swait.ge [sflag:s6], $0x1900  }
0x7c: {  	[sflag:s6] =	ssyncset.done $0x0  }
0x7d: {  	s23 =	sadd.s32 $0x1650, s14;
	[sflag:s6] =	ssyncadd.s32 $0xFFFFE700  }
0x7e: {  	[spmem:s3] =	stream.indirect.scatter.add.f32 [tilespmem:s26], [sflag:$0x8], $0x80, s23, s21, $0xb8;
	[tilespmem:$0x1F658] =	vst v63  }
0x7f: {  	_ = 	snop  }
0x80: {  	[spmem:s4] =	stream.indirect.scatter.add.f32 [tilespmem:s18], [sflag:$0xB], $0x8, s23, s21, $0xb8;
	[tilespmem:$0x1F658] =	vst v63  }
0x81: {  	_ =	swait.ge [sflag:s7], $0x1900  }
0x82: {  	[sflag:s7] =	ssyncset.done $0x0  }
0x83: {  	s23 =	sadd.s32 $0x1688, s14;
	[sflag:s7] =	ssyncadd.s32 $0xFFFFE700  }
0x84: {  	[spmem:s3] =	stream.indirect.scatter.add.f32 [tilespmem:s29], [sflag:$0x9], $0x80, s23, s21, $0xb8;
	[tilespmem:$0x1F658] =	vst v63  }
0x85: {  	_ = 	snop  }
0x86: {  	[spmem:s4] =	stream.indirect.scatter.add.f32 [tilespmem:s18], [sflag:$0xB], $0x8, s23, s21, $0xb8;
	[tilespmem:$0x1F658] =	vst v63  }
0x87: {  	_ =	swait.ge [sflag:s8], $0x1900  }
0x88: {  	[sflag:s8] =	ssyncset.done $0x0  }
0x89: {  	s23 =	sadd.s32 $0x16C0, s14;
	[sflag:s8] =	ssyncadd.s32 $0xFFFFE700  }
0x8a: {  	[spmem:s3] =	stream.indirect.scatter.add.f32 [tilespmem:s31], [sflag:$0xA], $0x80, s23, s21, $0xb8;
	[tilespmem:$0x1F658] =	vst v63  }
0x8b: {  	_ = 	snop  }
0x8c: {  	[spmem:s4] =	stream.indirect.scatter.add.f32 [tilespmem:s18], [sflag:$0xB], $0x8, s23, s21, $0xb8;
	[tilespmem:$0x1F658] =	vst v63  }
0x8d: {  	_ =	swait.ge [sflag:s9], $0x1900  }
0x8e: {  	[sflag:s9] =	ssyncset.done $0x0  }
0x8f: {  	s23 =	sadd.s32 $0x118, s14;
	[sflag:s9] =	ssyncadd.s32 $0xFFFFE700  }
0x90: {  	[tilespmem:s22], [sflag:$0x1] =	stream.indirect.gather [hbm4b:s1+s21], $0x80, s23, s21, $0xb8;
	[tilespmem:$0x1F658] =	vst v63  }
0x91: {  	_ =	swait.ge [sflag:s10], $0x1900  }
0x92: {  	[sflag:s10] =	ssyncset.done $0x0  }
0x93: {  	s23 =	sadd.s32 $0x150, s14;
	[sflag:s10] =	ssyncadd.s32 $0xFFFFE700  }
0x94: {  	[tilespmem:s24], [sflag:$0x2] =	stream.indirect.gather [hbm4b:s1+s21], $0x80, s23, s21, $0xb8;
	[tilespmem:$0x1F658] =	vst v63  }
0x95: {  	_ =	swait.ge [sflag:s11], $0x1900  }
0x96: {  	[sflag:s11] =	ssyncset.done $0x0  }
0x97: {  	s23 =	sadd.s32 $0x188, s14;
	[sflag:s11] =	ssyncadd.s32 $0xFFFFE700  }
0x98: {  	[tilespmem:s26], [sflag:$0x3] =	stream.indirect.gather [hbm4b:s1+s21], $0x80, s23, s21, $0xb8;
	[tilespmem:$0x1F658] =	vst v63  }
0x99: {  	_ =	swait.ge [sflag:s20], $0x1900  }
0x9a: {  	[sflag:s20] =	ssyncset.done $0x0  }
.Ltmp0:
0x9b: {  	s23 =	sadd.s32 $0x1C0, s14;
	[sflag:s20] =	ssyncadd.s32 $0xFFFFE700;
	(pc) =	sbr.rel @p0 .LBB2_2-.Ltmp0, $4  }
0x9c: {  	[tilespmem:s29], [sflag:$0x4] =	stream.indirect.gather [hbm4b:s1+s21], $0x80, s23, s21, $0xb8;
	[tilespmem:$0x1F658] =	vst v63  }
0x9d: {  	_ =	swait.ge [sflag:s12], $0x1900  }
0x9e: {  	[sflag:s12] =	ssyncset.done $0x0  }
0x9f: {  	s14 =	sadd.s32 $0x1F8, s14;
	[sflag:s12] =	ssyncadd.s32 $0xFFFFE700  }
0xa0: {  	[tilespmem:s31], [sflag:$0x5] =	stream.indirect.gather [hbm4b:s1+s21], $0x80, s14, s21, $0xb8;
	[tilespmem:$0x1F658] =	vst v63  }
0xa1: {  	_ =	swait.ge [sflag:s2], $0x1900  }
0xa2: {  	[sflag:s2] =	ssyncset.done $0x0  }
0xa3: {  	s13 =	simm.s32 $0x2AA8;
	[sflag:s2] =	ssyncadd.s32 $0xFFFFE700  }
0xa4: {  	[spmem:s3] =	stream.indirect.scatter.add.f32 [tilespmem:s22], [sflag:$0x6], $0x80, s13, s21, $0xb8;
	[tilespmem:$0x1F658] =	vst v63  }
0xa5: {  	_ = 	snop  }
0xa6: {  	[spmem:s4] =	stream.indirect.scatter.add.f32 [tilespmem:s18], [sflag:$0xB], $0x8, s13, s21, $0xb8;
	[tilespmem:$0x1F658] =	vst v63  }
0xa7: {  	_ =	swait.ge [sflag:s0], $0x1900  }
0xa8: {  	[sflag:s0] =	ssyncset.done $0x0  }
0xa9: {  	s23 =	simm.s32 $0x2AE0;
	[sflag:s0] =	ssyncadd.s32 $0xFFFFE700  }
0xaa: {  	[spmem:s3] =	stream.indirect.scatter.add.f32 [tilespmem:s24], [sflag:$0x7], $0x80, s23, s21, $0xb8;
	[tilespmem:$0x1F658] =	vst v63  }
0xab: {  	_ = 	snop  }
0xac: {  	[spmem:s4] =	stream.indirect.scatter.add.f32 [tilespmem:s18], [sflag:$0xB], $0x8, s23, s21, $0xb8;
	[tilespmem:$0x1F658] =	vst v63  }
0xad: {  	_ =	swait.ge [sflag:s6], $0x1900  }
0xae: {  	[sflag:s6] =	ssyncset.done $0x0  }
0xaf: {  	s14 =	simm.s32 $0x2B18;
	[sflag:s6] =	ssyncadd.s32 $0xFFFFE700  }
0xb0: {  	[spmem:s3] =	stream.indirect.scatter.add.f32 [tilespmem:s26], [sflag:$0x8], $0x80, s14, s21, $0xb8;
	[tilespmem:$0x1F658] =	vst v63  }
0xb1: {  	_ = 	snop  }
0xb2: {  	[spmem:s4] =	stream.indirect.scatter.add.f32 [tilespmem:s18], [sflag:$0xB], $0x8, s14, s21, $0xb8;
	[tilespmem:$0x1F658] =	vst v63  }
0xb3: {  	_ =	swait.ge [sflag:s7], $0x1900  }
0xb4: {  	[sflag:s7] =	ssyncset.done $0x0  }
0xb5: {  	[sflag:s7] =	ssyncadd.s32 $0xFFFFE700  }
0xb6: {  	[spmem:s3] =	stream.indirect.scatter.add.f32 [tilespmem:s29], [sflag:$0x9], $0x80, s15, s21, $0xb8;
	[tilespmem:$0x1F658] =	vst v63  }
0xb7: {  	_ = 	snop  }
0xb8: {  	[spmem:s4] =	stream.indirect.scatter.add.f32 [tilespmem:s18], [sflag:$0xB], $0x8, s15, s21, $0xb8;
	[tilespmem:$0x1F658] =	vst v63  }
0xb9: {  	_ =	swait.ge [sflag:s8], $0x1900  }
0xba: {  	[sflag:s8] =	ssyncset.done $0x0  }
0xbb: {  	[sflag:s8] =	ssyncadd.s32 $0xFFFFE700  }
0xbc: {  	[spmem:s3] =	stream.indirect.scatter.add.f32 [tilespmem:s31], [sflag:$0xA], $0x80, s16, s21, $0xb8;
	[tilespmem:$0x1F658] =	vst v63  }
0xbd: {  	_ = 	snop  }
0xbe: {  	[spmem:s4] =	stream.indirect.scatter.add.f32 [tilespmem:s18], [sflag:$0xB], $0x8, s16, s21, $0xb8;
	[tilespmem:$0x1F658] =	vst v63  }
0xbf: {  	_ =	swait.ge [sflag:s9], $0x1900  }
0xc0: {  	[sflag:s9] =	ssyncset.done $0x0  }
0xc1: {  	[sflag:s9] =	ssyncadd.s32 $0xFFFFE700  }
0xc2: {  	_ =	swait.ge [sflag:s10], $0x1900  }
0xc3: {  	[sflag:s10] =	ssyncset.done $0x0  }
0xc4: {  	[sflag:s10] =	ssyncadd.s32 $0xFFFFE700  }
0xc5: {  	_ =	swait.ge [sflag:s11], $0x1900  }
0xc6: {  	[sflag:s11] =	ssyncset.done $0x0  }
0xc7: {  	[sflag:s11] =	ssyncadd.s32 $0xFFFFE700  }
0xc8: {  	_ =	swait.ge [sflag:s20], $0x1900  }
0xc9: {  	[sflag:s20] =	ssyncset.done $0x0  }
0xca: {  	[sflag:s20] =	ssyncadd.s32 $0xFFFFE700  }
0xcb: {  	_ =	swait.ge [sflag:s12], $0x1900  }
0xcc: {  	[sflag:s12] =	ssyncset.done $0x0  }
0xcd: {  	[sflag:s12] =	ssyncadd.s32 $0xFFFFE700  }
0xce: {  	_ =	swait.ge [sflag:s25], $0x1388  }
0xcf: {  	[sflag:s25] =	ssyncset.done $0x0  }
0xd0: {  	s13 =	simm.s32 $0x0;
	s23 =	rddreg [dreg:$0xc];
	[sflag:s25] =	ssyncadd.s32 $0xFFFFEC78  }
0xd1: {  	[tilespmem:s13], [sflag:$0xC] =	stream.linear.gather [hbm4b:s23+s13], $0x15E0, $0x38;
	[tilespmem:$0x1F658] =	vst v63  }
0xd2: {  	_ =	swait.ge [sflag:s19], $0x15E0  }
0xd3: {  	[sflag:s19] =	ssyncset.done $0x0  }
0xd4: {  	s23 =	simm.s32 $0x15E0;
	s14 =	rddreg [dreg:$0xd];
	[sflag:s19] =	ssyncadd.s32 $0xFFFFEA20  }
0xd5: {  	[tilespmem:s23], [sflag:$0xC] =	stream.linear.gather [hbm4b:s14+s13], $0x15E0, $0x38;
	[tilespmem:$0x1F658] =	vst v63  }
0xd6: {  	_ =	swait.ge [sflag:s19], $0x15E0  }
0xd7: {  	[sflag:s19] =	ssyncset.done $0x0  }
0xd8: {  	[sflag:s19] =	ssyncadd.s32 $0xFFFFEA20  }
0xd9: {  	[tilespmem:s22], [sflag:$0x1] =	stream.indirect.gather [hbm4b:s1+s21], $0x80, s13, s21, $0xb8;
	[tilespmem:$0x1F658] =	vst v63  }
0xda: {  	s23 =	simm.s32 $0x38  }
0xdb: {  	[tilespmem:s24], [sflag:$0x2] =	stream.indirect.gather [hbm4b:s1+s21], $0x80, s23, s21, $0xb8;
	[tilespmem:$0x1F658] =	vst v63  }
0xdc: {  	s14 =	simm.s32 $0x70  }
0xdd: {  	[tilespmem:s26], [sflag:$0x3] =	stream.indirect.gather [hbm4b:s1+s21], $0x80, s14, s21, $0xb8;
	[tilespmem:$0x1F658] =	vst v63  }
0xde: {  	s23 =	simm.s32 $0xA8  }
0xdf: {  	[tilespmem:s29], [sflag:$0x4] =	stream.indirect.gather [hbm4b:s1+s21], $0x80, s23, s21, $0xb8;
	[tilespmem:$0x1F658] =	vst v63  }
0xe0: {  	s14 =	simm.s32 $0xE0  }
0xe1: {  	[tilespmem:s31], [sflag:$0x5] =	stream.indirect.gather [hbm4b:s1+s21], $0x80, s14, s21, $0xb8;
	[tilespmem:$0x1F658] =	vst v63  }
0xe2: {  	_ =	swait.ge [sflag:s2], $0x1900  }
0xe3: {  	[sflag:s2] =	ssyncset.done $0x0  }
0xe4: {  	s23 =	simm.s32 $0x15E0;
	[sflag:s2] =	ssyncadd.s32 $0xFFFFE700  }
0xe5: {  	[spmem:s3] =	stream.indirect.scatter.add.f32 [tilespmem:s22], [sflag:$0x6], $0x80, s23, s21, $0xb8;
	[tilespmem:$0x1F658] =	vst v63  }
0xe6: {  	_ = 	snop  }
0xe7: {  	[spmem:s4] =	stream.indirect.scatter.add.f32 [tilespmem:s18], [sflag:$0xB], $0x8, s23, s21, $0xb8;
	[tilespmem:$0x1F658] =	vst v63  }
0xe8: {  	_ =	swait.ge [sflag:s0], $0x1900  }
0xe9: {  	[sflag:s0] =	ssyncset.done $0x0  }
0xea: {  	s14 =	simm.s32 $0x1618;
	[sflag:s0] =	ssyncadd.s32 $0xFFFFE700  }
0xeb: {  	[spmem:s3] =	stream.indirect.scatter.add.f32 [tilespmem:s24], [sflag:$0x7], $0x80, s14, s21, $0xb8;
	[tilespmem:$0x1F658] =	vst v63  }
0xec: {  	_ = 	snop  }
0xed: {  	[spmem:s4] =	stream.indirect.scatter.add.f32 [tilespmem:s18], [sflag:$0xB], $0x8, s14, s21, $0xb8;
	[tilespmem:$0x1F658] =	vst v63  }
0xee: {  	_ =	swait.ge [sflag:s6], $0x1900  }
0xef: {  	[sflag:s6] =	ssyncset.done $0x0  }
0xf0: {  	s23 =	simm.s32 $0x1650;
	[sflag:s6] =	ssyncadd.s32 $0xFFFFE700  }
0xf1: {  	[spmem:s3] =	stream.indirect.scatter.add.f32 [tilespmem:s26], [sflag:$0x8], $0x80, s23, s21, $0xb8;
	[tilespmem:$0x1F658] =	vst v63  }
0xf2: {  	_ = 	snop  }
0xf3: {  	[spmem:s4] =	stream.indirect.scatter.add.f32 [tilespmem:s18], [sflag:$0xB], $0x8, s23, s21, $0xb8;
	[tilespmem:$0x1F658] =	vst v63  }
0xf4: {  	_ =	swait.ge [sflag:s7], $0x1900  }
0xf5: {  	[sflag:s7] =	ssyncset.done $0x0  }
0xf6: {  	s14 =	simm.s32 $0x1688;
	[sflag:s7] =	ssyncadd.s32 $0xFFFFE700  }
0xf7: {  	[spmem:s3] =	stream.indirect.scatter.add.f32 [tilespmem:s29], [sflag:$0x9], $0x80, s14, s21, $0xb8;
	[tilespmem:$0x1F658] =	vst v63  }
0xf8: {  	_ = 	snop  }
0xf9: {  	[spmem:s4] =	stream.indirect.scatter.add.f32 [tilespmem:s18], [sflag:$0xB], $0x8, s14, s21, $0xb8;
	[tilespmem:$0x1F658] =	vst v63  }
0xfa: {  	_ =	swait.ge [sflag:s8], $0x1900  }
0xfb: {  	[sflag:s8] =	ssyncset.done $0x0  }
0xfc: {  	s23 =	simm.s32 $0x16C0;
	[sflag:s8] =	ssyncadd.s32 $0xFFFFE700  }
0xfd: {  	[spmem:s3] =	stream.indirect.scatter.add.f32 [tilespmem:s31], [sflag:$0xA], $0x80, s23, s21, $0xb8;
	[tilespmem:$0x1F658] =	vst v63  }
0xfe: {  	_ = 	snop  }
0xff: {  	[spmem:s4] =	stream.indirect.scatter.add.f32 [tilespmem:s18], [sflag:$0xB], $0x8, s23, s21, $0xb8;
	[tilespmem:$0x1F658] =	vst v63  }
0x100: {  	_ =	swait.ge [sflag:s9], $0x1900  }
0x101: {  	[sflag:s9] =	ssyncset.done $0x0  }
0x102: {  	s14 =	simm.s32 $0x118;
	[sflag:s9] =	ssyncadd.s32 $0xFFFFE700  }
0x103: {  	[tilespmem:s22], [sflag:$0x1] =	stream.indirect.gather [hbm4b:s1+s21], $0x80, s14, s21, $0xb8;
	[tilespmem:$0x1F658] =	vst v63  }
0x104: {  	_ =	swait.ge [sflag:s10], $0x1900  }
0x105: {  	[sflag:s10] =	ssyncset.done $0x0  }
0x106: {  	s23 =	simm.s32 $0x150;
	[sflag:s10] =	ssyncadd.s32 $0xFFFFE700  }
0x107: {  	[tilespmem:s24], [sflag:$0x2] =	stream.indirect.gather [hbm4b:s1+s21], $0x80, s23, s21, $0xb8;
	[tilespmem:$0x1F658] =	vst v63  }
0x108: {  	_ =	swait.ge [sflag:s11], $0x1900  }
0x109: {  	[sflag:s11] =	ssyncset.done $0x0  }
0x10a: {  	s14 =	simm.s32 $0x188;
	[sflag:s11] =	ssyncadd.s32 $0xFFFFE700  }
0x10b: {  	[tilespmem:s26], [sflag:$0x3] =	stream.indirect.gather [hbm4b:s1+s21], $0x80, s14, s21, $0xb8;
	[tilespmem:$0x1F658] =	vst v63  }
0x10c: {  	_ =	swait.ge [sflag:s20], $0x1900  }
0x10d: {  	[sflag:s20] =	ssyncset.done $0x0  }
0x10e: {  	s23 =	simm.s32 $0x1C0;
	[sflag:s20] =	ssyncadd.s32 $0xFFFFE700  }
0x10f: {  	[tilespmem:s29], [sflag:$0x4] =	stream.indirect.gather [hbm4b:s1+s21], $0x80, s23, s21, $0xb8;
	[tilespmem:$0x1F658] =	vst v63  }
0x110: {  	_ =	swait.ge [sflag:s12], $0x1900  }
0x111: {  	[sflag:s12] =	ssyncset.done $0x0  }
0x112: {  	s13 =	simm.s32 $0x460;
	s14 =	simm.s32 $0x1F8;
	[sflag:s12] =	ssyncadd.s32 $0xFFFFE700  }
.LBB2_4:
0x113: {  	[tilespmem:s31], [sflag:$0x5] =	stream.indirect.gather [hbm4b:s1+s21], $0x80, s14, s21, $0xb8;
	[tilespmem:$0x1F658] =	vst v63  }
0x114: {  	s14 =	smov.u32 s13  }
0x115: {  	p0 =	sne.s32 s13, $0x4EC0;
	s13 =	sadd.s32 $0x460, s13;
	_ =	swait.ge [sflag:s2], $0x1900  }
0x116: {  	s14 =	sshra.s32 s14, $0x2;
	[sflag:s2] =	ssyncset.done $0x0  }
0x117: {  	s23 =	sadd.s32 $0x15E0, s14;
	[sflag:s2] =	ssyncadd.s32 $0xFFFFE700  }
0x118: {  	[spmem:s3] =	stream.indirect.scatter.add.f32 [tilespmem:s22], [sflag:$0x6], $0x80, s23, s21, $0xb8;
	[tilespmem:$0x1F658] =	vst v63  }
0x119: {  	_ = 	snop  }
0x11a: {  	[spmem:s4] =	stream.indirect.scatter.add.f32 [tilespmem:s18], [sflag:$0xB], $0x8, s23, s21, $0xb8;
	[tilespmem:$0x1F658] =	vst v63  }
0x11b: {  	_ =	swait.ge [sflag:s0], $0x1900  }
0x11c: {  	[sflag:s0] =	ssyncset.done $0x0  }
0x11d: {  	s23 =	sadd.s32 $0x1618, s14;
	[sflag:s0] =	ssyncadd.s32 $0xFFFFE700  }
0x11e: {  	[spmem:s3] =	stream.indirect.scatter.add.f32 [tilespmem:s24], [sflag:$0x7], $0x80, s23, s21, $0xb8;
	[tilespmem:$0x1F658] =	vst v63  }
0x11f: {  	_ = 	snop  }
0x120: {  	[spmem:s4] =	stream.indirect.scatter.add.f32 [tilespmem:s18], [sflag:$0xB], $0x8, s23, s21, $0xb8;
	[tilespmem:$0x1F658] =	vst v63  }
0x121: {  	_ =	swait.ge [sflag:s6], $0x1900  }
0x122: {  	[sflag:s6] =	ssyncset.done $0x0  }
0x123: {  	s23 =	sadd.s32 $0x1650, s14;
	[sflag:s6] =	ssyncadd.s32 $0xFFFFE700  }
0x124: {  	[spmem:s3] =	stream.indirect.scatter.add.f32 [tilespmem:s26], [sflag:$0x8], $0x80, s23, s21, $0xb8;
	[tilespmem:$0x1F658] =	vst v63  }
0x125: {  	_ = 	snop  }
0x126: {  	[spmem:s4] =	stream.indirect.scatter.add.f32 [tilespmem:s18], [sflag:$0xB], $0x8, s23, s21, $0xb8;
	[tilespmem:$0x1F658] =	vst v63  }
0x127: {  	_ =	swait.ge [sflag:s7], $0x1900  }
0x128: {  	[sflag:s7] =	ssyncset.done $0x0  }
0x129: {  	s23 =	sadd.s32 $0x1688, s14;
	[sflag:s7] =	ssyncadd.s32 $0xFFFFE700  }
0x12a: {  	[spmem:s3] =	stream.indirect.scatter.add.f32 [tilespmem:s29], [sflag:$0x9], $0x80, s23, s21, $0xb8;
	[tilespmem:$0x1F658] =	vst v63  }
0x12b: {  	_ = 	snop  }
0x12c: {  	[spmem:s4] =	stream.indirect.scatter.add.f32 [tilespmem:s18], [sflag:$0xB], $0x8, s23, s21, $0xb8;
	[tilespmem:$0x1F658] =	vst v63  }
0x12d: {  	_ =	swait.ge [sflag:s8], $0x1900  }
0x12e: {  	[sflag:s8] =	ssyncset.done $0x0  }
0x12f: {  	s23 =	sadd.s32 $0x16C0, s14;
	[sflag:s8] =	ssyncadd.s32 $0xFFFFE700  }
0x130: {  	[spmem:s3] =	stream.indirect.scatter.add.f32 [tilespmem:s31], [sflag:$0xA], $0x80, s23, s21, $0xb8;
	[tilespmem:$0x1F658] =	vst v63  }
0x131: {  	_ = 	snop  }
0x132: {  	[spmem:s4] =	stream.indirect.scatter.add.f32 [tilespmem:s18], [sflag:$0xB], $0x8, s23, s21, $0xb8;
	[tilespmem:$0x1F658] =	vst v63  }
0x133: {  	_ =	swait.ge [sflag:s9], $0x1900  }
0x134: {  	[sflag:s9] =	ssyncset.done $0x0  }
0x135: {  	s23 =	sadd.s32 $0x118, s14;
	[sflag:s9] =	ssyncadd.s32 $0xFFFFE700  }
0x136: {  	[tilespmem:s22], [sflag:$0x1] =	stream.indirect.gather [hbm4b:s1+s21], $0x80, s23, s21, $0xb8;
	[tilespmem:$0x1F658] =	vst v63  }
0x137: {  	_ =	swait.ge [sflag:s10], $0x1900  }
0x138: {  	[sflag:s10] =	ssyncset.done $0x0  }
0x139: {  	s23 =	sadd.s32 $0x150, s14;
	[sflag:s10] =	ssyncadd.s32 $0xFFFFE700  }
0x13a: {  	[tilespmem:s24], [sflag:$0x2] =	stream.indirect.gather [hbm4b:s1+s21], $0x80, s23, s21, $0xb8;
	[tilespmem:$0x1F658] =	vst v63  }
0x13b: {  	_ =	swait.ge [sflag:s11], $0x1900  }
0x13c: {  	[sflag:s11] =	ssyncset.done $0x0  }
0x13d: {  	s23 =	sadd.s32 $0x188, s14;
	[sflag:s11] =	ssyncadd.s32 $0xFFFFE700  }
0x13e: {  	[tilespmem:s26], [sflag:$0x3] =	stream.indirect.gather [hbm4b:s1+s21], $0x80, s23, s21, $0xb8;
	[tilespmem:$0x1F658] =	vst v63  }
0x13f: {  	_ =	swait.ge [sflag:s20], $0x1900  }
0x140: {  	[sflag:s20] =	ssyncset.done $0x0  }
.Ltmp1:
0x141: {  	s23 =	sadd.s32 $0x1C0, s14;
	[sflag:s20] =	ssyncadd.s32 $0xFFFFE700;
	(pc) =	sbr.rel @p0 .LBB2_4-.Ltmp1, $4  }
0x142: {  	[tilespmem:s29], [sflag:$0x4] =	stream.indirect.gather [hbm4b:s1+s21], $0x80, s23, s21, $0xb8;
	[tilespmem:$0x1F658] =	vst v63  }
0x143: {  	_ =	swait.ge [sflag:s12], $0x1900  }
0x144: {  	[sflag:s12] =	ssyncset.done $0x0  }
0x145: {  	s14 =	sadd.s32 $0x1F8, s14;
	[sflag:s12] =	ssyncadd.s32 $0xFFFFE700  }
0x146: {  	[tilespmem:s31], [sflag:$0x5] =	stream.indirect.gather [hbm4b:s1+s21], $0x80, s14, s21, $0xb8;
	[tilespmem:$0x1F658] =	vst v63  }
0x147: {  	_ =	swait.ge [sflag:s2], $0x1900  }
0x148: {  	[sflag:s2] =	ssyncset.done $0x0  }
0x149: {  	s13 =	simm.s32 $0x2AA8;
	[sflag:s2] =	ssyncadd.s32 $0xFFFFE700  }
0x14a: {  	[spmem:s3] =	stream.indirect.scatter.add.f32 [tilespmem:s22], [sflag:$0x6], $0x80, s13, s21, $0xb8;
	[tilespmem:$0x1F658] =	vst v63  }
0x14b: {  	_ = 	snop  }
0x14c: {  	[spmem:s4] =	stream.indirect.scatter.add.f32 [tilespmem:s18], [sflag:$0xB], $0x8, s13, s21, $0xb8;
	[tilespmem:$0x1F658] =	vst v63  }
0x14d: {  	_ =	swait.ge [sflag:s0], $0x1900  }
0x14e: {  	[sflag:s0] =	ssyncset.done $0x0  }
0x14f: {  	s14 =	simm.s32 $0x2AE0;
	[sflag:s0] =	ssyncadd.s32 $0xFFFFE700  }
0x150: {  	[spmem:s3] =	stream.indirect.scatter.add.f32 [tilespmem:s24], [sflag:$0x7], $0x80, s14, s21, $0xb8;
	[tilespmem:$0x1F658] =	vst v63  }
0x151: {  	_ = 	snop  }
0x152: {  	[spmem:s4] =	stream.indirect.scatter.add.f32 [tilespmem:s18], [sflag:$0xB], $0x8, s14, s21, $0xb8;
	[tilespmem:$0x1F658] =	vst v63  }
0x153: {  	_ =	swait.ge [sflag:s6], $0x1900  }
0x154: {  	[sflag:s6] =	ssyncset.done $0x0  }
0x155: {  	s23 =	simm.s32 $0x2B18;
	[sflag:s6] =	ssyncadd.s32 $0xFFFFE700  }
0x156: {  	[spmem:s3] =	stream.indirect.scatter.add.f32 [tilespmem:s26], [sflag:$0x8], $0x80, s23, s21, $0xb8;
	[tilespmem:$0x1F658] =	vst v63  }
0x157: {  	_ = 	snop  }
0x158: {  	[spmem:s4] =	stream.indirect.scatter.add.f32 [tilespmem:s18], [sflag:$0xB], $0x8, s23, s21, $0xb8;
	[tilespmem:$0x1F658] =	vst v63  }
0x159: {  	_ =	swait.ge [sflag:s7], $0x1900  }
0x15a: {  	[sflag:s7] =	ssyncset.done $0x0  }
0x15b: {  	[sflag:s7] =	ssyncadd.s32 $0xFFFFE700  }
0x15c: {  	[spmem:s3] =	stream.indirect.scatter.add.f32 [tilespmem:s29], [sflag:$0x9], $0x80, s15, s21, $0xb8;
	[tilespmem:$0x1F658] =	vst v63  }
0x15d: {  	_ = 	snop  }
0x15e: {  	[spmem:s4] =	stream.indirect.scatter.add.f32 [tilespmem:s18], [sflag:$0xB], $0x8, s15, s21, $0xb8;
	[tilespmem:$0x1F658] =	vst v63  }
0x15f: {  	_ =	swait.ge [sflag:s8], $0x1900  }
0x160: {  	[sflag:s8] =	ssyncset.done $0x0  }
0x161: {  	[sflag:s8] =	ssyncadd.s32 $0xFFFFE700  }
0x162: {  	[spmem:s3] =	stream.indirect.scatter.add.f32 [tilespmem:s31], [sflag:$0xA], $0x80, s16, s21, $0xb8;
	[tilespmem:$0x1F658] =	vst v63  }
0x163: {  	_ = 	snop  }
0x164: {  	[spmem:s4] =	stream.indirect.scatter.add.f32 [tilespmem:s18], [sflag:$0xB], $0x8, s16, s21, $0xb8;
	[tilespmem:$0x1F658] =	vst v63  }
0x165: {  	_ =	swait.ge [sflag:s9], $0x1900  }
0x166: {  	[sflag:s9] =	ssyncset.done $0x0  }
0x167: {  	[sflag:s9] =	ssyncadd.s32 $0xFFFFE700  }
0x168: {  	_ =	swait.ge [sflag:s10], $0x1900  }
0x169: {  	[sflag:s10] =	ssyncset.done $0x0  }
0x16a: {  	[sflag:s10] =	ssyncadd.s32 $0xFFFFE700  }
0x16b: {  	_ =	swait.ge [sflag:s11], $0x1900  }
0x16c: {  	[sflag:s11] =	ssyncset.done $0x0  }
0x16d: {  	[sflag:s11] =	ssyncadd.s32 $0xFFFFE700  }
0x16e: {  	_ =	swait.ge [sflag:s20], $0x1900  }
0x16f: {  	[sflag:s20] =	ssyncset.done $0x0  }
0x170: {  	[sflag:s20] =	ssyncadd.s32 $0xFFFFE700  }
0x171: {  	_ =	swait.ge [sflag:s12], $0x1900  }
0x172: {  	[sflag:s12] =	ssyncset.done $0x0  }
0x173: {  	[sflag:s12] =	ssyncadd.s32 $0xFFFFE700  }
0x174: {  	_ =	swait.ge [sflag:s25], $0x1388  }
0x175: {  	[sflag:s25] =	ssyncset.done $0x0  }
0x176: {  	[sflag:s25] =	ssyncadd.s32 $0xFFFFEC78  }
0x177: {  	[bflag:$0x0] =	sbarrier.arrive $0xFFFF  }
0x178: {  	s14 =	sor.u32 $0x1C01, s28;
	s23 =	rddreg [dreg:$0xe]  }
0x179: {  	[hbm:s23], [sflag:s14] =	dma.local [spmem:s30], $0x2710  }
0x17a: {  	s28 =	sor.u32 $0x1C02, s28;
	s14 =	rddreg [dreg:$0xf]  }
0x17b: {  	[hbm:s14], [sflag:s28] =	dma.local [spmem:s5], $0x271  }
0x17c: {  	_ =	swait.ge [sflag:s2], $0x2710  }
0x17d: {  	[sflag:s2] =	ssyncset.done $0x0  }
0x17e: {  	[sflag:s2] =	ssyncadd.s32 $0xFFFFD8F0  }
0x17f: {  	_ =	swait.ge [sflag:s0], $0x271  }
0x180: {  	s17 =	sadd.s32 $0x1, s17;
	s30 =	rddreg [dreg:$0x10]  }
0x181: {  	p0 =	sne.s32 s17, s30  }
.Ltmp2:
0x182: {  	_ = 	snop;
	(pc) =	sbr.rel @p0 .LBB2_1-.Ltmp2, $3  }
0x183: {  	_ =	sdelay $0x1  }
0x184: {  	[sflag:s0] =	ssyncset.done $0x0  }
0x185: {  	[sflag:s0] =	ssyncadd.s32 $0xFFFFFD8F  }
0x186: {  	_ =	sfence.sel $0x180000  }
0x187: {  	[bflag:$0x0] =	sbarrier.arrive $0xFFFF  }
0x188: {  	_ =	strace $0x9000004A  }
0x189: {  	s0 =	stileid.u32;
	[bflag:$0x2] =	sbarrier.arrive $0xFFFF  }
0x18a: {  	p0 =	sne.s32 s0, $0x0;
	s0 =	rddreg [dreg:$0x4]  }
0x18b: {  	s0 =	sadd.s32 @!p0 $0x100000, s0  }
0x18c: {  	[sflag:s0] =	ssyncadd.tile.s32 @!p0 $0x1;
	_ =	shalt  }
.Lfunc_end2:
_tile_overlayer_lowered:
.L_overlay_start_2:
0x18d: {  	(tag) =	ssettag $0x2  }
0x18e: {  	s0 =	rddreg [dreg:$0x0];
	s2 =	stileid.u32  }
0x18f: {  	s1 =	rddreg [dreg:$0x1];
	p0 =	sne.s32 s2, $0x0  }
0x190: {  	s3 =	rddreg [dreg:$0x2];
	[bflag:$0x3] =	sbarrier.arrive $0xFFFF;
	s2 =	simm.s32 @!p0 $0x1C0C  }
0x191: {  	[timem:s3], [sflag:s2] =	dma.local @!p0 [hbm:s0], s1  }
0x192: {  	s0 =	simm.s32 @!p0 $0xC  }
0x193: {  	_ =	swait.ge @!p0 [sflag:s0], s1  }
0x194: {  	s1 =	ssub.s32 @!p0 $0x0, s1;
	[sflag:s0] =	ssyncset.done @!p0 $0x0  }
0x195: {  	[sflag:s0] =	ssyncadd.s32 @!p0 s1  }
0x196: {  	[bflag:$0x3] =	sbarrier.arrive $0xFFFF  }
0x197: {  	_ =	shalt  }

// kernel: kernel.8.cloned.1.call-start
scs
__scs_entry_jumppad:
0x0: {  	(pc) =	sbr.rel $0x88, $3  }
0x1: {  	(tag) =	ssettag $0x0;
	lr =	simm.s32 $0x1  }
0x2: {  	[smem:$0x3F98] =	sst lr;
	_ =	strace $0xD0000000  }
0x3: {  	_ = 	snop  }
0x4: {  	_ = 	snop  }
0x5: {  	_ = 	snop  }
0x6: {  	_ = 	snop  }
0x7: {  	_ = 	snop  }
__scs_overlays_trampoline_lowered:
0x8: {  	[smem:$0x3FA7] =	sst s0  }
0x9: {  	[smem:$0x3FA8] =	sst s1  }
0xa: {  	[smem:$0x3FA9] =	sst s2  }
0xb: {  	[smem:$0x3FAA] =	sst s3  }
0xc: {  	[smem:$0x3FAB] =	sst s4  }
0xd: {  	[smem:$0x3FAC] =	sst s5  }
0xe: {  	[smem:$0x3FAD] =	sst s6  }
0xf: {  	[smem:$0x3FAE] =	sst s7  }
0x10: {  	[smem:$0x3FAF] =	sst s8  }
0x11: {  	[smem:$0x3FB0] =	sst s9;
	s0 =	simm.s32 @!p0 $0x0  }
0x12: {  	s1 =	sld [smem:$0x3F96];
	s0 =	simm.s32 @p0 $0x1  }
0x13: {  	[smem:$0x3FB1] =	sst s0;
	s0 =	simm.s32 @!p1 $0x0  }
0x14: {  	s2 =	sld [smem:$0x3F95];
	s0 =	simm.s32 @p1 $0x1  }
0x15: {  	[smem:$0x3FB2] =	sst s0;
	s0 =	simm.s32 @!p2 $0x0  }
0x16: {  	s3 =	sld [smem:$0x3FDB];
	s0 =	simm.s32 @p2 $0x1  }
0x17: {  	s4 =	simm.s32 $0x1BF5;
	[smem:$0x3FB4] =	sst s0  }
0x18: {  	s0 =	sld [smem:$0x3F97];
	_ =	swait.ge [sflag:s4], $0x0  }
0x19: {  	s7 =	sld [smem:$0x3F98]  }
0x1a: {  	s8 =	sadd.s32 $0xFFFFE003, lr  }
0x1b: {  	s9 =	sadd.s32 $0xFFFFFEF7, lr;
	s5 =	simm.s32 $0xFFFFFFFF;
	p2 =	slt.u32 s8, $0xFFFFF086  }
0x1c: {  	p1 =	slt.u32 s9, $0xF7A;
	s5 =	simm.s32 @!p2 $0x0  }
0x1d: {  	s5 =	simm.s32 @p1 $0x1;
	p0 =	seq.s32 s7, s2  }
0x1e: {  	s7 =	smul.u32 @!p0 $0xF7A, s2;
	p2 =	seq.s32 @!p0 s5, $0x0  }
0x1f: {  	s9 =	smul.u32 $0xF7A, s1;
	s8 =	simm.s32 @!p0 $0x1BF5;
	p2 =	por !p2, p0  }
0x20: {  	[sflag:s8] =	ssyncset.s32 @!p0 $0xFFFFF086;
	s6 =	sadd.s32 @!p0 s3, s7;
	s7 =	simm.s32 @!p0 $0x108  }
0x21: {  	s3 =	sadd.s32 s3, s9;
	s6 =	sadd.s32 @!p0 $0x88, s6;
	s7 =	simm.s32 @p2 $0x1082  }
0x22: {  	[simem:s7], [sflag:s8] =	dma.local @!p0 [hbm:s6], $0xF7A  }
0x23: {  	s9 =	sor.u32 $0xD0000000, s2;
	s6 =	simm.s32 $0x108;
	_ =	swait.ge @!p0 [sflag:s8], $0x0  }
0x24: {  	s3 =	sadd.s32 $0x88, s3;
	s6 =	simm.s32 @!p1 $0x1082;
	[sflag:s4] =	ssyncset.s32 $0xFFFFF086  }
0x25: {  	[simem:s6], [sflag:s4] =	dma.local [hbm:s3], $0xF7A  }
0x26: {  	[smem:$0x3F98] =	sst s1;
	(tag) =	ssettag s2;
	_ =	strace s9  }
0x27: {  	s1 =	sld [smem:$0x3FA8]  }
0x28: {  	s2 =	sld [smem:$0x3FA9]  }
0x29: {  	s4 =	sld [smem:$0x3FAB]  }
0x2a: {  	p0 =	seq.s32 s5, $0x0;
	s5 =	sld [smem:$0x3FAC]  }
0x2b: {  	s6 =	sld [smem:$0x3FAD]  }
0x2c: {  	s7 =	sld [smem:$0x3FAE]  }
0x2d: {  	s3 =	simm.s32 $0x108;
	s8 =	sld [smem:$0x3FAF]  }
0x2e: {  	s3 =	simm.s32 @!p0 $0x1082;
	s9 =	sld [smem:$0x3FB0]  }
0x2f: {  	lr =	sadd.s32 s0, s3;
	s0 =	sld [smem:$0x3FA7]  }
0x30: {  	s3 =	sld [smem:$0x3FAA]  }
0x31: {  	[smem:$0x3FB3] =	sst s10  }
0x32: {  	s10 =	sld [smem:$0x3FB1];
	_ =	sdelay $0x3  }
0x33: {  	p0 =	seq.s32 s10, $0x1;
	s10 =	sld [smem:$0x3FB3];
	_ =	sdelay $0x3  }
0x34: {  	[smem:$0x3FB3] =	sst s10  }
0x35: {  	s10 =	sld [smem:$0x3FB2];
	_ =	sdelay $0x3  }
0x36: {  	p1 =	seq.s32 s10, $0x1;
	s10 =	sld [smem:$0x3FB3];
	_ =	sdelay $0x3  }
0x37: {  	[smem:$0x3FB3] =	sst s10  }
0x38: {  	s10 =	sld [smem:$0x3FB4]  }
0x39: {  	_ = 	snop;
	(pc) =	sbr.ind lr, $3  }
0x3a: {  	_ = 	snop  }
0x3b: {  	_ = 	snop  }
0x3c: {  	p2 =	seq.s32 s10, $0x1;
	s10 =	sld [smem:$0x3FB3]  }
0x3d: {  	_ =	shalt  }
0x3e: {  	_ =	shalt  }
0x3f: {  	_ =	shalt  }
0x40: {  	_ =	shalt  }
0x41: {  	_ =	shalt  }
0x42: {  	_ =	shalt  }
0x43: {  	_ =	shalt  }
0x44: {  	_ =	shalt  }
0x45: {  	_ =	shalt  }
0x46: {  	_ =	shalt  }
0x47: {  	_ =	shalt  }
0x48: {  	_ =	shalt  }
0x49: {  	_ =	shalt  }
0x4a: {  	_ =	shalt  }
0x4b: {  	_ =	shalt  }
0x4c: {  	_ =	shalt  }
0x4d: {  	_ =	shalt  }
0x4e: {  	_ =	shalt  }
0x4f: {  	_ =	shalt  }
0x50: {  	_ =	shalt  }
0x51: {  	_ =	shalt  }
0x52: {  	_ =	shalt  }
0x53: {  	_ =	shalt  }
0x54: {  	_ =	shalt  }
0x55: {  	_ =	shalt  }
0x56: {  	_ =	shalt  }
0x57: {  	_ =	shalt  }
0x58: {  	_ =	shalt  }
0x59: {  	_ =	shalt  }
0x5a: {  	_ =	shalt  }
0x5b: {  	_ =	shalt  }
0x5c: {  	_ =	shalt  }
0x5d: {  	_ =	shalt  }
0x5e: {  	_ =	shalt  }
0x5f: {  	_ =	shalt  }
0x60: {  	_ =	shalt  }
0x61: {  	_ =	shalt  }
0x62: {  	_ =	shalt  }
0x63: {  	_ =	shalt  }
0x64: {  	_ =	shalt  }
0x65: {  	_ =	shalt  }
0x66: {  	_ =	shalt  }
0x67: {  	_ =	shalt  }
0x68: {  	_ =	shalt  }
0x69: {  	_ =	shalt  }
0x6a: {  	_ =	shalt  }
0x6b: {  	_ =	shalt  }
0x6c: {  	_ =	shalt  }
0x6d: {  	_ =	shalt  }
0x6e: {  	_ =	shalt  }
0x6f: {  	_ =	shalt  }
0x70: {  	_ =	shalt  }
0x71: {  	_ =	shalt  }
0x72: {  	_ =	shalt  }
0x73: {  	_ =	shalt  }
0x74: {  	_ =	shalt  }
0x75: {  	_ =	shalt  }
0x76: {  	_ =	shalt  }
0x77: {  	_ =	shalt  }
0x78: {  	_ =	shalt  }
0x79: {  	_ =	shalt  }
0x7a: {  	_ =	shalt  }
0x7b: {  	_ =	shalt  }
0x7c: {  	_ =	shalt  }
0x7d: {  	_ =	shalt  }
0x7e: {  	_ =	shalt  }
0x7f: {  	_ =	shalt  }
0x80: {  	_ =	shalt  }
0x81: {  	_ =	shalt  }
0x82: {  	_ =	shalt  }
0x83: {  	_ =	shalt  }
0x84: {  	_ =	shalt  }
0x85: {  	_ =	shalt  }
0x86: {  	_ =	shalt  }
0x87: {  	_ =	shalt  }
.Lfunc_end0:
.L_simem_size_0:
called_computation_lowered:
.L_overlay_start_0:
0x88: {  	s2 =	sld [smem:$0x3FD9]  }
0x89: {  	s3 =	sld [smem:$0x3FFE];
	_ =	sdelay $0x1  }
0x8a: {  	s1 =	srdreg.scid  }
0x8b: {  	s0 =	sand.u32 $0x1, s1  }
0x8c: {  	s17 =	sshll.u32 s0, $0xA;
	s2 =	sadd.s32 s3, s2  }
0x8d: {  	s2 =	sadd.s32 s2, s17  }
0x8e: {  	[smem:$0x3FBF] =	sst s2  }
0x8f: {  	_ = 	snop  }
0x90: {  	s2 =	sld [smem:$0x3FC9]  }
0x91: {  	s18 =	sld [smem:$0x3FD0];
	(tm) =	ssettm $0x1  }
0x92: {  	s4 =	sld [smem:$0x3FFB];
	_ =	sdelay $0x3  }
0x93: {  	_ =	strace s4  }
0x94: {  	s4 =	sld [smem:$0x3FFC];
	_ =	sdelay $0x3  }
0x95: {  	_ =	strace s4  }
0x96: {  	s4 =	sld [smem:$0x3FFD];
	_ =	sdelay $0x3  }
0x97: {  	_ =	strace s4  }
0x98: {  	_ =	strace $0x8FFFFFFF  }
0x99: {  	s19 =	sld [smem:$0x3FDB];
	_ =	sdelay $0x1  }
0x9a: {  	s5 =	simm.s32 $_scs_section_size  }
0x9b: {  	s6 =	simm.s32 $_size__tile_overlayer_lowered;
	s7 =	simm.s32 $_tile_overlayer_lowered  }
0x9c: {  	s22 =	simm.s32 $0x1BFF;
	s21 =	sshll.u32 s7, $0x1;
	s4 =	sadd.s32 s5, s19  }
0x9d: {  	s8 =	simm.s32 $0x0;
	s20 =	sshll.u32 s6, $0x1;
	s6 =	sadd.s32 s21, s4  }
0x9e: {  	[timem:s8], [sflag:s22] =	dma.local [hbm:s6], s20  }
0x9f: {  	_ =	swait.ge [sflag:s22], s20  }
0xa0: {  	s5 =	ssub.s32 $0x0, s20;
	[sflag:s22] =	ssyncset.done $0x0  }
0xa1: {  	[sflag:s22] =	ssyncadd.s32 s5;
	_ =	sdelay $0x1  }
0xa2: {  	s23 =	simm.s32 $0x1B8B  }
0xa3: {  	_ =	swait.ge [sflag:s23], $0x1  }
0xa4: {  	[sflag:s23] =	ssyncset.done $0x0  }
0xa5: {  	s25 =	simm.s32 $0x1B8E;
	s24 =	sld [smem:$0x3FFE];
	[sflag:s23] =	ssyncadd.s32 $0xFFFFFFFF  }
0xa6: {  	s26 =	simm.s32 $execute0_lowered;
	[smem:$0x3FD2] =	sst s25  }
0xa7: {  	s6 =	sshll.u32 s26, $0x1;
	_ =	strace $0x80000046;
	[dreg:$0x1] =	wrdreg $0xFFFFFFFF  }
0xa8: {  	s28 =	simm.s32 $_size_execute0_lowered;
	s4 =	sadd.s32 s4, s6;
	[dreg:$0x0] =	wrdreg $0x0  }
0xa9: {  	s6 =	sshll.u32 s28, $0x1;
	[dreg:$0x2] =	wrdreg s4  }
0xaa: {  	[dreg:$0x3] =	wrdreg s6  }
0xab: {  	[dreg:$0x4] =	wrdreg $0xC0  }
0xac: {  	_ =	task [dreg:s8], $0x5FFFF  }
0xad: {  	[dreg:$0x1] =	wrdreg $0xFFFFFFFF  }
0xae: {  	[dreg:$0x0] =	wrdreg $0x60  }
0xaf: {  	[dreg:$0x2] =	wrdreg s2  }
0xb0: {  	[dreg:$0x3] =	wrdreg s18  }
0xb1: {  	[dreg:$0x4] =	wrdreg s24  }
0xb2: {  	[dreg:$0x5] =	wrdreg $0xAA500  }
0xb3: {  	[dreg:$0x6] =	wrdreg $0x1E2D00  }
0xb4: {  	[dreg:$0x7] =	wrdreg $0x9  }
0xb5: {  	_ =	task.clear_ibuf [dreg:s8], $0x8FFFF;
	_ =	strace $0x90000046  }
0xb6: {  	s29 =	simm.s32 $0x9;
	_ =	strace $0x80000048  }
0xb7: {  	_ =	swait.ge [sflag:s29], $0x1  }
0xb8: {  	[sflag:s29] =	ssyncadd.s32 $0xFFFFFFFF  }
0xb9: {  	_ =	strace $0x90000048  }
0xba: {  	_ =	sfence  }
0xbb: {  	s30 =	sld [smem:$0x0];
	_ =	sdelay $0x2  }
0xbc: {  	s31 =	sshll.u32 s1, $0xD;
	s1 =	sshrl.u32 s1, $0x2  }
0xbd: {  	s3 =	sand.u32 $0x4000, s31;
	s1 =	sadd.s32 s1, s30  }
0xbe: {  	s0 =	sor.u32 s3, s0;
	s1 =	sshll.u32 s1, $0x11  }
0xbf: {  	s0 =	sor.u32 s1, s0  }
0xc0: {  	s0 =	sadd.s32 $0x8F2B, s0  }
0xc1: {  	[sflag:s0] =	ssyncadd.remote.s32 $0x1  }
0xc2: {  	_ =	sfence.sel $0xFFFF  }
0xc3: {  	[dreg:$0x0] =	wrdreg $0xFFFFFFFF;
	(pc) =	sbr.abs _section_cstart, $3  }
0xc4: {  	[dreg:$0x1] =	wrdreg $0xFFFFFFFF  }
0xc5: {  	_ =	task.clear_ibuf [dreg:s8], $0x2FFFF;
	_ =	strace $0x9FFFFFFF  }
0xc6: {  	(tm) =	ssettm $0x7FFFFFFF  }
0xc7: {  	_ =	shalt  }
tec
execute0_lowered:
.L_overlay_start_1:
0x0: {  	(tag) =	ssettag $0x1  }
0x1: {  	s0 =	rddreg [dreg:$0x0]  }
0x2: {  	s1 =	rddreg [dreg:$0x1]  }
0x3: {  	s2 =	rddreg [dreg:$0x2]  }
0x4: {  	s3 =	rddreg [dreg:$0x3];
	s5 =	srdreg.scid  }
0x5: {  	s12 =	stileid.u32;
	s4 =	rddreg [dreg:$0x4]  }
0x6: {  	s8 =	simm.s32 $0x0;
	s29 =	simm.s32 $0x76C0;
	s31 =	simm.s32 $0x8FC0  }
0x7: {  	s15 =	simm.s32 $0x2B50;
	s16 =	simm.s32 $0x2B88;
	s6 =	smul.u32 $0x13880, s12  }
0x8: {  	s17 =	simm.s32 $0x0;
	s5 =	sand.u32 $0x1, s5;
	s18 =	smul.u32 $0x1388, s12  }
0x9: {  	[smem:$0x7FF] =	sst s8;
	s10 =	sadd.s32 $0x1C00, s2;
	s12 =	smul.u32 $0x2BC0, s12  }
0xa: {  	s13 =	sadd.s32 $0xCC00, s2;
	s19 =	sadd.s32 $0xF400, s2;
	s7 =	smul.u32 $0x138800, s5  }
0xb: {  	_ =	strace $0x80000047;
	s9 =	smul.u32 $0x13880, s5;
	[dreg:$0x6] =	wrdreg s13  }
0xc: {  	s20 =	sadd.s32 $0xF800, s2;
	s11 =	smul.u32 $0x2BC00, s5;
	[dreg:$0x7] =	wrdreg s19  }
0xd: {  	[dreg:$0x8] =	wrdreg s20;
	s5 =	ssub.s32 $0x2, s5;
	s19 =	simm.s32 $0xC  }
0xe: {  	s20 =	simm.s32 $0x9;
	s21 =	sshrl.u32 s5, $0x1;
	s8 =	sadd.s32 s18, s4  }
0xf: {  	s7 =	sadd.s32 s6, s7;
	s9 =	sadd.s32 s18, s9;
	s11 =	sadd.s32 s12, s11  }
0x10: {  	s5 =	ssub.s32 s5, s21;
	s6 =	sadd.s32 s6, s3;
	[dreg:$0xc] =	wrdreg s8  }
0x11: {  	s18 =	simm.s32 $0xA8C0;
	s21 =	simm.s32 $0x32;
	s8 =	simm.s32 $0x5  }
0x12: {  	s12 =	simm.s32 $0xA;
	s7 =	sshrl.u32 s7, $0x3;
	s9 =	sshrl.u32 s9, $0x3  }
0x13: {  	s11 =	sshrl.u32 s11, $0x3;
	[dreg:$0xb] =	wrdreg s6;
	s30 =	smax.u32 s5, $0x1  }
0x14: {  	s6 =	simm.s32 $0x3;
	s7 =	sadd.s32 s7, s2;
	s2 =	sadd.s32 s9, s2  }
0x15: {  	s22 =	sadd.s32 s1, s11;
	s23 =	sadd.s32 s10, s11;
	[dreg:$0x11] =	wrdreg s30  }
0x16: {  	s24 =	sadd.s32 $0x2BC, s11;
	s9 =	simm.s32 $0x6;
	[dreg:$0x9] =	wrdreg s22  }
0x17: {  	s11 =	simm.s32 $0x8;
	[dreg:$0xa] =	wrdreg s23;
	s1 =	sadd.s32 s1, s24  }
0x18: {  	s25 =	sadd.s32 s10, s24;
	s26 =	sadd.s32 $0x14A00, s7;
	[dreg:$0xd] =	wrdreg s1  }
0x19: {  	s28 =	sadd.s32 $0xFA00, s2;
	s22 =	simm.s32 $0x2BC0;
	[dreg:$0xe] =	wrdreg s25  }
0x1a: {  	s24 =	simm.s32 $0x44C0;
	s2 =	simm.s32 $0x1;
	[dreg:$0xf] =	wrdreg s26  }
0x1b: {  	s7 =	simm.s32 $0x4;
	s10 =	simm.s32 $0x7;
	[dreg:$0x10] =	wrdreg s28  }
0x1c: {  	s26 =	simm.s32 $0x5DC0;
	s1 =	simm.s32 $0x2;
	s25 =	simm.s32 $0xB  }
.LBB2_1:
0x1d: {  	s5 =	simm.s32 $0x0;
	s13 =	rddreg [dreg:$0x8]  }
0x1e: {  	[tilespmem:s18], [sflag:$0xC] =	stream.linear.gather [hbm4b:s13+s5], $0x190, $0x38;
	[tilespmem:$0x1F658] =	vst v63  }
0x1f: {  	_ =	swait.ge [sflag:s19], $0x190  }
0x20: {  	[sflag:s19] =	ssyncset.done $0x0  }
0x21: {  	s14 =	rddreg [dreg:$0x9];
	[sflag:s19] =	ssyncadd.s32 $0xFFFFFE70  }
0x22: {  	[tilespmem:s5], [sflag:$0xC] =	stream.linear.gather [hbm4b:s14+s5], $0x15E0, $0x38;
	[tilespmem:$0x1F658] =	vst v63  }
0x23: {  	_ =	swait.ge [sflag:s19], $0x15E0  }
0x24: {  	[sflag:s19] =	ssyncset.done $0x0  }
0x25: {  	s14 =	simm.s32 $0x15E0;
	s23 =	rddreg [dreg:$0xa];
	[sflag:s19] =	ssyncadd.s32 $0xFFFFEA20  }
0x26: {  	[tilespmem:s14], [sflag:$0xC] =	stream.linear.gather [hbm4b:s23+s5], $0x15E0, $0x38;
	[tilespmem:$0x1F658] =	vst v63  }
0x27: {  	_ =	swait.ge [sflag:s19], $0x15E0  }
0x28: {  	[sflag:s19] =	ssyncset.done $0x0  }
0x29: {  	[sflag:s19] =	ssyncadd.s32 $0xFFFFEA20  }
0x2a: {  	[tilespmem:s22], [sflag:$0x1] =	stream.indirect.gather [hbm4b:s0+s21], $0x80, s5, s21, $0xb8;
	[tilespmem:$0x1F658] =	vst v63  }
0x2b: {  	s23 =	simm.s32 $0x38  }
0x2c: {  	[tilespmem:s24], [sflag:$0x2] =	stream.indirect.gather [hbm4b:s0+s21], $0x80, s23, s21, $0xb8;
	[tilespmem:$0x1F658] =	vst v63  }
0x2d: {  	s13 =	simm.s32 $0x70  }
0x2e: {  	[tilespmem:s26], [sflag:$0x3] =	stream.indirect.gather [hbm4b:s0+s21], $0x80, s13, s21, $0xb8;
	[tilespmem:$0x1F658] =	vst v63  }
0x2f: {  	s14 =	simm.s32 $0xA8;
	s13 =	stileid.u32  }
0x30: {  	[tilespmem:s29], [sflag:$0x4] =	stream.indirect.gather [hbm4b:s0+s21], $0x80, s14, s21, $0xb8;
	[tilespmem:$0x1F658] =	vst v63  }
0x31: {  	s23 =	simm.s32 $0xE0;
	s28 =	sshll.u32 s13, $0x6;
	s14 =	rddreg [dreg:$0xb]  }
0x32: {  	[tilespmem:s31], [sflag:$0x5] =	stream.indirect.gather [hbm4b:s0+s21], $0x80, s23, s21, $0xb8;
	[tilespmem:$0x1F658] =	vst v63  }
0x33: {  	s13 =	sor.u32 $0x1C0C, s28;
	s30 =	sshrl.u32 s14, $0x3;
	s23 =	rddreg [dreg:$0x6]  }
0x34: {  	[spmem:s30], [sflag:s13] =	dma.local [hbm:s23], $0x2710  }
0x35: {  	_ =	swait.ge [sflag:s19], $0x2710  }
0x36: {  	[sflag:s19] =	ssyncset.done $0x0;
	s14 =	rddreg [dreg:$0xc]  }
0x37: {  	s23 =	rddreg [dreg:$0x7];
	[sflag:s19] =	ssyncadd.s32 $0xFFFFD8F0;
	s5 =	sshrl.u32 s14, $0x3  }
0x38: {  	[spmem:s5], [sflag:s13] =	dma.local [hbm:s23], $0x271  }
0x39: {  	_ =	swait.ge [sflag:s19], $0x271  }
0x3a: {  	[sflag:s19] =	ssyncset.done $0x0  }
0x3b: {  	[sflag:s19] =	ssyncadd.s32 $0xFFFFFD8F  }
0x3c: {  	[bflag:$0x0] =	sbarrier.arrive $0xFFFF  }
0x3d: {  	_ =	swait.ge [sflag:s2], $0x1900  }
0x3e: {  	[sflag:s2] =	ssyncset.done $0x0  }
0x3f: {  	s23 =	simm.s32 $0x15E0;
	[sflag:s2] =	ssyncadd.s32 $0xFFFFE700  }
0x40: {  	[spmem:s3] =	stream.indirect.scatter.add.f32 [tilespmem:s22], [sflag:$0x6], $0x80, s23, s21, $0xb8;
	[tilespmem:$0x1F658] =	vst v63  }
0x41: {  	_ = 	snop  }
0x42: {  	[spmem:s4] =	stream.indirect.scatter.add.f32 [tilespmem:s18], [sflag:$0xB], $0x8, s23, s21, $0xb8;
	[tilespmem:$0x1F658] =	vst v63  }
0x43: {  	_ =	swait.ge [sflag:s1], $0x1900  }
0x44: {  	[sflag:s1] =	ssyncset.done $0x0  }
0x45: {  	s14 =	simm.s32 $0x1618;
	[sflag:s1] =	ssyncadd.s32 $0xFFFFE700  }
0x46: {  	[spmem:s3] =	stream.indirect.scatter.add.f32 [tilespmem:s24], [sflag:$0x7], $0x80, s14, s21, $0xb8;
	[tilespmem:$0x1F658] =	vst v63  }
0x47: {  	_ = 	snop  }
0x48: {  	[spmem:s4] =	stream.indirect.scatter.add.f32 [tilespmem:s18], [sflag:$0xB], $0x8, s14, s21, $0xb8;
	[tilespmem:$0x1F658] =	vst v63  }
0x49: {  	_ =	swait.ge [sflag:s6], $0x1900  }
0x4a: {  	[sflag:s6] =	ssyncset.done $0x0  }
0x4b: {  	s23 =	simm.s32 $0x1650;
	[sflag:s6] =	ssyncadd.s32 $0xFFFFE700  }
0x4c: {  	[spmem:s3] =	stream.indirect.scatter.add.f32 [tilespmem:s26], [sflag:$0x8], $0x80, s23, s21, $0xb8;
	[tilespmem:$0x1F658] =	vst v63  }
0x4d: {  	_ = 	snop  }
0x4e: {  	[spmem:s4] =	stream.indirect.scatter.add.f32 [tilespmem:s18], [sflag:$0xB], $0x8, s23, s21, $0xb8;
	[tilespmem:$0x1F658] =	vst v63  }
0x4f: {  	_ =	swait.ge [sflag:s7], $0x1900  }
0x50: {  	[sflag:s7] =	ssyncset.done $0x0  }
0x51: {  	s14 =	simm.s32 $0x1688;
	[sflag:s7] =	ssyncadd.s32 $0xFFFFE700  }
0x52: {  	[spmem:s3] =	stream.indirect.scatter.add.f32 [tilespmem:s29], [sflag:$0x9], $0x80, s14, s21, $0xb8;
	[tilespmem:$0x1F658] =	vst v63  }
0x53: {  	_ = 	snop  }
0x54: {  	[spmem:s4] =	stream.indirect.scatter.add.f32 [tilespmem:s18], [sflag:$0xB], $0x8, s14, s21, $0xb8;
	[tilespmem:$0x1F658] =	vst v63  }
0x55: {  	_ =	swait.ge [sflag:s8], $0x1900  }
0x56: {  	[sflag:s8] =	ssyncset.done $0x0  }
0x57: {  	s23 =	simm.s32 $0x16C0;
	[sflag:s8] =	ssyncadd.s32 $0xFFFFE700  }
0x58: {  	[spmem:s3] =	stream.indirect.scatter.add.f32 [tilespmem:s31], [sflag:$0xA], $0x80, s23, s21, $0xb8;
	[tilespmem:$0x1F658] =	vst v63  }
0x59: {  	_ = 	snop  }
0x5a: {  	[spmem:s4] =	stream.indirect.scatter.add.f32 [tilespmem:s18], [sflag:$0xB], $0x8, s23, s21, $0xb8;
	[tilespmem:$0x1F658] =	vst v63  }
0x5b: {  	_ =	swait.ge [sflag:s9], $0x1900  }
0x5c: {  	[sflag:s9] =	ssyncset.done $0x0  }
0x5d: {  	s14 =	simm.s32 $0x118;
	[sflag:s9] =	ssyncadd.s32 $0xFFFFE700  }
0x5e: {  	[tilespmem:s22], [sflag:$0x1] =	stream.indirect.gather [hbm4b:s0+s21], $0x80, s14, s21, $0xb8;
	[tilespmem:$0x1F658] =	vst v63  }
0x5f: {  	_ =	swait.ge [sflag:s10], $0x1900  }
0x60: {  	[sflag:s10] =	ssyncset.done $0x0  }
0x61: {  	s23 =	simm.s32 $0x150;
	[sflag:s10] =	ssyncadd.s32 $0xFFFFE700  }
0x62: {  	[tilespmem:s24], [sflag:$0x2] =	stream.indirect.gather [hbm4b:s0+s21], $0x80, s23, s21, $0xb8;
	[tilespmem:$0x1F658] =	vst v63  }
0x63: {  	_ =	swait.ge [sflag:s11], $0x1900  }
0x64: {  	[sflag:s11] =	ssyncset.done $0x0  }
0x65: {  	s14 =	simm.s32 $0x188;
	[sflag:s11] =	ssyncadd.s32 $0xFFFFE700  }
0x66: {  	[tilespmem:s26], [sflag:$0x3] =	stream.indirect.gather [hbm4b:s0+s21], $0x80, s14, s21, $0xb8;
	[tilespmem:$0x1F658] =	vst v63  }
0x67: {  	_ =	swait.ge [sflag:s20], $0x1900  }
0x68: {  	[sflag:s20] =	ssyncset.done $0x0  }
0x69: {  	s23 =	simm.s32 $0x1C0;
	[sflag:s20] =	ssyncadd.s32 $0xFFFFE700  }
0x6a: {  	[tilespmem:s29], [sflag:$0x4] =	stream.indirect.gather [hbm4b:s0+s21], $0x80, s23, s21, $0xb8;
	[tilespmem:$0x1F658] =	vst v63  }
0x6b: {  	_ =	swait.ge [sflag:s12], $0x1900  }
0x6c: {  	[sflag:s12] =	ssyncset.done $0x0  }
0x6d: {  	s13 =	simm.s32 $0x460;
	s14 =	simm.s32 $0x1F8;
	[sflag:s12] =	ssyncadd.s32 $0xFFFFE700  }
.LBB2_2:
0x6e: {  	[tilespmem:s31], [sflag:$0x5] =	stream.indirect.gather [hbm4b:s0+s21], $0x80, s14, s21, $0xb8;
	[tilespmem:$0x1F658] =	vst v63  }
0x6f: {  	s14 =	smov.u32 s13  }
0x70: {  	p0 =	sne.s32 s13, $0x4EC0;
	s13 =	sadd.s32 $0x460, s13;
	_ =	swait.ge [sflag:s2], $0x1900  }
0x71: {  	s14 =	sshra.s32 s14, $0x2;
	[sflag:s2] =	ssyncset.done $0x0  }
0x72: {  	s23 =	sadd.s32 $0x15E0, s14;
	[sflag:s2] =	ssyncadd.s32 $0xFFFFE700  }
0x73: {  	[spmem:s3] =	stream.indirect.scatter.add.f32 [tilespmem:s22], [sflag:$0x6], $0x80, s23, s21, $0xb8;
	[tilespmem:$0x1F658] =	vst v63  }
0x74: {  	_ = 	snop  }
0x75: {  	[spmem:s4] =	stream.indirect.scatter.add.f32 [tilespmem:s18], [sflag:$0xB], $0x8, s23, s21, $0xb8;
	[tilespmem:$0x1F658] =	vst v63  }
0x76: {  	_ =	swait.ge [sflag:s1], $0x1900  }
0x77: {  	[sflag:s1] =	ssyncset.done $0x0  }
0x78: {  	s23 =	sadd.s32 $0x1618, s14;
	[sflag:s1] =	ssyncadd.s32 $0xFFFFE700  }
0x79: {  	[spmem:s3] =	stream.indirect.scatter.add.f32 [tilespmem:s24], [sflag:$0x7], $0x80, s23, s21, $0xb8;
	[tilespmem:$0x1F658] =	vst v63  }
0x7a: {  	_ = 	snop  }
0x7b: {  	[spmem:s4] =	stream.indirect.scatter.add.f32 [tilespmem:s18], [sflag:$0xB], $0x8, s23, s21, $0xb8;
	[tilespmem:$0x1F658] =	vst v63  }
0x7c: {  	_ =	swait.ge [sflag:s6], $0x1900  }
0x7d: {  	[sflag:s6] =	ssyncset.done $0x0  }
0x7e: {  	s23 =	sadd.s32 $0x1650, s14;
	[sflag:s6] =	ssyncadd.s32 $0xFFFFE700  }
0x7f: {  	[spmem:s3] =	stream.indirect.scatter.add.f32 [tilespmem:s26], [sflag:$0x8], $0x80, s23, s21, $0xb8;
	[tilespmem:$0x1F658] =	vst v63  }
0x80: {  	_ = 	snop  }
0x81: {  	[spmem:s4] =	stream.indirect.scatter.add.f32 [tilespmem:s18], [sflag:$0xB], $0x8, s23, s21, $0xb8;
	[tilespmem:$0x1F658] =	vst v63  }
0x82: {  	_ =	swait.ge [sflag:s7], $0x1900  }
0x83: {  	[sflag:s7] =	ssyncset.done $0x0  }
0x84: {  	s23 =	sadd.s32 $0x1688, s14;
	[sflag:s7] =	ssyncadd.s32 $0xFFFFE700  }
0x85: {  	[spmem:s3] =	stream.indirect.scatter.add.f32 [tilespmem:s29], [sflag:$0x9], $0x80, s23, s21, $0xb8;
	[tilespmem:$0x1F658] =	vst v63  }
0x86: {  	_ = 	snop  }
0x87: {  	[spmem:s4] =	stream.indirect.scatter.add.f32 [tilespmem:s18], [sflag:$0xB], $0x8, s23, s21, $0xb8;
	[tilespmem:$0x1F658] =	vst v63  }
0x88: {  	_ =	swait.ge [sflag:s8], $0x1900  }
0x89: {  	[sflag:s8] =	ssyncset.done $0x0  }
0x8a: {  	s23 =	sadd.s32 $0x16C0, s14;
	[sflag:s8] =	ssyncadd.s32 $0xFFFFE700  }
0x8b: {  	[spmem:s3] =	stream.indirect.scatter.add.f32 [tilespmem:s31], [sflag:$0xA], $0x80, s23, s21, $0xb8;
	[tilespmem:$0x1F658] =	vst v63  }
0x8c: {  	_ = 	snop  }
0x8d: {  	[spmem:s4] =	stream.indirect.scatter.add.f32 [tilespmem:s18], [sflag:$0xB], $0x8, s23, s21, $0xb8;
	[tilespmem:$0x1F658] =	vst v63  }
0x8e: {  	_ =	swait.ge [sflag:s9], $0x1900  }
0x8f: {  	[sflag:s9] =	ssyncset.done $0x0  }
0x90: {  	s23 =	sadd.s32 $0x118, s14;
	[sflag:s9] =	ssyncadd.s32 $0xFFFFE700  }
0x91: {  	[tilespmem:s22], [sflag:$0x1] =	stream.indirect.gather [hbm4b:s0+s21], $0x80, s23, s21, $0xb8;
	[tilespmem:$0x1F658] =	vst v63  }
0x92: {  	_ =	swait.ge [sflag:s10], $0x1900  }
0x93: {  	[sflag:s10] =	ssyncset.done $0x0  }
0x94: {  	s23 =	sadd.s32 $0x150, s14;
	[sflag:s10] =	ssyncadd.s32 $0xFFFFE700  }
0x95: {  	[tilespmem:s24], [sflag:$0x2] =	stream.indirect.gather [hbm4b:s0+s21], $0x80, s23, s21, $0xb8;
	[tilespmem:$0x1F658] =	vst v63  }
0x96: {  	_ =	swait.ge [sflag:s11], $0x1900  }
0x97: {  	[sflag:s11] =	ssyncset.done $0x0  }
0x98: {  	s23 =	sadd.s32 $0x188, s14;
	[sflag:s11] =	ssyncadd.s32 $0xFFFFE700  }
0x99: {  	[tilespmem:s26], [sflag:$0x3] =	stream.indirect.gather [hbm4b:s0+s21], $0x80, s23, s21, $0xb8;
	[tilespmem:$0x1F658] =	vst v63  }
0x9a: {  	_ =	swait.ge [sflag:s20], $0x1900  }
0x9b: {  	[sflag:s20] =	ssyncset.done $0x0  }
.Ltmp0:
0x9c: {  	s23 =	sadd.s32 $0x1C0, s14;
	[sflag:s20] =	ssyncadd.s32 $0xFFFFE700;
	(pc) =	sbr.rel @p0 .LBB2_2-.Ltmp0, $4  }
0x9d: {  	[tilespmem:s29], [sflag:$0x4] =	stream.indirect.gather [hbm4b:s0+s21], $0x80, s23, s21, $0xb8;
	[tilespmem:$0x1F658] =	vst v63  }
0x9e: {  	_ =	swait.ge [sflag:s12], $0x1900  }
0x9f: {  	[sflag:s12] =	ssyncset.done $0x0  }
0xa0: {  	s14 =	sadd.s32 $0x1F8, s14;
	[sflag:s12] =	ssyncadd.s32 $0xFFFFE700  }
0xa1: {  	[tilespmem:s31], [sflag:$0x5] =	stream.indirect.gather [hbm4b:s0+s21], $0x80, s14, s21, $0xb8;
	[tilespmem:$0x1F658] =	vst v63  }
0xa2: {  	_ =	swait.ge [sflag:s2], $0x1900  }
0xa3: {  	[sflag:s2] =	ssyncset.done $0x0  }
0xa4: {  	s13 =	simm.s32 $0x2AA8;
	[sflag:s2] =	ssyncadd.s32 $0xFFFFE700  }
0xa5: {  	[spmem:s3] =	stream.indirect.scatter.add.f32 [tilespmem:s22], [sflag:$0x6], $0x80, s13, s21, $0xb8;
	[tilespmem:$0x1F658] =	vst v63  }
0xa6: {  	_ = 	snop  }
0xa7: {  	[spmem:s4] =	stream.indirect.scatter.add.f32 [tilespmem:s18], [sflag:$0xB], $0x8, s13, s21, $0xb8;
	[tilespmem:$0x1F658] =	vst v63  }
0xa8: {  	_ =	swait.ge [sflag:s1], $0x1900  }
0xa9: {  	[sflag:s1] =	ssyncset.done $0x0  }
0xaa: {  	s23 =	simm.s32 $0x2AE0;
	[sflag:s1] =	ssyncadd.s32 $0xFFFFE700  }
0xab: {  	[spmem:s3] =	stream.indirect.scatter.add.f32 [tilespmem:s24], [sflag:$0x7], $0x80, s23, s21, $0xb8;
	[tilespmem:$0x1F658] =	vst v63  }
0xac: {  	_ = 	snop  }
0xad: {  	[spmem:s4] =	stream.indirect.scatter.add.f32 [tilespmem:s18], [sflag:$0xB], $0x8, s23, s21, $0xb8;
	[tilespmem:$0x1F658] =	vst v63  }
0xae: {  	_ =	swait.ge [sflag:s6], $0x1900  }
0xaf: {  	[sflag:s6] =	ssyncset.done $0x0  }
0xb0: {  	s14 =	simm.s32 $0x2B18;
	[sflag:s6] =	ssyncadd.s32 $0xFFFFE700  }
0xb1: {  	[spmem:s3] =	stream.indirect.scatter.add.f32 [tilespmem:s26], [sflag:$0x8], $0x80, s14, s21, $0xb8;
	[tilespmem:$0x1F658] =	vst v63  }
0xb2: {  	_ = 	snop  }
0xb3: {  	[spmem:s4] =	stream.indirect.scatter.add.f32 [tilespmem:s18], [sflag:$0xB], $0x8, s14, s21, $0xb8;
	[tilespmem:$0x1F658] =	vst v63  }
0xb4: {  	_ =	swait.ge [sflag:s7], $0x1900  }
0xb5: {  	[sflag:s7] =	ssyncset.done $0x0  }
0xb6: {  	[sflag:s7] =	ssyncadd.s32 $0xFFFFE700  }
0xb7: {  	[spmem:s3] =	stream.indirect.scatter.add.f32 [tilespmem:s29], [sflag:$0x9], $0x80, s15, s21, $0xb8;
	[tilespmem:$0x1F658] =	vst v63  }
0xb8: {  	_ = 	snop  }
0xb9: {  	[spmem:s4] =	stream.indirect.scatter.add.f32 [tilespmem:s18], [sflag:$0xB], $0x8, s15, s21, $0xb8;
	[tilespmem:$0x1F658] =	vst v63  }
0xba: {  	_ =	swait.ge [sflag:s8], $0x1900  }
0xbb: {  	[sflag:s8] =	ssyncset.done $0x0  }
0xbc: {  	[sflag:s8] =	ssyncadd.s32 $0xFFFFE700  }
0xbd: {  	[spmem:s3] =	stream.indirect.scatter.add.f32 [tilespmem:s31], [sflag:$0xA], $0x80, s16, s21, $0xb8;
	[tilespmem:$0x1F658] =	vst v63  }
0xbe: {  	_ = 	snop  }
0xbf: {  	[spmem:s4] =	stream.indirect.scatter.add.f32 [tilespmem:s18], [sflag:$0xB], $0x8, s16, s21, $0xb8;
	[tilespmem:$0x1F658] =	vst v63  }
0xc0: {  	_ =	swait.ge [sflag:s9], $0x1900  }
0xc1: {  	[sflag:s9] =	ssyncset.done $0x0  }
0xc2: {  	[sflag:s9] =	ssyncadd.s32 $0xFFFFE700  }
0xc3: {  	_ =	swait.ge [sflag:s10], $0x1900  }
0xc4: {  	[sflag:s10] =	ssyncset.done $0x0  }
0xc5: {  	[sflag:s10] =	ssyncadd.s32 $0xFFFFE700  }
0xc6: {  	_ =	swait.ge [sflag:s11], $0x1900  }
0xc7: {  	[sflag:s11] =	ssyncset.done $0x0  }
0xc8: {  	[sflag:s11] =	ssyncadd.s32 $0xFFFFE700  }
0xc9: {  	_ =	swait.ge [sflag:s20], $0x1900  }
0xca: {  	[sflag:s20] =	ssyncset.done $0x0  }
0xcb: {  	[sflag:s20] =	ssyncadd.s32 $0xFFFFE700  }
0xcc: {  	_ =	swait.ge [sflag:s12], $0x1900  }
0xcd: {  	[sflag:s12] =	ssyncset.done $0x0  }
0xce: {  	[sflag:s12] =	ssyncadd.s32 $0xFFFFE700  }
0xcf: {  	_ =	swait.ge [sflag:s25], $0x1388  }
0xd0: {  	[sflag:s25] =	ssyncset.done $0x0  }
0xd1: {  	s13 =	simm.s32 $0x0;
	s23 =	rddreg [dreg:$0xd];
	[sflag:s25] =	ssyncadd.s32 $0xFFFFEC78  }
0xd2: {  	[tilespmem:s13], [sflag:$0xC] =	stream.linear.gather [hbm4b:s23+s13], $0x15E0, $0x38;
	[tilespmem:$0x1F658] =	vst v63  }
0xd3: {  	_ =	swait.ge [sflag:s19], $0x15E0  }
0xd4: {  	[sflag:s19] =	ssyncset.done $0x0  }
0xd5: {  	s23 =	simm.s32 $0x15E0;
	s14 =	rddreg [dreg:$0xe];
	[sflag:s19] =	ssyncadd.s32 $0xFFFFEA20  }
0xd6: {  	[tilespmem:s23], [sflag:$0xC] =	stream.linear.gather [hbm4b:s14+s13], $0x15E0, $0x38;
	[tilespmem:$0x1F658] =	vst v63  }
0xd7: {  	_ =	swait.ge [sflag:s19], $0x15E0  }
0xd8: {  	[sflag:s19] =	ssyncset.done $0x0  }
0xd9: {  	[sflag:s19] =	ssyncadd.s32 $0xFFFFEA20  }
0xda: {  	[tilespmem:s22], [sflag:$0x1] =	stream.indirect.gather [hbm4b:s0+s21], $0x80, s13, s21, $0xb8;
	[tilespmem:$0x1F658] =	vst v63  }
0xdb: {  	s23 =	simm.s32 $0x38  }
0xdc: {  	[tilespmem:s24], [sflag:$0x2] =	stream.indirect.gather [hbm4b:s0+s21], $0x80, s23, s21, $0xb8;
	[tilespmem:$0x1F658] =	vst v63  }
0xdd: {  	s14 =	simm.s32 $0x70  }
0xde: {  	[tilespmem:s26], [sflag:$0x3] =	stream.indirect.gather [hbm4b:s0+s21], $0x80, s14, s21, $0xb8;
	[tilespmem:$0x1F658] =	vst v63  }
0xdf: {  	s23 =	simm.s32 $0xA8  }
0xe0: {  	[tilespmem:s29], [sflag:$0x4] =	stream.indirect.gather [hbm4b:s0+s21], $0x80, s23, s21, $0xb8;
	[tilespmem:$0x1F658] =	vst v63  }
0xe1: {  	s14 =	simm.s32 $0xE0  }
0xe2: {  	[tilespmem:s31], [sflag:$0x5] =	stream.indirect.gather [hbm4b:s0+s21], $0x80, s14, s21, $0xb8;
	[tilespmem:$0x1F658] =	vst v63  }
0xe3: {  	_ =	swait.ge [sflag:s2], $0x1900  }
0xe4: {  	[sflag:s2] =	ssyncset.done $0x0  }
0xe5: {  	s23 =	simm.s32 $0x15E0;
	[sflag:s2] =	ssyncadd.s32 $0xFFFFE700  }
0xe6: {  	[spmem:s3] =	stream.indirect.scatter.add.f32 [tilespmem:s22], [sflag:$0x6], $0x80, s23, s21, $0xb8;
	[tilespmem:$0x1F658] =	vst v63  }
0xe7: {  	_ = 	snop  }
0xe8: {  	[spmem:s4] =	stream.indirect.scatter.add.f32 [tilespmem:s18], [sflag:$0xB], $0x8, s23, s21, $0xb8;
	[tilespmem:$0x1F658] =	vst v63  }
0xe9: {  	_ =	swait.ge [sflag:s1], $0x1900  }
0xea: {  	[sflag:s1] =	ssyncset.done $0x0  }
0xeb: {  	s14 =	simm.s32 $0x1618;
	[sflag:s1] =	ssyncadd.s32 $0xFFFFE700  }
0xec: {  	[spmem:s3] =	stream.indirect.scatter.add.f32 [tilespmem:s24], [sflag:$0x7], $0x80, s14, s21, $0xb8;
	[tilespmem:$0x1F658] =	vst v63  }
0xed: {  	_ = 	snop  }
0xee: {  	[spmem:s4] =	stream.indirect.scatter.add.f32 [tilespmem:s18], [sflag:$0xB], $0x8, s14, s21, $0xb8;
	[tilespmem:$0x1F658] =	vst v63  }
0xef: {  	_ =	swait.ge [sflag:s6], $0x1900  }
0xf0: {  	[sflag:s6] =	ssyncset.done $0x0  }
0xf1: {  	s23 =	simm.s32 $0x1650;
	[sflag:s6] =	ssyncadd.s32 $0xFFFFE700  }
0xf2: {  	[spmem:s3] =	stream.indirect.scatter.add.f32 [tilespmem:s26], [sflag:$0x8], $0x80, s23, s21, $0xb8;
	[tilespmem:$0x1F658] =	vst v63  }
0xf3: {  	_ = 	snop  }
0xf4: {  	[spmem:s4] =	stream.indirect.scatter.add.f32 [tilespmem:s18], [sflag:$0xB], $0x8, s23, s21, $0xb8;
	[tilespmem:$0x1F658] =	vst v63  }
0xf5: {  	_ =	swait.ge [sflag:s7], $0x1900  }
0xf6: {  	[sflag:s7] =	ssyncset.done $0x0  }
0xf7: {  	s14 =	simm.s32 $0x1688;
	[sflag:s7] =	ssyncadd.s32 $0xFFFFE700  }
0xf8: {  	[spmem:s3] =	stream.indirect.scatter.add.f32 [tilespmem:s29], [sflag:$0x9], $0x80, s14, s21, $0xb8;
	[tilespmem:$0x1F658] =	vst v63  }
0xf9: {  	_ = 	snop  }
0xfa: {  	[spmem:s4] =	stream.indirect.scatter.add.f32 [tilespmem:s18], [sflag:$0xB], $0x8, s14, s21, $0xb8;
	[tilespmem:$0x1F658] =	vst v63  }
0xfb: {  	_ =	swait.ge [sflag:s8], $0x1900  }
0xfc: {  	[sflag:s8] =	ssyncset.done $0x0  }
0xfd: {  	s23 =	simm.s32 $0x16C0;
	[sflag:s8] =	ssyncadd.s32 $0xFFFFE700  }
0xfe: {  	[spmem:s3] =	stream.indirect.scatter.add.f32 [tilespmem:s31], [sflag:$0xA], $0x80, s23, s21, $0xb8;
	[tilespmem:$0x1F658] =	vst v63  }
0xff: {  	_ = 	snop  }
0x100: {  	[spmem:s4] =	stream.indirect.scatter.add.f32 [tilespmem:s18], [sflag:$0xB], $0x8, s23, s21, $0xb8;
	[tilespmem:$0x1F658] =	vst v63  }
0x101: {  	_ =	swait.ge [sflag:s9], $0x1900  }
0x102: {  	[sflag:s9] =	ssyncset.done $0x0  }
0x103: {  	s14 =	simm.s32 $0x118;
	[sflag:s9] =	ssyncadd.s32 $0xFFFFE700  }
0x104: {  	[tilespmem:s22], [sflag:$0x1] =	stream.indirect.gather [hbm4b:s0+s21], $0x80, s14, s21, $0xb8;
	[tilespmem:$0x1F658] =	vst v63  }
0x105: {  	_ =	swait.ge [sflag:s10], $0x1900  }
0x106: {  	[sflag:s10] =	ssyncset.done $0x0  }
0x107: {  	s23 =	simm.s32 $0x150;
	[sflag:s10] =	ssyncadd.s32 $0xFFFFE700  }
0x108: {  	[tilespmem:s24], [sflag:$0x2] =	stream.indirect.gather [hbm4b:s0+s21], $0x80, s23, s21, $0xb8;
	[tilespmem:$0x1F658] =	vst v63  }
0x109: {  	_ =	swait.ge [sflag:s11], $0x1900  }
0x10a: {  	[sflag:s11] =	ssyncset.done $0x0  }
0x10b: {  	s14 =	simm.s32 $0x188;
	[sflag:s11] =	ssyncadd.s32 $0xFFFFE700  }
0x10c: {  	[tilespmem:s26], [sflag:$0x3] =	stream.indirect.gather [hbm4b:s0+s21], $0x80, s14, s21, $0xb8;
	[tilespmem:$0x1F658] =	vst v63  }
0x10d: {  	_ =	swait.ge [sflag:s20], $0x1900  }
0x10e: {  	[sflag:s20] =	ssyncset.done $0x0  }
0x10f: {  	s23 =	simm.s32 $0x1C0;
	[sflag:s20] =	ssyncadd.s32 $0xFFFFE700  }
0x110: {  	[tilespmem:s29], [sflag:$0x4] =	stream.indirect.gather [hbm4b:s0+s21], $0x80, s23, s21, $0xb8;
	[tilespmem:$0x1F658] =	vst v63  }
0x111: {  	_ =	swait.ge [sflag:s12], $0x1900  }
0x112: {  	[sflag:s12] =	ssyncset.done $0x0  }
0x113: {  	s13 =	simm.s32 $0x460;
	s14 =	simm.s32 $0x1F8;
	[sflag:s12] =	ssyncadd.s32 $0xFFFFE700  }
.LBB2_4:
0x114: {  	[tilespmem:s31], [sflag:$0x5] =	stream.indirect.gather [hbm4b:s0+s21], $0x80, s14, s21, $0xb8;
	[tilespmem:$0x1F658] =	vst v63  }
0x115: {  	s14 =	smov.u32 s13  }
0x116: {  	p0 =	sne.s32 s13, $0x4EC0;
	s13 =	sadd.s32 $0x460, s13;
	_ =	swait.ge [sflag:s2], $0x1900  }
0x117: {  	s14 =	sshra.s32 s14, $0x2;
	[sflag:s2] =	ssyncset.done $0x0  }
0x118: {  	s23 =	sadd.s32 $0x15E0, s14;
	[sflag:s2] =	ssyncadd.s32 $0xFFFFE700  }
0x119: {  	[spmem:s3] =	stream.indirect.scatter.add.f32 [tilespmem:s22], [sflag:$0x6], $0x80, s23, s21, $0xb8;
	[tilespmem:$0x1F658] =	vst v63  }
0x11a: {  	_ = 	snop  }
0x11b: {  	[spmem:s4] =	stream.indirect.scatter.add.f32 [tilespmem:s18], [sflag:$0xB], $0x8, s23, s21, $0xb8;
	[tilespmem:$0x1F658] =	vst v63  }
0x11c: {  	_ =	swait.ge [sflag:s1], $0x1900  }
0x11d: {  	[sflag:s1] =	ssyncset.done $0x0  }
0x11e: {  	s23 =	sadd.s32 $0x1618, s14;
	[sflag:s1] =	ssyncadd.s32 $0xFFFFE700  }
0x11f: {  	[spmem:s3] =	stream.indirect.scatter.add.f32 [tilespmem:s24], [sflag:$0x7], $0x80, s23, s21, $0xb8;
	[tilespmem:$0x1F658] =	vst v63  }
0x120: {  	_ = 	snop  }
0x121: {  	[spmem:s4] =	stream.indirect.scatter.add.f32 [tilespmem:s18], [sflag:$0xB], $0x8, s23, s21, $0xb8;
	[tilespmem:$0x1F658] =	vst v63  }
0x122: {  	_ =	swait.ge [sflag:s6], $0x1900  }
0x123: {  	[sflag:s6] =	ssyncset.done $0x0  }
0x124: {  	s23 =	sadd.s32 $0x1650, s14;
	[sflag:s6] =	ssyncadd.s32 $0xFFFFE700  }
0x125: {  	[spmem:s3] =	stream.indirect.scatter.add.f32 [tilespmem:s26], [sflag:$0x8], $0x80, s23, s21, $0xb8;
	[tilespmem:$0x1F658] =	vst v63  }
0x126: {  	_ = 	snop  }
0x127: {  	[spmem:s4] =	stream.indirect.scatter.add.f32 [tilespmem:s18], [sflag:$0xB], $0x8, s23, s21, $0xb8;
	[tilespmem:$0x1F658] =	vst v63  }
0x128: {  	_ =	swait.ge [sflag:s7], $0x1900  }
0x129: {  	[sflag:s7] =	ssyncset.done $0x0  }
0x12a: {  	s23 =	sadd.s32 $0x1688, s14;
	[sflag:s7] =	ssyncadd.s32 $0xFFFFE700  }
0x12b: {  	[spmem:s3] =	stream.indirect.scatter.add.f32 [tilespmem:s29], [sflag:$0x9], $0x80, s23, s21, $0xb8;
	[tilespmem:$0x1F658] =	vst v63  }
0x12c: {  	_ = 	snop  }
0x12d: {  	[spmem:s4] =	stream.indirect.scatter.add.f32 [tilespmem:s18], [sflag:$0xB], $0x8, s23, s21, $0xb8;
	[tilespmem:$0x1F658] =	vst v63  }
0x12e: {  	_ =	swait.ge [sflag:s8], $0x1900  }
0x12f: {  	[sflag:s8] =	ssyncset.done $0x0  }
0x130: {  	s23 =	sadd.s32 $0x16C0, s14;
	[sflag:s8] =	ssyncadd.s32 $0xFFFFE700  }
0x131: {  	[spmem:s3] =	stream.indirect.scatter.add.f32 [tilespmem:s31], [sflag:$0xA], $0x80, s23, s21, $0xb8;
	[tilespmem:$0x1F658] =	vst v63  }
0x132: {  	_ = 	snop  }
0x133: {  	[spmem:s4] =	stream.indirect.scatter.add.f32 [tilespmem:s18], [sflag:$0xB], $0x8, s23, s21, $0xb8;
	[tilespmem:$0x1F658] =	vst v63  }
0x134: {  	_ =	swait.ge [sflag:s9], $0x1900  }
0x135: {  	[sflag:s9] =	ssyncset.done $0x0  }
0x136: {  	s23 =	sadd.s32 $0x118, s14;
	[sflag:s9] =	ssyncadd.s32 $0xFFFFE700  }
0x137: {  	[tilespmem:s22], [sflag:$0x1] =	stream.indirect.gather [hbm4b:s0+s21], $0x80, s23, s21, $0xb8;
	[tilespmem:$0x1F658] =	vst v63  }
0x138: {  	_ =	swait.ge [sflag:s10], $0x1900  }
0x139: {  	[sflag:s10] =	ssyncset.done $0x0  }
0x13a: {  	s23 =	sadd.s32 $0x150, s14;
	[sflag:s10] =	ssyncadd.s32 $0xFFFFE700  }
0x13b: {  	[tilespmem:s24], [sflag:$0x2] =	stream.indirect.gather [hbm4b:s0+s21], $0x80, s23, s21, $0xb8;
	[tilespmem:$0x1F658] =	vst v63  }
0x13c: {  	_ =	swait.ge [sflag:s11], $0x1900  }
0x13d: {  	[sflag:s11] =	ssyncset.done $0x0  }
0x13e: {  	s23 =	sadd.s32 $0x188, s14;
	[sflag:s11] =	ssyncadd.s32 $0xFFFFE700  }
0x13f: {  	[tilespmem:s26], [sflag:$0x3] =	stream.indirect.gather [hbm4b:s0+s21], $0x80, s23, s21, $0xb8;
	[tilespmem:$0x1F658] =	vst v63  }
0x140: {  	_ =	swait.ge [sflag:s20], $0x1900  }
0x141: {  	[sflag:s20] =	ssyncset.done $0x0  }
.Ltmp1:
0x142: {  	s23 =	sadd.s32 $0x1C0, s14;
	[sflag:s20] =	ssyncadd.s32 $0xFFFFE700;
	(pc) =	sbr.rel @p0 .LBB2_4-.Ltmp1, $4  }
0x143: {  	[tilespmem:s29], [sflag:$0x4] =	stream.indirect.gather [hbm4b:s0+s21], $0x80, s23, s21, $0xb8;
	[tilespmem:$0x1F658] =	vst v63  }
0x144: {  	_ =	swait.ge [sflag:s12], $0x1900  }
0x145: {  	[sflag:s12] =	ssyncset.done $0x0  }
0x146: {  	s14 =	sadd.s32 $0x1F8, s14;
	[sflag:s12] =	ssyncadd.s32 $0xFFFFE700  }
0x147: {  	[tilespmem:s31], [sflag:$0x5] =	stream.indirect.gather [hbm4b:s0+s21], $0x80, s14, s21, $0xb8;
	[tilespmem:$0x1F658] =	vst v63  }
0x148: {  	_ =	swait.ge [sflag:s2], $0x1900  }
0x149: {  	[sflag:s2] =	ssyncset.done $0x0  }
0x14a: {  	s13 =	simm.s32 $0x2AA8;
	[sflag:s2] =	ssyncadd.s32 $0xFFFFE700  }
0x14b: {  	[spmem:s3] =	stream.indirect.scatter.add.f32 [tilespmem:s22], [sflag:$0x6], $0x80, s13, s21, $0xb8;
	[tilespmem:$0x1F658] =	vst v63  }
0x14c: {  	_ = 	snop  }
0x14d: {  	[spmem:s4] =	stream.indirect.scatter.add.f32 [tilespmem:s18], [sflag:$0xB], $0x8, s13, s21, $0xb8;
	[tilespmem:$0x1F658] =	vst v63  }
0x14e: {  	_ =	swait.ge [sflag:s1], $0x1900  }
0x14f: {  	[sflag:s1] =	ssyncset.done $0x0  }
0x150: {  	s14 =	simm.s32 $0x2AE0;
	[sflag:s1] =	ssyncadd.s32 $0xFFFFE700  }
0x151: {  	[spmem:s3] =	stream.indirect.scatter.add.f32 [tilespmem:s24], [sflag:$0x7], $0x80, s14, s21, $0xb8;
	[tilespmem:$0x1F658] =	vst v63  }
0x152: {  	_ = 	snop  }
0x153: {  	[spmem:s4] =	stream.indirect.scatter.add.f32 [tilespmem:s18], [sflag:$0xB], $0x8, s14, s21, $0xb8;
	[tilespmem:$0x1F658] =	vst v63  }
0x154: {  	_ =	swait.ge [sflag:s6], $0x1900  }
0x155: {  	[sflag:s6] =	ssyncset.done $0x0  }
0x156: {  	s23 =	simm.s32 $0x2B18;
	[sflag:s6] =	ssyncadd.s32 $0xFFFFE700  }
0x157: {  	[spmem:s3] =	stream.indirect.scatter.add.f32 [tilespmem:s26], [sflag:$0x8], $0x80, s23, s21, $0xb8;
	[tilespmem:$0x1F658] =	vst v63  }
0x158: {  	_ = 	snop  }
0x159: {  	[spmem:s4] =	stream.indirect.scatter.add.f32 [tilespmem:s18], [sflag:$0xB], $0x8, s23, s21, $0xb8;
	[tilespmem:$0x1F658] =	vst v63  }
0x15a: {  	_ =	swait.ge [sflag:s7], $0x1900  }
0x15b: {  	[sflag:s7] =	ssyncset.done $0x0  }
0x15c: {  	[sflag:s7] =	ssyncadd.s32 $0xFFFFE700  }
0x15d: {  	[spmem:s3] =	stream.indirect.scatter.add.f32 [tilespmem:s29], [sflag:$0x9], $0x80, s15, s21, $0xb8;
	[tilespmem:$0x1F658] =	vst v63  }
0x15e: {  	_ = 	snop  }
0x15f: {  	[spmem:s4] =	stream.indirect.scatter.add.f32 [tilespmem:s18], [sflag:$0xB], $0x8, s15, s21, $0xb8;
	[tilespmem:$0x1F658] =	vst v63  }
0x160: {  	_ =	swait.ge [sflag:s8], $0x1900  }
0x161: {  	[sflag:s8] =	ssyncset.done $0x0  }
0x162: {  	[sflag:s8] =	ssyncadd.s32 $0xFFFFE700  }
0x163: {  	[spmem:s3] =	stream.indirect.scatter.add.f32 [tilespmem:s31], [sflag:$0xA], $0x80, s16, s21, $0xb8;
	[tilespmem:$0x1F658] =	vst v63  }
0x164: {  	_ = 	snop  }
0x165: {  	[spmem:s4] =	stream.indirect.scatter.add.f32 [tilespmem:s18], [sflag:$0xB], $0x8, s16, s21, $0xb8;
	[tilespmem:$0x1F658] =	vst v63  }
0x166: {  	_ =	swait.ge [sflag:s9], $0x1900  }
0x167: {  	[sflag:s9] =	ssyncset.done $0x0  }
0x168: {  	[sflag:s9] =	ssyncadd.s32 $0xFFFFE700  }
0x169: {  	_ =	swait.ge [sflag:s10], $0x1900  }
0x16a: {  	[sflag:s10] =	ssyncset.done $0x0  }
0x16b: {  	[sflag:s10] =	ssyncadd.s32 $0xFFFFE700  }
0x16c: {  	_ =	swait.ge [sflag:s11], $0x1900  }
0x16d: {  	[sflag:s11] =	ssyncset.done $0x0  }
0x16e: {  	[sflag:s11] =	ssyncadd.s32 $0xFFFFE700  }
0x16f: {  	_ =	swait.ge [sflag:s20], $0x1900  }
0x170: {  	[sflag:s20] =	ssyncset.done $0x0  }
0x171: {  	[sflag:s20] =	ssyncadd.s32 $0xFFFFE700  }
0x172: {  	_ =	swait.ge [sflag:s12], $0x1900  }
0x173: {  	[sflag:s12] =	ssyncset.done $0x0  }
0x174: {  	[sflag:s12] =	ssyncadd.s32 $0xFFFFE700  }
0x175: {  	_ =	swait.ge [sflag:s25], $0x1388  }
0x176: {  	[sflag:s25] =	ssyncset.done $0x0  }
0x177: {  	[sflag:s25] =	ssyncadd.s32 $0xFFFFEC78  }
0x178: {  	[bflag:$0x0] =	sbarrier.arrive $0xFFFF  }
0x179: {  	s14 =	sor.u32 $0x1C01, s28;
	s23 =	rddreg [dreg:$0xf]  }
0x17a: {  	[hbm:s23], [sflag:s14] =	dma.local [spmem:s30], $0x2710  }
0x17b: {  	s28 =	sor.u32 $0x1C02, s28;
	s14 =	rddreg [dreg:$0x10]  }
0x17c: {  	[hbm:s14], [sflag:s28] =	dma.local [spmem:s5], $0x271  }
0x17d: {  	_ =	swait.ge [sflag:s2], $0x2710  }
0x17e: {  	[sflag:s2] =	ssyncset.done $0x0  }
0x17f: {  	[sflag:s2] =	ssyncadd.s32 $0xFFFFD8F0  }
0x180: {  	_ =	swait.ge [sflag:s1], $0x271  }
0x181: {  	s17 =	sadd.s32 $0x1, s17;
	s30 =	rddreg [dreg:$0x11]  }
0x182: {  	p0 =	sne.s32 s17, s30  }
.Ltmp2:
0x183: {  	_ = 	snop;
	(pc) =	sbr.rel @p0 .LBB2_1-.Ltmp2, $3  }
0x184: {  	_ =	sdelay $0x1  }
0x185: {  	[sflag:s1] =	ssyncset.done $0x0  }
0x186: {  	[sflag:s1] =	ssyncadd.s32 $0xFFFFFD8F  }
0x187: {  	_ =	sfence.sel $0x180000  }
0x188: {  	[bflag:$0x0] =	sbarrier.arrive $0xFFFF  }
0x189: {  	_ =	strace $0x90000047  }
0x18a: {  	s0 =	stileid.u32;
	[bflag:$0x2] =	sbarrier.arrive $0xFFFF  }
0x18b: {  	p0 =	sne.s32 s0, $0x0;
	s0 =	rddreg [dreg:$0x5]  }
0x18c: {  	s0 =	sadd.s32 @!p0 $0x100000, s0  }
0x18d: {  	[sflag:s0] =	ssyncadd.tile.s32 @!p0 $0x1;
	_ =	shalt  }
.Lfunc_end2:
_tile_overlayer_lowered:
.L_overlay_start_2:
0x18e: {  	(tag) =	ssettag $0x2  }
0x18f: {  	s0 =	rddreg [dreg:$0x0];
	s2 =	stileid.u32  }
0x190: {  	s1 =	rddreg [dreg:$0x1];
	p0 =	sne.s32 s2, $0x0  }
0x191: {  	s3 =	rddreg [dreg:$0x2];
	[bflag:$0x3] =	sbarrier.arrive $0xFFFF;
	s2 =	simm.s32 @!p0 $0x1C0C  }
0x192: {  	[timem:s3], [sflag:s2] =	dma.local @!p0 [hbm:s0], s1  }
0x193: {  	s0 =	simm.s32 @!p0 $0xC  }
0x194: {  	_ =	swait.ge @!p0 [sflag:s0], s1  }
0x195: {  	s1 =	ssub.s32 @!p0 $0x0, s1;
	[sflag:s0] =	ssyncset.done @!p0 $0x0  }
0x196: {  	[sflag:s0] =	ssyncadd.s32 @!p0 s1  }
0x197: {  	[bflag:$0x3] =	sbarrier.arrive $0xFFFF  }
0x198: {  	_ =	shalt  }

</sc_bundles>
